<compile_context>
chip_gen: v7x
topology: tpu7x:2x2x1
jax: 0.10.2.dev20260603
libtpu: 0.0.44.dev20260713+nightly
codegen_flags: <defaults>
</compile_context>

<pallas_src>
import functools
import math

import jax
import jax.numpy as jnp
from jax import lax
from jax.experimental import pallas as pl
from jax.experimental.pallas import tpu as pltpu
from jax.experimental.pallas import tpu_sc as plsc

_NC = 2
_NS = 16
_NW = _NC * _NS
_LANES = 16
_BBLK = 128


def _make_emb_kernel(B, L, V, D):
    n_bblk = B // _BBLK
    n_lgrp = _NW // n_bblk
    l_per_w = L // n_lgrp
    scale = math.sqrt(D)
    mesh = plsc.VectorSubcoreMesh(core_axis_name="c", subcore_axis_name="s")

    scratch = (
        [pltpu.VMEM((l_per_w, _BBLK), jnp.int32)]
        + [pltpu.VMEM((_BBLK, D), jnp.float32) for _ in range(2)]
        + [pltpu.VMEM((D, _BBLK), jnp.float32) for _ in range(2)]
        + [pltpu.SemaphoreType.DMA for _ in range(6)]
    )

    @functools.partial(
        pl.kernel,
        out_type=jax.ShapeDtypeStruct((L, D, B), jnp.float32),
        mesh=mesh,
        scratch_types=scratch,
        compiler_params=pltpu.CompilerParams(needs_layout_passes=False),
    )
    def emb(table_hbm, ids_hbm, out_hbm, idsv, rb0, rb1, tb0, tb1,
            g0, g1, g2, g3, o0, o1):
        rbuf = (rb0, rb1)
        tbuf = (tb0, tb1)
        sem_g = ((g0, g2), (g1, g3))
        sem_o = (o0, o1)
        wid = lax.axis_index("s") * _NC + lax.axis_index("c")
        lgrp = wid // n_bblk
        b0 = (wid % n_bblk) * _BBLK
        l0 = lgrp * l_per_w

        pltpu.sync_copy(ids_hbm.at[lgrp, :, pl.ds(b0, _BBLK)], idsv)

        def fire_unit(u, buf):
            @plsc.parallel_loop(0, _BBLK // _LANES, unroll=4)
            def fire16(k):
                vec = idsv[u, pl.ds(k * _LANES, _LANES)]
                for lane in range(_LANES):
                    r = vec[lane]
                    pltpu.async_copy(
                        table_hbm.at[pl.ds(r, 1)],
                        rbuf[buf].at[pl.ds(k * _LANES + lane, 1)],
                        sem_g[buf][lane % 2],
                    )

        def drain_unit(buf):
            half = rbuf[buf].at[pl.ds(0, _BBLK // 2)]
            pltpu.make_async_copy(
                table_hbm.at[pl.ds(0, _BBLK // 2)], half,
                sem_g[buf][0]).wait()
            pltpu.make_async_copy(
                table_hbm.at[pl.ds(0, _BBLK // 2)], half,
                sem_g[buf][1]).wait()

        def transpose_scale(buf):
            src = rbuf[buf]
            dst = tbuf[buf]
            rowi = [lax.iota(jnp.int32, _LANES) + g * _LANES
                    for g in range(_BBLK // _LANES)]

            @plsc.parallel_loop(0, D, unroll=8)
            def body_d(d):
                coli = jnp.full((_LANES,), d, jnp.int32)
                for g in range(_BBLK // _LANES):
                    v = plsc.load_gather(src, [rowi[g], coli])
                    dst[d, pl.ds(g * _LANES, _LANES)] = v * scale

        def fire_out(u, buf):
            pltpu.async_copy(
                tbuf[buf], out_hbm.at[l0 + u, :, pl.ds(b0, _BBLK)],
                sem_o[buf])

        def wait_out(u, buf):
            pltpu.make_async_copy(
                tbuf[buf], out_hbm.at[l0 + u, :, pl.ds(b0, _BBLK)],
                sem_o[buf]).wait()

        fire_unit(0, 0)

        def pair_body(t, carry):
            for buf in (1, 0):
                u = 2 * t + (1 if buf == 1 else 2)

                @pl.when(u >= 2)
                def _():
                    wait_out(u - 2, buf)

                @pl.when(u < l_per_w)
                def _():
                    fire_unit(u, buf)
                drain_unit(1 - buf)
                transpose_scale(1 - buf)
                fire_out(u - 1, 1 - buf)
            return carry

        lax.fori_loop(0, l_per_w // 2, pair_body, 0)
        wait_out(l_per_w - 1, (l_per_w - 1) % 2)

    return emb


def kernel(input, table):
    B, L = input.shape
    V, D = table.shape
    n_lgrp = _NW // (B // _BBLK)
    ids3 = input.T.reshape(n_lgrp, L // n_lgrp, B).astype(jnp.int32)
    emb = _make_emb_kernel(B, L, V, D)
    out = emb(table, ids3)
    return jnp.transpose(out, (2, 0, 1))

# --- scband reference (transcript-rebuilt; emitter-appended) ---
"""Pipeline reference for scband-word-embedding-68212670595102 (READ-ONLY COPY).

The authoritative reference and input builder live on the scoring server;
editing this copy changes nothing except your own understanding.
"""

import jax, jax.numpy as jnp
import numpy as np
import math

VOCAB = 1000000
D_MODEL = 64
B = 1024
L = 200

def setup_inputs(seed: int = 0) -> dict:
    key = jax.random.key(seed)
    k1, k2 = jax.random.split(key)
    input_ids = jax.random.randint(k1, (B, L), 0, VOCAB, dtype=jnp.int64 if jax.config.jax_enable_x64 else jnp.int32)
    table = jax.random.normal(k2, (VOCAB, D_MODEL), dtype=jnp.float32)
    return {"input": input_ids, "table": table}

def reference(input, table):
    # Faithful translation of WordEmbedding.forward:
    #   embedding lookup scaled by sqrt(d_model)
    assert input.ndim == 2
    emb = jnp.take(table, input, axis=0)
    return emb * math.sqrt(D_MODEL)

if __name__ == "__main__":
    import jax
    _d = setup_inputs()
    print(jax.jit(kernel)(*tuple(_d.values())))

</pallas_src>

<mosaic_0001>
#map = affine_map<(d0, d1) -> (0, 0)>
#map1 = affine_map<(d0, d1) -> (0, 0, 0)>
module attributes {stable_mosaic.version = 14 : i64} {
  func.func @emb(%arg0: i32, %arg1: i32, %arg2: memref<1000000x64xf32, #tpu.memory_space<hbm>>, %arg3: memref<4x50x1024xi32, #tpu.memory_space<hbm>>, %arg4: memref<200x64x1024xf32, #tpu.memory_space<hbm>>, %arg5: memref<50x128xi32, #tpu.memory_space<vmem>>, %arg6: memref<128x64xf32, #tpu.memory_space<vmem>>, %arg7: memref<128x64xf32, #tpu.memory_space<vmem>>, %arg8: memref<64x128xf32, #tpu.memory_space<vmem>>, %arg9: memref<64x128xf32, #tpu.memory_space<vmem>>, %arg10: memref<!tpu.dma_semaphore, #tpu.memory_space<semaphore_mem>>, %arg11: memref<!tpu.dma_semaphore, #tpu.memory_space<semaphore_mem>>, %arg12: memref<!tpu.dma_semaphore, #tpu.memory_space<semaphore_mem>>, %arg13: memref<!tpu.dma_semaphore, #tpu.memory_space<semaphore_mem>>, %arg14: memref<!tpu.dma_semaphore, #tpu.memory_space<semaphore_mem>>, %arg15: memref<!tpu.dma_semaphore, #tpu.memory_space<semaphore_mem>>) attributes {dimension_semantics = [#tpu.dimension_semantics<core_parallel>, #tpu.dimension_semantics<subcore_parallel>], iteration_bounds = array<i64: 2, 16>, scalar_prefetch = 0 : i64, scratch_operands = 11 : i64, tpu.core_type = #tpu.core_type<sc_vector_subcore>, window_params = [{transform_indices = #map}, {transform_indices = #map1}, {transform_indices = #map1}]} {
    %mul3A = arith.constant 2 : i32
    %mul3A_0 = arith.muli %arg1, %mul3A : i32
    %add3A = arith.addi %mul3A_0, %arg0 : i32
    %jit3A = arith.constant 8 : i32
    %div3A = arith.divsi %add3A, %jit3A : i32
    %sign3A = arith.constant 0 : i32
    %sign3A_1 = arith.cmpi sgt, %add3A, %sign3A : i32
    %sign3A_2 = arith.extui %sign3A_1 : i1 to i32
    %sign3A_3 = arith.constant 0 : i32
    %sign3A_4 = arith.cmpi slt, %add3A, %sign3A_3 : i32
    %sign3A_5 = arith.extui %sign3A_4 : i1 to i32
    %sign3A_6 = arith.subi %sign3A_2, %sign3A_5 : i32
    %sign3A_7 = arith.constant 0 : i32
    %sign3A_8 = arith.cmpi sgt, %jit3A, %sign3A_7 : i32
    %sign3A_9 = arith.extui %sign3A_8 : i1 to i32
    %sign3A_10 = arith.constant 0 : i32
    %sign3A_11 = arith.cmpi slt, %jit3A, %sign3A_10 : i32
    %sign3A_12 = arith.extui %sign3A_11 : i1 to i32
    %sign3A_13 = arith.subi %sign3A_9, %sign3A_12 : i32
    %ne3A = arith.cmpi ne, %sign3A_6, %sign3A_13 : i32
    %rem3A = arith.remsi %add3A, %jit3A : i32
    %ne3A_14 = arith.constant 0 : i32
    %ne3A_15 = arith.cmpi ne, %rem3A, %ne3A_14 : i32
    %and3A = arith.andi %ne3A, %ne3A_15 : i1
    %sub3A = arith.constant 1 : i32
    %sub3A_16 = arith.subi %div3A, %sub3A : i32
    %select_n3A = arith.select %and3A, %sub3A_16, %div3A : i32
    %jit3A_17 = arith.constant 8 : i32
    %eq3A = arith.constant 0 : i32
    %eq3A_18 = arith.cmpi eq, %jit3A_17, %eq3A : i32
    %jit3A_19 = arith.constant 1 : i32
    %select_n3A_20 = arith.select %eq3A_18, %jit3A_19, %jit3A_17 : i32
    %rem3A_21 = arith.remsi %add3A, %select_n3A_20 : i32
    %ne3A_22 = arith.constant 0 : i32
    %ne3A_23 = arith.cmpi ne, %rem3A_21, %ne3A_22 : i32
    %lt3A = arith.constant 0 : i32
    %lt3A_24 = arith.cmpi slt, %rem3A_21, %lt3A : i32
    %lt3A_25 = arith.constant 0 : i32
    %lt3A_26 = arith.cmpi slt, %select_n3A_20, %lt3A_25 : i32
    %ne3A_27 = arith.xori %lt3A_24, %lt3A_26 : i1
    %and3A_28 = arith.andi %ne3A_27, %ne3A_23 : i1
    %add3A_29 = arith.addi %rem3A_21, %select_n3A_20 : i32
    %select_n3A_30 = arith.select %and3A_28, %add3A_29, %rem3A_21 : i32
    %mul3A_31 = arith.constant 128 : i32
    %mul3A_32 = arith.muli %select_n3A_30, %mul3A_31 : i32
    %mul3A_33 = arith.constant 50 : i32
    %mul3A_34 = arith.muli %select_n3A, %mul3A_33 : i32
    "tpu.region"() ({
      %run_scoped3A = tpu.sem_alloc : memref<!tpu.dma_semaphore, #tpu.memory_space<semaphore_mem>>
      %dma_start3A = arith.constant 0 : i32
      %dma_start3A_49 = tpu.memref_slice %arg3[%select_n3A, %dma_start3A, %mul3A_32] : memref<4x50x1024xi32, #tpu.memory_space<hbm>> -> memref<1x50x128xi32, #tpu.memory_space<hbm>>
      %dma_start3A_50 = tpu.memref_squeeze %dma_start3A_49 : memref<1x50x128xi32, #tpu.memory_space<hbm>> -> memref<50x128xi32, #tpu.memory_space<hbm>>
      %dma_start3A_51 = arith.constant 0 : i32
      %dma_start3A_52 = tpu.memref_slice %arg3[%select_n3A, %dma_start3A_51, %mul3A_32] : memref<4x50x1024xi32, #tpu.memory_space<hbm>> -> memref<1x50x128xi32, #tpu.memory_space<hbm>>
      %dma_start3A_53 = tpu.memref_squeeze %dma_start3A_52 : memref<1x50x128xi32, #tpu.memory_space<hbm>> -> memref<50x128xi32, #tpu.memory_space<hbm>>
      tpu.enqueue_dma source(%dma_start3A_53 : memref<50x128xi32, #tpu.memory_space<hbm>>) target(%arg5 : memref<50x128xi32, #tpu.memory_space<vmem>>) target_semaphore(%run_scoped3A : memref<!tpu.dma_semaphore, #tpu.memory_space<semaphore_mem>>)
      %dma_wait3A_54 = arith.constant 0 : i32
      %dma_wait3A_55 = tpu.memref_slice %arg3[%select_n3A, %dma_wait3A_54, %mul3A_32] : memref<4x50x1024xi32, #tpu.memory_space<hbm>> -> memref<1x50x128xi32, #tpu.memory_space<hbm>>
      %dma_wait3A_56 = tpu.memref_squeeze %dma_wait3A_55 : memref<1x50x128xi32, #tpu.memory_space<hbm>> -> memref<50x128xi32, #tpu.memory_space<hbm>>
      %dma_wait3A_57 = arith.constant 0 : i32
      %dma_wait3A_58 = tpu.memref_slice %arg3[%select_n3A, %dma_wait3A_57, %mul3A_32] : memref<4x50x1024xi32, #tpu.memory_space<hbm>> -> memref<1x50x128xi32, #tpu.memory_space<hbm>>
      %dma_wait3A_59 = tpu.memref_squeeze %dma_wait3A_58 : memref<1x50x128xi32, #tpu.memory_space<hbm>> -> memref<50x128xi32, #tpu.memory_space<hbm>>
      tpu.wait_dma2 semaphore(%run_scoped3A : memref<!tpu.dma_semaphore, #tpu.memory_space<semaphore_mem>>) src(%dma_wait3A_59 : memref<50x128xi32, #tpu.memory_space<hbm>>) dst(%arg5 : memref<50x128xi32, #tpu.memory_space<vmem>>)
      tpu.yield
    }) : () -> ()
    %parallel_loop3A = arith.constant 0 : i32
    %parallel_loop3A_35 = arith.constant 8 : i32
    %parallel_loop3A_36 = arith.constant 1 : i32
    scf.for %parallel_loop3A_49 = %parallel_loop3A to %parallel_loop3A_35 step %parallel_loop3A_36  : i32 {
      %parallel_loop3A_50 = arith.constant 16 : i32
      %parallel_loop3A_51 = arith.muli %parallel_loop3A_49, %parallel_loop3A_50 : i32
      %parallel_loop3A_52 = arith.constant 0 : i32
      %parallel_loop3A_53 = arith.index_cast %parallel_loop3A_52 : i32 to index
      %parallel_loop3A_54 = arith.index_cast %parallel_loop3A_51 : i32 to index
      %parallel_loop3A_55 = tpu.vector_load %arg5[%parallel_loop3A_53, %parallel_loop3A_54] {strides = array<i32>} : memref<50x128xi32, #tpu.memory_space<vmem>>, vector<16xi32>,
      %parallel_loop3A_56 = vector.extract_strided_slice %parallel_loop3A_55 {offsets = [0], sizes = [1], strides = [1]} : vector<16xi32> to vector<1xi32>
      %parallel_loop3A_57 = vector.extract %parallel_loop3A_56[0] : i32 from vector<1xi32>
      %parallel_loop3A_58 = arith.constant 16 : i32
      %parallel_loop3A_59 = arith.muli %parallel_loop3A_49, %parallel_loop3A_58 : i32
      %parallel_loop3A_60 = arith.constant 0 : i32
      %parallel_loop3A_61 = arith.addi %parallel_loop3A_59, %parallel_loop3A_60 : i32
      %parallel_loop3A_62 = arith.constant 0 : i32
      %parallel_loop3A_63 = tpu.memref_slice %arg6[%parallel_loop3A_61, %parallel_loop3A_62] : memref<128x64xf32, #tpu.memory_space<vmem>> -> memref<1x64xf32, #tpu.memory_space<vmem>>
      %parallel_loop3A_64 = arith.constant 0 : i32
      %parallel_loop3A_65 = tpu.memref_slice %arg2[%parallel_loop3A_57, %parallel_loop3A_64] : memref<1000000x64xf32, #tpu.memory_space<hbm>> -> memref<1x64xf32, #tpu.memory_space<hbm>>
      %parallel_loop3A_66 = arith.constant 0 : i32
      %parallel_loop3A_67 = tpu.memref_slice %arg6[%parallel_loop3A_61, %parallel_loop3A_66] : memref<128x64xf32, #tpu.memory_space<vmem>> -> memref<1x64xf32, #tpu.memory_space<vmem>>
      %parallel_loop3A_68 = arith.constant 0 : i32
      %parallel_loop3A_69 = tpu.memref_slice %arg2[%parallel_loop3A_57, %parallel_loop3A_68] : memref<1000000x64xf32, #tpu.memory_space<hbm>> -> memref<1x64xf32, #tpu.memory_space<hbm>>
      tpu.enqueue_dma source(%parallel_loop3A_69 : memref<1x64xf32, #tpu.memory_space<hbm>>) target(%parallel_loop3A_67 : memref<1x64xf32, #tpu.memory_space<vmem>>) target_semaphore(%arg10 : memref<!tpu.dma_semaphore, #tpu.memory_space<semaphore_mem>>)
      %parallel_loop3A_70 = vector.extract_strided_slice %parallel_loop3A_55 {offsets = [1], sizes = [1], strides = [1]} : vector<16xi32> to vector<1xi32>
      %parallel_loop3A_71 = vector.extract %parallel_loop3A_70[0] : i32 from vector<1xi32>
      %parallel_loop3A_72 = arith.constant 16 : i32
      %parallel_loop3A_73 = arith.muli %parallel_loop3A_49, %parallel_loop3A_72 : i32
      %parallel_loop3A_74 = arith.constant 1 : i32
      %parallel_loop3A_75 = arith.addi %parallel_loop3A_73, %parallel_loop3A_74 : i32
      %parallel_loop3A_76 = arith.constant 0 : i32
      %parallel_loop3A_77 = tpu.memref_slice %arg6[%parallel_loop3A_75, %parallel_loop3A_76] : memref<128x64xf32, #tpu.memory_space<vmem>> -> memref<1x64xf32, #tpu.memory_space<vmem>>
      %parallel_loop3A_78 = arith.constant 0 : i32
      %parallel_loop3A_79 = tpu.memref_slice %arg2[%parallel_loop3A_71, %parallel_loop3A_78] : memref<1000000x64xf32, #tpu.memory_space<hbm>> -> memref<1x64xf32, #tpu.memory_space<hbm>>
      %parallel_loop3A_80 = arith.constant 0 : i32
      %parallel_loop3A_81 = tpu.memref_slice %arg6[%parallel_loop3A_75, %parallel_loop3A_80] : memref<128x64xf32, #tpu.memory_space<vmem>> -> memref<1x64xf32, #tpu.memory_space<vmem>>
      %parallel_loop3A_82 = arith.constant 0 : i32
      %parallel_loop3A_83 = tpu.memref_slice %arg2[%parallel_loop3A_71, %parallel_loop3A_82] : memref<1000000x64xf32, #tpu.memory_space<hbm>> -> memref<1x64xf32, #tpu.memory_space<hbm>>
      tpu.enqueue_dma source(%parallel_loop3A_83 : memref<1x64xf32, #tpu.memory_space<hbm>>) target(%parallel_loop3A_81 : memref<1x64xf32, #tpu.memory_space<vmem>>) target_semaphore(%arg12 : memref<!tpu.dma_semaphore, #tpu.memory_space<semaphore_mem>>)
      %parallel_loop3A_84 = vector.extract_strided_slice %parallel_loop3A_55 {offsets = [2], sizes = [1], strides = [1]} : vector<16xi32> to vector<1xi32>
      %parallel_loop3A_85 = vector.extract %parallel_loop3A_84[0] : i32 from vector<1xi32>
      %parallel_loop3A_86 = arith.constant 16 : i32
      %parallel_loop3A_87 = arith.muli %parallel_loop3A_49, %parallel_loop3A_86 : i32
      %parallel_loop3A_88 = arith.constant 2 : i32
      %parallel_loop3A_89 = arith.addi %parallel_loop3A_87, %parallel_loop3A_88 : i32
      %parallel_loop3A_90 = arith.constant 0 : i32
      %parallel_loop3A_91 = tpu.memref_slice %arg6[%parallel_loop3A_89, %parallel_loop3A_90] : memref<128x64xf32, #tpu.memory_space<vmem>> -> memref<1x64xf32, #tpu.memory_space<vmem>>
      %parallel_loop3A_92 = arith.constant 0 : i32
      %parallel_loop3A_93 = tpu.memref_slice %arg2[%parallel_loop3A_85, %parallel_loop3A_92] : memref<1000000x64xf32, #tpu.memory_space<hbm>> -> memref<1x64xf32, #tpu.memory_space<hbm>>
      %parallel_loop3A_94 = arith.constant 0 : i32
      %parallel_loop3A_95 = tpu.memref_slice %arg6[%parallel_loop3A_89, %parallel_loop3A_94] : memref<128x64xf32, #tpu.memory_space<vmem>> -> memref<1x64xf32, #tpu.memory_space<vmem>>
      %parallel_loop3A_96 = arith.constant 0 : i32
      %parallel_loop3A_97 = tpu.memref_slice %arg2[%parallel_loop3A_85, %parallel_loop3A_96] : memref<1000000x64xf32, #tpu.memory_space<hbm>> -> memref<1x64xf32, #tpu.memory_space<hbm>>
      tpu.enqueue_dma source(%parallel_loop3A_97 : memref<1x64xf32, #tpu.memory_space<hbm>>) target(%parallel_loop3A_95 : memref<1x64xf32, #tpu.memory_space<vmem>>) target_semaphore(%arg10 : memref<!tpu.dma_semaphore, #tpu.memory_space<semaphore_mem>>)
      %parallel_loop3A_98 = vector.extract_strided_slice %parallel_loop3A_55 {offsets = [3], sizes = [1], strides = [1]} : vector<16xi32> to vector<1xi32>
      %parallel_loop3A_99 = vector.extract %parallel_loop3A_98[0] : i32 from vector<1xi32>
      %parallel_loop3A_100 = arith.constant 16 : i32
      %parallel_loop3A_101 = arith.muli %parallel_loop3A_49, %parallel_loop3A_100 : i32
      %parallel_loop3A_102 = arith.constant 3 : i32
      %parallel_loop3A_103 = arith.addi %parallel_loop3A_101, %parallel_loop3A_102 : i32
      %parallel_loop3A_104 = arith.constant 0 : i32
      %parallel_loop3A_105 = tpu.memref_slice %arg6[%parallel_loop3A_103, %parallel_loop3A_104] : memref<128x64xf32, #tpu.memory_space<vmem>> -> memref<1x64xf32, #tpu.memory_space<vmem>>
      %parallel_loop3A_106 = arith.constant 0 : i32
      %parallel_loop3A_107 = tpu.memref_slice %arg2[%parallel_loop3A_99, %parallel_loop3A_106] : memref<1000000x64xf32, #tpu.memory_space<hbm>> -> memref<1x64xf32, #tpu.memory_space<hbm>>
      %parallel_loop3A_108 = arith.constant 0 : i32
      %parallel_loop3A_109 = tpu.memref_slice %arg6[%parallel_loop3A_103, %parallel_loop3A_108] : memref<128x64xf32, #tpu.memory_space<vmem>> -> memref<1x64xf32, #tpu.memory_space<vmem>>
      %parallel_loop3A_110 = arith.constant 0 : i32
      %parallel_loop3A_111 = tpu.memref_slice %arg2[%parallel_loop3A_99, %parallel_loop3A_110] : memref<1000000x64xf32, #tpu.memory_space<hbm>> -> memref<1x64xf32, #tpu.memory_space<hbm>>
      tpu.enqueue_dma source(%parallel_loop3A_111 : memref<1x64xf32, #tpu.memory_space<hbm>>) target(%parallel_loop3A_109 : memref<1x64xf32, #tpu.memory_space<vmem>>) target_semaphore(%arg12 : memref<!tpu.dma_semaphore, #tpu.memory_space<semaphore_mem>>)
      %parallel_loop3A_112 = vector.extract_strided_slice %parallel_loop3A_55 {offsets = [4], sizes = [1], strides = [1]} : vector<16xi32> to vector<1xi32>
      %parallel_loop3A_113 = vector.extract %parallel_loop3A_112[0] : i32 from vector<1xi32>
      %parallel_loop3A_114 = arith.constant 16 : i32
      %parallel_loop3A_115 = arith.muli %parallel_loop3A_49, %parallel_loop3A_114 : i32
      %parallel_loop3A_116 = arith.constant 4 : i32
      %parallel_loop3A_117 = arith.addi %parallel_loop3A_115, %parallel_loop3A_116 : i32
      %parallel_loop3A_118 = arith.constant 0 : i32
      %parallel_loop3A_119 = tpu.memref_slice %arg6[%parallel_loop3A_117, %parallel_loop3A_118] : memref<128x64xf32, #tpu.memory_space<vmem>> -> memref<1x64xf32, #tpu.memory_space<vmem>>
      %parallel_loop3A_120 = arith.constant 0 : i32
      %parallel_loop3A_121 = tpu.memref_slice %arg2[%parallel_loop3A_113, %parallel_loop3A_120] : memref<1000000x64xf32, #tpu.memory_space<hbm>> -> memref<1x64xf32, #tpu.memory_space<hbm>>
      %parallel_loop3A_122 = arith.constant 0 : i32
      %parallel_loop3A_123 = tpu.memref_slice %arg6[%parallel_loop3A_117, %parallel_loop3A_122] : memref<128x64xf32, #tpu.memory_space<vmem>> -> memref<1x64xf32, #tpu.memory_space<vmem>>
      %parallel_loop3A_124 = arith.constant 0 : i32
      %parallel_loop3A_125 = tpu.memref_slice %arg2[%parallel_loop3A_113, %parallel_loop3A_124] : memref<1000000x64xf32, #tpu.memory_space<hbm>> -> memref<1x64xf32, #tpu.memory_space<hbm>>
      tpu.enqueue_dma source(%parallel_loop3A_125 : memref<1x64xf32, #tpu.memory_space<hbm>>) target(%parallel_loop3A_123 : memref<1x64xf32, #tpu.memory_space<vmem>>) target_semaphore(%arg10 : memref<!tpu.dma_semaphore, #tpu.memory_space<semaphore_mem>>)
      %parallel_loop3A_126 = vector.extract_strided_slice %parallel_loop3A_55 {offsets = [5], sizes = [1], strides = [1]} : vector<16xi32> to vector<1xi32>
      %parallel_loop3A_127 = vector.extract %parallel_loop3A_126[0] : i32 from vector<1xi32>
      %parallel_loop3A_128 = arith.constant 16 : i32
      %parallel_loop3A_129 = arith.muli %parallel_loop3A_49, %parallel_loop3A_128 : i32
      %parallel_loop3A_130 = arith.constant 5 : i32
      %parallel_loop3A_131 = arith.addi %parallel_loop3A_129, %parallel_loop3A_130 : i32
      %parallel_loop3A_132 = arith.constant 0 : i32
      %parallel_loop3A_133 = tpu.memref_slice %arg6[%parallel_loop3A_131, %parallel_loop3A_132] : memref<128x64xf32, #tpu.memory_space<vmem>> -> memref<1x64xf32, #tpu.memory_space<vmem>>
      %parallel_loop3A_134 = arith.constant 0 : i32
      %parallel_loop3A_135 = tpu.memref_slice %arg2[%parallel_loop3A_127, %parallel_loop3A_134] : memref<1000000x64xf32, #tpu.memory_space<hbm>> -> memref<1x64xf32, #tpu.memory_space<hbm>>
      %parallel_loop3A_136 = arith.constant 0 : i32
      %parallel_loop3A_137 = tpu.memref_slice %arg6[%parallel_loop3A_131, %parallel_loop3A_136] : memref<128x64xf32, #tpu.memory_space<vmem>> -> memref<1x64xf32, #tpu.memory_space<vmem>>
      %parallel_loop3A_138 = arith.constant 0 : i32
      %parallel_loop3A_139 = tpu.memref_slice %arg2[%parallel_loop3A_127, %parallel_loop3A_138] : memref<1000000x64xf32, #tpu.memory_space<hbm>> -> memref<1x64xf32, #tpu.memory_space<hbm>>
      tpu.enqueue_dma source(%parallel_loop3A_139 : memref<1x64xf32, #tpu.memory_space<hbm>>) target(%parallel_loop3A_137 : memref<1x64xf32, #tpu.memory_space<vmem>>) target_semaphore(%arg12 : memref<!tpu.dma_semaphore, #tpu.memory_space<semaphore_mem>>)
      %parallel_loop3A_140 = vector.extract_strided_slice %parallel_loop3A_55 {offsets = [6], sizes = [1], strides = [1]} : vector<16xi32> to vector<1xi32>
      %parallel_loop3A_141 = vector.extract %parallel_loop3A_140[0] : i32 from vector<1xi32>
      %parallel_loop3A_142 = arith.constant 16 : i32
      %parallel_loop3A_143 = arith.muli %parallel_loop3A_49, %parallel_loop3A_142 : i32
      %parallel_loop3A_144 = arith.constant 6 : i32
      %parallel_loop3A_145 = arith.addi %parallel_loop3A_143, %parallel_loop3A_144 : i32
      %parallel_loop3A_146 = arith.constant 0 : i32
      %parallel_loop3A_147 = tpu.memref_slice %arg6[%parallel_loop3A_145, %parallel_loop3A_146] : memref<128x64xf32, #tpu.memory_space<vmem>> -> memref<1x64xf32, #tpu.memory_space<vmem>>
      %parallel_loop3A_148 = arith.constant 0 : i32
      %parallel_loop3A_149 = tpu.memref_slice %arg2[%parallel_loop3A_141, %parallel_loop3A_148] : memref<1000000x64xf32, #tpu.memory_space<hbm>> -> memref<1x64xf32, #tpu.memory_space<hbm>>
      %parallel_loop3A_150 = arith.constant 0 : i32
      %parallel_loop3A_151 = tpu.memref_slice %arg6[%parallel_loop3A_145, %parallel_loop3A_150] : memref<128x64xf32, #tpu.memory_space<vmem>> -> memref<1x64xf32, #tpu.memory_space<vmem>>
      %parallel_loop3A_152 = arith.constant 0 : i32
      %parallel_loop3A_153 = tpu.memref_slice %arg2[%parallel_loop3A_141, %parallel_loop3A_152] : memref<1000000x64xf32, #tpu.memory_space<hbm>> -> memref<1x64xf32, #tpu.memory_space<hbm>>
      tpu.enqueue_dma source(%parallel_loop3A_153 : memref<1x64xf32, #tpu.memory_space<hbm>>) target(%parallel_loop3A_151 : memref<1x64xf32, #tpu.memory_space<vmem>>) target_semaphore(%arg10 : memref<!tpu.dma_semaphore, #tpu.memory_space<semaphore_mem>>)
      %parallel_loop3A_154 = vector.extract_strided_slice %parallel_loop3A_55 {offsets = [7], sizes = [1], strides = [1]} : vector<16xi32> to vector<1xi32>
      %parallel_loop3A_155 = vector.extract %parallel_loop3A_154[0] : i32 from vector<1xi32>
      %parallel_loop3A_156 = arith.constant 16 : i32
      %parallel_loop3A_157 = arith.muli %parallel_loop3A_49, %parallel_loop3A_156 : i32
      %parallel_loop3A_158 = arith.constant 7 : i32
      %parallel_loop3A_159 = arith.addi %parallel_loop3A_157, %parallel_loop3A_158 : i32
      %parallel_loop3A_160 = arith.constant 0 : i32
      %parallel_loop3A_161 = tpu.memref_slice %arg6[%parallel_loop3A_159, %parallel_loop3A_160] : memref<128x64xf32, #tpu.memory_space<vmem>> -> memref<1x64xf32, #tpu.memory_space<vmem>>
      %parallel_loop3A_162 = arith.constant 0 : i32
      %parallel_loop3A_163 = tpu.memref_slice %arg2[%parallel_loop3A_155, %parallel_loop3A_162] : memref<1000000x64xf32, #tpu.memory_space<hbm>> -> memref<1x64xf32, #tpu.memory_space<hbm>>
      %parallel_loop3A_164 = arith.constant 0 : i32
      %parallel_loop3A_165 = tpu.memref_slice %arg6[%parallel_loop3A_159, %parallel_loop3A_164] : memref<128x64xf32, #tpu.memory_space<vmem>> -> memref<1x64xf32, #tpu.memory_space<vmem>>
      %parallel_loop3A_166 = arith.constant 0 : i32
      %parallel_loop3A_167 = tpu.memref_slice %arg2[%parallel_loop3A_155, %parallel_loop3A_166] : memref<1000000x64xf32, #tpu.memory_space<hbm>> -> memref<1x64xf32, #tpu.memory_space<hbm>>
      tpu.enqueue_dma source(%parallel_loop3A_167 : memref<1x64xf32, #tpu.memory_space<hbm>>) target(%parallel_loop3A_165 : memref<1x64xf32, #tpu.memory_space<vmem>>) target_semaphore(%arg12 : memref<!tpu.dma_semaphore, #tpu.memory_space<semaphore_mem>>)
      %parallel_loop3A_168 = vector.extract_strided_slice %parallel_loop3A_55 {offsets = [8], sizes = [1], strides = [1]} : vector<16xi32> to vector<1xi32>
      %parallel_loop3A_169 = vector.extract %parallel_loop3A_168[0] : i32 from vector<1xi32>
      %parallel_loop3A_170 = arith.constant 16 : i32
      %parallel_loop3A_171 = arith.muli %parallel_loop3A_49, %parallel_loop3A_170 : i32
      %parallel_loop3A_172 = arith.constant 8 : i32
      %parallel_loop3A_173 = arith.addi %parallel_loop3A_171, %parallel_loop3A_172 : i32
      %parallel_loop3A_174 = arith.constant 0 : i32
      %parallel_loop3A_175 = tpu.memref_slice %arg6[%parallel_loop3A_173, %parallel_loop3A_174] : memref<128x64xf32, #tpu.memory_space<vmem>> -> memref<1x64xf32, #tpu.memory_space<vmem>>
      %parallel_loop3A_176 = arith.constant 0 : i32
      %parallel_loop3A_177 = tpu.memref_slice %arg2[%parallel_loop3A_169, %parallel_loop3A_176] : memref<1000000x64xf32, #tpu.memory_space<hbm>> -> memref<1x64xf32, #tpu.memory_space<hbm>>
      %parallel_loop3A_178 = arith.constant 0 : i32
      %parallel_loop3A_179 = tpu.memref_slice %arg6[%parallel_loop3A_173, %parallel_loop3A_178] : memref<128x64xf32, #tpu.memory_space<vmem>> -> memref<1x64xf32, #tpu.memory_space<vmem>>
      %parallel_loop3A_180 = arith.constant 0 : i32
      %parallel_loop3A_181 = tpu.memref_slice %arg2[%parallel_loop3A_169, %parallel_loop3A_180] : memref<1000000x64xf32, #tpu.memory_space<hbm>> -> memref<1x64xf32, #tpu.memory_space<hbm>>
      tpu.enqueue_dma source(%parallel_loop3A_181 : memref<1x64xf32, #tpu.memory_space<hbm>>) target(%parallel_loop3A_179 : memref<1x64xf32, #tpu.memory_space<vmem>>) target_semaphore(%arg10 : memref<!tpu.dma_semaphore, #tpu.memory_space<semaphore_mem>>)
      %parallel_loop3A_182 = vector.extract_strided_slice %parallel_loop3A_55 {offsets = [9], sizes = [1], strides = [1]} : vector<16xi32> to vector<1xi32>
      %parallel_loop3A_183 = vector.extract %parallel_loop3A_182[0] : i32 from vector<1xi32>
      %parallel_loop3A_184 = arith.constant 16 : i32
      %parallel_loop3A_185 = arith.muli %parallel_loop3A_49, %parallel_loop3A_184 : i32
      %parallel_loop3A_186 = arith.constant 9 : i32
      %parallel_loop3A_187 = arith.addi %parallel_loop3A_185, %parallel_loop3A_186 : i32
      %parallel_loop3A_188 = arith.constant 0 : i32
      %parallel_loop3A_189 = tpu.memref_slice %arg6[%parallel_loop3A_187, %parallel_loop3A_188] : memref<128x64xf32, #tpu.memory_space<vmem>> -> memref<1x64xf32, #tpu.memory_space<vmem>>
      %parallel_loop3A_190 = arith.constant 0 : i32
      %parallel_loop3A_191 = tpu.memref_slice %arg2[%parallel_loop3A_183, %parallel_loop3A_190] : memref<1000000x64xf32, #tpu.memory_space<hbm>> -> memref<1x64xf32, #tpu.memory_space<hbm>>
      %parallel_loop3A_192 = arith.constant 0 : i32
      %parallel_loop3A_193 = tpu.memref_slice %arg6[%parallel_loop3A_187, %parallel_loop3A_192] : memref<128x64xf32, #tpu.memory_space<vmem>> -> memref<1x64xf32, #tpu.memory_space<vmem>>
      %parallel_loop3A_194 = arith.constant 0 : i32
      %parallel_loop3A_195 = tpu.memref_slice %arg2[%parallel_loop3A_183, %parallel_loop3A_194] : memref<1000000x64xf32, #tpu.memory_space<hbm>> -> memref<1x64xf32, #tpu.memory_space<hbm>>
      tpu.enqueue_dma source(%parallel_loop3A_195 : memref<1x64xf32, #tpu.memory_space<hbm>>) target(%parallel_loop3A_193 : memref<1x64xf32, #tpu.memory_space<vmem>>) target_semaphore(%arg12 : memref<!tpu.dma_semaphore, #tpu.memory_space<semaphore_mem>>)
      %parallel_loop3A_196 = vector.extract_strided_slice %parallel_loop3A_55 {offsets = [10], sizes = [1], strides = [1]} : vector<16xi32> to vector<1xi32>
      %parallel_loop3A_197 = vector.extract %parallel_loop3A_196[0] : i32 from vector<1xi32>
      %parallel_loop3A_198 = arith.constant 16 : i32
      %parallel_loop3A_199 = arith.muli %parallel_loop3A_49, %parallel_loop3A_198 : i32
      %parallel_loop3A_200 = arith.constant 10 : i32
      %parallel_loop3A_201 = arith.addi %parallel_loop3A_199, %parallel_loop3A_200 : i32
      %parallel_loop3A_202 = arith.constant 0 : i32
      %parallel_loop3A_203 = tpu.memref_slice %arg6[%parallel_loop3A_201, %parallel_loop3A_202] : memref<128x64xf32, #tpu.memory_space<vmem>> -> memref<1x64xf32, #tpu.memory_space<vmem>>
      %parallel_loop3A_204 = arith.constant 0 : i32
      %parallel_loop3A_205 = tpu.memref_slice %arg2[%parallel_loop3A_197, %parallel_loop3A_204] : memref<1000000x64xf32, #tpu.memory_space<hbm>> -> memref<1x64xf32, #tpu.memory_space<hbm>>
      %parallel_loop3A_206 = arith.constant 0 : i32
      %parallel_loop3A_207 = tpu.memref_slice %arg6[%parallel_loop3A_201, %parallel_loop3A_206] : memref<128x64xf32, #tpu.memory_space<vmem>> -> memref<1x64xf32, #tpu.memory_space<vmem>>
      %parallel_loop3A_208 = arith.constant 0 : i32
      %parallel_loop3A_209 = tpu.memref_slice %arg2[%parallel_loop3A_197, %parallel_loop3A_208] : memref<1000000x64xf32, #tpu.memory_space<hbm>> -> memref<1x64xf32, #tpu.memory_space<hbm>>
      tpu.enqueue_dma source(%parallel_loop3A_209 : memref<1x64xf32, #tpu.memory_space<hbm>>) target(%parallel_loop3A_207 : memref<1x64xf32, #tpu.memory_space<vmem>>) target_semaphore(%arg10 : memref<!tpu.dma_semaphore, #tpu.memory_space<semaphore_mem>>)
      %parallel_loop3A_210 = vector.extract_strided_slice %parallel_loop3A_55 {offsets = [11], sizes = [1], strides = [1]} : vector<16xi32> to vector<1xi32>
      %parallel_loop3A_211 = vector.extract %parallel_loop3A_210[0] : i32 from vector<1xi32>
      %parallel_loop3A_212 = arith.constant 16 : i32
      %parallel_loop3A_213 = arith.muli %parallel_loop3A_49, %parallel_loop3A_212 : i32
      %parallel_loop3A_214 = arith.constant 11 : i32
      %parallel_loop3A_215 = arith.addi %parallel_loop3A_213, %parallel_loop3A_214 : i32
      %parallel_loop3A_216 = arith.constant 0 : i32
      %parallel_loop3A_217 = tpu.memref_slice %arg6[%parallel_loop3A_215, %parallel_loop3A_216] : memref<128x64xf32, #tpu.memory_space<vmem>> -> memref<1x64xf32, #tpu.memory_space<vmem>>
      %parallel_loop3A_218 = arith.constant 0 : i32
      %parallel_loop3A_219 = tpu.memref_slice %arg2[%parallel_loop3A_211, %parallel_loop3A_218] : memref<1000000x64xf32, #tpu.memory_space<hbm>> -> memref<1x64xf32, #tpu.memory_space<hbm>>
      %parallel_loop3A_220 = arith.constant 0 : i32
      %parallel_loop3A_221 = tpu.memref_slice %arg6[%parallel_loop3A_215, %parallel_loop3A_220] : memref<128x64xf32, #tpu.memory_space<vmem>> -> memref<1x64xf32, #tpu.memory_space<vmem>>
      %parallel_loop3A_222 = arith.constant 0 : i32
      %parallel_loop3A_223 = tpu.memref_slice %arg2[%parallel_loop3A_211, %parallel_loop3A_222] : memref<1000000x64xf32, #tpu.memory_space<hbm>> -> memref<1x64xf32, #tpu.memory_space<hbm>>
      tpu.enqueue_dma source(%parallel_loop3A_223 : memref<1x64xf32, #tpu.memory_space<hbm>>) target(%parallel_loop3A_221 : memref<1x64xf32, #tpu.memory_space<vmem>>) target_semaphore(%arg12 : memref<!tpu.dma_semaphore, #tpu.memory_space<semaphore_mem>>)
      %parallel_loop3A_224 = vector.extract_strided_slice %parallel_loop3A_55 {offsets = [12], sizes = [1], strides = [1]} : vector<16xi32> to vector<1xi32>
      %parallel_loop3A_225 = vector.extract %parallel_loop3A_224[0] : i32 from vector<1xi32>
      %parallel_loop3A_226 = arith.constant 16 : i32
      %parallel_loop3A_227 = arith.muli %parallel_loop3A_49, %parallel_loop3A_226 : i32
      %parallel_loop3A_228 = arith.constant 12 : i32
      %parallel_loop3A_229 = arith.addi %parallel_loop3A_227, %parallel_loop3A_228 : i32
      %parallel_loop3A_230 = arith.constant 0 : i32
      %parallel_loop3A_231 = tpu.memref_slice %arg6[%parallel_loop3A_229, %parallel_loop3A_230] : memref<128x64xf32, #tpu.memory_space<vmem>> -> memref<1x64xf32, #tpu.memory_space<vmem>>
      %parallel_loop3A_232 = arith.constant 0 : i32
      %parallel_loop3A_233 = tpu.memref_slice %arg2[%parallel_loop3A_225, %parallel_loop3A_232] : memref<1000000x64xf32, #tpu.memory_space<hbm>> -> memref<1x64xf32, #tpu.memory_space<hbm>>
      %parallel_loop3A_234 = arith.constant 0 : i32
      %parallel_loop3A_235 = tpu.memref_slice %arg6[%parallel_loop3A_229, %parallel_loop3A_234] : memref<128x64xf32, #tpu.memory_space<vmem>> -> memref<1x64xf32, #tpu.memory_space<vmem>>
      %parallel_loop3A_236 = arith.constant 0 : i32
      %parallel_loop3A_237 = tpu.memref_slice %arg2[%parallel_loop3A_225, %parallel_loop3A_236] : memref<1000000x64xf32, #tpu.memory_space<hbm>> -> memref<1x64xf32, #tpu.memory_space<hbm>>
      tpu.enqueue_dma source(%parallel_loop3A_237 : memref<1x64xf32, #tpu.memory_space<hbm>>) target(%parallel_loop3A_235 : memref<1x64xf32, #tpu.memory_space<vmem>>) target_semaphore(%arg10 : memref<!tpu.dma_semaphore, #tpu.memory_space<semaphore_mem>>)
      %parallel_loop3A_238 = vector.extract_strided_slice %parallel_loop3A_55 {offsets = [13], sizes = [1], strides = [1]} : vector<16xi32> to vector<1xi32>
      %parallel_loop3A_239 = vector.extract %parallel_loop3A_238[0] : i32 from vector<1xi32>
      %parallel_loop3A_240 = arith.constant 16 : i32
      %parallel_loop3A_241 = arith.muli %parallel_loop3A_49, %parallel_loop3A_240 : i32
      %parallel_loop3A_242 = arith.constant 13 : i32
      %parallel_loop3A_243 = arith.addi %parallel_loop3A_241, %parallel_loop3A_242 : i32
      %parallel_loop3A_244 = arith.constant 0 : i32
      %parallel_loop3A_245 = tpu.memref_slice %arg6[%parallel_loop3A_243, %parallel_loop3A_244] : memref<128x64xf32, #tpu.memory_space<vmem>> -> memref<1x64xf32, #tpu.memory_space<vmem>>
      %parallel_loop3A_246 = arith.constant 0 : i32
      %parallel_loop3A_247 = tpu.memref_slice %arg2[%parallel_loop3A_239, %parallel_loop3A_246] : memref<1000000x64xf32, #tpu.memory_space<hbm>> -> memref<1x64xf32, #tpu.memory_space<hbm>>
      %parallel_loop3A_248 = arith.constant 0 : i32
      %parallel_loop3A_249 = tpu.memref_slice %arg6[%parallel_loop3A_243, %parallel_loop3A_248] : memref<128x64xf32, #tpu.memory_space<vmem>> -> memref<1x64xf32, #tpu.memory_space<vmem>>
      %parallel_loop3A_250 = arith.constant 0 : i32
      %parallel_loop3A_251 = tpu.memref_slice %arg2[%parallel_loop3A_239, %parallel_loop3A_250] : memref<1000000x64xf32, #tpu.memory_space<hbm>> -> memref<1x64xf32, #tpu.memory_space<hbm>>
      tpu.enqueue_dma source(%parallel_loop3A_251 : memref<1x64xf32, #tpu.memory_space<hbm>>) target(%parallel_loop3A_249 : memref<1x64xf32, #tpu.memory_space<vmem>>) target_semaphore(%arg12 : memref<!tpu.dma_semaphore, #tpu.memory_space<semaphore_mem>>)
      %parallel_loop3A_252 = vector.extract_strided_slice %parallel_loop3A_55 {offsets = [14], sizes = [1], strides = [1]} : vector<16xi32> to vector<1xi32>
      %parallel_loop3A_253 = vector.extract %parallel_loop3A_252[0] : i32 from vector<1xi32>
      %parallel_loop3A_254 = arith.constant 16 : i32
      %parallel_loop3A_255 = arith.muli %parallel_loop3A_49, %parallel_loop3A_254 : i32
      %parallel_loop3A_256 = arith.constant 14 : i32
      %parallel_loop3A_257 = arith.addi %parallel_loop3A_255, %parallel_loop3A_256 : i32
      %parallel_loop3A_258 = arith.constant 0 : i32
      %parallel_loop3A_259 = tpu.memref_slice %arg6[%parallel_loop3A_257, %parallel_loop3A_258] : memref<128x64xf32, #tpu.memory_space<vmem>> -> memref<1x64xf32, #tpu.memory_space<vmem>>
      %parallel_loop3A_260 = arith.constant 0 : i32
      %parallel_loop3A_261 = tpu.memref_slice %arg2[%parallel_loop3A_253, %parallel_loop3A_260] : memref<1000000x64xf32, #tpu.memory_space<hbm>> -> memref<1x64xf32, #tpu.memory_space<hbm>>
      %parallel_loop3A_262 = arith.constant 0 : i32
      %parallel_loop3A_263 = tpu.memref_slice %arg6[%parallel_loop3A_257, %parallel_loop3A_262] : memref<128x64xf32, #tpu.memory_space<vmem>> -> memref<1x64xf32, #tpu.memory_space<vmem>>
      %parallel_loop3A_264 = arith.constant 0 : i32
      %parallel_loop3A_265 = tpu.memref_slice %arg2[%parallel_loop3A_253, %parallel_loop3A_264] : memref<1000000x64xf32, #tpu.memory_space<hbm>> -> memref<1x64xf32, #tpu.memory_space<hbm>>
      tpu.enqueue_dma source(%parallel_loop3A_265 : memref<1x64xf32, #tpu.memory_space<hbm>>) target(%parallel_loop3A_263 : memref<1x64xf32, #tpu.memory_space<vmem>>) target_semaphore(%arg10 : memref<!tpu.dma_semaphore, #tpu.memory_space<semaphore_mem>>)
      %parallel_loop3A_266 = vector.extract_strided_slice %parallel_loop3A_55 {offsets = [15], sizes = [1], strides = [1]} : vector<16xi32> to vector<1xi32>
      %parallel_loop3A_267 = vector.extract %parallel_loop3A_266[0] : i32 from vector<1xi32>
      %parallel_loop3A_268 = arith.constant 16 : i32
      %parallel_loop3A_269 = arith.muli %parallel_loop3A_49, %parallel_loop3A_268 : i32
      %parallel_loop3A_270 = arith.constant 15 : i32
      %parallel_loop3A_271 = arith.addi %parallel_loop3A_269, %parallel_loop3A_270 : i32
      %parallel_loop3A_272 = arith.constant 0 : i32
      %parallel_loop3A_273 = tpu.memref_slice %arg6[%parallel_loop3A_271, %parallel_loop3A_272] : memref<128x64xf32, #tpu.memory_space<vmem>> -> memref<1x64xf32, #tpu.memory_space<vmem>>
      %parallel_loop3A_274 = arith.constant 0 : i32
      %parallel_loop3A_275 = tpu.memref_slice %arg2[%parallel_loop3A_267, %parallel_loop3A_274] : memref<1000000x64xf32, #tpu.memory_space<hbm>> -> memref<1x64xf32, #tpu.memory_space<hbm>>
      %parallel_loop3A_276 = arith.constant 0 : i32
      %parallel_loop3A_277 = tpu.memref_slice %arg6[%parallel_loop3A_271, %parallel_loop3A_276] : memref<128x64xf32, #tpu.memory_space<vmem>> -> memref<1x64xf32, #tpu.memory_space<vmem>>
      %parallel_loop3A_278 = arith.constant 0 : i32
      %parallel_loop3A_279 = tpu.memref_slice %arg2[%parallel_loop3A_267, %parallel_loop3A_278] : memref<1000000x64xf32, #tpu.memory_space<hbm>> -> memref<1x64xf32, #tpu.memory_space<hbm>>
      tpu.enqueue_dma source(%parallel_loop3A_279 : memref<1x64xf32, #tpu.memory_space<hbm>>) target(%parallel_loop3A_277 : memref<1x64xf32, #tpu.memory_space<vmem>>) target_semaphore(%arg12 : memref<!tpu.dma_semaphore, #tpu.memory_space<semaphore_mem>>)
    } {sc.loop_unroll_factor = 4 : i64, sc.parallel_access}
    %scan3A = arith.constant 0 : i32
    %scan3A_37 = arith.constant 0 : i32
    %scan3A_38 = arith.constant 25 : i32
    %scan3A_39 = arith.addi %scan3A_37, %scan3A_38 : i32
    %scan3A_40 = arith.constant 1 : i32
    scf.for %scan3A_49 = %scan3A_37 to %scan3A_39 step %scan3A_40  : i32 {
      %mul3A_50 = arith.constant 2 : i32
      %mul3A_51 = arith.muli %mul3A_50, %scan3A_49 : i32
      %add3A_52 = arith.constant 1 : i32
      %add3A_53 = arith.addi %mul3A_51, %add3A_52 : i32
      %ge3A = arith.constant 2 : i32
      %ge3A_54 = arith.cmpi sge, %add3A_53, %ge3A : i32
      %convert_element_type3A = arith.extui %ge3A_54 : i1 to i32
      %cond3A = arith.constant 0 : i32
      %cond3A_55 = arith.cmpi ne, %convert_element_type3A, %cond3A : i32
      scf.if %cond3A_55 {
        %sub3A_209 = arith.constant 2 : i32
        %sub3A_210 = arith.subi %add3A_53, %sub3A_209 : i32
        %add3A_211 = arith.addi %mul3A_34, %sub3A_210 : i32
        %dma_wait3A_212 = arith.constant 0 : i32
        %dma_wait3A_213 = tpu.memref_slice %arg4[%add3A_211, %dma_wait3A_212, %mul3A_32] : memref<200x64x1024xf32, #tpu.memory_space<hbm>> -> memref<1x64x128xf32, #tpu.memory_space<hbm>>
        %dma_wait3A_214 = tpu.memref_squeeze %dma_wait3A_213 : memref<1x64x128xf32, #tpu.memory_space<hbm>> -> memref<64x128xf32, #tpu.memory_space<hbm>>
        %dma_wait3A_215 = arith.constant 0 : i32
        %dma_wait3A_216 = tpu.memref_slice %arg4[%add3A_211, %dma_wait3A_215, %mul3A_32] : memref<200x64x1024xf32, #tpu.memory_space<hbm>> -> memref<1x64x128xf32, #tpu.memory_space<hbm>>
        %dma_wait3A_217 = tpu.memref_squeeze %dma_wait3A_216 : memref<1x64x128xf32, #tpu.memory_space<hbm>> -> memref<64x128xf32, #tpu.memory_space<hbm>>
        tpu.wait_dma2 semaphore(%arg15 : memref<!tpu.dma_semaphore, #tpu.memory_space<semaphore_mem>>) src(%arg9 : memref<64x128xf32, #tpu.memory_space<vmem>>) dst(%dma_wait3A_217 : memref<64x128xf32, #tpu.memory_space<hbm>>)
      } else {
      }
      %lt3A_56 = arith.constant 50 : i32
      %lt3A_57 = arith.cmpi slt, %add3A_53, %lt3A_56 : i32
      %convert_element_type3A_58 = arith.extui %lt3A_57 : i1 to i32
      %cond3A_59 = arith.constant 0 : i32
      %cond3A_60 = arith.cmpi ne, %convert_element_type3A_58, %cond3A_59 : i32
      scf.if %cond3A_60 {
        %parallel_loop3A_209 = arith.constant 0 : i32
        %parallel_loop3A_210 = arith.constant 8 : i32
        %parallel_loop3A_211 = arith.constant 1 : i32
        scf.for %parallel_loop3A_212 = %parallel_loop3A_209 to %parallel_loop3A_210 step %parallel_loop3A_211  : i32 {
          %parallel_loop3A_213 = arith.constant 16 : i32
          %parallel_loop3A_214 = arith.muli %parallel_loop3A_212, %parallel_loop3A_213 : i32
          %parallel_loop3A_215 = arith.index_cast %add3A_53 : i32 to index
          %parallel_loop3A_216 = arith.index_cast %parallel_loop3A_214 : i32 to index
          %parallel_loop3A_217 = tpu.vector_load %arg5[%parallel_loop3A_215, %parallel_loop3A_216] {strides = array<i32>} : memref<50x128xi32, #tpu.memory_space<vmem>>, vector<16xi32>,
          %parallel_loop3A_218 = vector.extract_strided_slice %parallel_loop3A_217 {offsets = [0], sizes = [1], strides = [1]} : vector<16xi32> to vector<1xi32>
          %parallel_loop3A_219 = vector.extract %parallel_loop3A_218[0] : i32 from vector<1xi32>
          %parallel_loop3A_220 = arith.constant 16 : i32
          %parallel_loop3A_221 = arith.muli %parallel_loop3A_212, %parallel_loop3A_220 : i32
          %parallel_loop3A_222 = arith.constant 0 : i32
          %parallel_loop3A_223 = arith.addi %parallel_loop3A_221, %parallel_loop3A_222 : i32
          %parallel_loop3A_224 = arith.constant 0 : i32
          %parallel_loop3A_225 = tpu.memref_slice %arg7[%parallel_loop3A_223, %parallel_loop3A_224] : memref<128x64xf32, #tpu.memory_space<vmem>> -> memref<1x64xf32, #tpu.memory_space<vmem>>
          %parallel_loop3A_226 = arith.constant 0 : i32
          %parallel_loop3A_227 = tpu.memref_slice %arg2[%parallel_loop3A_219, %parallel_loop3A_226] : memref<1000000x64xf32, #tpu.memory_space<hbm>> -> memref<1x64xf32, #tpu.memory_space<hbm>>
          %parallel_loop3A_228 = arith.constant 0 : i32
          %parallel_loop3A_229 = tpu.memref_slice %arg7[%parallel_loop3A_223, %parallel_loop3A_228] : memref<128x64xf32, #tpu.memory_space<vmem>> -> memref<1x64xf32, #tpu.memory_space<vmem>>
          %parallel_loop3A_230 = arith.constant 0 : i32
          %parallel_loop3A_231 = tpu.memref_slice %arg2[%parallel_loop3A_219, %parallel_loop3A_230] : memref<1000000x64xf32, #tpu.memory_space<hbm>> -> memref<1x64xf32, #tpu.memory_space<hbm>>
          tpu.enqueue_dma source(%parallel_loop3A_231 : memref<1x64xf32, #tpu.memory_space<hbm>>) target(%parallel_loop3A_229 : memref<1x64xf32, #tpu.memory_space<vmem>>) target_semaphore(%arg11 : memref<!tpu.dma_semaphore, #tpu.memory_space<semaphore_mem>>)
          %parallel_loop3A_232 = vector.extract_strided_slice %parallel_loop3A_217 {offsets = [1], sizes = [1], strides = [1]} : vector<16xi32> to vector<1xi32>
          %parallel_loop3A_233 = vector.extract %parallel_loop3A_232[0] : i32 from vector<1xi32>
          %parallel_loop3A_234 = arith.constant 16 : i32
          %parallel_loop3A_235 = arith.muli %parallel_loop3A_212, %parallel_loop3A_234 : i32
          %parallel_loop3A_236 = arith.constant 1 : i32
          %parallel_loop3A_237 = arith.addi %parallel_loop3A_235, %parallel_loop3A_236 : i32
          %parallel_loop3A_238 = arith.constant 0 : i32
          %parallel_loop3A_239 = tpu.memref_slice %arg7[%parallel_loop3A_237, %parallel_loop3A_238] : memref<128x64xf32, #tpu.memory_space<vmem>> -> memref<1x64xf32, #tpu.memory_space<vmem>>
          %parallel_loop3A_240 = arith.constant 0 : i32
          %parallel_loop3A_241 = tpu.memref_slice %arg2[%parallel_loop3A_233, %parallel_loop3A_240] : memref<1000000x64xf32, #tpu.memory_space<hbm>> -> memref<1x64xf32, #tpu.memory_space<hbm>>
          %parallel_loop3A_242 = arith.constant 0 : i32
          %parallel_loop3A_243 = tpu.memref_slice %arg7[%parallel_loop3A_237, %parallel_loop3A_242] : memref<128x64xf32, #tpu.memory_space<vmem>> -> memref<1x64xf32, #tpu.memory_space<vmem>>
          %parallel_loop3A_244 = arith.constant 0 : i32
          %parallel_loop3A_245 = tpu.memref_slice %arg2[%parallel_loop3A_233, %parallel_loop3A_244] : memref<1000000x64xf32, #tpu.memory_space<hbm>> -> memref<1x64xf32, #tpu.memory_space<hbm>>
          tpu.enqueue_dma source(%parallel_loop3A_245 : memref<1x64xf32, #tpu.memory_space<hbm>>) target(%parallel_loop3A_243 : memref<1x64xf32, #tpu.memory_space<vmem>>) target_semaphore(%arg13 : memref<!tpu.dma_semaphore, #tpu.memory_space<semaphore_mem>>)
          %parallel_loop3A_246 = vector.extract_strided_slice %parallel_loop3A_217 {offsets = [2], sizes = [1], strides = [1]} : vector<16xi32> to vector<1xi32>
          %parallel_loop3A_247 = vector.extract %parallel_loop3A_246[0] : i32 from vector<1xi32>
          %parallel_loop3A_248 = arith.constant 16 : i32
          %parallel_loop3A_249 = arith.muli %parallel_loop3A_212, %parallel_loop3A_248 : i32
          %parallel_loop3A_250 = arith.constant 2 : i32
          %parallel_loop3A_251 = arith.addi %parallel_loop3A_249, %parallel_loop3A_250 : i32
          %parallel_loop3A_252 = arith.constant 0 : i32
          %parallel_loop3A_253 = tpu.memref_slice %arg7[%parallel_loop3A_251, %parallel_loop3A_252] : memref<128x64xf32, #tpu.memory_space<vmem>> -> memref<1x64xf32, #tpu.memory_space<vmem>>
          %parallel_loop3A_254 = arith.constant 0 : i32
          %parallel_loop3A_255 = tpu.memref_slice %arg2[%parallel_loop3A_247, %parallel_loop3A_254] : memref<1000000x64xf32, #tpu.memory_space<hbm>> -> memref<1x64xf32, #tpu.memory_space<hbm>>
          %parallel_loop3A_256 = arith.constant 0 : i32
          %parallel_loop3A_257 = tpu.memref_slice %arg7[%parallel_loop3A_251, %parallel_loop3A_256] : memref<128x64xf32, #tpu.memory_space<vmem>> -> memref<1x64xf32, #tpu.memory_space<vmem>>
          %parallel_loop3A_258 = arith.constant 0 : i32
          %parallel_loop3A_259 = tpu.memref_slice %arg2[%parallel_loop3A_247, %parallel_loop3A_258] : memref<1000000x64xf32, #tpu.memory_space<hbm>> -> memref<1x64xf32, #tpu.memory_space<hbm>>
          tpu.enqueue_dma source(%parallel_loop3A_259 : memref<1x64xf32, #tpu.memory_space<hbm>>) target(%parallel_loop3A_257 : memref<1x64xf32, #tpu.memory_space<vmem>>) target_semaphore(%arg11 : memref<!tpu.dma_semaphore, #tpu.memory_space<semaphore_mem>>)
          %parallel_loop3A_260 = vector.extract_strided_slice %parallel_loop3A_217 {offsets = [3], sizes = [1], strides = [1]} : vector<16xi32> to vector<1xi32>
          %parallel_loop3A_261 = vector.extract %parallel_loop3A_260[0] : i32 from vector<1xi32>
          %parallel_loop3A_262 = arith.constant 16 : i32
          %parallel_loop3A_263 = arith.muli %parallel_loop3A_212, %parallel_loop3A_262 : i32
          %parallel_loop3A_264 = arith.constant 3 : i32
          %parallel_loop3A_265 = arith.addi %parallel_loop3A_263, %parallel_loop3A_264 : i32
          %parallel_loop3A_266 = arith.constant 0 : i32
          %parallel_loop3A_267 = tpu.memref_slice %arg7[%parallel_loop3A_265, %parallel_loop3A_266] : memref<128x64xf32, #tpu.memory_space<vmem>> -> memref<1x64xf32, #tpu.memory_space<vmem>>
          %parallel_loop3A_268 = arith.constant 0 : i32
          %parallel_loop3A_269 = tpu.memref_slice %arg2[%parallel_loop3A_261, %parallel_loop3A_268] : memref<1000000x64xf32, #tpu.memory_space<hbm>> -> memref<1x64xf32, #tpu.memory_space<hbm>>
          %parallel_loop3A_270 = arith.constant 0 : i32
          %parallel_loop3A_271 = tpu.memref_slice %arg7[%parallel_loop3A_265, %parallel_loop3A_270] : memref<128x64xf32, #tpu.memory_space<vmem>> -> memref<1x64xf32, #tpu.memory_space<vmem>>
          %parallel_loop3A_272 = arith.constant 0 : i32
          %parallel_loop3A_273 = tpu.memref_slice %arg2[%parallel_loop3A_261, %parallel_loop3A_272] : memref<1000000x64xf32, #tpu.memory_space<hbm>> -> memref<1x64xf32, #tpu.memory_space<hbm>>
          tpu.enqueue_dma source(%parallel_loop3A_273 : memref<1x64xf32, #tpu.memory_space<hbm>>) target(%parallel_loop3A_271 : memref<1x64xf32, #tpu.memory_space<vmem>>) target_semaphore(%arg13 : memref<!tpu.dma_semaphore, #tpu.memory_space<semaphore_mem>>)
          %parallel_loop3A_274 = vector.extract_strided_slice %parallel_loop3A_217 {offsets = [4], sizes = [1], strides = [1]} : vector<16xi32> to vector<1xi32>
          %parallel_loop3A_275 = vector.extract %parallel_loop3A_274[0] : i32 from vector<1xi32>
          %parallel_loop3A_276 = arith.constant 16 : i32
          %parallel_loop3A_277 = arith.muli %parallel_loop3A_212, %parallel_loop3A_276 : i32
          %parallel_loop3A_278 = arith.constant 4 : i32
          %parallel_loop3A_279 = arith.addi %parallel_loop3A_277, %parallel_loop3A_278 : i32
          %parallel_loop3A_280 = arith.constant 0 : i32
          %parallel_loop3A_281 = tpu.memref_slice %arg7[%parallel_loop3A_279, %parallel_loop3A_280] : memref<128x64xf32, #tpu.memory_space<vmem>> -> memref<1x64xf32, #tpu.memory_space<vmem>>
          %parallel_loop3A_282 = arith.constant 0 : i32
          %parallel_loop3A_283 = tpu.memref_slice %arg2[%parallel_loop3A_275, %parallel_loop3A_282] : memref<1000000x64xf32, #tpu.memory_space<hbm>> -> memref<1x64xf32, #tpu.memory_space<hbm>>
          %parallel_loop3A_284 = arith.constant 0 : i32
          %parallel_loop3A_285 = tpu.memref_slice %arg7[%parallel_loop3A_279, %parallel_loop3A_284] : memref<128x64xf32, #tpu.memory_space<vmem>> -> memref<1x64xf32, #tpu.memory_space<vmem>>
          %parallel_loop3A_286 = arith.constant 0 : i32
          %parallel_loop3A_287 = tpu.memref_slice %arg2[%parallel_loop3A_275, %parallel_loop3A_286] : memref<1000000x64xf32, #tpu.memory_space<hbm>> -> memref<1x64xf32, #tpu.memory_space<hbm>>
          tpu.enqueue_dma source(%parallel_loop3A_287 : memref<1x64xf32, #tpu.memory_space<hbm>>) target(%parallel_loop3A_285 : memref<1x64xf32, #tpu.memory_space<vmem>>) target_semaphore(%arg11 : memref<!tpu.dma_semaphore, #tpu.memory_space<semaphore_mem>>)
          %parallel_loop3A_288 = vector.extract_strided_slice %parallel_loop3A_217 {offsets = [5], sizes = [1], strides = [1]} : vector<16xi32> to vector<1xi32>
          %parallel_loop3A_289 = vector.extract %parallel_loop3A_288[0] : i32 from vector<1xi32>
          %parallel_loop3A_290 = arith.constant 16 : i32
          %parallel_loop3A_291 = arith.muli %parallel_loop3A_212, %parallel_loop3A_290 : i32
          %parallel_loop3A_292 = arith.constant 5 : i32
          %parallel_loop3A_293 = arith.addi %parallel_loop3A_291, %parallel_loop3A_292 : i32
          %parallel_loop3A_294 = arith.constant 0 : i32
          %parallel_loop3A_295 = tpu.memref_slice %arg7[%parallel_loop3A_293, %parallel_loop3A_294] : memref<128x64xf32, #tpu.memory_space<vmem>> -> memref<1x64xf32, #tpu.memory_space<vmem>>
          %parallel_loop3A_296 = arith.constant 0 : i32
          %parallel_loop3A_297 = tpu.memref_slice %arg2[%parallel_loop3A_289, %parallel_loop3A_296] : memref<1000000x64xf32, #tpu.memory_space<hbm>> -> memref<1x64xf32, #tpu.memory_space<hbm>>
          %parallel_loop3A_298 = arith.constant 0 : i32
          %parallel_loop3A_299 = tpu.memref_slice %arg7[%parallel_loop3A_293, %parallel_loop3A_298] : memref<128x64xf32, #tpu.memory_space<vmem>> -> memref<1x64xf32, #tpu.memory_space<vmem>>
          %parallel_loop3A_300 = arith.constant 0 : i32
          %parallel_loop3A_301 = tpu.memref_slice %arg2[%parallel_loop3A_289, %parallel_loop3A_300] : memref<1000000x64xf32, #tpu.memory_space<hbm>> -> memref<1x64xf32, #tpu.memory_space<hbm>>
          tpu.enqueue_dma source(%parallel_loop3A_301 : memref<1x64xf32, #tpu.memory_space<hbm>>) target(%parallel_loop3A_299 : memref<1x64xf32, #tpu.memory_space<vmem>>) target_semaphore(%arg13 : memref<!tpu.dma_semaphore, #tpu.memory_space<semaphore_mem>>)
          %parallel_loop3A_302 = vector.extract_strided_slice %parallel_loop3A_217 {offsets = [6], sizes = [1], strides = [1]} : vector<16xi32> to vector<1xi32>
          %parallel_loop3A_303 = vector.extract %parallel_loop3A_302[0] : i32 from vector<1xi32>
          %parallel_loop3A_304 = arith.constant 16 : i32
          %parallel_loop3A_305 = arith.muli %parallel_loop3A_212, %parallel_loop3A_304 : i32
          %parallel_loop3A_306 = arith.constant 6 : i32
          %parallel_loop3A_307 = arith.addi %parallel_loop3A_305, %parallel_loop3A_306 : i32
          %parallel_loop3A_308 = arith.constant 0 : i32
          %parallel_loop3A_309 = tpu.memref_slice %arg7[%parallel_loop3A_307, %parallel_loop3A_308] : memref<128x64xf32, #tpu.memory_space<vmem>> -> memref<1x64xf32, #tpu.memory_space<vmem>>
          %parallel_loop3A_310 = arith.constant 0 : i32
          %parallel_loop3A_311 = tpu.memref_slice %arg2[%parallel_loop3A_303, %parallel_loop3A_310] : memref<1000000x64xf32, #tpu.memory_space<hbm>> -> memref<1x64xf32, #tpu.memory_space<hbm>>
          %parallel_loop3A_312 = arith.constant 0 : i32
          %parallel_loop3A_313 = tpu.memref_slice %arg7[%parallel_loop3A_307, %parallel_loop3A_312] : memref<128x64xf32, #tpu.memory_space<vmem>> -> memref<1x64xf32, #tpu.memory_space<vmem>>
          %parallel_loop3A_314 = arith.constant 0 : i32
          %parallel_loop3A_315 = tpu.memref_slice %arg2[%parallel_loop3A_303, %parallel_loop3A_314] : memref<1000000x64xf32, #tpu.memory_space<hbm>> -> memref<1x64xf32, #tpu.memory_space<hbm>>
          tpu.enqueue_dma source(%parallel_loop3A_315 : memref<1x64xf32, #tpu.memory_space<hbm>>) target(%parallel_loop3A_313 : memref<1x64xf32, #tpu.memory_space<vmem>>) target_semaphore(%arg11 : memref<!tpu.dma_semaphore, #tpu.memory_space<semaphore_mem>>)
          %parallel_loop3A_316 = vector.extract_strided_slice %parallel_loop3A_217 {offsets = [7], sizes = [1], strides = [1]} : vector<16xi32> to vector<1xi32>
          %parallel_loop3A_317 = vector.extract %parallel_loop3A_316[0] : i32 from vector<1xi32>
          %parallel_loop3A_318 = arith.constant 16 : i32
          %parallel_loop3A_319 = arith.muli %parallel_loop3A_212, %parallel_loop3A_318 : i32
          %parallel_loop3A_320 = arith.constant 7 : i32
          %parallel_loop3A_321 = arith.addi %parallel_loop3A_319, %parallel_loop3A_320 : i32
          %parallel_loop3A_322 = arith.constant 0 : i32
          %parallel_loop3A_323 = tpu.memref_slice %arg7[%parallel_loop3A_321, %parallel_loop3A_322] : memref<128x64xf32, #tpu.memory_space<vmem>> -> memref<1x64xf32, #tpu.memory_space<vmem>>
          %parallel_loop3A_324 = arith.constant 0 : i32
          %parallel_loop3A_325 = tpu.memref_slice %arg2[%parallel_loop3A_317, %parallel_loop3A_324] : memref<1000000x64xf32, #tpu.memory_space<hbm>> -> memref<1x64xf32, #tpu.memory_space<hbm>>
          %parallel_loop3A_326 = arith.constant 0 : i32
          %parallel_loop3A_327 = tpu.memref_slice %arg7[%parallel_loop3A_321, %parallel_loop3A_326] : memref<128x64xf32, #tpu.memory_space<vmem>> -> memref<1x64xf32, #tpu.memory_space<vmem>>
          %parallel_loop3A_328 = arith.constant 0 : i32
          %parallel_loop3A_329 = tpu.memref_slice %arg2[%parallel_loop3A_317, %parallel_loop3A_328] : memref<1000000x64xf32, #tpu.memory_space<hbm>> -> memref<1x64xf32, #tpu.memory_space<hbm>>
          tpu.enqueue_dma source(%parallel_loop3A_329 : memref<1x64xf32, #tpu.memory_space<hbm>>) target(%parallel_loop3A_327 : memref<1x64xf32, #tpu.memory_space<vmem>>) target_semaphore(%arg13 : memref<!tpu.dma_semaphore, #tpu.memory_space<semaphore_mem>>)
          %parallel_loop3A_330 = vector.extract_strided_slice %parallel_loop3A_217 {offsets = [8], sizes = [1], strides = [1]} : vector<16xi32> to vector<1xi32>
          %parallel_loop3A_331 = vector.extract %parallel_loop3A_330[0] : i32 from vector<1xi32>
          %parallel_loop3A_332 = arith.constant 16 : i32
          %parallel_loop3A_333 = arith.muli %parallel_loop3A_212, %parallel_loop3A_332 : i32
          %parallel_loop3A_334 = arith.constant 8 : i32
          %parallel_loop3A_335 = arith.addi %parallel_loop3A_333, %parallel_loop3A_334 : i32
          %parallel_loop3A_336 = arith.constant 0 : i32
          %parallel_loop3A_337 = tpu.memref_slice %arg7[%parallel_loop3A_335, %parallel_loop3A_336] : memref<128x64xf32, #tpu.memory_space<vmem>> -> memref<1x64xf32, #tpu.memory_space<vmem>>
          %parallel_loop3A_338 = arith.constant 0 : i32
          %parallel_loop3A_339 = tpu.memref_slice %arg2[%parallel_loop3A_331, %parallel_loop3A_338] : memref<1000000x64xf32, #tpu.memory_space<hbm>> -> memref<1x64xf32, #tpu.memory_space<hbm>>
          %parallel_loop3A_340 = arith.constant 0 : i32
          %parallel_loop3A_341 = tpu.memref_slice %arg7[%parallel_loop3A_335, %parallel_loop3A_340] : memref<128x64xf32, #tpu.memory_space<vmem>> -> memref<1x64xf32, #tpu.memory_space<vmem>>
          %parallel_loop3A_342 = arith.constant 0 : i32
          %parallel_loop3A_343 = tpu.memref_slice %arg2[%parallel_loop3A_331, %parallel_loop3A_342] : memref<1000000x64xf32, #tpu.memory_space<hbm>> -> memref<1x64xf32, #tpu.memory_space<hbm>>
          tpu.enqueue_dma source(%parallel_loop3A_343 : memref<1x64xf32, #tpu.memory_space<hbm>>) target(%parallel_loop3A_341 : memref<1x64xf32, #tpu.memory_space<vmem>>) target_semaphore(%arg11 : memref<!tpu.dma_semaphore, #tpu.memory_space<semaphore_mem>>)
          %parallel_loop3A_344 = vector.extract_strided_slice %parallel_loop3A_217 {offsets = [9], sizes = [1], strides = [1]} : vector<16xi32> to vector<1xi32>
          %parallel_loop3A_345 = vector.extract %parallel_loop3A_344[0] : i32 from vector<1xi32>
          %parallel_loop3A_346 = arith.constant 16 : i32
          %parallel_loop3A_347 = arith.muli %parallel_loop3A_212, %parallel_loop3A_346 : i32
          %parallel_loop3A_348 = arith.constant 9 : i32
          %parallel_loop3A_349 = arith.addi %parallel_loop3A_347, %parallel_loop3A_348 : i32
          %parallel_loop3A_350 = arith.constant 0 : i32
          %parallel_loop3A_351 = tpu.memref_slice %arg7[%parallel_loop3A_349, %parallel_loop3A_350] : memref<128x64xf32, #tpu.memory_space<vmem>> -> memref<1x64xf32, #tpu.memory_space<vmem>>
          %parallel_loop3A_352 = arith.constant 0 : i32
          %parallel_loop3A_353 = tpu.memref_slice %arg2[%parallel_loop3A_345, %parallel_loop3A_352] : memref<1000000x64xf32, #tpu.memory_space<hbm>> -> memref<1x64xf32, #tpu.memory_space<hbm>>
          %parallel_loop3A_354 = arith.constant 0 : i32
          %parallel_loop3A_355 = tpu.memref_slice %arg7[%parallel_loop3A_349, %parallel_loop3A_354] : memref<128x64xf32, #tpu.memory_space<vmem>> -> memref<1x64xf32, #tpu.memory_space<vmem>>
          %parallel_loop3A_356 = arith.constant 0 : i32
          %parallel_loop3A_357 = tpu.memref_slice %arg2[%parallel_loop3A_345, %parallel_loop3A_356] : memref<1000000x64xf32, #tpu.memory_space<hbm>> -> memref<1x64xf32, #tpu.memory_space<hbm>>
          tpu.enqueue_dma source(%parallel_loop3A_357 : memref<1x64xf32, #tpu.memory_space<hbm>>) target(%parallel_loop3A_355 : memref<1x64xf32, #tpu.memory_space<vmem>>) target_semaphore(%arg13 : memref<!tpu.dma_semaphore, #tpu.memory_space<semaphore_mem>>)
          %parallel_loop3A_358 = vector.extract_strided_slice %parallel_loop3A_217 {offsets = [10], sizes = [1], strides = [1]} : vector<16xi32> to vector<1xi32>
          %parallel_loop3A_359 = vector.extract %parallel_loop3A_358[0] : i32 from vector<1xi32>
          %parallel_loop3A_360 = arith.constant 16 : i32
          %parallel_loop3A_361 = arith.muli %parallel_loop3A_212, %parallel_loop3A_360 : i32
          %parallel_loop3A_362 = arith.constant 10 : i32
          %parallel_loop3A_363 = arith.addi %parallel_loop3A_361, %parallel_loop3A_362 : i32
          %parallel_loop3A_364 = arith.constant 0 : i32
          %parallel_loop3A_365 = tpu.memref_slice %arg7[%parallel_loop3A_363, %parallel_loop3A_364] : memref<128x64xf32, #tpu.memory_space<vmem>> -> memref<1x64xf32, #tpu.memory_space<vmem>>
          %parallel_loop3A_366 = arith.constant 0 : i32
          %parallel_loop3A_367 = tpu.memref_slice %arg2[%parallel_loop3A_359, %parallel_loop3A_366] : memref<1000000x64xf32, #tpu.memory_space<hbm>> -> memref<1x64xf32, #tpu.memory_space<hbm>>
          %parallel_loop3A_368 = arith.constant 0 : i32
          %parallel_loop3A_369 = tpu.memref_slice %arg7[%parallel_loop3A_363, %parallel_loop3A_368] : memref<128x64xf32, #tpu.memory_space<vmem>> -> memref<1x64xf32, #tpu.memory_space<vmem>>
          %parallel_loop3A_370 = arith.constant 0 : i32
          %parallel_loop3A_371 = tpu.memref_slice %arg2[%parallel_loop3A_359, %parallel_loop3A_370] : memref<1000000x64xf32, #tpu.memory_space<hbm>> -> memref<1x64xf32, #tpu.memory_space<hbm>>
          tpu.enqueue_dma source(%parallel_loop3A_371 : memref<1x64xf32, #tpu.memory_space<hbm>>) target(%parallel_loop3A_369 : memref<1x64xf32, #tpu.memory_space<vmem>>) target_semaphore(%arg11 : memref<!tpu.dma_semaphore, #tpu.memory_space<semaphore_mem>>)
          %parallel_loop3A_372 = vector.extract_strided_slice %parallel_loop3A_217 {offsets = [11], sizes = [1], strides = [1]} : vector<16xi32> to vector<1xi32>
          %parallel_loop3A_373 = vector.extract %parallel_loop3A_372[0] : i32 from vector<1xi32>
          %parallel_loop3A_374 = arith.constant 16 : i32
          %parallel_loop3A_375 = arith.muli %parallel_loop3A_212, %parallel_loop3A_374 : i32
          %parallel_loop3A_376 = arith.constant 11 : i32
          %parallel_loop3A_377 = arith.addi %parallel_loop3A_375, %parallel_loop3A_376 : i32
          %parallel_loop3A_378 = arith.constant 0 : i32
          %parallel_loop3A_379 = tpu.memref_slice %arg7[%parallel_loop3A_377, %parallel_loop3A_378] : memref<128x64xf32, #tpu.memory_space<vmem>> -> memref<1x64xf32, #tpu.memory_space<vmem>>
          %parallel_loop3A_380 = arith.constant 0 : i32
          %parallel_loop3A_381 = tpu.memref_slice %arg2[%parallel_loop3A_373, %parallel_loop3A_380] : memref<1000000x64xf32, #tpu.memory_space<hbm>> -> memref<1x64xf32, #tpu.memory_space<hbm>>
          %parallel_loop3A_382 = arith.constant 0 : i32
          %parallel_loop3A_383 = tpu.memref_slice %arg7[%parallel_loop3A_377, %parallel_loop3A_382] : memref<128x64xf32, #tpu.memory_space<vmem>> -> memref<1x64xf32, #tpu.memory_space<vmem>>
          %parallel_loop3A_384 = arith.constant 0 : i32
          %parallel_loop3A_385 = tpu.memref_slice %arg2[%parallel_loop3A_373, %parallel_loop3A_384] : memref<1000000x64xf32, #tpu.memory_space<hbm>> -> memref<1x64xf32, #tpu.memory_space<hbm>>
          tpu.enqueue_dma source(%parallel_loop3A_385 : memref<1x64xf32, #tpu.memory_space<hbm>>) target(%parallel_loop3A_383 : memref<1x64xf32, #tpu.memory_space<vmem>>) target_semaphore(%arg13 : memref<!tpu.dma_semaphore, #tpu.memory_space<semaphore_mem>>)
          %parallel_loop3A_386 = vector.extract_strided_slice %parallel_loop3A_217 {offsets = [12], sizes = [1], strides = [1]} : vector<16xi32> to vector<1xi32>
          %parallel_loop3A_387 = vector.extract %parallel_loop3A_386[0] : i32 from vector<1xi32>
          %parallel_loop3A_388 = arith.constant 16 : i32
          %parallel_loop3A_389 = arith.muli %parallel_loop3A_212, %parallel_loop3A_388 : i32
          %parallel_loop3A_390 = arith.constant 12 : i32
          %parallel_loop3A_391 = arith.addi %parallel_loop3A_389, %parallel_loop3A_390 : i32
          %parallel_loop3A_392 = arith.constant 0 : i32
          %parallel_loop3A_393 = tpu.memref_slice %arg7[%parallel_loop3A_391, %parallel_loop3A_392] : memref<128x64xf32, #tpu.memory_space<vmem>> -> memref<1x64xf32, #tpu.memory_space<vmem>>
          %parallel_loop3A_394 = arith.constant 0 : i32
          %parallel_loop3A_395 = tpu.memref_slice %arg2[%parallel_loop3A_387, %parallel_loop3A_394] : memref<1000000x64xf32, #tpu.memory_space<hbm>> -> memref<1x64xf32, #tpu.memory_space<hbm>>
          %parallel_loop3A_396 = arith.constant 0 : i32
          %parallel_loop3A_397 = tpu.memref_slice %arg7[%parallel_loop3A_391, %parallel_loop3A_396] : memref<128x64xf32, #tpu.memory_space<vmem>> -> memref<1x64xf32, #tpu.memory_space<vmem>>
          %parallel_loop3A_398 = arith.constant 0 : i32
          %parallel_loop3A_399 = tpu.memref_slice %arg2[%parallel_loop3A_387, %parallel_loop3A_398] : memref<1000000x64xf32, #tpu.memory_space<hbm>> -> memref<1x64xf32, #tpu.memory_space<hbm>>
          tpu.enqueue_dma source(%parallel_loop3A_399 : memref<1x64xf32, #tpu.memory_space<hbm>>) target(%parallel_loop3A_397 : memref<1x64xf32, #tpu.memory_space<vmem>>) target_semaphore(%arg11 : memref<!tpu.dma_semaphore, #tpu.memory_space<semaphore_mem>>)
          %parallel_loop3A_400 = vector.extract_strided_slice %parallel_loop3A_217 {offsets = [13], sizes = [1], strides = [1]} : vector<16xi32> to vector<1xi32>
          %parallel_loop3A_401 = vector.extract %parallel_loop3A_400[0] : i32 from vector<1xi32>
          %parallel_loop3A_402 = arith.constant 16 : i32
          %parallel_loop3A_403 = arith.muli %parallel_loop3A_212, %parallel_loop3A_402 : i32
          %parallel_loop3A_404 = arith.constant 13 : i32
          %parallel_loop3A_405 = arith.addi %parallel_loop3A_403, %parallel_loop3A_404 : i32
          %parallel_loop3A_406 = arith.constant 0 : i32
          %parallel_loop3A_407 = tpu.memref_slice %arg7[%parallel_loop3A_405, %parallel_loop3A_406] : memref<128x64xf32, #tpu.memory_space<vmem>> -> memref<1x64xf32, #tpu.memory_space<vmem>>
          %parallel_loop3A_408 = arith.constant 0 : i32
          %parallel_loop3A_409 = tpu.memref_slice %arg2[%parallel_loop3A_401, %parallel_loop3A_408] : memref<1000000x64xf32, #tpu.memory_space<hbm>> -> memref<1x64xf32, #tpu.memory_space<hbm>>
          %parallel_loop3A_410 = arith.constant 0 : i32
          %parallel_loop3A_411 = tpu.memref_slice %arg7[%parallel_loop3A_405, %parallel_loop3A_410] : memref<128x64xf32, #tpu.memory_space<vmem>> -> memref<1x64xf32, #tpu.memory_space<vmem>>
          %parallel_loop3A_412 = arith.constant 0 : i32
          %parallel_loop3A_413 = tpu.memref_slice %arg2[%parallel_loop3A_401, %parallel_loop3A_412] : memref<1000000x64xf32, #tpu.memory_space<hbm>> -> memref<1x64xf32, #tpu.memory_space<hbm>>
          tpu.enqueue_dma source(%parallel_loop3A_413 : memref<1x64xf32, #tpu.memory_space<hbm>>) target(%parallel_loop3A_411 : memref<1x64xf32, #tpu.memory_space<vmem>>) target_semaphore(%arg13 : memref<!tpu.dma_semaphore, #tpu.memory_space<semaphore_mem>>)
          %parallel_loop3A_414 = vector.extract_strided_slice %parallel_loop3A_217 {offsets = [14], sizes = [1], strides = [1]} : vector<16xi32> to vector<1xi32>
          %parallel_loop3A_415 = vector.extract %parallel_loop3A_414[0] : i32 from vector<1xi32>
          %parallel_loop3A_416 = arith.constant 16 : i32
          %parallel_loop3A_417 = arith.muli %parallel_loop3A_212, %parallel_loop3A_416 : i32
          %parallel_loop3A_418 = arith.constant 14 : i32
          %parallel_loop3A_419 = arith.addi %parallel_loop3A_417, %parallel_loop3A_418 : i32
          %parallel_loop3A_420 = arith.constant 0 : i32
          %parallel_loop3A_421 = tpu.memref_slice %arg7[%parallel_loop3A_419, %parallel_loop3A_420] : memref<128x64xf32, #tpu.memory_space<vmem>> -> memref<1x64xf32, #tpu.memory_space<vmem>>
          %parallel_loop3A_422 = arith.constant 0 : i32
          %parallel_loop3A_423 = tpu.memref_slice %arg2[%parallel_loop3A_415, %parallel_loop3A_422] : memref<1000000x64xf32, #tpu.memory_space<hbm>> -> memref<1x64xf32, #tpu.memory_space<hbm>>
          %parallel_loop3A_424 = arith.constant 0 : i32
          %parallel_loop3A_425 = tpu.memref_slice %arg7[%parallel_loop3A_419, %parallel_loop3A_424] : memref<128x64xf32, #tpu.memory_space<vmem>> -> memref<1x64xf32, #tpu.memory_space<vmem>>
          %parallel_loop3A_426 = arith.constant 0 : i32
          %parallel_loop3A_427 = tpu.memref_slice %arg2[%parallel_loop3A_415, %parallel_loop3A_426] : memref<1000000x64xf32, #tpu.memory_space<hbm>> -> memref<1x64xf32, #tpu.memory_space<hbm>>
          tpu.enqueue_dma source(%parallel_loop3A_427 : memref<1x64xf32, #tpu.memory_space<hbm>>) target(%parallel_loop3A_425 : memref<1x64xf32, #tpu.memory_space<vmem>>) target_semaphore(%arg11 : memref<!tpu.dma_semaphore, #tpu.memory_space<semaphore_mem>>)
          %parallel_loop3A_428 = vector.extract_strided_slice %parallel_loop3A_217 {offsets = [15], sizes = [1], strides = [1]} : vector<16xi32> to vector<1xi32>
          %parallel_loop3A_429 = vector.extract %parallel_loop3A_428[0] : i32 from vector<1xi32>
          %parallel_loop3A_430 = arith.constant 16 : i32
          %parallel_loop3A_431 = arith.muli %parallel_loop3A_212, %parallel_loop3A_430 : i32
          %parallel_loop3A_432 = arith.constant 15 : i32
          %parallel_loop3A_433 = arith.addi %parallel_loop3A_431, %parallel_loop3A_432 : i32
          %parallel_loop3A_434 = arith.constant 0 : i32
          %parallel_loop3A_435 = tpu.memref_slice %arg7[%parallel_loop3A_433, %parallel_loop3A_434] : memref<128x64xf32, #tpu.memory_space<vmem>> -> memref<1x64xf32, #tpu.memory_space<vmem>>
          %parallel_loop3A_436 = arith.constant 0 : i32
          %parallel_loop3A_437 = tpu.memref_slice %arg2[%parallel_loop3A_429, %parallel_loop3A_436] : memref<1000000x64xf32, #tpu.memory_space<hbm>> -> memref<1x64xf32, #tpu.memory_space<hbm>>
          %parallel_loop3A_438 = arith.constant 0 : i32
          %parallel_loop3A_439 = tpu.memref_slice %arg7[%parallel_loop3A_433, %parallel_loop3A_438] : memref<128x64xf32, #tpu.memory_space<vmem>> -> memref<1x64xf32, #tpu.memory_space<vmem>>
          %parallel_loop3A_440 = arith.constant 0 : i32
          %parallel_loop3A_441 = tpu.memref_slice %arg2[%parallel_loop3A_429, %parallel_loop3A_440] : memref<1000000x64xf32, #tpu.memory_space<hbm>> -> memref<1x64xf32, #tpu.memory_space<hbm>>
          tpu.enqueue_dma source(%parallel_loop3A_441 : memref<1x64xf32, #tpu.memory_space<hbm>>) target(%parallel_loop3A_439 : memref<1x64xf32, #tpu.memory_space<vmem>>) target_semaphore(%arg13 : memref<!tpu.dma_semaphore, #tpu.memory_space<semaphore_mem>>)
        } {sc.loop_unroll_factor = 4 : i64, sc.parallel_access}
      } else {
      }
      %dma_wait3A_61 = arith.constant 0 : i32
      %dma_wait3A_62 = arith.constant 0 : i32
      %dma_wait3A_63 = tpu.memref_slice %arg6[%dma_wait3A_61, %dma_wait3A_62] : memref<128x64xf32, #tpu.memory_space<vmem>> -> memref<64x64xf32, #tpu.memory_space<vmem>>
      %dma_wait3A_64 = arith.constant 0 : i32
      %dma_wait3A_65 = arith.constant 0 : i32
      %dma_wait3A_66 = tpu.memref_slice %arg2[%dma_wait3A_64, %dma_wait3A_65] : memref<1000000x64xf32, #tpu.memory_space<hbm>> -> memref<64x64xf32, #tpu.memory_space<hbm>>
      %dma_wait3A_67 = arith.constant 0 : i32
      %dma_wait3A_68 = arith.constant 0 : i32
      %dma_wait3A_69 = tpu.memref_slice %arg6[%dma_wait3A_67, %dma_wait3A_68] : memref<128x64xf32, #tpu.memory_space<vmem>> -> memref<64x64xf32, #tpu.memory_space<vmem>>
      %dma_wait3A_70 = arith.constant 0 : i32
      %dma_wait3A_71 = arith.constant 0 : i32
      %dma_wait3A_72 = tpu.memref_slice %arg2[%dma_wait3A_70, %dma_wait3A_71] : memref<1000000x64xf32, #tpu.memory_space<hbm>> -> memref<64x64xf32, #tpu.memory_space<hbm>>
      tpu.wait_dma2 semaphore(%arg10 : memref<!tpu.dma_semaphore, #tpu.memory_space<semaphore_mem>>) src(%dma_wait3A_72 : memref<64x64xf32, #tpu.memory_space<hbm>>) dst(%dma_wait3A_69 : memref<64x64xf32, #tpu.memory_space<vmem>>)
      %dma_wait3A_73 = arith.constant 0 : i32
      %dma_wait3A_74 = arith.constant 0 : i32
      %dma_wait3A_75 = tpu.memref_slice %arg6[%dma_wait3A_73, %dma_wait3A_74] : memref<128x64xf32, #tpu.memory_space<vmem>> -> memref<64x64xf32, #tpu.memory_space<vmem>>
      %dma_wait3A_76 = arith.constant 0 : i32
      %dma_wait3A_77 = arith.constant 0 : i32
      %dma_wait3A_78 = tpu.memref_slice %arg2[%dma_wait3A_76, %dma_wait3A_77] : memref<1000000x64xf32, #tpu.memory_space<hbm>> -> memref<64x64xf32, #tpu.memory_space<hbm>>
      %dma_wait3A_79 = arith.constant 0 : i32
      %dma_wait3A_80 = arith.constant 0 : i32
      %dma_wait3A_81 = tpu.memref_slice %arg6[%dma_wait3A_79, %dma_wait3A_80] : memref<128x64xf32, #tpu.memory_space<vmem>> -> memref<64x64xf32, #tpu.memory_space<vmem>>
      %dma_wait3A_82 = arith.constant 0 : i32
      %dma_wait3A_83 = arith.constant 0 : i32
      %dma_wait3A_84 = tpu.memref_slice %arg2[%dma_wait3A_82, %dma_wait3A_83] : memref<1000000x64xf32, #tpu.memory_space<hbm>> -> memref<64x64xf32, #tpu.memory_space<hbm>>
      tpu.wait_dma2 semaphore(%arg12 : memref<!tpu.dma_semaphore, #tpu.memory_space<semaphore_mem>>) src(%dma_wait3A_84 : memref<64x64xf32, #tpu.memory_space<hbm>>) dst(%dma_wait3A_81 : memref<64x64xf32, #tpu.memory_space<vmem>>)
      %iota3A = tpu.iota {dimensions = array<i32: 0>} : vector<16xi32>
      %add3A_85 = arith.constant 0 : i32
      %add3A_86 = vector.broadcast %add3A_85 : i32 to vector<16xi32>
      %add3A_87 = arith.addi %iota3A, %add3A_86 : vector<16xi32>
      %iota3A_88 = tpu.iota {dimensions = array<i32: 0>} : vector<16xi32>
      %add3A_89 = arith.constant 16 : i32
      %add3A_90 = vector.broadcast %add3A_89 : i32 to vector<16xi32>
      %add3A_91 = arith.addi %iota3A_88, %add3A_90 : vector<16xi32>
      %iota3A_92 = tpu.iota {dimensions = array<i32: 0>} : vector<16xi32>
      %add3A_93 = arith.constant 32 : i32
      %add3A_94 = vector.broadcast %add3A_93 : i32 to vector<16xi32>
      %add3A_95 = arith.addi %iota3A_92, %add3A_94 : vector<16xi32>
      %iota3A_96 = tpu.iota {dimensions = array<i32: 0>} : vector<16xi32>
      %add3A_97 = arith.constant 48 : i32
      %add3A_98 = vector.broadcast %add3A_97 : i32 to vector<16xi32>
      %add3A_99 = arith.addi %iota3A_96, %add3A_98 : vector<16xi32>
      %iota3A_100 = tpu.iota {dimensions = array<i32: 0>} : vector<16xi32>
      %add3A_101 = arith.constant 64 : i32
      %add3A_102 = vector.broadcast %add3A_101 : i32 to vector<16xi32>
      %add3A_103 = arith.addi %iota3A_100, %add3A_102 : vector<16xi32>
      %iota3A_104 = tpu.iota {dimensions = array<i32: 0>} : vector<16xi32>
      %add3A_105 = arith.constant 80 : i32
      %add3A_106 = vector.broadcast %add3A_105 : i32 to vector<16xi32>
      %add3A_107 = arith.addi %iota3A_104, %add3A_106 : vector<16xi32>
      %iota3A_108 = tpu.iota {dimensions = array<i32: 0>} : vector<16xi32>
      %add3A_109 = arith.constant 96 : i32
      %add3A_110 = vector.broadcast %add3A_109 : i32 to vector<16xi32>
      %add3A_111 = arith.addi %iota3A_108, %add3A_110 : vector<16xi32>
      %iota3A_112 = tpu.iota {dimensions = array<i32: 0>} : vector<16xi32>
      %add3A_113 = arith.constant 112 : i32
      %add3A_114 = vector.broadcast %add3A_113 : i32 to vector<16xi32>
      %add3A_115 = arith.addi %iota3A_112, %add3A_114 : vector<16xi32>
      %parallel_loop3A_116 = arith.constant 0 : i32
      %parallel_loop3A_117 = arith.constant 64 : i32
      %parallel_loop3A_118 = arith.constant 1 : i32
      scf.for %parallel_loop3A_209 = %parallel_loop3A_116 to %parallel_loop3A_117 step %parallel_loop3A_118  : i32 {
        %parallel_loop3A_210 = vector.broadcast %parallel_loop3A_209 : i32 to vector<16xi32>
        %parallel_loop3A_211 = tpu.vector_load_idx %arg6[%add3A_87, %parallel_loop3A_210] : memref<128x64xf32, #tpu.memory_space<vmem>>[vector<16xi32>, vector<16xi32>], vector<16xf32>,
        %parallel_loop3A_212 = arith.constant 8.000000e+00 : f32
        %parallel_loop3A_213 = vector.broadcast %parallel_loop3A_212 : f32 to vector<16xf32>
        %parallel_loop3A_214 = arith.mulf %parallel_loop3A_211, %parallel_loop3A_213 : vector<16xf32>
        %parallel_loop3A_215 = arith.index_cast %parallel_loop3A_209 : i32 to index
        %parallel_loop3A_216 = arith.constant 0 : index
        %parallel_loop3A_217 = tpu.vector_load %arg8[%parallel_loop3A_215, %parallel_loop3A_216] {strides = array<i32>} : memref<64x128xf32, #tpu.memory_space<vmem>>, vector<16xf32>,
        tpu.vector_store %arg8[%parallel_loop3A_215, %parallel_loop3A_216], %parallel_loop3A_214 {strides = array<i32>} : memref<64x128xf32, #tpu.memory_space<vmem>>, vector<16xf32>,
        %parallel_loop3A_218 = tpu.vector_load_idx %arg6[%add3A_91, %parallel_loop3A_210] : memref<128x64xf32, #tpu.memory_space<vmem>>[vector<16xi32>, vector<16xi32>], vector<16xf32>,
        %parallel_loop3A_219 = arith.constant 8.000000e+00 : f32
        %parallel_loop3A_220 = vector.broadcast %parallel_loop3A_219 : f32 to vector<16xf32>
        %parallel_loop3A_221 = arith.mulf %parallel_loop3A_218, %parallel_loop3A_220 : vector<16xf32>
        %parallel_loop3A_222 = arith.index_cast %parallel_loop3A_209 : i32 to index
        %parallel_loop3A_223 = arith.constant 16 : index
        %parallel_loop3A_224 = tpu.vector_load %arg8[%parallel_loop3A_222, %parallel_loop3A_223] {strides = array<i32>} : memref<64x128xf32, #tpu.memory_space<vmem>>, vector<16xf32>,
        tpu.vector_store %arg8[%parallel_loop3A_222, %parallel_loop3A_223], %parallel_loop3A_221 {strides = array<i32>} : memref<64x128xf32, #tpu.memory_space<vmem>>, vector<16xf32>,
        %parallel_loop3A_225 = tpu.vector_load_idx %arg6[%add3A_95, %parallel_loop3A_210] : memref<128x64xf32, #tpu.memory_space<vmem>>[vector<16xi32>, vector<16xi32>], vector<16xf32>,
        %parallel_loop3A_226 = arith.constant 8.000000e+00 : f32
        %parallel_loop3A_227 = vector.broadcast %parallel_loop3A_226 : f32 to vector<16xf32>
        %parallel_loop3A_228 = arith.mulf %parallel_loop3A_225, %parallel_loop3A_227 : vector<16xf32>
        %parallel_loop3A_229 = arith.index_cast %parallel_loop3A_209 : i32 to index
        %parallel_loop3A_230 = arith.constant 32 : index
        %parallel_loop3A_231 = tpu.vector_load %arg8[%parallel_loop3A_229, %parallel_loop3A_230] {strides = array<i32>} : memref<64x128xf32, #tpu.memory_space<vmem>>, vector<16xf32>,
        tpu.vector_store %arg8[%parallel_loop3A_229, %parallel_loop3A_230], %parallel_loop3A_228 {strides = array<i32>} : memref<64x128xf32, #tpu.memory_space<vmem>>, vector<16xf32>,
        %parallel_loop3A_232 = tpu.vector_load_idx %arg6[%add3A_99, %parallel_loop3A_210] : memref<128x64xf32, #tpu.memory_space<vmem>>[vector<16xi32>, vector<16xi32>], vector<16xf32>,
        %parallel_loop3A_233 = arith.constant 8.000000e+00 : f32
        %parallel_loop3A_234 = vector.broadcast %parallel_loop3A_233 : f32 to vector<16xf32>
        %parallel_loop3A_235 = arith.mulf %parallel_loop3A_232, %parallel_loop3A_234 : vector<16xf32>
        %parallel_loop3A_236 = arith.index_cast %parallel_loop3A_209 : i32 to index
        %parallel_loop3A_237 = arith.constant 48 : index
        %parallel_loop3A_238 = tpu.vector_load %arg8[%parallel_loop3A_236, %parallel_loop3A_237] {strides = array<i32>} : memref<64x128xf32, #tpu.memory_space<vmem>>, vector<16xf32>,
        tpu.vector_store %arg8[%parallel_loop3A_236, %parallel_loop3A_237], %parallel_loop3A_235 {strides = array<i32>} : memref<64x128xf32, #tpu.memory_space<vmem>>, vector<16xf32>,
        %parallel_loop3A_239 = tpu.vector_load_idx %arg6[%add3A_103, %parallel_loop3A_210] : memref<128x64xf32, #tpu.memory_space<vmem>>[vector<16xi32>, vector<16xi32>], vector<16xf32>,
        %parallel_loop3A_240 = arith.constant 8.000000e+00 : f32
        %parallel_loop3A_241 = vector.broadcast %parallel_loop3A_240 : f32 to vector<16xf32>
        %parallel_loop3A_242 = arith.mulf %parallel_loop3A_239, %parallel_loop3A_241 : vector<16xf32>
        %parallel_loop3A_243 = arith.index_cast %parallel_loop3A_209 : i32 to index
        %parallel_loop3A_244 = arith.constant 64 : index
        %parallel_loop3A_245 = tpu.vector_load %arg8[%parallel_loop3A_243, %parallel_loop3A_244] {strides = array<i32>} : memref<64x128xf32, #tpu.memory_space<vmem>>, vector<16xf32>,
        tpu.vector_store %arg8[%parallel_loop3A_243, %parallel_loop3A_244], %parallel_loop3A_242 {strides = array<i32>} : memref<64x128xf32, #tpu.memory_space<vmem>>, vector<16xf32>,
        %parallel_loop3A_246 = tpu.vector_load_idx %arg6[%add3A_107, %parallel_loop3A_210] : memref<128x64xf32, #tpu.memory_space<vmem>>[vector<16xi32>, vector<16xi32>], vector<16xf32>,
        %parallel_loop3A_247 = arith.constant 8.000000e+00 : f32
        %parallel_loop3A_248 = vector.broadcast %parallel_loop3A_247 : f32 to vector<16xf32>
        %parallel_loop3A_249 = arith.mulf %parallel_loop3A_246, %parallel_loop3A_248 : vector<16xf32>
        %parallel_loop3A_250 = arith.index_cast %parallel_loop3A_209 : i32 to index
        %parallel_loop3A_251 = arith.constant 80 : index
        %parallel_loop3A_252 = tpu.vector_load %arg8[%parallel_loop3A_250, %parallel_loop3A_251] {strides = array<i32>} : memref<64x128xf32, #tpu.memory_space<vmem>>, vector<16xf32>,
        tpu.vector_store %arg8[%parallel_loop3A_250, %parallel_loop3A_251], %parallel_loop3A_249 {strides = array<i32>} : memref<64x128xf32, #tpu.memory_space<vmem>>, vector<16xf32>,
        %parallel_loop3A_253 = tpu.vector_load_idx %arg6[%add3A_111, %parallel_loop3A_210] : memref<128x64xf32, #tpu.memory_space<vmem>>[vector<16xi32>, vector<16xi32>], vector<16xf32>,
        %parallel_loop3A_254 = arith.constant 8.000000e+00 : f32
        %parallel_loop3A_255 = vector.broadcast %parallel_loop3A_254 : f32 to vector<16xf32>
        %parallel_loop3A_256 = arith.mulf %parallel_loop3A_253, %parallel_loop3A_255 : vector<16xf32>
        %parallel_loop3A_257 = arith.index_cast %parallel_loop3A_209 : i32 to index
        %parallel_loop3A_258 = arith.constant 96 : index
        %parallel_loop3A_259 = tpu.vector_load %arg8[%parallel_loop3A_257, %parallel_loop3A_258] {strides = array<i32>} : memref<64x128xf32, #tpu.memory_space<vmem>>, vector<16xf32>,
        tpu.vector_store %arg8[%parallel_loop3A_257, %parallel_loop3A_258], %parallel_loop3A_256 {strides = array<i32>} : memref<64x128xf32, #tpu.memory_space<vmem>>, vector<16xf32>,
        %parallel_loop3A_260 = tpu.vector_load_idx %arg6[%add3A_115, %parallel_loop3A_210] : memref<128x64xf32, #tpu.memory_space<vmem>>[vector<16xi32>, vector<16xi32>], vector<16xf32>,
        %parallel_loop3A_261 = arith.constant 8.000000e+00 : f32
        %parallel_loop3A_262 = vector.broadcast %parallel_loop3A_261 : f32 to vector<16xf32>
        %parallel_loop3A_263 = arith.mulf %parallel_loop3A_260, %parallel_loop3A_262 : vector<16xf32>
        %parallel_loop3A_264 = arith.index_cast %parallel_loop3A_209 : i32 to index
        %parallel_loop3A_265 = arith.constant 112 : index
        %parallel_loop3A_266 = tpu.vector_load %arg8[%parallel_loop3A_264, %parallel_loop3A_265] {strides = array<i32>} : memref<64x128xf32, #tpu.memory_space<vmem>>, vector<16xf32>,
        tpu.vector_store %arg8[%parallel_loop3A_264, %parallel_loop3A_265], %parallel_loop3A_263 {strides = array<i32>} : memref<64x128xf32, #tpu.memory_space<vmem>>, vector<16xf32>,
      } {sc.loop_unroll_factor = 8 : i64, sc.parallel_access}
      %sub3A_119 = arith.constant 1 : i32
      %sub3A_120 = arith.subi %add3A_53, %sub3A_119 : i32
      %add3A_121 = arith.addi %mul3A_34, %sub3A_120 : i32
      %dma_start3A = arith.constant 0 : i32
      %dma_start3A_122 = tpu.memref_slice %arg4[%add3A_121, %dma_start3A, %mul3A_32] : memref<200x64x1024xf32, #tpu.memory_space<hbm>> -> memref<1x64x128xf32, #tpu.memory_space<hbm>>
      %dma_start3A_123 = tpu.memref_squeeze %dma_start3A_122 : memref<1x64x128xf32, #tpu.memory_space<hbm>> -> memref<64x128xf32, #tpu.memory_space<hbm>>
      %dma_start3A_124 = arith.constant 0 : i32
      %dma_start3A_125 = tpu.memref_slice %arg4[%add3A_121, %dma_start3A_124, %mul3A_32] : memref<200x64x1024xf32, #tpu.memory_space<hbm>> -> memref<1x64x128xf32, #tpu.memory_space<hbm>>
      %dma_start3A_126 = tpu.memref_squeeze %dma_start3A_125 : memref<1x64x128xf32, #tpu.memory_space<hbm>> -> memref<64x128xf32, #tpu.memory_space<hbm>>
      tpu.enqueue_dma source(%arg8 : memref<64x128xf32, #tpu.memory_space<vmem>>) target(%dma_start3A_126 : memref<64x128xf32, #tpu.memory_space<hbm>>) target_semaphore(%arg14 : memref<!tpu.dma_semaphore, #tpu.memory_space<semaphore_mem>>)
      %mul3A_127 = arith.constant 2 : i32
      %mul3A_128 = arith.muli %mul3A_127, %scan3A_49 : i32
      %add3A_129 = arith.constant 2 : i32
      %add3A_130 = arith.addi %mul3A_128, %add3A_129 : i32
      %ge3A_131 = arith.constant 2 : i32
      %ge3A_132 = arith.cmpi sge, %add3A_130, %ge3A_131 : i32
      %convert_element_type3A_133 = arith.extui %ge3A_132 : i1 to i32
      %cond3A_134 = arith.constant 0 : i32
      %cond3A_135 = arith.cmpi ne, %convert_element_type3A_133, %cond3A_134 : i32
      scf.if %cond3A_135 {
        %sub3A_209 = arith.constant 2 : i32
        %sub3A_210 = arith.subi %add3A_130, %sub3A_209 : i32
        %add3A_211 = arith.addi %mul3A_34, %sub3A_210 : i32
        %dma_wait3A_212 = arith.constant 0 : i32
        %dma_wait3A_213 = tpu.memref_slice %arg4[%add3A_211, %dma_wait3A_212, %mul3A_32] : memref<200x64x1024xf32, #tpu.memory_space<hbm>> -> memref<1x64x128xf32, #tpu.memory_space<hbm>>
        %dma_wait3A_214 = tpu.memref_squeeze %dma_wait3A_213 : memref<1x64x128xf32, #tpu.memory_space<hbm>> -> memref<64x128xf32, #tpu.memory_space<hbm>>
        %dma_wait3A_215 = arith.constant 0 : i32
        %dma_wait3A_216 = tpu.memref_slice %arg4[%add3A_211, %dma_wait3A_215, %mul3A_32] : memref<200x64x1024xf32, #tpu.memory_space<hbm>> -> memref<1x64x128xf32, #tpu.memory_space<hbm>>
        %dma_wait3A_217 = tpu.memref_squeeze %dma_wait3A_216 : memref<1x64x128xf32, #tpu.memory_space<hbm>> -> memref<64x128xf32, #tpu.memory_space<hbm>>
        tpu.wait_dma2 semaphore(%arg14 : memref<!tpu.dma_semaphore, #tpu.memory_space<semaphore_mem>>) src(%arg8 : memref<64x128xf32, #tpu.memory_space<vmem>>) dst(%dma_wait3A_217 : memref<64x128xf32, #tpu.memory_space<hbm>>)
      } else {
      }
      %lt3A_136 = arith.constant 50 : i32
      %lt3A_137 = arith.cmpi slt, %add3A_130, %lt3A_136 : i32
      %convert_element_type3A_138 = arith.extui %lt3A_137 : i1 to i32
      %cond3A_139 = arith.constant 0 : i32
      %cond3A_140 = arith.cmpi ne, %convert_element_type3A_138, %cond3A_139 : i32
      scf.if %cond3A_140 {
        %parallel_loop3A_209 = arith.constant 0 : i32
        %parallel_loop3A_210 = arith.constant 8 : i32
        %parallel_loop3A_211 = arith.constant 1 : i32
        scf.for %parallel_loop3A_212 = %parallel_loop3A_209 to %parallel_loop3A_210 step %parallel_loop3A_211  : i32 {
          %parallel_loop3A_213 = arith.constant 16 : i32
          %parallel_loop3A_214 = arith.muli %parallel_loop3A_212, %parallel_loop3A_213 : i32
          %parallel_loop3A_215 = arith.index_cast %add3A_130 : i32 to index
          %parallel_loop3A_216 = arith.index_cast %parallel_loop3A_214 : i32 to index
          %parallel_loop3A_217 = tpu.vector_load %arg5[%parallel_loop3A_215, %parallel_loop3A_216] {strides = array<i32>} : memref<50x128xi32, #tpu.memory_space<vmem>>, vector<16xi32>,
          %parallel_loop3A_218 = vector.extract_strided_slice %parallel_loop3A_217 {offsets = [0], sizes = [1], strides = [1]} : vector<16xi32> to vector<1xi32>
          %parallel_loop3A_219 = vector.extract %parallel_loop3A_218[0] : i32 from vector<1xi32>
          %parallel_loop3A_220 = arith.constant 16 : i32
          %parallel_loop3A_221 = arith.muli %parallel_loop3A_212, %parallel_loop3A_220 : i32
          %parallel_loop3A_222 = arith.constant 0 : i32
          %parallel_loop3A_223 = arith.addi %parallel_loop3A_221, %parallel_loop3A_222 : i32
          %parallel_loop3A_224 = arith.constant 0 : i32
          %parallel_loop3A_225 = tpu.memref_slice %arg6[%parallel_loop3A_223, %parallel_loop3A_224] : memref<128x64xf32, #tpu.memory_space<vmem>> -> memref<1x64xf32, #tpu.memory_space<vmem>>
          %parallel_loop3A_226 = arith.constant 0 : i32
          %parallel_loop3A_227 = tpu.memref_slice %arg2[%parallel_loop3A_219, %parallel_loop3A_226] : memref<1000000x64xf32, #tpu.memory_space<hbm>> -> memref<1x64xf32, #tpu.memory_space<hbm>>
          %parallel_loop3A_228 = arith.constant 0 : i32
          %parallel_loop3A_229 = tpu.memref_slice %arg6[%parallel_loop3A_223, %parallel_loop3A_228] : memref<128x64xf32, #tpu.memory_space<vmem>> -> memref<1x64xf32, #tpu.memory_space<vmem>>
          %parallel_loop3A_230 = arith.constant 0 : i32
          %parallel_loop3A_231 = tpu.memref_slice %arg2[%parallel_loop3A_219, %parallel_loop3A_230] : memref<1000000x64xf32, #tpu.memory_space<hbm>> -> memref<1x64xf32, #tpu.memory_space<hbm>>
          tpu.enqueue_dma source(%parallel_loop3A_231 : memref<1x64xf32, #tpu.memory_space<hbm>>) target(%parallel_loop3A_229 : memref<1x64xf32, #tpu.memory_space<vmem>>) target_semaphore(%arg10 : memref<!tpu.dma_semaphore, #tpu.memory_space<semaphore_mem>>)
          %parallel_loop3A_232 = vector.extract_strided_slice %parallel_loop3A_217 {offsets = [1], sizes = [1], strides = [1]} : vector<16xi32> to vector<1xi32>
          %parallel_loop3A_233 = vector.extract %parallel_loop3A_232[0] : i32 from vector<1xi32>
          %parallel_loop3A_234 = arith.constant 16 : i32
          %parallel_loop3A_235 = arith.muli %parallel_loop3A_212, %parallel_loop3A_234 : i32
          %parallel_loop3A_236 = arith.constant 1 : i32
          %parallel_loop3A_237 = arith.addi %parallel_loop3A_235, %parallel_loop3A_236 : i32
          %parallel_loop3A_238 = arith.constant 0 : i32
          %parallel_loop3A_239 = tpu.memref_slice %arg6[%parallel_loop3A_237, %parallel_loop3A_238] : memref<128x64xf32, #tpu.memory_space<vmem>> -> memref<1x64xf32, #tpu.memory_space<vmem>>
          %parallel_loop3A_240 = arith.constant 0 : i32
          %parallel_loop3A_241 = tpu.memref_slice %arg2[%parallel_loop3A_233, %parallel_loop3A_240] : memref<1000000x64xf32, #tpu.memory_space<hbm>> -> memref<1x64xf32, #tpu.memory_space<hbm>>
          %parallel_loop3A_242 = arith.constant 0 : i32
          %parallel_loop3A_243 = tpu.memref_slice %arg6[%parallel_loop3A_237, %parallel_loop3A_242] : memref<128x64xf32, #tpu.memory_space<vmem>> -> memref<1x64xf32, #tpu.memory_space<vmem>>
          %parallel_loop3A_244 = arith.constant 0 : i32
          %parallel_loop3A_245 = tpu.memref_slice %arg2[%parallel_loop3A_233, %parallel_loop3A_244] : memref<1000000x64xf32, #tpu.memory_space<hbm>> -> memref<1x64xf32, #tpu.memory_space<hbm>>
          tpu.enqueue_dma source(%parallel_loop3A_245 : memref<1x64xf32, #tpu.memory_space<hbm>>) target(%parallel_loop3A_243 : memref<1x64xf32, #tpu.memory_space<vmem>>) target_semaphore(%arg12 : memref<!tpu.dma_semaphore, #tpu.memory_space<semaphore_mem>>)
          %parallel_loop3A_246 = vector.extract_strided_slice %parallel_loop3A_217 {offsets = [2], sizes = [1], strides = [1]} : vector<16xi32> to vector<1xi32>
          %parallel_loop3A_247 = vector.extract %parallel_loop3A_246[0] : i32 from vector<1xi32>
          %parallel_loop3A_248 = arith.constant 16 : i32
          %parallel_loop3A_249 = arith.muli %parallel_loop3A_212, %parallel_loop3A_248 : i32
          %parallel_loop3A_250 = arith.constant 2 : i32
          %parallel_loop3A_251 = arith.addi %parallel_loop3A_249, %parallel_loop3A_250 : i32
          %parallel_loop3A_252 = arith.constant 0 : i32
          %parallel_loop3A_253 = tpu.memref_slice %arg6[%parallel_loop3A_251, %parallel_loop3A_252] : memref<128x64xf32, #tpu.memory_space<vmem>> -> memref<1x64xf32, #tpu.memory_space<vmem>>
          %parallel_loop3A_254 = arith.constant 0 : i32
          %parallel_loop3A_255 = tpu.memref_slice %arg2[%parallel_loop3A_247, %parallel_loop3A_254] : memref<1000000x64xf32, #tpu.memory_space<hbm>> -> memref<1x64xf32, #tpu.memory_space<hbm>>
          %parallel_loop3A_256 = arith.constant 0 : i32
          %parallel_loop3A_257 = tpu.memref_slice %arg6[%parallel_loop3A_251, %parallel_loop3A_256] : memref<128x64xf32, #tpu.memory_space<vmem>> -> memref<1x64xf32, #tpu.memory_space<vmem>>
          %parallel_loop3A_258 = arith.constant 0 : i32
          %parallel_loop3A_259 = tpu.memref_slice %arg2[%parallel_loop3A_247, %parallel_loop3A_258] : memref<1000000x64xf32, #tpu.memory_space<hbm>> -> memref<1x64xf32, #tpu.memory_space<hbm>>
          tpu.enqueue_dma source(%parallel_loop3A_259 : memref<1x64xf32, #tpu.memory_space<hbm>>) target(%parallel_loop3A_257 : memref<1x64xf32, #tpu.memory_space<vmem>>) target_semaphore(%arg10 : memref<!tpu.dma_semaphore, #tpu.memory_space<semaphore_mem>>)
          %parallel_loop3A_260 = vector.extract_strided_slice %parallel_loop3A_217 {offsets = [3], sizes = [1], strides = [1]} : vector<16xi32> to vector<1xi32>
          %parallel_loop3A_261 = vector.extract %parallel_loop3A_260[0] : i32 from vector<1xi32>
          %parallel_loop3A_262 = arith.constant 16 : i32
          %parallel_loop3A_263 = arith.muli %parallel_loop3A_212, %parallel_loop3A_262 : i32
          %parallel_loop3A_264 = arith.constant 3 : i32
          %parallel_loop3A_265 = arith.addi %parallel_loop3A_263, %parallel_loop3A_264 : i32
          %parallel_loop3A_266 = arith.constant 0 : i32
          %parallel_loop3A_267 = tpu.memref_slice %arg6[%parallel_loop3A_265, %parallel_loop3A_266] : memref<128x64xf32, #tpu.memory_space<vmem>> -> memref<1x64xf32, #tpu.memory_space<vmem>>
          %parallel_loop3A_268 = arith.constant 0 : i32
          %parallel_loop3A_269 = tpu.memref_slice %arg2[%parallel_loop3A_261, %parallel_loop3A_268] : memref<1000000x64xf32, #tpu.memory_space<hbm>> -> memref<1x64xf32, #tpu.memory_space<hbm>>
          %parallel_loop3A_270 = arith.constant 0 : i32
          %parallel_loop3A_271 = tpu.memref_slice %arg6[%parallel_loop3A_265, %parallel_loop3A_270] : memref<128x64xf32, #tpu.memory_space<vmem>> -> memref<1x64xf32, #tpu.memory_space<vmem>>
          %parallel_loop3A_272 = arith.constant 0 : i32
          %parallel_loop3A_273 = tpu.memref_slice %arg2[%parallel_loop3A_261, %parallel_loop3A_272] : memref<1000000x64xf32, #tpu.memory_space<hbm>> -> memref<1x64xf32, #tpu.memory_space<hbm>>
          tpu.enqueue_dma source(%parallel_loop3A_273 : memref<1x64xf32, #tpu.memory_space<hbm>>) target(%parallel_loop3A_271 : memref<1x64xf32, #tpu.memory_space<vmem>>) target_semaphore(%arg12 : memref<!tpu.dma_semaphore, #tpu.memory_space<semaphore_mem>>)
          %parallel_loop3A_274 = vector.extract_strided_slice %parallel_loop3A_217 {offsets = [4], sizes = [1], strides = [1]} : vector<16xi32> to vector<1xi32>
          %parallel_loop3A_275 = vector.extract %parallel_loop3A_274[0] : i32 from vector<1xi32>
          %parallel_loop3A_276 = arith.constant 16 : i32
          %parallel_loop3A_277 = arith.muli %parallel_loop3A_212, %parallel_loop3A_276 : i32
          %parallel_loop3A_278 = arith.constant 4 : i32
          %parallel_loop3A_279 = arith.addi %parallel_loop3A_277, %parallel_loop3A_278 : i32
          %parallel_loop3A_280 = arith.constant 0 : i32
          %parallel_loop3A_281 = tpu.memref_slice %arg6[%parallel_loop3A_279, %parallel_loop3A_280] : memref<128x64xf32, #tpu.memory_space<vmem>> -> memref<1x64xf32, #tpu.memory_space<vmem>>
          %parallel_loop3A_282 = arith.constant 0 : i32
          %parallel_loop3A_283 = tpu.memref_slice %arg2[%parallel_loop3A_275, %parallel_loop3A_282] : memref<1000000x64xf32, #tpu.memory_space<hbm>> -> memref<1x64xf32, #tpu.memory_space<hbm>>
          %parallel_loop3A_284 = arith.constant 0 : i32
          %parallel_loop3A_285 = tpu.memref_slice %arg6[%parallel_loop3A_279, %parallel_loop3A_284] : memref<128x64xf32, #tpu.memory_space<vmem>> -> memref<1x64xf32, #tpu.memory_space<vmem>>
          %parallel_loop3A_286 = arith.constant 0 : i32
          %parallel_loop3A_287 = tpu.memref_slice %arg2[%parallel_loop3A_275, %parallel_loop3A_286] : memref<1000000x64xf32, #tpu.memory_space<hbm>> -> memref<1x64xf32, #tpu.memory_space<hbm>>
          tpu.enqueue_dma source(%parallel_loop3A_287 : memref<1x64xf32, #tpu.memory_space<hbm>>) target(%parallel_loop3A_285 : memref<1x64xf32, #tpu.memory_space<vmem>>) target_semaphore(%arg10 : memref<!tpu.dma_semaphore, #tpu.memory_space<semaphore_mem>>)
          %parallel_loop3A_288 = vector.extract_strided_slice %parallel_loop3A_217 {offsets = [5], sizes = [1], strides = [1]} : vector<16xi32> to vector<1xi32>
          %parallel_loop3A_289 = vector.extract %parallel_loop3A_288[0] : i32 from vector<1xi32>
          %parallel_loop3A_290 = arith.constant 16 : i32
          %parallel_loop3A_291 = arith.muli %parallel_loop3A_212, %parallel_loop3A_290 : i32
          %parallel_loop3A_292 = arith.constant 5 : i32
          %parallel_loop3A_293 = arith.addi %parallel_loop3A_291, %parallel_loop3A_292 : i32
          %parallel_loop3A_294 = arith.constant 0 : i32
          %parallel_loop3A_295 = tpu.memref_slice %arg6[%parallel_loop3A_293, %parallel_loop3A_294] : memref<128x64xf32, #tpu.memory_space<vmem>> -> memref<1x64xf32, #tpu.memory_space<vmem>>
          %parallel_loop3A_296 = arith.constant 0 : i32
          %parallel_loop3A_297 = tpu.memref_slice %arg2[%parallel_loop3A_289, %parallel_loop3A_296] : memref<1000000x64xf32, #tpu.memory_space<hbm>> -> memref<1x64xf32, #tpu.memory_space<hbm>>
          %parallel_loop3A_298 = arith.constant 0 : i32
          %parallel_loop3A_299 = tpu.memref_slice %arg6[%parallel_loop3A_293, %parallel_loop3A_298] : memref<128x64xf32, #tpu.memory_space<vmem>> -> memref<1x64xf32, #tpu.memory_space<vmem>>
          %parallel_loop3A_300 = arith.constant 0 : i32
          %parallel_loop3A_301 = tpu.memref_slice %arg2[%parallel_loop3A_289, %parallel_loop3A_300] : memref<1000000x64xf32, #tpu.memory_space<hbm>> -> memref<1x64xf32, #tpu.memory_space<hbm>>
          tpu.enqueue_dma source(%parallel_loop3A_301 : memref<1x64xf32, #tpu.memory_space<hbm>>) target(%parallel_loop3A_299 : memref<1x64xf32, #tpu.memory_space<vmem>>) target_semaphore(%arg12 : memref<!tpu.dma_semaphore, #tpu.memory_space<semaphore_mem>>)
          %parallel_loop3A_302 = vector.extract_strided_slice %parallel_loop3A_217 {offsets = [6], sizes = [1], strides = [1]} : vector<16xi32> to vector<1xi32>
          %parallel_loop3A_303 = vector.extract %parallel_loop3A_302[0] : i32 from vector<1xi32>
          %parallel_loop3A_304 = arith.constant 16 : i32
          %parallel_loop3A_305 = arith.muli %parallel_loop3A_212, %parallel_loop3A_304 : i32
          %parallel_loop3A_306 = arith.constant 6 : i32
          %parallel_loop3A_307 = arith.addi %parallel_loop3A_305, %parallel_loop3A_306 : i32
          %parallel_loop3A_308 = arith.constant 0 : i32
          %parallel_loop3A_309 = tpu.memref_slice %arg6[%parallel_loop3A_307, %parallel_loop3A_308] : memref<128x64xf32, #tpu.memory_space<vmem>> -> memref<1x64xf32, #tpu.memory_space<vmem>>
          %parallel_loop3A_310 = arith.constant 0 : i32
          %parallel_loop3A_311 = tpu.memref_slice %arg2[%parallel_loop3A_303, %parallel_loop3A_310] : memref<1000000x64xf32, #tpu.memory_space<hbm>> -> memref<1x64xf32, #tpu.memory_space<hbm>>
          %parallel_loop3A_312 = arith.constant 0 : i32
          %parallel_loop3A_313 = tpu.memref_slice %arg6[%parallel_loop3A_307, %parallel_loop3A_312] : memref<128x64xf32, #tpu.memory_space<vmem>> -> memref<1x64xf32, #tpu.memory_space<vmem>>
          %parallel_loop3A_314 = arith.constant 0 : i32
          %parallel_loop3A_315 = tpu.memref_slice %arg2[%parallel_loop3A_303, %parallel_loop3A_314] : memref<1000000x64xf32, #tpu.memory_space<hbm>> -> memref<1x64xf32, #tpu.memory_space<hbm>>
          tpu.enqueue_dma source(%parallel_loop3A_315 : memref<1x64xf32, #tpu.memory_space<hbm>>) target(%parallel_loop3A_313 : memref<1x64xf32, #tpu.memory_space<vmem>>) target_semaphore(%arg10 : memref<!tpu.dma_semaphore, #tpu.memory_space<semaphore_mem>>)
          %parallel_loop3A_316 = vector.extract_strided_slice %parallel_loop3A_217 {offsets = [7], sizes = [1], strides = [1]} : vector<16xi32> to vector<1xi32>
          %parallel_loop3A_317 = vector.extract %parallel_loop3A_316[0] : i32 from vector<1xi32>
          %parallel_loop3A_318 = arith.constant 16 : i32
          %parallel_loop3A_319 = arith.muli %parallel_loop3A_212, %parallel_loop3A_318 : i32
          %parallel_loop3A_320 = arith.constant 7 : i32
          %parallel_loop3A_321 = arith.addi %parallel_loop3A_319, %parallel_loop3A_320 : i32
          %parallel_loop3A_322 = arith.constant 0 : i32
          %parallel_loop3A_323 = tpu.memref_slice %arg6[%parallel_loop3A_321, %parallel_loop3A_322] : memref<128x64xf32, #tpu.memory_space<vmem>> -> memref<1x64xf32, #tpu.memory_space<vmem>>
          %parallel_loop3A_324 = arith.constant 0 : i32
          %parallel_loop3A_325 = tpu.memref_slice %arg2[%parallel_loop3A_317, %parallel_loop3A_324] : memref<1000000x64xf32, #tpu.memory_space<hbm>> -> memref<1x64xf32, #tpu.memory_space<hbm>>
          %parallel_loop3A_326 = arith.constant 0 : i32
          %parallel_loop3A_327 = tpu.memref_slice %arg6[%parallel_loop3A_321, %parallel_loop3A_326] : memref<128x64xf32, #tpu.memory_space<vmem>> -> memref<1x64xf32, #tpu.memory_space<vmem>>
          %parallel_loop3A_328 = arith.constant 0 : i32
          %parallel_loop3A_329 = tpu.memref_slice %arg2[%parallel_loop3A_317, %parallel_loop3A_328] : memref<1000000x64xf32, #tpu.memory_space<hbm>> -> memref<1x64xf32, #tpu.memory_space<hbm>>
          tpu.enqueue_dma source(%parallel_loop3A_329 : memref<1x64xf32, #tpu.memory_space<hbm>>) target(%parallel_loop3A_327 : memref<1x64xf32, #tpu.memory_space<vmem>>) target_semaphore(%arg12 : memref<!tpu.dma_semaphore, #tpu.memory_space<semaphore_mem>>)
          %parallel_loop3A_330 = vector.extract_strided_slice %parallel_loop3A_217 {offsets = [8], sizes = [1], strides = [1]} : vector<16xi32> to vector<1xi32>
          %parallel_loop3A_331 = vector.extract %parallel_loop3A_330[0] : i32 from vector<1xi32>
          %parallel_loop3A_332 = arith.constant 16 : i32
          %parallel_loop3A_333 = arith.muli %parallel_loop3A_212, %parallel_loop3A_332 : i32
          %parallel_loop3A_334 = arith.constant 8 : i32
          %parallel_loop3A_335 = arith.addi %parallel_loop3A_333, %parallel_loop3A_334 : i32
          %parallel_loop3A_336 = arith.constant 0 : i32
          %parallel_loop3A_337 = tpu.memref_slice %arg6[%parallel_loop3A_335, %parallel_loop3A_336] : memref<128x64xf32, #tpu.memory_space<vmem>> -> memref<1x64xf32, #tpu.memory_space<vmem>>
          %parallel_loop3A_338 = arith.constant 0 : i32
          %parallel_loop3A_339 = tpu.memref_slice %arg2[%parallel_loop3A_331, %parallel_loop3A_338] : memref<1000000x64xf32, #tpu.memory_space<hbm>> -> memref<1x64xf32, #tpu.memory_space<hbm>>
          %parallel_loop3A_340 = arith.constant 0 : i32
          %parallel_loop3A_341 = tpu.memref_slice %arg6[%parallel_loop3A_335, %parallel_loop3A_340] : memref<128x64xf32, #tpu.memory_space<vmem>> -> memref<1x64xf32, #tpu.memory_space<vmem>>
          %parallel_loop3A_342 = arith.constant 0 : i32
          %parallel_loop3A_343 = tpu.memref_slice %arg2[%parallel_loop3A_331, %parallel_loop3A_342] : memref<1000000x64xf32, #tpu.memory_space<hbm>> -> memref<1x64xf32, #tpu.memory_space<hbm>>
          tpu.enqueue_dma source(%parallel_loop3A_343 : memref<1x64xf32, #tpu.memory_space<hbm>>) target(%parallel_loop3A_341 : memref<1x64xf32, #tpu.memory_space<vmem>>) target_semaphore(%arg10 : memref<!tpu.dma_semaphore, #tpu.memory_space<semaphore_mem>>)
          %parallel_loop3A_344 = vector.extract_strided_slice %parallel_loop3A_217 {offsets = [9], sizes = [1], strides = [1]} : vector<16xi32> to vector<1xi32>
          %parallel_loop3A_345 = vector.extract %parallel_loop3A_344[0] : i32 from vector<1xi32>
          %parallel_loop3A_346 = arith.constant 16 : i32
          %parallel_loop3A_347 = arith.muli %parallel_loop3A_212, %parallel_loop3A_346 : i32
          %parallel_loop3A_348 = arith.constant 9 : i32
          %parallel_loop3A_349 = arith.addi %parallel_loop3A_347, %parallel_loop3A_348 : i32
          %parallel_loop3A_350 = arith.constant 0 : i32
          %parallel_loop3A_351 = tpu.memref_slice %arg6[%parallel_loop3A_349, %parallel_loop3A_350] : memref<128x64xf32, #tpu.memory_space<vmem>> -> memref<1x64xf32, #tpu.memory_space<vmem>>
          %parallel_loop3A_352 = arith.constant 0 : i32
          %parallel_loop3A_353 = tpu.memref_slice %arg2[%parallel_loop3A_345, %parallel_loop3A_352] : memref<1000000x64xf32, #tpu.memory_space<hbm>> -> memref<1x64xf32, #tpu.memory_space<hbm>>
          %parallel_loop3A_354 = arith.constant 0 : i32
          %parallel_loop3A_355 = tpu.memref_slice %arg6[%parallel_loop3A_349, %parallel_loop3A_354] : memref<128x64xf32, #tpu.memory_space<vmem>> -> memref<1x64xf32, #tpu.memory_space<vmem>>
          %parallel_loop3A_356 = arith.constant 0 : i32
          %parallel_loop3A_357 = tpu.memref_slice %arg2[%parallel_loop3A_345, %parallel_loop3A_356] : memref<1000000x64xf32, #tpu.memory_space<hbm>> -> memref<1x64xf32, #tpu.memory_space<hbm>>
          tpu.enqueue_dma source(%parallel_loop3A_357 : memref<1x64xf32, #tpu.memory_space<hbm>>) target(%parallel_loop3A_355 : memref<1x64xf32, #tpu.memory_space<vmem>>) target_semaphore(%arg12 : memref<!tpu.dma_semaphore, #tpu.memory_space<semaphore_mem>>)
          %parallel_loop3A_358 = vector.extract_strided_slice %parallel_loop3A_217 {offsets = [10], sizes = [1], strides = [1]} : vector<16xi32> to vector<1xi32>
          %parallel_loop3A_359 = vector.extract %parallel_loop3A_358[0] : i32 from vector<1xi32>
          %parallel_loop3A_360 = arith.constant 16 : i32
          %parallel_loop3A_361 = arith.muli %parallel_loop3A_212, %parallel_loop3A_360 : i32
          %parallel_loop3A_362 = arith.constant 10 : i32
          %parallel_loop3A_363 = arith.addi %parallel_loop3A_361, %parallel_loop3A_362 : i32
          %parallel_loop3A_364 = arith.constant 0 : i32
          %parallel_loop3A_365 = tpu.memref_slice %arg6[%parallel_loop3A_363, %parallel_loop3A_364] : memref<128x64xf32, #tpu.memory_space<vmem>> -> memref<1x64xf32, #tpu.memory_space<vmem>>
          %parallel_loop3A_366 = arith.constant 0 : i32
          %parallel_loop3A_367 = tpu.memref_slice %arg2[%parallel_loop3A_359, %parallel_loop3A_366] : memref<1000000x64xf32, #tpu.memory_space<hbm>> -> memref<1x64xf32, #tpu.memory_space<hbm>>
          %parallel_loop3A_368 = arith.constant 0 : i32
          %parallel_loop3A_369 = tpu.memref_slice %arg6[%parallel_loop3A_363, %parallel_loop3A_368] : memref<128x64xf32, #tpu.memory_space<vmem>> -> memref<1x64xf32, #tpu.memory_space<vmem>>
          %parallel_loop3A_370 = arith.constant 0 : i32
          %parallel_loop3A_371 = tpu.memref_slice %arg2[%parallel_loop3A_359, %parallel_loop3A_370] : memref<1000000x64xf32, #tpu.memory_space<hbm>> -> memref<1x64xf32, #tpu.memory_space<hbm>>
          tpu.enqueue_dma source(%parallel_loop3A_371 : memref<1x64xf32, #tpu.memory_space<hbm>>) target(%parallel_loop3A_369 : memref<1x64xf32, #tpu.memory_space<vmem>>) target_semaphore(%arg10 : memref<!tpu.dma_semaphore, #tpu.memory_space<semaphore_mem>>)
          %parallel_loop3A_372 = vector.extract_strided_slice %parallel_loop3A_217 {offsets = [11], sizes = [1], strides = [1]} : vector<16xi32> to vector<1xi32>
          %parallel_loop3A_373 = vector.extract %parallel_loop3A_372[0] : i32 from vector<1xi32>
          %parallel_loop3A_374 = arith.constant 16 : i32
          %parallel_loop3A_375 = arith.muli %parallel_loop3A_212, %parallel_loop3A_374 : i32
          %parallel_loop3A_376 = arith.constant 11 : i32
          %parallel_loop3A_377 = arith.addi %parallel_loop3A_375, %parallel_loop3A_376 : i32
          %parallel_loop3A_378 = arith.constant 0 : i32
          %parallel_loop3A_379 = tpu.memref_slice %arg6[%parallel_loop3A_377, %parallel_loop3A_378] : memref<128x64xf32, #tpu.memory_space<vmem>> -> memref<1x64xf32, #tpu.memory_space<vmem>>
          %parallel_loop3A_380 = arith.constant 0 : i32
          %parallel_loop3A_381 = tpu.memref_slice %arg2[%parallel_loop3A_373, %parallel_loop3A_380] : memref<1000000x64xf32, #tpu.memory_space<hbm>> -> memref<1x64xf32, #tpu.memory_space<hbm>>
          %parallel_loop3A_382 = arith.constant 0 : i32
          %parallel_loop3A_383 = tpu.memref_slice %arg6[%parallel_loop3A_377, %parallel_loop3A_382] : memref<128x64xf32, #tpu.memory_space<vmem>> -> memref<1x64xf32, #tpu.memory_space<vmem>>
          %parallel_loop3A_384 = arith.constant 0 : i32
          %parallel_loop3A_385 = tpu.memref_slice %arg2[%parallel_loop3A_373, %parallel_loop3A_384] : memref<1000000x64xf32, #tpu.memory_space<hbm>> -> memref<1x64xf32, #tpu.memory_space<hbm>>
          tpu.enqueue_dma source(%parallel_loop3A_385 : memref<1x64xf32, #tpu.memory_space<hbm>>) target(%parallel_loop3A_383 : memref<1x64xf32, #tpu.memory_space<vmem>>) target_semaphore(%arg12 : memref<!tpu.dma_semaphore, #tpu.memory_space<semaphore_mem>>)
          %parallel_loop3A_386 = vector.extract_strided_slice %parallel_loop3A_217 {offsets = [12], sizes = [1], strides = [1]} : vector<16xi32> to vector<1xi32>
          %parallel_loop3A_387 = vector.extract %parallel_loop3A_386[0] : i32 from vector<1xi32>
          %parallel_loop3A_388 = arith.constant 16 : i32
          %parallel_loop3A_389 = arith.muli %parallel_loop3A_212, %parallel_loop3A_388 : i32
          %parallel_loop3A_390 = arith.constant 12 : i32
          %parallel_loop3A_391 = arith.addi %parallel_loop3A_389, %parallel_loop3A_390 : i32
          %parallel_loop3A_392 = arith.constant 0 : i32
          %parallel_loop3A_393 = tpu.memref_slice %arg6[%parallel_loop3A_391, %parallel_loop3A_392] : memref<128x64xf32, #tpu.memory_space<vmem>> -> memref<1x64xf32, #tpu.memory_space<vmem>>
          %parallel_loop3A_394 = arith.constant 0 : i32
          %parallel_loop3A_395 = tpu.memref_slice %arg2[%parallel_loop3A_387, %parallel_loop3A_394] : memref<1000000x64xf32, #tpu.memory_space<hbm>> -> memref<1x64xf32, #tpu.memory_space<hbm>>
          %parallel_loop3A_396 = arith.constant 0 : i32
          %parallel_loop3A_397 = tpu.memref_slice %arg6[%parallel_loop3A_391, %parallel_loop3A_396] : memref<128x64xf32, #tpu.memory_space<vmem>> -> memref<1x64xf32, #tpu.memory_space<vmem>>
          %parallel_loop3A_398 = arith.constant 0 : i32
          %parallel_loop3A_399 = tpu.memref_slice %arg2[%parallel_loop3A_387, %parallel_loop3A_398] : memref<1000000x64xf32, #tpu.memory_space<hbm>> -> memref<1x64xf32, #tpu.memory_space<hbm>>
          tpu.enqueue_dma source(%parallel_loop3A_399 : memref<1x64xf32, #tpu.memory_space<hbm>>) target(%parallel_loop3A_397 : memref<1x64xf32, #tpu.memory_space<vmem>>) target_semaphore(%arg10 : memref<!tpu.dma_semaphore, #tpu.memory_space<semaphore_mem>>)
          %parallel_loop3A_400 = vector.extract_strided_slice %parallel_loop3A_217 {offsets = [13], sizes = [1], strides = [1]} : vector<16xi32> to vector<1xi32>
          %parallel_loop3A_401 = vector.extract %parallel_loop3A_400[0] : i32 from vector<1xi32>
          %parallel_loop3A_402 = arith.constant 16 : i32
          %parallel_loop3A_403 = arith.muli %parallel_loop3A_212, %parallel_loop3A_402 : i32
          %parallel_loop3A_404 = arith.constant 13 : i32
          %parallel_loop3A_405 = arith.addi %parallel_loop3A_403, %parallel_loop3A_404 : i32
          %parallel_loop3A_406 = arith.constant 0 : i32
          %parallel_loop3A_407 = tpu.memref_slice %arg6[%parallel_loop3A_405, %parallel_loop3A_406] : memref<128x64xf32, #tpu.memory_space<vmem>> -> memref<1x64xf32, #tpu.memory_space<vmem>>
          %parallel_loop3A_408 = arith.constant 0 : i32
          %parallel_loop3A_409 = tpu.memref_slice %arg2[%parallel_loop3A_401, %parallel_loop3A_408] : memref<1000000x64xf32, #tpu.memory_space<hbm>> -> memref<1x64xf32, #tpu.memory_space<hbm>>
          %parallel_loop3A_410 = arith.constant 0 : i32
          %parallel_loop3A_411 = tpu.memref_slice %arg6[%parallel_loop3A_405, %parallel_loop3A_410] : memref<128x64xf32, #tpu.memory_space<vmem>> -> memref<1x64xf32, #tpu.memory_space<vmem>>
          %parallel_loop3A_412 = arith.constant 0 : i32
          %parallel_loop3A_413 = tpu.memref_slice %arg2[%parallel_loop3A_401, %parallel_loop3A_412] : memref<1000000x64xf32, #tpu.memory_space<hbm>> -> memref<1x64xf32, #tpu.memory_space<hbm>>
          tpu.enqueue_dma source(%parallel_loop3A_413 : memref<1x64xf32, #tpu.memory_space<hbm>>) target(%parallel_loop3A_411 : memref<1x64xf32, #tpu.memory_space<vmem>>) target_semaphore(%arg12 : memref<!tpu.dma_semaphore, #tpu.memory_space<semaphore_mem>>)
          %parallel_loop3A_414 = vector.extract_strided_slice %parallel_loop3A_217 {offsets = [14], sizes = [1], strides = [1]} : vector<16xi32> to vector<1xi32>
          %parallel_loop3A_415 = vector.extract %parallel_loop3A_414[0] : i32 from vector<1xi32>
          %parallel_loop3A_416 = arith.constant 16 : i32
          %parallel_loop3A_417 = arith.muli %parallel_loop3A_212, %parallel_loop3A_416 : i32
          %parallel_loop3A_418 = arith.constant 14 : i32
          %parallel_loop3A_419 = arith.addi %parallel_loop3A_417, %parallel_loop3A_418 : i32
          %parallel_loop3A_420 = arith.constant 0 : i32
          %parallel_loop3A_421 = tpu.memref_slice %arg6[%parallel_loop3A_419, %parallel_loop3A_420] : memref<128x64xf32, #tpu.memory_space<vmem>> -> memref<1x64xf32, #tpu.memory_space<vmem>>
          %parallel_loop3A_422 = arith.constant 0 : i32
          %parallel_loop3A_423 = tpu.memref_slice %arg2[%parallel_loop3A_415, %parallel_loop3A_422] : memref<1000000x64xf32, #tpu.memory_space<hbm>> -> memref<1x64xf32, #tpu.memory_space<hbm>>
          %parallel_loop3A_424 = arith.constant 0 : i32
          %parallel_loop3A_425 = tpu.memref_slice %arg6[%parallel_loop3A_419, %parallel_loop3A_424] : memref<128x64xf32, #tpu.memory_space<vmem>> -> memref<1x64xf32, #tpu.memory_space<vmem>>
          %parallel_loop3A_426 = arith.constant 0 : i32
          %parallel_loop3A_427 = tpu.memref_slice %arg2[%parallel_loop3A_415, %parallel_loop3A_426] : memref<1000000x64xf32, #tpu.memory_space<hbm>> -> memref<1x64xf32, #tpu.memory_space<hbm>>
          tpu.enqueue_dma source(%parallel_loop3A_427 : memref<1x64xf32, #tpu.memory_space<hbm>>) target(%parallel_loop3A_425 : memref<1x64xf32, #tpu.memory_space<vmem>>) target_semaphore(%arg10 : memref<!tpu.dma_semaphore, #tpu.memory_space<semaphore_mem>>)
          %parallel_loop3A_428 = vector.extract_strided_slice %parallel_loop3A_217 {offsets = [15], sizes = [1], strides = [1]} : vector<16xi32> to vector<1xi32>
          %parallel_loop3A_429 = vector.extract %parallel_loop3A_428[0] : i32 from vector<1xi32>
          %parallel_loop3A_430 = arith.constant 16 : i32
          %parallel_loop3A_431 = arith.muli %parallel_loop3A_212, %parallel_loop3A_430 : i32
          %parallel_loop3A_432 = arith.constant 15 : i32
          %parallel_loop3A_433 = arith.addi %parallel_loop3A_431, %parallel_loop3A_432 : i32
          %parallel_loop3A_434 = arith.constant 0 : i32
          %parallel_loop3A_435 = tpu.memref_slice %arg6[%parallel_loop3A_433, %parallel_loop3A_434] : memref<128x64xf32, #tpu.memory_space<vmem>> -> memref<1x64xf32, #tpu.memory_space<vmem>>
          %parallel_loop3A_436 = arith.constant 0 : i32
          %parallel_loop3A_437 = tpu.memref_slice %arg2[%parallel_loop3A_429, %parallel_loop3A_436] : memref<1000000x64xf32, #tpu.memory_space<hbm>> -> memref<1x64xf32, #tpu.memory_space<hbm>>
          %parallel_loop3A_438 = arith.constant 0 : i32
          %parallel_loop3A_439 = tpu.memref_slice %arg6[%parallel_loop3A_433, %parallel_loop3A_438] : memref<128x64xf32, #tpu.memory_space<vmem>> -> memref<1x64xf32, #tpu.memory_space<vmem>>
          %parallel_loop3A_440 = arith.constant 0 : i32
          %parallel_loop3A_441 = tpu.memref_slice %arg2[%parallel_loop3A_429, %parallel_loop3A_440] : memref<1000000x64xf32, #tpu.memory_space<hbm>> -> memref<1x64xf32, #tpu.memory_space<hbm>>
          tpu.enqueue_dma source(%parallel_loop3A_441 : memref<1x64xf32, #tpu.memory_space<hbm>>) target(%parallel_loop3A_439 : memref<1x64xf32, #tpu.memory_space<vmem>>) target_semaphore(%arg12 : memref<!tpu.dma_semaphore, #tpu.memory_space<semaphore_mem>>)
        } {sc.loop_unroll_factor = 4 : i64, sc.parallel_access}
      } else {
      }
      %dma_wait3A_141 = arith.constant 0 : i32
      %dma_wait3A_142 = arith.constant 0 : i32
      %dma_wait3A_143 = tpu.memref_slice %arg7[%dma_wait3A_141, %dma_wait3A_142] : memref<128x64xf32, #tpu.memory_space<vmem>> -> memref<64x64xf32, #tpu.memory_space<vmem>>
      %dma_wait3A_144 = arith.constant 0 : i32
      %dma_wait3A_145 = arith.constant 0 : i32
      %dma_wait3A_146 = tpu.memref_slice %arg2[%dma_wait3A_144, %dma_wait3A_145] : memref<1000000x64xf32, #tpu.memory_space<hbm>> -> memref<64x64xf32, #tpu.memory_space<hbm>>
      %dma_wait3A_147 = arith.constant 0 : i32
      %dma_wait3A_148 = arith.constant 0 : i32
      %dma_wait3A_149 = tpu.memref_slice %arg7[%dma_wait3A_147, %dma_wait3A_148] : memref<128x64xf32, #tpu.memory_space<vmem>> -> memref<64x64xf32, #tpu.memory_space<vmem>>
      %dma_wait3A_150 = arith.constant 0 : i32
      %dma_wait3A_151 = arith.constant 0 : i32
      %dma_wait3A_152 = tpu.memref_slice %arg2[%dma_wait3A_150, %dma_wait3A_151] : memref<1000000x64xf32, #tpu.memory_space<hbm>> -> memref<64x64xf32, #tpu.memory_space<hbm>>
      tpu.wait_dma2 semaphore(%arg11 : memref<!tpu.dma_semaphore, #tpu.memory_space<semaphore_mem>>) src(%dma_wait3A_152 : memref<64x64xf32, #tpu.memory_space<hbm>>) dst(%dma_wait3A_149 : memref<64x64xf32, #tpu.memory_space<vmem>>)
      %dma_wait3A_153 = arith.constant 0 : i32
      %dma_wait3A_154 = arith.constant 0 : i32
      %dma_wait3A_155 = tpu.memref_slice %arg7[%dma_wait3A_153, %dma_wait3A_154] : memref<128x64xf32, #tpu.memory_space<vmem>> -> memref<64x64xf32, #tpu.memory_space<vmem>>
      %dma_wait3A_156 = arith.constant 0 : i32
      %dma_wait3A_157 = arith.constant 0 : i32
      %dma_wait3A_158 = tpu.memref_slice %arg2[%dma_wait3A_156, %dma_wait3A_157] : memref<1000000x64xf32, #tpu.memory_space<hbm>> -> memref<64x64xf32, #tpu.memory_space<hbm>>
      %dma_wait3A_159 = arith.constant 0 : i32
      %dma_wait3A_160 = arith.constant 0 : i32
      %dma_wait3A_161 = tpu.memref_slice %arg7[%dma_wait3A_159, %dma_wait3A_160] : memref<128x64xf32, #tpu.memory_space<vmem>> -> memref<64x64xf32, #tpu.memory_space<vmem>>
      %dma_wait3A_162 = arith.constant 0 : i32
      %dma_wait3A_163 = arith.constant 0 : i32
      %dma_wait3A_164 = tpu.memref_slice %arg2[%dma_wait3A_162, %dma_wait3A_163] : memref<1000000x64xf32, #tpu.memory_space<hbm>> -> memref<64x64xf32, #tpu.memory_space<hbm>>
      tpu.wait_dma2 semaphore(%arg13 : memref<!tpu.dma_semaphore, #tpu.memory_space<semaphore_mem>>) src(%dma_wait3A_164 : memref<64x64xf32, #tpu.memory_space<hbm>>) dst(%dma_wait3A_161 : memref<64x64xf32, #tpu.memory_space<vmem>>)
      %iota3A_165 = tpu.iota {dimensions = array<i32: 0>} : vector<16xi32>
      %add3A_166 = arith.constant 0 : i32
      %add3A_167 = vector.broadcast %add3A_166 : i32 to vector<16xi32>
      %add3A_168 = arith.addi %iota3A_165, %add3A_167 : vector<16xi32>
      %iota3A_169 = tpu.iota {dimensions = array<i32: 0>} : vector<16xi32>
      %add3A_170 = arith.constant 16 : i32
      %add3A_171 = vector.broadcast %add3A_170 : i32 to vector<16xi32>
      %add3A_172 = arith.addi %iota3A_169, %add3A_171 : vector<16xi32>
      %iota3A_173 = tpu.iota {dimensions = array<i32: 0>} : vector<16xi32>
      %add3A_174 = arith.constant 32 : i32
      %add3A_175 = vector.broadcast %add3A_174 : i32 to vector<16xi32>
      %add3A_176 = arith.addi %iota3A_173, %add3A_175 : vector<16xi32>
      %iota3A_177 = tpu.iota {dimensions = array<i32: 0>} : vector<16xi32>
      %add3A_178 = arith.constant 48 : i32
      %add3A_179 = vector.broadcast %add3A_178 : i32 to vector<16xi32>
      %add3A_180 = arith.addi %iota3A_177, %add3A_179 : vector<16xi32>
      %iota3A_181 = tpu.iota {dimensions = array<i32: 0>} : vector<16xi32>
      %add3A_182 = arith.constant 64 : i32
      %add3A_183 = vector.broadcast %add3A_182 : i32 to vector<16xi32>
      %add3A_184 = arith.addi %iota3A_181, %add3A_183 : vector<16xi32>
      %iota3A_185 = tpu.iota {dimensions = array<i32: 0>} : vector<16xi32>
      %add3A_186 = arith.constant 80 : i32
      %add3A_187 = vector.broadcast %add3A_186 : i32 to vector<16xi32>
      %add3A_188 = arith.addi %iota3A_185, %add3A_187 : vector<16xi32>
      %iota3A_189 = tpu.iota {dimensions = array<i32: 0>} : vector<16xi32>
      %add3A_190 = arith.constant 96 : i32
      %add3A_191 = vector.broadcast %add3A_190 : i32 to vector<16xi32>
      %add3A_192 = arith.addi %iota3A_189, %add3A_191 : vector<16xi32>
      %iota3A_193 = tpu.iota {dimensions = array<i32: 0>} : vector<16xi32>
      %add3A_194 = arith.constant 112 : i32
      %add3A_195 = vector.broadcast %add3A_194 : i32 to vector<16xi32>
      %add3A_196 = arith.addi %iota3A_193, %add3A_195 : vector<16xi32>
      %parallel_loop3A_197 = arith.constant 0 : i32
      %parallel_loop3A_198 = arith.constant 64 : i32
      %parallel_loop3A_199 = arith.constant 1 : i32
      scf.for %parallel_loop3A_209 = %parallel_loop3A_197 to %parallel_loop3A_198 step %parallel_loop3A_199  : i32 {
        %parallel_loop3A_210 = vector.broadcast %parallel_loop3A_209 : i32 to vector<16xi32>
        %parallel_loop3A_211 = tpu.vector_load_idx %arg7[%add3A_168, %parallel_loop3A_210] : memref<128x64xf32, #tpu.memory_space<vmem>>[vector<16xi32>, vector<16xi32>], vector<16xf32>,
        %parallel_loop3A_212 = arith.constant 8.000000e+00 : f32
        %parallel_loop3A_213 = vector.broadcast %parallel_loop3A_212 : f32 to vector<16xf32>
        %parallel_loop3A_214 = arith.mulf %parallel_loop3A_211, %parallel_loop3A_213 : vector<16xf32>
        %parallel_loop3A_215 = arith.index_cast %parallel_loop3A_209 : i32 to index
        %parallel_loop3A_216 = arith.constant 0 : index
        %parallel_loop3A_217 = tpu.vector_load %arg9[%parallel_loop3A_215, %parallel_loop3A_216] {strides = array<i32>} : memref<64x128xf32, #tpu.memory_space<vmem>>, vector<16xf32>,
        tpu.vector_store %arg9[%parallel_loop3A_215, %parallel_loop3A_216], %parallel_loop3A_214 {strides = array<i32>} : memref<64x128xf32, #tpu.memory_space<vmem>>, vector<16xf32>,
        %parallel_loop3A_218 = tpu.vector_load_idx %arg7[%add3A_172, %parallel_loop3A_210] : memref<128x64xf32, #tpu.memory_space<vmem>>[vector<16xi32>, vector<16xi32>], vector<16xf32>,
        %parallel_loop3A_219 = arith.constant 8.000000e+00 : f32
        %parallel_loop3A_220 = vector.broadcast %parallel_loop3A_219 : f32 to vector<16xf32>
        %parallel_loop3A_221 = arith.mulf %parallel_loop3A_218, %parallel_loop3A_220 : vector<16xf32>
        %parallel_loop3A_222 = arith.index_cast %parallel_loop3A_209 : i32 to index
        %parallel_loop3A_223 = arith.constant 16 : index
        %parallel_loop3A_224 = tpu.vector_load %arg9[%parallel_loop3A_222, %parallel_loop3A_223] {strides = array<i32>} : memref<64x128xf32, #tpu.memory_space<vmem>>, vector<16xf32>,
        tpu.vector_store %arg9[%parallel_loop3A_222, %parallel_loop3A_223], %parallel_loop3A_221 {strides = array<i32>} : memref<64x128xf32, #tpu.memory_space<vmem>>, vector<16xf32>,
        %parallel_loop3A_225 = tpu.vector_load_idx %arg7[%add3A_176, %parallel_loop3A_210] : memref<128x64xf32, #tpu.memory_space<vmem>>[vector<16xi32>, vector<16xi32>], vector<16xf32>,
        %parallel_loop3A_226 = arith.constant 8.000000e+00 : f32
        %parallel_loop3A_227 = vector.broadcast %parallel_loop3A_226 : f32 to vector<16xf32>
        %parallel_loop3A_228 = arith.mulf %parallel_loop3A_225, %parallel_loop3A_227 : vector<16xf32>
        %parallel_loop3A_229 = arith.index_cast %parallel_loop3A_209 : i32 to index
        %parallel_loop3A_230 = arith.constant 32 : index
        %parallel_loop3A_231 = tpu.vector_load %arg9[%parallel_loop3A_229, %parallel_loop3A_230] {strides = array<i32>} : memref<64x128xf32, #tpu.memory_space<vmem>>, vector<16xf32>,
        tpu.vector_store %arg9[%parallel_loop3A_229, %parallel_loop3A_230], %parallel_loop3A_228 {strides = array<i32>} : memref<64x128xf32, #tpu.memory_space<vmem>>, vector<16xf32>,
        %parallel_loop3A_232 = tpu.vector_load_idx %arg7[%add3A_180, %parallel_loop3A_210] : memref<128x64xf32, #tpu.memory_space<vmem>>[vector<16xi32>, vector<16xi32>], vector<16xf32>,
        %parallel_loop3A_233 = arith.constant 8.000000e+00 : f32
        %parallel_loop3A_234 = vector.broadcast %parallel_loop3A_233 : f32 to vector<16xf32>
        %parallel_loop3A_235 = arith.mulf %parallel_loop3A_232, %parallel_loop3A_234 : vector<16xf32>
        %parallel_loop3A_236 = arith.index_cast %parallel_loop3A_209 : i32 to index
        %parallel_loop3A_237 = arith.constant 48 : index
        %parallel_loop3A_238 = tpu.vector_load %arg9[%parallel_loop3A_236, %parallel_loop3A_237] {strides = array<i32>} : memref<64x128xf32, #tpu.memory_space<vmem>>, vector<16xf32>,
        tpu.vector_store %arg9[%parallel_loop3A_236, %parallel_loop3A_237], %parallel_loop3A_235 {strides = array<i32>} : memref<64x128xf32, #tpu.memory_space<vmem>>, vector<16xf32>,
        %parallel_loop3A_239 = tpu.vector_load_idx %arg7[%add3A_184, %parallel_loop3A_210] : memref<128x64xf32, #tpu.memory_space<vmem>>[vector<16xi32>, vector<16xi32>], vector<16xf32>,
        %parallel_loop3A_240 = arith.constant 8.000000e+00 : f32
        %parallel_loop3A_241 = vector.broadcast %parallel_loop3A_240 : f32 to vector<16xf32>
        %parallel_loop3A_242 = arith.mulf %parallel_loop3A_239, %parallel_loop3A_241 : vector<16xf32>
        %parallel_loop3A_243 = arith.index_cast %parallel_loop3A_209 : i32 to index
        %parallel_loop3A_244 = arith.constant 64 : index
        %parallel_loop3A_245 = tpu.vector_load %arg9[%parallel_loop3A_243, %parallel_loop3A_244] {strides = array<i32>} : memref<64x128xf32, #tpu.memory_space<vmem>>, vector<16xf32>,
        tpu.vector_store %arg9[%parallel_loop3A_243, %parallel_loop3A_244], %parallel_loop3A_242 {strides = array<i32>} : memref<64x128xf32, #tpu.memory_space<vmem>>, vector<16xf32>,
        %parallel_loop3A_246 = tpu.vector_load_idx %arg7[%add3A_188, %parallel_loop3A_210] : memref<128x64xf32, #tpu.memory_space<vmem>>[vector<16xi32>, vector<16xi32>], vector<16xf32>,
        %parallel_loop3A_247 = arith.constant 8.000000e+00 : f32
        %parallel_loop3A_248 = vector.broadcast %parallel_loop3A_247 : f32 to vector<16xf32>
        %parallel_loop3A_249 = arith.mulf %parallel_loop3A_246, %parallel_loop3A_248 : vector<16xf32>
        %parallel_loop3A_250 = arith.index_cast %parallel_loop3A_209 : i32 to index
        %parallel_loop3A_251 = arith.constant 80 : index
        %parallel_loop3A_252 = tpu.vector_load %arg9[%parallel_loop3A_250, %parallel_loop3A_251] {strides = array<i32>} : memref<64x128xf32, #tpu.memory_space<vmem>>, vector<16xf32>,
        tpu.vector_store %arg9[%parallel_loop3A_250, %parallel_loop3A_251], %parallel_loop3A_249 {strides = array<i32>} : memref<64x128xf32, #tpu.memory_space<vmem>>, vector<16xf32>,
        %parallel_loop3A_253 = tpu.vector_load_idx %arg7[%add3A_192, %parallel_loop3A_210] : memref<128x64xf32, #tpu.memory_space<vmem>>[vector<16xi32>, vector<16xi32>], vector<16xf32>,
        %parallel_loop3A_254 = arith.constant 8.000000e+00 : f32
        %parallel_loop3A_255 = vector.broadcast %parallel_loop3A_254 : f32 to vector<16xf32>
        %parallel_loop3A_256 = arith.mulf %parallel_loop3A_253, %parallel_loop3A_255 : vector<16xf32>
        %parallel_loop3A_257 = arith.index_cast %parallel_loop3A_209 : i32 to index
        %parallel_loop3A_258 = arith.constant 96 : index
        %parallel_loop3A_259 = tpu.vector_load %arg9[%parallel_loop3A_257, %parallel_loop3A_258] {strides = array<i32>} : memref<64x128xf32, #tpu.memory_space<vmem>>, vector<16xf32>,
        tpu.vector_store %arg9[%parallel_loop3A_257, %parallel_loop3A_258], %parallel_loop3A_256 {strides = array<i32>} : memref<64x128xf32, #tpu.memory_space<vmem>>, vector<16xf32>,
        %parallel_loop3A_260 = tpu.vector_load_idx %arg7[%add3A_196, %parallel_loop3A_210] : memref<128x64xf32, #tpu.memory_space<vmem>>[vector<16xi32>, vector<16xi32>], vector<16xf32>,
        %parallel_loop3A_261 = arith.constant 8.000000e+00 : f32
        %parallel_loop3A_262 = vector.broadcast %parallel_loop3A_261 : f32 to vector<16xf32>
        %parallel_loop3A_263 = arith.mulf %parallel_loop3A_260, %parallel_loop3A_262 : vector<16xf32>
        %parallel_loop3A_264 = arith.index_cast %parallel_loop3A_209 : i32 to index
        %parallel_loop3A_265 = arith.constant 112 : index
        %parallel_loop3A_266 = tpu.vector_load %arg9[%parallel_loop3A_264, %parallel_loop3A_265] {strides = array<i32>} : memref<64x128xf32, #tpu.memory_space<vmem>>, vector<16xf32>,
        tpu.vector_store %arg9[%parallel_loop3A_264, %parallel_loop3A_265], %parallel_loop3A_263 {strides = array<i32>} : memref<64x128xf32, #tpu.memory_space<vmem>>, vector<16xf32>,
      } {sc.loop_unroll_factor = 8 : i64, sc.parallel_access}
      %sub3A_200 = arith.constant 1 : i32
      %sub3A_201 = arith.subi %add3A_130, %sub3A_200 : i32
      %add3A_202 = arith.addi %mul3A_34, %sub3A_201 : i32
      %dma_start3A_203 = arith.constant 0 : i32
      %dma_start3A_204 = tpu.memref_slice %arg4[%add3A_202, %dma_start3A_203, %mul3A_32] : memref<200x64x1024xf32, #tpu.memory_space<hbm>> -> memref<1x64x128xf32, #tpu.memory_space<hbm>>
      %dma_start3A_205 = tpu.memref_squeeze %dma_start3A_204 : memref<1x64x128xf32, #tpu.memory_space<hbm>> -> memref<64x128xf32, #tpu.memory_space<hbm>>
      %dma_start3A_206 = arith.constant 0 : i32
      %dma_start3A_207 = tpu.memref_slice %arg4[%add3A_202, %dma_start3A_206, %mul3A_32] : memref<200x64x1024xf32, #tpu.memory_space<hbm>> -> memref<1x64x128xf32, #tpu.memory_space<hbm>>
      %dma_start3A_208 = tpu.memref_squeeze %dma_start3A_207 : memref<1x64x128xf32, #tpu.memory_space<hbm>> -> memref<64x128xf32, #tpu.memory_space<hbm>>
      tpu.enqueue_dma source(%arg9 : memref<64x128xf32, #tpu.memory_space<vmem>>) target(%dma_start3A_208 : memref<64x128xf32, #tpu.memory_space<hbm>>) target_semaphore(%arg15 : memref<!tpu.dma_semaphore, #tpu.memory_space<semaphore_mem>>)
    }
    %scan3A_41 = arith.constant 25 : i32
    %add3A_42 = arith.constant 49 : i32
    %add3A_43 = arith.addi %mul3A_34, %add3A_42 : i32
    %dma_wait3A = arith.constant 0 : i32
    %dma_wait3A_44 = tpu.memref_slice %arg4[%add3A_43, %dma_wait3A, %mul3A_32] : memref<200x64x1024xf32, #tpu.memory_space<hbm>> -> memref<1x64x128xf32, #tpu.memory_space<hbm>>
    %dma_wait3A_45 = tpu.memref_squeeze %dma_wait3A_44 : memref<1x64x128xf32, #tpu.memory_space<hbm>> -> memref<64x128xf32, #tpu.memory_space<hbm>>
    %dma_wait3A_46 = arith.constant 0 : i32
    %dma_wait3A_47 = tpu.memref_slice %arg4[%add3A_43, %dma_wait3A_46, %mul3A_32] : memref<200x64x1024xf32, #tpu.memory_space<hbm>> -> memref<1x64x128xf32, #tpu.memory_space<hbm>>
    %dma_wait3A_48 = tpu.memref_squeeze %dma_wait3A_47 : memref<1x64x128xf32, #tpu.memory_space<hbm>> -> memref<64x128xf32, #tpu.memory_space<hbm>>
    tpu.wait_dma2 semaphore(%arg15 : memref<!tpu.dma_semaphore, #tpu.memory_space<semaphore_mem>>) src(%arg9 : memref<64x128xf32, #tpu.memory_space<vmem>>) dst(%dma_wait3A_48 : memref<64x128xf32, #tpu.memory_space<hbm>>)
    return
  }
}

</mosaic_0001>

<sc_bundles>
// kernel: kernel.3.cloned.1.call-start
scs
__scs_entry_jumppad:
0x0: {  	(pc) =	sbr.rel $0x88, $3  }
0x1: {  	(tag) =	ssettag $0x0;
	lr =	simm.s32 $0x1  }
0x2: {  	[smem:$0x3F9F] =	sst lr;
	_ =	strace $0xD0000000  }
0x3: {  	_ = 	snop  }
0x4: {  	_ = 	snop  }
0x5: {  	_ = 	snop  }
0x6: {  	_ = 	snop  }
0x7: {  	_ = 	snop  }
__scs_overlays_trampoline_lowered:
0x8: {  	[smem:$0x3FAE] =	sst s0  }
0x9: {  	[smem:$0x3FAF] =	sst s1  }
0xa: {  	[smem:$0x3FB0] =	sst s2  }
0xb: {  	[smem:$0x3FB1] =	sst s3  }
0xc: {  	[smem:$0x3FB2] =	sst s4  }
0xd: {  	[smem:$0x3FB3] =	sst s5  }
0xe: {  	[smem:$0x3FB4] =	sst s6  }
0xf: {  	[smem:$0x3FB5] =	sst s7  }
0x10: {  	[smem:$0x3FB6] =	sst s8  }
0x11: {  	[smem:$0x3FB7] =	sst s9;
	s0 =	simm.s32 @!p0 $0x0  }
0x12: {  	s1 =	sld [smem:$0x3F9D];
	s0 =	simm.s32 @p0 $0x1  }
0x13: {  	[smem:$0x3FB8] =	sst s0;
	s0 =	simm.s32 @!p1 $0x0  }
0x14: {  	s2 =	sld [smem:$0x3F9C];
	s0 =	simm.s32 @p1 $0x1  }
0x15: {  	[smem:$0x3FB9] =	sst s0;
	s0 =	simm.s32 @!p2 $0x0  }
0x16: {  	s3 =	sld [smem:$0x3FDB];
	s0 =	simm.s32 @p2 $0x1  }
0x17: {  	s4 =	simm.s32 $0x1BF5;
	[smem:$0x3FBB] =	sst s0  }
0x18: {  	s0 =	sld [smem:$0x3F9E];
	_ =	swait.ge [sflag:s4], $0x0  }
0x19: {  	s7 =	sld [smem:$0x3F9F]  }
0x1a: {  	s8 =	sadd.s32 $0xFFFFE003, lr  }
0x1b: {  	s9 =	sadd.s32 $0xFFFFFEF7, lr;
	s5 =	simm.s32 $0xFFFFFFFF;
	p2 =	slt.u32 s8, $0xFFFFF086  }
0x1c: {  	p1 =	slt.u32 s9, $0xF7A;
	s5 =	simm.s32 @!p2 $0x0  }
0x1d: {  	s5 =	simm.s32 @p1 $0x1;
	p0 =	seq.s32 s7, s2  }
0x1e: {  	s7 =	smul.u32 @!p0 $0xF7A, s2;
	p2 =	seq.s32 @!p0 s5, $0x0  }
0x1f: {  	s9 =	smul.u32 $0xF7A, s1;
	s8 =	simm.s32 @!p0 $0x1BF5;
	p2 =	por !p2, p0  }
0x20: {  	[sflag:s8] =	ssyncset.s32 @!p0 $0xFFFFF086;
	s6 =	sadd.s32 @!p0 s3, s7;
	s7 =	simm.s32 @!p0 $0x108  }
0x21: {  	s3 =	sadd.s32 s3, s9;
	s6 =	sadd.s32 @!p0 $0x88, s6;
	s7 =	simm.s32 @p2 $0x1082  }
0x22: {  	[simem:s7], [sflag:s8] =	dma.local @!p0 [hbm:s6], $0xF7A  }
0x23: {  	s9 =	sor.u32 $0xD0000000, s2;
	s6 =	simm.s32 $0x108;
	_ =	swait.ge @!p0 [sflag:s8], $0x0  }
0x24: {  	s3 =	sadd.s32 $0x88, s3;
	s6 =	simm.s32 @!p1 $0x1082;
	[sflag:s4] =	ssyncset.s32 $0xFFFFF086  }
0x25: {  	[simem:s6], [sflag:s4] =	dma.local [hbm:s3], $0xF7A  }
0x26: {  	[smem:$0x3F9F] =	sst s1;
	(tag) =	ssettag s2;
	_ =	strace s9  }
0x27: {  	s1 =	sld [smem:$0x3FAF]  }
0x28: {  	s2 =	sld [smem:$0x3FB0]  }
0x29: {  	s4 =	sld [smem:$0x3FB2]  }
0x2a: {  	p0 =	seq.s32 s5, $0x0;
	s5 =	sld [smem:$0x3FB3]  }
0x2b: {  	s6 =	sld [smem:$0x3FB4]  }
0x2c: {  	s7 =	sld [smem:$0x3FB5]  }
0x2d: {  	s3 =	simm.s32 $0x108;
	s8 =	sld [smem:$0x3FB6]  }
0x2e: {  	s3 =	simm.s32 @!p0 $0x1082;
	s9 =	sld [smem:$0x3FB7]  }
0x2f: {  	lr =	sadd.s32 s0, s3;
	s0 =	sld [smem:$0x3FAE]  }
0x30: {  	s3 =	sld [smem:$0x3FB1]  }
0x31: {  	[smem:$0x3FBA] =	sst s10  }
0x32: {  	s10 =	sld [smem:$0x3FB8];
	_ =	sdelay $0x3  }
0x33: {  	p0 =	seq.s32 s10, $0x1;
	s10 =	sld [smem:$0x3FBA];
	_ =	sdelay $0x3  }
0x34: {  	[smem:$0x3FBA] =	sst s10  }
0x35: {  	s10 =	sld [smem:$0x3FB9];
	_ =	sdelay $0x3  }
0x36: {  	p1 =	seq.s32 s10, $0x1;
	s10 =	sld [smem:$0x3FBA];
	_ =	sdelay $0x3  }
0x37: {  	[smem:$0x3FBA] =	sst s10  }
0x38: {  	s10 =	sld [smem:$0x3FBB]  }
0x39: {  	_ = 	snop;
	(pc) =	sbr.ind lr, $3  }
0x3a: {  	_ = 	snop  }
0x3b: {  	_ = 	snop  }
0x3c: {  	p2 =	seq.s32 s10, $0x1;
	s10 =	sld [smem:$0x3FBA]  }
0x3d: {  	_ =	shalt  }
0x3e: {  	_ =	shalt  }
0x3f: {  	_ =	shalt  }
0x40: {  	_ =	shalt  }
0x41: {  	_ =	shalt  }
0x42: {  	_ =	shalt  }
0x43: {  	_ =	shalt  }
0x44: {  	_ =	shalt  }
0x45: {  	_ =	shalt  }
0x46: {  	_ =	shalt  }
0x47: {  	_ =	shalt  }
0x48: {  	_ =	shalt  }
0x49: {  	_ =	shalt  }
0x4a: {  	_ =	shalt  }
0x4b: {  	_ =	shalt  }
0x4c: {  	_ =	shalt  }
0x4d: {  	_ =	shalt  }
0x4e: {  	_ =	shalt  }
0x4f: {  	_ =	shalt  }
0x50: {  	_ =	shalt  }
0x51: {  	_ =	shalt  }
0x52: {  	_ =	shalt  }
0x53: {  	_ =	shalt  }
0x54: {  	_ =	shalt  }
0x55: {  	_ =	shalt  }
0x56: {  	_ =	shalt  }
0x57: {  	_ =	shalt  }
0x58: {  	_ =	shalt  }
0x59: {  	_ =	shalt  }
0x5a: {  	_ =	shalt  }
0x5b: {  	_ =	shalt  }
0x5c: {  	_ =	shalt  }
0x5d: {  	_ =	shalt  }
0x5e: {  	_ =	shalt  }
0x5f: {  	_ =	shalt  }
0x60: {  	_ =	shalt  }
0x61: {  	_ =	shalt  }
0x62: {  	_ =	shalt  }
0x63: {  	_ =	shalt  }
0x64: {  	_ =	shalt  }
0x65: {  	_ =	shalt  }
0x66: {  	_ =	shalt  }
0x67: {  	_ =	shalt  }
0x68: {  	_ =	shalt  }
0x69: {  	_ =	shalt  }
0x6a: {  	_ =	shalt  }
0x6b: {  	_ =	shalt  }
0x6c: {  	_ =	shalt  }
0x6d: {  	_ =	shalt  }
0x6e: {  	_ =	shalt  }
0x6f: {  	_ =	shalt  }
0x70: {  	_ =	shalt  }
0x71: {  	_ =	shalt  }
0x72: {  	_ =	shalt  }
0x73: {  	_ =	shalt  }
0x74: {  	_ =	shalt  }
0x75: {  	_ =	shalt  }
0x76: {  	_ =	shalt  }
0x77: {  	_ =	shalt  }
0x78: {  	_ =	shalt  }
0x79: {  	_ =	shalt  }
0x7a: {  	_ =	shalt  }
0x7b: {  	_ =	shalt  }
0x7c: {  	_ =	shalt  }
0x7d: {  	_ =	shalt  }
0x7e: {  	_ =	shalt  }
0x7f: {  	_ =	shalt  }
0x80: {  	_ =	shalt  }
0x81: {  	_ =	shalt  }
0x82: {  	_ =	shalt  }
0x83: {  	_ =	shalt  }
0x84: {  	_ =	shalt  }
0x85: {  	_ =	shalt  }
0x86: {  	_ =	shalt  }
0x87: {  	_ =	shalt  }
.Lfunc_end0:
.L_simem_size_0:
called_computation_lowered:
.L_overlay_start_0:
0x88: {  	s2 =	sld [smem:$0x3FD9]  }
0x89: {  	s3 =	sld [smem:$0x3FFE];
	_ =	sdelay $0x1  }
0x8a: {  	s1 =	srdreg.scid  }
0x8b: {  	s0 =	sand.u32 $0x1, s1  }
0x8c: {  	s17 =	sshll.u32 s0, $0xA;
	s2 =	sadd.s32 s3, s2  }
0x8d: {  	s2 =	sadd.s32 s2, s17  }
0x8e: {  	[smem:$0x3FC6] =	sst s2  }
0x8f: {  	_ = 	snop  }
0x90: {  	s2 =	sld [smem:$0x3FD0];
	(tm) =	ssettm $0x1  }
0x91: {  	s18 =	sld [smem:$0x3FFB];
	_ =	sdelay $0x3  }
0x92: {  	_ =	strace s18  }
0x93: {  	s3 =	sld [smem:$0x3FFC];
	_ =	sdelay $0x3  }
0x94: {  	_ =	strace s3  }
0x95: {  	s3 =	sld [smem:$0x3FFD];
	_ =	sdelay $0x3  }
0x96: {  	_ =	strace s3  }
0x97: {  	_ =	strace $0x8FFFFFFF  }
0x98: {  	s19 =	sld [smem:$0x3FDB];
	_ =	sdelay $0x1  }
0x99: {  	s4 =	simm.s32 $_scs_section_size  }
0x9a: {  	s5 =	simm.s32 $_size__tile_overlayer_lowered;
	s6 =	simm.s32 $_tile_overlayer_lowered  }
0x9b: {  	s22 =	simm.s32 $0x1BFF;
	s21 =	sshll.u32 s6, $0x1;
	s3 =	sadd.s32 s4, s19  }
0x9c: {  	s7 =	simm.s32 $0x0;
	s20 =	sshll.u32 s5, $0x1;
	s5 =	sadd.s32 s21, s3  }
0x9d: {  	[timem:s7], [sflag:s22] =	dma.local [hbm:s5], s20  }
0x9e: {  	_ =	swait.ge [sflag:s22], s20  }
0x9f: {  	s4 =	ssub.s32 $0x0, s20;
	[sflag:s22] =	ssyncset.done $0x0  }
0xa0: {  	[sflag:s22] =	ssyncadd.s32 s4;
	_ =	sdelay $0x1  }
0xa1: {  	s23 =	simm.s32 $0x1B8B  }
0xa2: {  	_ =	swait.ge [sflag:s23], $0x1  }
0xa3: {  	[sflag:s23] =	ssyncset.done $0x0  }
0xa4: {  	s25 =	simm.s32 $0x1B8E;
	s24 =	sld [smem:$0x3FFE];
	[sflag:s23] =	ssyncadd.s32 $0xFFFFFFFF  }
0xa5: {  	s26 =	simm.s32 $execute0_lowered;
	[smem:$0x3FD2] =	sst s25  }
0xa6: {  	s5 =	sshll.u32 s26, $0x1;
	_ =	strace $0x80000046;
	[dreg:$0x1] =	wrdreg $0xFFFFFFFF  }
0xa7: {  	s28 =	simm.s32 $_size_execute0_lowered;
	s3 =	sadd.s32 s3, s5;
	[dreg:$0x0] =	wrdreg $0x0  }
0xa8: {  	s5 =	sshll.u32 s28, $0x1;
	[dreg:$0x2] =	wrdreg s3  }
0xa9: {  	[dreg:$0x3] =	wrdreg s5  }
0xaa: {  	[dreg:$0x4] =	wrdreg $0xC0  }
0xab: {  	_ =	task [dreg:s7], $0x5FFFF  }
0xac: {  	[dreg:$0x1] =	wrdreg $0xFFFFFFFF  }
0xad: {  	[dreg:$0x0] =	wrdreg $0x60  }
0xae: {  	[dreg:$0x2] =	wrdreg s24  }
0xaf: {  	[dreg:$0x3] =	wrdreg s2  }
0xb0: {  	[dreg:$0x4] =	wrdreg $0x9  }
0xb1: {  	_ =	task.clear_ibuf [dreg:s7], $0x5FFFF;
	_ =	strace $0x90000046  }
0xb2: {  	s29 =	simm.s32 $0x9;
	_ =	strace $0x80000048  }
0xb3: {  	_ =	swait.ge [sflag:s29], $0x1  }
0xb4: {  	[sflag:s29] =	ssyncadd.s32 $0xFFFFFFFF  }
0xb5: {  	_ =	strace $0x90000048  }
0xb6: {  	_ =	sfence  }
0xb7: {  	s30 =	sld [smem:$0x0];
	_ =	sdelay $0x2  }
0xb8: {  	s31 =	sshll.u32 s1, $0xD;
	s1 =	sshrl.u32 s1, $0x2  }
0xb9: {  	s3 =	sand.u32 $0x4000, s31;
	s1 =	sadd.s32 s1, s30  }
0xba: {  	s0 =	sor.u32 s3, s0;
	s1 =	sshll.u32 s1, $0x11  }
0xbb: {  	s0 =	sor.u32 s1, s0  }
0xbc: {  	s0 =	sadd.s32 $0x8F2B, s0  }
0xbd: {  	[sflag:s0] =	ssyncadd.remote.s32 $0x1  }
0xbe: {  	_ =	sfence.sel $0xFFFF  }
0xbf: {  	[dreg:$0x0] =	wrdreg $0xFFFFFFFF;
	(pc) =	sbr.abs _section_cstart, $3  }
0xc0: {  	[dreg:$0x1] =	wrdreg $0xFFFFFFFF  }
0xc1: {  	_ =	task.clear_ibuf [dreg:s7], $0x2FFFF;
	_ =	strace $0x9FFFFFFF  }
0xc2: {  	(tm) =	ssettm $0x7FFFFFFF  }
0xc3: {  	_ =	shalt  }
tec
execute0_lowered:
.L_overlay_start_1:
0x0: {  	(tag) =	ssettag $0x1  }
0x1: {  	s0 =	rddreg [dreg:$0x0]  }
0x2: {  	s2 =	rddreg [dreg:$0x1]  }
0x3: {  	s1 =	stileid.u32;
	s3 =	srdreg.scid  }
0x4: {  	s10 =	simm.s32 $0x400;
	s11 =	simm.s32 $0x2000;
	s12 =	simm.s32 $0x1800  }
0x5: {  	s13 =	simm.s32 $0x7;
	s14 =	simm.s32 $0x1;
	s15 =	simm.s32 $0x3  }
0x6: {  	s16 =	simm.s32 $0x1C00;
	s17 =	simm.s32 $0x9C00;
	s18 =	simm.s32 $0x5  }
0x7: {  	s19 =	simm.s32 $0x2;
	s20 =	simm.s32 $0x4;
	s21 =	simm.s32 $0x5C00  }
0x8: {  	s22 =	simm.s32 $0xBC00;
	s23 =	simm.s32 $0x6;
	s4 =	sshll.u32 s1, $0x1  }
0x9: {  	s5 =	sand.u32 $0x1, s3;
	s6 =	sshrl.u32 s1, $0x2;
	s4 =	sand.u32 $0x6, s4  }
0xa: {  	v0 =	vlaneseq.u32;
	s3 =	simm.s32 $0x0;
	s7 =	smul.u32 $0xE000, s6;
	s4 =	sor.u32 s5, s4  }
0xb: {  	s24 =	simm.s32 $0x0;
	v0 =	vmul.u32 $0x80, v0;
	[smem:$0x7FF] =	sst s3;
	s4 =	sshll.u32 s4, $0xA  }
0xc: {  	s8 =	ssub.s32 $0x2, s5;
	s6 =	smul.u32 $0x32, s6;
	s7 =	sor.u32 s7, s4  }
0xd: {  	_ =	strace $0x80000047;
	s9 =	sshrl.u32 s8, $0x1;
	v1 =	vor.u32 $0x800, v0;
	s7 =	sshrl.u32 s7, $0x3  }
0xe: {  	s5 =	sadd.s32 $0x7400, s0;
	v2 =	vor.u32 $0x1000, v0;
	v3 =	vor.u32 $0x1800, v0;
	v4 =	vor.u32 $0x2000, v0;
	s9 =	ssub.s32 s8, s9;
	s0 =	sadd.s32 s7, s0  }
0xf: {  	v5 =	vor.u32 $0x2800, v0;
	v6 =	vor.u32 $0x3000, v0;
	v7 =	vor.u32 $0x3800, v0;
	s9 =	smax.u32 s9, $0x1;
	s7 =	sadd.s32 $0x400, s0;
	s8 =	sadd.s32 $0x1C00, s0  }
.LBB2_1:
0x10: {  	[tilespmem:s3], [sflag:$0x7] =	stream.strided.gather [hbm4b:s7+s10], $0x1800, s11, s10, $0x38;
	[tilespmem:$0xDC00] =	vst v63  }
0x11: {  	_ = 	snop  }
0x12: {  	[tilespmem:s12], [sflag:$0x7] =	stream.linear.gather [hbm4b:s8+s3], $0x100, $0x38;
	[tilespmem:$0xDC00] =	vst v63  }
0x13: {  	_ =	swait.ge [sflag:s13], $0x1900  }
0x14: {  	[sflag:s13] =	ssyncset.done $0x0  }
0x15: {  	p0 =	por $0x1, $0x1;
	s0 =	simm.s32 $0x0;
	[sflag:s13] =	ssyncadd.s32 $0xFFFFE700  }
.LBB2_2:
0x16: {  	s28 =	sshll.u32 s0, $0x4  }
0x17: {  	s25 =	sand.u32 $0x3FFFFFF0, s28  }
0x18: {  	v8 =	vld [tilespmem:s25+$0x0];
	_ =	sdelay $0x4  }
0x19: {  	v8 =	vshll.u32 v8, $0x4  }
0x1a: {  	(v2sf) =	vpush v8, $0x0;
	_ =	sdelay $0x1  }
0x1b: {  	(v2sf) =	vpush v8, $0x1;
	_ =	sdelay $0x2  }
0x1c: {  	(v2sf) =	vpush v8, $0x2;
	_ =	sdelay $0x6  }
0x1d: {  	(v2sf) =	vpush v8, $0x3;
	_ =	sdelay $0x2  }
0x1e: {  	s31 =	spop (v2sf);
	(v2sf) =	vpush v8, $0x4  }
0x1f: {  	s30 =	sshll.u32 s0, $0xB  }
0x20: {  	s26 =	sand.u32 $0x3FFFF800, s30;
	s25 =	sand.u32 $0x1FFFFFF0, s31;
	s30 =	spop (v2sf);
	(v2sf) =	vpush v8, $0x5  }
0x21: {  	s29 =	sadd.s32 $0x1C00, s26;
	s0 =	sadd.s32 s5, s25;
	s25 =	simm.s32 $0x0  }
0x22: {  	[tilespmem:s29], [sflag:$0x1] =	stream.linear.gather [hbm4b:s0+s25], $0x80, $0x38;
	[tilespmem:$0xDC00] =	vst v63  }
0x23: {  	s0 =	sand.u32 $0x1FFFFFF0, s30;
	s30 =	spop (v2sf);
	(v2sf) =	vpush v8, $0x6;
	_ =	sdelay $0x2  }
0x24: {  	(v2sf) =	vpush v8, $0x7  }
0x25: {  	s31 =	sadd.s32 $0x1C80, s26;
	s0 =	sadd.s32 s5, s0  }
0x26: {  	[tilespmem:s31], [sflag:$0x3] =	stream.linear.gather [hbm4b:s0+s25], $0x80, $0x38;
	[tilespmem:$0xDC00] =	vst v63  }
0x27: {  	s0 =	sand.u32 $0x1FFFFFF0, s30  }
0x28: {  	s31 =	sadd.s32 $0x1D00, s26;
	s30 =	spop (v2sf);
	s0 =	sadd.s32 s5, s0  }
0x29: {  	[tilespmem:s31], [sflag:$0x1] =	stream.linear.gather [hbm4b:s0+s25], $0x80, $0x38;
	[tilespmem:$0xDC00] =	vst v63  }
0x2a: {  	s0 =	sand.u32 $0x1FFFFFF0, s30  }
0x2b: {  	s31 =	sadd.s32 $0x1D80, s26;
	s0 =	sadd.s32 s5, s0;
	s30 =	spop (v2sf);
	(v2sf) =	vpush v8, $0x8  }
0x2c: {  	[tilespmem:s31], [sflag:$0x3] =	stream.linear.gather [hbm4b:s0+s25], $0x80, $0x38;
	[tilespmem:$0xDC00] =	vst v63  }
0x2d: {  	s0 =	sand.u32 $0x1FFFFFF0, s30;
	s30 =	spop (v2sf);
	(v2sf) =	vpush v8, $0x9  }
0x2e: {  	s31 =	sadd.s32 $0x1E00, s26;
	s0 =	sadd.s32 s5, s0  }
0x2f: {  	[tilespmem:s31], [sflag:$0x1] =	stream.linear.gather [hbm4b:s0+s25], $0x80, $0x38;
	[tilespmem:$0xDC00] =	vst v63  }
0x30: {  	s0 =	sand.u32 $0x1FFFFFF0, s30;
	s30 =	spop (v2sf);
	(v2sf) =	vpush v8, $0xA  }
0x31: {  	s31 =	sadd.s32 $0x1E80, s26;
	s0 =	sadd.s32 s5, s0  }
0x32: {  	[tilespmem:s31], [sflag:$0x3] =	stream.linear.gather [hbm4b:s0+s25], $0x80, $0x38;
	[tilespmem:$0xDC00] =	vst v63  }
0x33: {  	s0 =	sand.u32 $0x1FFFFFF0, s30;
	s30 =	spop (v2sf);
	(v2sf) =	vpush v8, $0xB;
	_ =	sdelay $0x3  }
0x34: {  	s31 =	sadd.s32 $0x1F00, s26;
	s0 =	sadd.s32 s5, s0  }
0x35: {  	[tilespmem:s31], [sflag:$0x1] =	stream.linear.gather [hbm4b:s0+s25], $0x80, $0x38;
	[tilespmem:$0xDC00] =	vst v63  }
0x36: {  	s0 =	sand.u32 $0x1FFFFFF0, s30  }
0x37: {  	s31 =	sadd.s32 $0x1F80, s26;
	s0 =	sadd.s32 s5, s0;
	s30 =	spop (v2sf);
	(v2sf) =	vpush v8, $0xC  }
0x38: {  	[tilespmem:s31], [sflag:$0x3] =	stream.linear.gather [hbm4b:s0+s25], $0x80, $0x38;
	[tilespmem:$0xDC00] =	vst v63  }
0x39: {  	s0 =	sand.u32 $0x1FFFFFF0, s30;
	s30 =	spop (v2sf);
	(v2sf) =	vpush v8, $0xD  }
0x3a: {  	s31 =	sadd.s32 $0x2000, s26;
	s0 =	sadd.s32 s5, s0  }
0x3b: {  	[tilespmem:s31], [sflag:$0x1] =	stream.linear.gather [hbm4b:s0+s25], $0x80, $0x38;
	[tilespmem:$0xDC00] =	vst v63  }
0x3c: {  	s0 =	sand.u32 $0x1FFFFFF0, s30;
	s30 =	spop (v2sf);
	(v2sf) =	vpush v8, $0xE  }
0x3d: {  	s31 =	sadd.s32 $0x2080, s26;
	s0 =	sadd.s32 s5, s0  }
0x3e: {  	[tilespmem:s31], [sflag:$0x3] =	stream.linear.gather [hbm4b:s0+s25], $0x80, $0x38;
	[tilespmem:$0xDC00] =	vst v63  }
0x3f: {  	s0 =	sand.u32 $0x1FFFFFF0, s30;
	s30 =	spop (v2sf);
	(v2sf) =	vpush v8, $0xF;
	_ =	sdelay $0x1  }
0x40: {  	s31 =	sadd.s32 $0x2100, s26;
	s0 =	sadd.s32 s5, s0  }
0x41: {  	[tilespmem:s31], [sflag:$0x1] =	stream.linear.gather [hbm4b:s0+s25], $0x80, $0x38;
	[tilespmem:$0xDC00] =	vst v63  }
0x42: {  	s0 =	sand.u32 $0x1FFFFFF0, s30  }
0x43: {  	s31 =	sadd.s32 $0x2180, s26;
	s0 =	sadd.s32 s5, s0  }
0x44: {  	[tilespmem:s31], [sflag:$0x3] =	stream.linear.gather [hbm4b:s0+s25], $0x80, $0x38;
	[tilespmem:$0xDC00] =	vst v63  }
0x45: {  	s30 =	spop (v2sf)  }
0x46: {  	s0 =	sand.u32 $0x1FFFFFF0, s30  }
0x47: {  	s31 =	sadd.s32 $0x2200, s26;
	s30 =	spop (v2sf);
	s0 =	sadd.s32 s5, s0  }
0x48: {  	[tilespmem:s31], [sflag:$0x1] =	stream.linear.gather [hbm4b:s0+s25], $0x80, $0x38;
	[tilespmem:$0xDC00] =	vst v63  }
0x49: {  	s0 =	sand.u32 $0x1FFFFFF0, s30  }
0x4a: {  	s31 =	sadd.s32 $0x2280, s26;
	s30 =	spop (v2sf);
	s0 =	sadd.s32 s5, s0  }
0x4b: {  	[tilespmem:s31], [sflag:$0x3] =	stream.linear.gather [hbm4b:s0+s25], $0x80, $0x38;
	[tilespmem:$0xDC00] =	vst v63  }
0x4c: {  	s0 =	sand.u32 $0x1FFFFFF0, s30  }
0x4d: {  	s31 =	sadd.s32 $0x2300, s26;
	s30 =	spop (v2sf);
	s0 =	sadd.s32 s5, s0  }
0x4e: {  	[tilespmem:s31], [sflag:$0x1] =	stream.linear.gather [hbm4b:s0+s25], $0x80, $0x38;
	[tilespmem:$0xDC00] =	vst v63  }
0x4f: {  	s0 =	sand.u32 $0x1FFFFFF0, s30  }
0x50: {  	s31 =	sadd.s32 $0x2380, s26;
	s30 =	sor.u32 $0x10, s28;
	s0 =	sadd.s32 s5, s0  }
0x51: {  	[tilespmem:s31], [sflag:$0x3] =	stream.linear.gather [hbm4b:s0+s25], $0x80, $0x38;
	[tilespmem:$0xDC00] =	vst v63  }
0x52: {  	v8 =	vld [tilespmem:s30+$0x0];
	_ =	sdelay $0x4  }
0x53: {  	v8 =	vshll.u32 v8, $0x4  }
0x54: {  	(v2sf) =	vpush v8, $0x0;
	_ =	sdelay $0x1  }
0x55: {  	(v2sf) =	vpush v8, $0x1;
	_ =	sdelay $0x2  }
0x56: {  	(v2sf) =	vpush v8, $0x2;
	_ =	sdelay $0x1  }
0x57: {  	(v2sf) =	vpush v8, $0x3;
	_ =	sdelay $0x2  }
0x58: {  	(v2sf) =	vpush v8, $0x4;
	_ =	sdelay $0x4  }
0x59: {  	s0 =	sshll.u32 s30, $0x7;
	s31 =	spop (v2sf);
	(v2sf) =	vpush v8, $0x5  }
0x5a: {  	s0 =	sand.u32 $0x3FFFF800, s0;
	s29 =	sand.u32 $0x1FFFFFF0, s31  }
0x5b: {  	s0 =	sadd.s32 $0x1C00, s0;
	s30 =	spop (v2sf);
	(v2sf) =	vpush v8, $0x6;
	s29 =	sadd.s32 s5, s29  }
0x5c: {  	[tilespmem:s0], [sflag:$0x1] =	stream.linear.gather [hbm4b:s29+s25], $0x80, $0x38;
	[tilespmem:$0xDC00] =	vst v63  }
0x5d: {  	s0 =	sand.u32 $0x1FFFFFF0, s30  }
0x5e: {  	s31 =	sadd.s32 $0x2480, s26;
	s30 =	spop (v2sf);
	s0 =	sadd.s32 s5, s0  }
0x5f: {  	[tilespmem:s31], [sflag:$0x3] =	stream.linear.gather [hbm4b:s0+s25], $0x80, $0x38;
	[tilespmem:$0xDC00] =	vst v63  }
0x60: {  	s0 =	sand.u32 $0x1FFFFFF0, s30;
	s30 =	spop (v2sf);
	(v2sf) =	vpush v8, $0x7  }
0x61: {  	s31 =	sadd.s32 $0x2500, s26;
	s0 =	sadd.s32 s5, s0  }
0x62: {  	[tilespmem:s31], [sflag:$0x1] =	stream.linear.gather [hbm4b:s0+s25], $0x80, $0x38;
	[tilespmem:$0xDC00] =	vst v63  }
0x63: {  	s0 =	sand.u32 $0x1FFFFFF0, s30;
	s30 =	spop (v2sf);
	(v2sf) =	vpush v8, $0x8;
	_ =	sdelay $0x1  }
0x64: {  	s31 =	sadd.s32 $0x2580, s26;
	s0 =	sadd.s32 s5, s0  }
0x65: {  	[tilespmem:s31], [sflag:$0x3] =	stream.linear.gather [hbm4b:s0+s25], $0x80, $0x38;
	[tilespmem:$0xDC00] =	vst v63  }
0x66: {  	s0 =	sand.u32 $0x1FFFFFF0, s30  }
0x67: {  	s31 =	sadd.s32 $0x2600, s26;
	s0 =	sadd.s32 s5, s0;
	s30 =	spop (v2sf);
	(v2sf) =	vpush v8, $0x9  }
0x68: {  	[tilespmem:s31], [sflag:$0x1] =	stream.linear.gather [hbm4b:s0+s25], $0x80, $0x38;
	[tilespmem:$0xDC00] =	vst v63  }
0x69: {  	s0 =	sand.u32 $0x1FFFFFF0, s30;
	s30 =	spop (v2sf);
	(v2sf) =	vpush v8, $0xA;
	_ =	sdelay $0x2  }
0x6a: {  	s31 =	sadd.s32 $0x2680, s26;
	s0 =	sadd.s32 s5, s0  }
0x6b: {  	[tilespmem:s31], [sflag:$0x3] =	stream.linear.gather [hbm4b:s0+s25], $0x80, $0x38;
	[tilespmem:$0xDC00] =	vst v63  }
0x6c: {  	s0 =	sand.u32 $0x1FFFFFF0, s30;
	s30 =	spop (v2sf);
	(v2sf) =	vpush v8, $0xB  }
0x6d: {  	s31 =	sadd.s32 $0x2700, s26;
	s0 =	sadd.s32 s5, s0  }
0x6e: {  	[tilespmem:s31], [sflag:$0x1] =	stream.linear.gather [hbm4b:s0+s25], $0x80, $0x38;
	[tilespmem:$0xDC00] =	vst v63  }
0x6f: {  	s0 =	sand.u32 $0x1FFFFFF0, s30;
	s30 =	spop (v2sf);
	(v2sf) =	vpush v8, $0xC;
	_ =	sdelay $0x1  }
0x70: {  	s31 =	sadd.s32 $0x2780, s26;
	s0 =	sadd.s32 s5, s0  }
0x71: {  	[tilespmem:s31], [sflag:$0x3] =	stream.linear.gather [hbm4b:s0+s25], $0x80, $0x38;
	[tilespmem:$0xDC00] =	vst v63  }
0x72: {  	s0 =	sand.u32 $0x1FFFFFF0, s30  }
0x73: {  	s31 =	sadd.s32 $0x2800, s26;
	s0 =	sadd.s32 s5, s0;
	s30 =	spop (v2sf);
	(v2sf) =	vpush v8, $0xD  }
0x74: {  	[tilespmem:s31], [sflag:$0x1] =	stream.linear.gather [hbm4b:s0+s25], $0x80, $0x38;
	[tilespmem:$0xDC00] =	vst v63  }
0x75: {  	s0 =	sand.u32 $0x1FFFFFF0, s30;
	s30 =	spop (v2sf);
	(v2sf) =	vpush v8, $0xE;
	_ =	sdelay $0x1  }
0x76: {  	s31 =	sadd.s32 $0x2880, s26;
	s0 =	sadd.s32 s5, s0  }
0x77: {  	[tilespmem:s31], [sflag:$0x3] =	stream.linear.gather [hbm4b:s0+s25], $0x80, $0x38;
	[tilespmem:$0xDC00] =	vst v63  }
0x78: {  	s0 =	sand.u32 $0x1FFFFFF0, s30  }
0x79: {  	s31 =	sadd.s32 $0x2900, s26;
	s0 =	sadd.s32 s5, s0;
	s30 =	spop (v2sf);
	(v2sf) =	vpush v8, $0xF  }
0x7a: {  	[tilespmem:s31], [sflag:$0x1] =	stream.linear.gather [hbm4b:s0+s25], $0x80, $0x38;
	[tilespmem:$0xDC00] =	vst v63  }
0x7b: {  	s0 =	sand.u32 $0x1FFFFFF0, s30  }
0x7c: {  	s31 =	sadd.s32 $0x2980, s26;
	s0 =	sadd.s32 s5, s0;
	s30 =	spop (v2sf)  }
0x7d: {  	[tilespmem:s31], [sflag:$0x3] =	stream.linear.gather [hbm4b:s0+s25], $0x80, $0x38;
	[tilespmem:$0xDC00] =	vst v63  }
0x7e: {  	s0 =	sand.u32 $0x1FFFFFF0, s30  }
0x7f: {  	s31 =	sadd.s32 $0x2A00, s26;
	s0 =	sadd.s32 s5, s0  }
0x80: {  	[tilespmem:s31], [sflag:$0x1] =	stream.linear.gather [hbm4b:s0+s25], $0x80, $0x38;
	[tilespmem:$0xDC00] =	vst v63  }
0x81: {  	s30 =	spop (v2sf)  }
0x82: {  	s0 =	sand.u32 $0x1FFFFFF0, s30  }
0x83: {  	s31 =	sadd.s32 $0x2A80, s26;
	s30 =	spop (v2sf);
	s0 =	sadd.s32 s5, s0  }
0x84: {  	[tilespmem:s31], [sflag:$0x3] =	stream.linear.gather [hbm4b:s0+s25], $0x80, $0x38;
	[tilespmem:$0xDC00] =	vst v63  }
0x85: {  	s0 =	sand.u32 $0x1FFFFFF0, s30  }
0x86: {  	s31 =	sadd.s32 $0x2B00, s26;
	s0 =	sadd.s32 s5, s0  }
0x87: {  	[tilespmem:s31], [sflag:$0x1] =	stream.linear.gather [hbm4b:s0+s25], $0x80, $0x38;
	[tilespmem:$0xDC00] =	vst v63  }
0x88: {  	s30 =	spop (v2sf)  }
0x89: {  	s0 =	sand.u32 $0x1FFFFFF0, s30  }
0x8a: {  	s31 =	sadd.s32 $0x2B80, s26;
	s30 =	sor.u32 $0x20, s28;
	s0 =	sadd.s32 s5, s0  }
0x8b: {  	[tilespmem:s31], [sflag:$0x3] =	stream.linear.gather [hbm4b:s0+s25], $0x80, $0x38;
	[tilespmem:$0xDC00] =	vst v63  }
0x8c: {  	v8 =	vld [tilespmem:s30+$0x0];
	_ =	sdelay $0x4  }
0x8d: {  	v8 =	vshll.u32 v8, $0x4  }
0x8e: {  	(v2sf) =	vpush v8, $0x0;
	_ =	sdelay $0x1  }
0x8f: {  	(v2sf) =	vpush v8, $0x1;
	_ =	sdelay $0x2  }
0x90: {  	(v2sf) =	vpush v8, $0x2;
	_ =	sdelay $0x1  }
0x91: {  	(v2sf) =	vpush v8, $0x3;
	_ =	sdelay $0x2  }
0x92: {  	(v2sf) =	vpush v8, $0x4;
	_ =	sdelay $0x4  }
0x93: {  	s0 =	sshll.u32 s30, $0x7;
	s31 =	spop (v2sf);
	(v2sf) =	vpush v8, $0x5  }
0x94: {  	s0 =	sand.u32 $0x3FFFF800, s0;
	s29 =	sand.u32 $0x1FFFFFF0, s31  }
0x95: {  	s0 =	sadd.s32 $0x1C00, s0;
	s30 =	spop (v2sf);
	(v2sf) =	vpush v8, $0x6;
	s29 =	sadd.s32 s5, s29  }
0x96: {  	[tilespmem:s0], [sflag:$0x1] =	stream.linear.gather [hbm4b:s29+s25], $0x80, $0x38;
	[tilespmem:$0xDC00] =	vst v63  }
0x97: {  	s0 =	sand.u32 $0x1FFFFFF0, s30  }
0x98: {  	s31 =	sadd.s32 $0x2C80, s26;
	s30 =	spop (v2sf);
	s0 =	sadd.s32 s5, s0  }
0x99: {  	[tilespmem:s31], [sflag:$0x3] =	stream.linear.gather [hbm4b:s0+s25], $0x80, $0x38;
	[tilespmem:$0xDC00] =	vst v63  }
0x9a: {  	s0 =	sand.u32 $0x1FFFFFF0, s30;
	s30 =	spop (v2sf);
	(v2sf) =	vpush v8, $0x7  }
0x9b: {  	s31 =	sadd.s32 $0x2D00, s26;
	s0 =	sadd.s32 s5, s0  }
0x9c: {  	[tilespmem:s31], [sflag:$0x1] =	stream.linear.gather [hbm4b:s0+s25], $0x80, $0x38;
	[tilespmem:$0xDC00] =	vst v63  }
0x9d: {  	s0 =	sand.u32 $0x1FFFFFF0, s30;
	s30 =	spop (v2sf);
	(v2sf) =	vpush v8, $0x8;
	_ =	sdelay $0x1  }
0x9e: {  	s31 =	sadd.s32 $0x2D80, s26;
	s0 =	sadd.s32 s5, s0  }
0x9f: {  	[tilespmem:s31], [sflag:$0x3] =	stream.linear.gather [hbm4b:s0+s25], $0x80, $0x38;
	[tilespmem:$0xDC00] =	vst v63  }
0xa0: {  	s0 =	sand.u32 $0x1FFFFFF0, s30  }
0xa1: {  	s31 =	sadd.s32 $0x2E00, s26;
	s0 =	sadd.s32 s5, s0;
	s30 =	spop (v2sf);
	(v2sf) =	vpush v8, $0x9  }
0xa2: {  	[tilespmem:s31], [sflag:$0x1] =	stream.linear.gather [hbm4b:s0+s25], $0x80, $0x38;
	[tilespmem:$0xDC00] =	vst v63  }
0xa3: {  	s0 =	sand.u32 $0x1FFFFFF0, s30;
	s30 =	spop (v2sf);
	(v2sf) =	vpush v8, $0xA;
	_ =	sdelay $0x2  }
0xa4: {  	s31 =	sadd.s32 $0x2E80, s26;
	s0 =	sadd.s32 s5, s0  }
0xa5: {  	[tilespmem:s31], [sflag:$0x3] =	stream.linear.gather [hbm4b:s0+s25], $0x80, $0x38;
	[tilespmem:$0xDC00] =	vst v63  }
0xa6: {  	s0 =	sand.u32 $0x1FFFFFF0, s30;
	s30 =	spop (v2sf);
	(v2sf) =	vpush v8, $0xB  }
0xa7: {  	s31 =	sadd.s32 $0x2F00, s26;
	s0 =	sadd.s32 s5, s0  }
0xa8: {  	[tilespmem:s31], [sflag:$0x1] =	stream.linear.gather [hbm4b:s0+s25], $0x80, $0x38;
	[tilespmem:$0xDC00] =	vst v63  }
0xa9: {  	s0 =	sand.u32 $0x1FFFFFF0, s30;
	s30 =	spop (v2sf);
	(v2sf) =	vpush v8, $0xC;
	_ =	sdelay $0x1  }
0xaa: {  	s31 =	sadd.s32 $0x2F80, s26;
	s0 =	sadd.s32 s5, s0  }
0xab: {  	[tilespmem:s31], [sflag:$0x3] =	stream.linear.gather [hbm4b:s0+s25], $0x80, $0x38;
	[tilespmem:$0xDC00] =	vst v63  }
0xac: {  	s0 =	sand.u32 $0x1FFFFFF0, s30  }
0xad: {  	s31 =	sadd.s32 $0x3000, s26;
	s0 =	sadd.s32 s5, s0;
	s30 =	spop (v2sf);
	(v2sf) =	vpush v8, $0xD  }
0xae: {  	[tilespmem:s31], [sflag:$0x1] =	stream.linear.gather [hbm4b:s0+s25], $0x80, $0x38;
	[tilespmem:$0xDC00] =	vst v63  }
0xaf: {  	s0 =	sand.u32 $0x1FFFFFF0, s30;
	s30 =	spop (v2sf);
	(v2sf) =	vpush v8, $0xE;
	_ =	sdelay $0x1  }
0xb0: {  	s31 =	sadd.s32 $0x3080, s26;
	s0 =	sadd.s32 s5, s0  }
0xb1: {  	[tilespmem:s31], [sflag:$0x3] =	stream.linear.gather [hbm4b:s0+s25], $0x80, $0x38;
	[tilespmem:$0xDC00] =	vst v63  }
0xb2: {  	s0 =	sand.u32 $0x1FFFFFF0, s30  }
0xb3: {  	s31 =	sadd.s32 $0x3100, s26;
	s0 =	sadd.s32 s5, s0;
	s30 =	spop (v2sf);
	(v2sf) =	vpush v8, $0xF  }
0xb4: {  	[tilespmem:s31], [sflag:$0x1] =	stream.linear.gather [hbm4b:s0+s25], $0x80, $0x38;
	[tilespmem:$0xDC00] =	vst v63  }
0xb5: {  	s0 =	sand.u32 $0x1FFFFFF0, s30  }
0xb6: {  	s31 =	sadd.s32 $0x3180, s26;
	s0 =	sadd.s32 s5, s0;
	s30 =	spop (v2sf)  }
0xb7: {  	[tilespmem:s31], [sflag:$0x3] =	stream.linear.gather [hbm4b:s0+s25], $0x80, $0x38;
	[tilespmem:$0xDC00] =	vst v63  }
0xb8: {  	s0 =	sand.u32 $0x1FFFFFF0, s30  }
0xb9: {  	s31 =	sadd.s32 $0x3200, s26;
	s0 =	sadd.s32 s5, s0  }
0xba: {  	[tilespmem:s31], [sflag:$0x1] =	stream.linear.gather [hbm4b:s0+s25], $0x80, $0x38;
	[tilespmem:$0xDC00] =	vst v63  }
0xbb: {  	s30 =	spop (v2sf)  }
0xbc: {  	s0 =	sand.u32 $0x1FFFFFF0, s30  }
0xbd: {  	s31 =	sadd.s32 $0x3280, s26;
	s30 =	spop (v2sf);
	s0 =	sadd.s32 s5, s0  }
0xbe: {  	[tilespmem:s31], [sflag:$0x3] =	stream.linear.gather [hbm4b:s0+s25], $0x80, $0x38;
	[tilespmem:$0xDC00] =	vst v63  }
0xbf: {  	s0 =	sand.u32 $0x1FFFFFF0, s30  }
0xc0: {  	s31 =	sadd.s32 $0x3300, s26;
	s0 =	sadd.s32 s5, s0  }
0xc1: {  	[tilespmem:s31], [sflag:$0x1] =	stream.linear.gather [hbm4b:s0+s25], $0x80, $0x38;
	[tilespmem:$0xDC00] =	vst v63  }
0xc2: {  	s30 =	spop (v2sf)  }
0xc3: {  	s0 =	sand.u32 $0x1FFFFFF0, s30  }
0xc4: {  	s28 =	sor.u32 $0x30, s28;
	s31 =	sadd.s32 $0x3380, s26;
	s0 =	sadd.s32 s5, s0  }
0xc5: {  	[tilespmem:s31], [sflag:$0x3] =	stream.linear.gather [hbm4b:s0+s25], $0x80, $0x38;
	[tilespmem:$0xDC00] =	vst v63  }
0xc6: {  	v8 =	vld [tilespmem:s28+$0x0];
	_ =	sdelay $0x4  }
0xc7: {  	v8 =	vshll.u32 v8, $0x4  }
0xc8: {  	(v2sf) =	vpush v8, $0x0;
	_ =	sdelay $0x2  }
0xc9: {  	(v2sf) =	vpush v8, $0x1;
	_ =	sdelay $0x1  }
0xca: {  	(v2sf) =	vpush v8, $0x2  }
0xcb: {  	(v2sf) =	vpush v8, $0x3;
	_ =	sdelay $0x2  }
0xcc: {  	(v2sf) =	vpush v8, $0x4;
	_ =	sdelay $0x5  }
0xcd: {  	s29 =	spop (v2sf);
	(v2sf) =	vpush v8, $0x5  }
0xce: {  	s0 =	sshll.u32 s28, $0x7  }
0xcf: {  	s0 =	sand.u32 $0x3FFFF800, s0;
	s28 =	sand.u32 $0x1FFFFFF0, s29  }
0xd0: {  	s0 =	sadd.s32 $0x1C00, s0;
	s30 =	spop (v2sf);
	s28 =	sadd.s32 s5, s28  }
0xd1: {  	[tilespmem:s0], [sflag:$0x1] =	stream.linear.gather [hbm4b:s28+s25], $0x80, $0x38;
	[tilespmem:$0xDC00] =	vst v63  }
0xd2: {  	s0 =	sand.u32 $0x1FFFFFF0, s30;
	s28 =	spop (v2sf);
	(v2sf) =	vpush v8, $0x6  }
0xd3: {  	s31 =	sadd.s32 $0x3480, s26;
	s0 =	sadd.s32 s5, s0;
	s30 =	spop (v2sf)  }
0xd4: {  	(v2sf) =	vpush v8, $0x7;
	[tilespmem:s31], [sflag:$0x3] =	stream.linear.gather [hbm4b:s0+s25], $0x80, $0x38;
	[tilespmem:$0xDC00] =	vst v63  }
0xd5: {  	s0 =	sand.u32 $0x1FFFFFF0, s28  }
0xd6: {  	s29 =	sadd.s32 $0x3500, s26;
	s28 =	spop (v2sf);
	s0 =	sadd.s32 s5, s0  }
0xd7: {  	(v2sf) =	vpush v8, $0x8;
	[tilespmem:s29], [sflag:$0x1] =	stream.linear.gather [hbm4b:s0+s25], $0x80, $0x38;
	[tilespmem:$0xDC00] =	vst v63  }
0xd8: {  	s0 =	sand.u32 $0x1FFFFFF0, s30  }
0xd9: {  	s31 =	sadd.s32 $0x3580, s26;
	s0 =	sadd.s32 s5, s0  }
0xda: {  	[tilespmem:s31], [sflag:$0x3] =	stream.linear.gather [hbm4b:s0+s25], $0x80, $0x38;
	[tilespmem:$0xDC00] =	vst v63  }
0xdb: {  	s0 =	sand.u32 $0x1FFFFFF0, s28  }
0xdc: {  	s29 =	sadd.s32 $0x3600, s26;
	s0 =	sadd.s32 s5, s0;
	s30 =	spop (v2sf);
	(v2sf) =	vpush v8, $0x9  }
0xdd: {  	[tilespmem:s29], [sflag:$0x1] =	stream.linear.gather [hbm4b:s0+s25], $0x80, $0x38;
	[tilespmem:$0xDC00] =	vst v63  }
0xde: {  	s0 =	sand.u32 $0x1FFFFFF0, s30;
	(v2sf) =	vpush v8, $0xA  }
0xdf: {  	s31 =	sadd.s32 $0x3680, s26;
	s0 =	sadd.s32 s5, s0  }
0xe0: {  	[tilespmem:s31], [sflag:$0x3] =	stream.linear.gather [hbm4b:s0+s25], $0x80, $0x38;
	[tilespmem:$0xDC00] =	vst v63  }
0xe1: {  	s28 =	spop (v2sf);
	(v2sf) =	vpush v8, $0xB  }
0xe2: {  	s0 =	sand.u32 $0x1FFFFFF0, s28  }
0xe3: {  	s29 =	sadd.s32 $0x3700, s26;
	s30 =	spop (v2sf);
	s0 =	sadd.s32 s5, s0  }
0xe4: {  	(v2sf) =	vpush v8, $0xC;
	[tilespmem:s29], [sflag:$0x1] =	stream.linear.gather [hbm4b:s0+s25], $0x80, $0x38;
	[tilespmem:$0xDC00] =	vst v63  }
0xe5: {  	s0 =	sand.u32 $0x1FFFFFF0, s30  }
0xe6: {  	s31 =	sadd.s32 $0x3780, s26;
	s28 =	spop (v2sf);
	s0 =	sadd.s32 s5, s0  }
0xe7: {  	(v2sf) =	vpush v8, $0xD;
	[tilespmem:s31], [sflag:$0x3] =	stream.linear.gather [hbm4b:s0+s25], $0x80, $0x38;
	[tilespmem:$0xDC00] =	vst v63  }
0xe8: {  	s0 =	sand.u32 $0x1FFFFFF0, s28  }
0xe9: {  	s29 =	sadd.s32 $0x3800, s26;
	s0 =	sadd.s32 s5, s0  }
0xea: {  	[tilespmem:s29], [sflag:$0x1] =	stream.linear.gather [hbm4b:s0+s25], $0x80, $0x38;
	[tilespmem:$0xDC00] =	vst v63  }
0xeb: {  	s30 =	spop (v2sf)  }
0xec: {  	(v2sf) =	vpush v8, $0xE;
	s0 =	sand.u32 $0x1FFFFFF0, s30  }
0xed: {  	s31 =	sadd.s32 $0x3880, s26;
	s29 =	spop (v2sf);
	s0 =	sadd.s32 s5, s0  }
0xee: {  	[tilespmem:s31], [sflag:$0x3] =	stream.linear.gather [hbm4b:s0+s25], $0x80, $0x38;
	[tilespmem:$0xDC00] =	vst v63  }
0xef: {  	s0 =	sand.u32 $0x1FFFFFF0, s29  }
0xf0: {  	(v2sf) =	vpush v8, $0xF;
	s30 =	spop (v2sf);
	s31 =	sadd.s32 $0x3900, s26;
	s0 =	sadd.s32 s5, s0  }
0xf1: {  	[tilespmem:s31], [sflag:$0x1] =	stream.linear.gather [hbm4b:s0+s25], $0x80, $0x38;
	[tilespmem:$0xDC00] =	vst v63  }
0xf2: {  	s0 =	sand.u32 $0x1FFFFFF0, s30  }
0xf3: {  	s30 =	spop (v2sf);
	s31 =	sadd.s32 $0x3980, s26;
	s0 =	sadd.s32 s5, s0  }
0xf4: {  	[tilespmem:s31], [sflag:$0x3] =	stream.linear.gather [hbm4b:s0+s25], $0x80, $0x38;
	[tilespmem:$0xDC00] =	vst v63  }
0xf5: {  	s0 =	sand.u32 $0x1FFFFFF0, s30  }
0xf6: {  	s30 =	spop (v2sf);
	s31 =	sadd.s32 $0x3A00, s26;
	s0 =	sadd.s32 s5, s0  }
0xf7: {  	[tilespmem:s31], [sflag:$0x1] =	stream.linear.gather [hbm4b:s0+s25], $0x80, $0x38;
	[tilespmem:$0xDC00] =	vst v63  }
0xf8: {  	s0 =	sand.u32 $0x1FFFFFF0, s30  }
0xf9: {  	s31 =	sadd.s32 $0x3A80, s26;
	s0 =	sadd.s32 s5, s0  }
0xfa: {  	[tilespmem:s31], [sflag:$0x3] =	stream.linear.gather [hbm4b:s0+s25], $0x80, $0x38;
	[tilespmem:$0xDC00] =	vst v63  }
0xfb: {  	s30 =	spop (v2sf)  }
0xfc: {  	s29 =	sand.u32 $0x1FFFFFF0, s30  }
0xfd: {  	p1 =	por p0, p0;
	s30 =	sadd.s32 $0x3B00, s26;
	s0 =	sadd.s32 s5, s29  }
0xfe: {  	[tilespmem:s30], [sflag:$0x1] =	stream.linear.gather [hbm4b:s0+s25], $0x80, $0x38;
	[tilespmem:$0xDC00] =	vst v63  }
.Ltmp0:
0xff: {  	s31 =	spop (v2sf);
	(pc) =	sbr.rel @p1 .LBB2_2-.Ltmp0, $4  }
0x100: {  	s0 =	sand.u32 $0x1FFFFFF0, s31  }
0x101: {  	s26 =	sadd.s32 $0x3B80, s26;
	s0 =	sadd.s32 s5, s0  }
0x102: {  	[tilespmem:s26], [sflag:$0x3] =	stream.linear.gather [hbm4b:s0+s25], $0x80, $0x38;
	[tilespmem:$0xDC00] =	vst v63  }
0x103: {  	p0 =	por $0x0, $0x0;
	s0 =	simm.s32 $0x4  }
.LBB2_3:
0x104: {  	s26 =	sshllo.u32 s25, $0x1  }
0x105: {  	p0 =	seq.s32 s25, $0x0;
	s29 =	sshll.u32 s26, $0x7  }
0x106: {  	s0 =	simm.s32 @!p0 $0x6;
	s29 =	sand.u32 $0x3FFFFF80, s29  }
0x107: {  	_ =	swait.ge @!p0 [sflag:s0], $0x2000;
	v8 =	vmov s29  }
0x108: {  	s28 =	sshll.u32 s25, $0x1;
	[sflag:s0] =	ssyncset.done @!p0 $0x0  }
0x109: {  	[sflag:s0] =	ssyncadd.s32 @!p0 $0xFFFFE000;
	p0 =	por $0x1, $0x1;
	s0 =	simm.s32 $0x0  }
.LBB2_4:
0x10a: {  	s30 =	sshll.u32 s0, $0x4  }
0x10b: {  	s29 =	sand.u32 $0x3FFFFFF0, s30  }
0x10c: {  	v9 =	vld.idx.msk [tilespmem:v8+s29+$0x0 ss:$0x1], $0xffff;
	_ =	sdelay $0x4  }
0x10d: {  	v9 =	vshll.u32 v9, $0x4  }
0x10e: {  	(v2sf) =	vpush v9, $0x0;
	_ =	sdelay $0x3  }
0x10f: {  	(v2sf) =	vpush v9, $0x1;
	_ =	sdelay $0x3  }
0x110: {  	(v2sf) =	vpush v9, $0x2;
	_ =	sdelay $0x3  }
0x111: {  	(v2sf) =	vpush v9, $0x3;
	_ =	sdelay $0x2  }
0x112: {  	s29 =	sshll.u32 s0, $0xB;
	s31 =	spop (v2sf)  }
0x113: {  	s29 =	sand.u32 $0x3FFFF800, s29;
	(v2sf) =	vpush v9, $0x4;
	s0 =	sand.u32 $0x1FFFFFF0, s31  }
0x114: {  	s31 =	sadd.s32 $0x5C00, s29;
	s0 =	sadd.s32 s5, s0  }
0x115: {  	[tilespmem:s31], [sflag:$0x2] =	stream.linear.gather [hbm4b:s0+s3], $0x80, $0x38;
	[tilespmem:$0xDC00] =	vst v63  }
0x116: {  	s31 =	spop (v2sf)  }
0x117: {  	(v2sf) =	vpush v9, $0x5;
	s0 =	sand.u32 $0x1FFFFFF0, s31  }
0x118: {  	s31 =	sadd.s32 $0x5C80, s29;
	s0 =	sadd.s32 s5, s0  }
0x119: {  	[tilespmem:s31], [sflag:$0x4] =	stream.linear.gather [hbm4b:s0+s3], $0x80, $0x38;
	[tilespmem:$0xDC00] =	vst v63  }
0x11a: {  	s31 =	spop (v2sf)  }
0x11b: {  	(v2sf) =	vpush v9, $0x6;
	s0 =	sand.u32 $0x1FFFFFF0, s31  }
0x11c: {  	s31 =	sadd.s32 $0x5D00, s29;
	s0 =	sadd.s32 s5, s0  }
0x11d: {  	[tilespmem:s31], [sflag:$0x2] =	stream.linear.gather [hbm4b:s0+s3], $0x80, $0x38;
	[tilespmem:$0xDC00] =	vst v63  }
0x11e: {  	s31 =	spop (v2sf)  }
0x11f: {  	(v2sf) =	vpush v9, $0x7;
	s0 =	sand.u32 $0x1FFFFFF0, s31  }
0x120: {  	s31 =	sadd.s32 $0x5D80, s29;
	s0 =	sadd.s32 s5, s0  }
0x121: {  	[tilespmem:s31], [sflag:$0x4] =	stream.linear.gather [hbm4b:s0+s3], $0x80, $0x38;
	[tilespmem:$0xDC00] =	vst v63  }
0x122: {  	s31 =	spop (v2sf)  }
0x123: {  	(v2sf) =	vpush v9, $0x8;
	s0 =	sand.u32 $0x1FFFFFF0, s31  }
0x124: {  	s31 =	sadd.s32 $0x5E00, s29;
	s0 =	sadd.s32 s5, s0  }
0x125: {  	[tilespmem:s31], [sflag:$0x2] =	stream.linear.gather [hbm4b:s0+s3], $0x80, $0x38;
	[tilespmem:$0xDC00] =	vst v63  }
0x126: {  	s31 =	spop (v2sf)  }
0x127: {  	(v2sf) =	vpush v9, $0x9;
	s0 =	sand.u32 $0x1FFFFFF0, s31  }
0x128: {  	s31 =	sadd.s32 $0x5E80, s29;
	s0 =	sadd.s32 s5, s0  }
0x129: {  	[tilespmem:s31], [sflag:$0x4] =	stream.linear.gather [hbm4b:s0+s3], $0x80, $0x38;
	[tilespmem:$0xDC00] =	vst v63  }
0x12a: {  	s31 =	spop (v2sf)  }
0x12b: {  	(v2sf) =	vpush v9, $0xA;
	s0 =	sand.u32 $0x1FFFFFF0, s31  }
0x12c: {  	s31 =	sadd.s32 $0x5F00, s29;
	s0 =	sadd.s32 s5, s0  }
0x12d: {  	[tilespmem:s31], [sflag:$0x2] =	stream.linear.gather [hbm4b:s0+s3], $0x80, $0x38;
	[tilespmem:$0xDC00] =	vst v63  }
0x12e: {  	s31 =	spop (v2sf)  }
0x12f: {  	(v2sf) =	vpush v9, $0xB;
	s0 =	sand.u32 $0x1FFFFFF0, s31  }
0x130: {  	s31 =	sadd.s32 $0x5F80, s29;
	s0 =	sadd.s32 s5, s0  }
0x131: {  	[tilespmem:s31], [sflag:$0x4] =	stream.linear.gather [hbm4b:s0+s3], $0x80, $0x38;
	[tilespmem:$0xDC00] =	vst v63  }
0x132: {  	s31 =	spop (v2sf)  }
0x133: {  	(v2sf) =	vpush v9, $0xC;
	s0 =	sand.u32 $0x1FFFFFF0, s31  }
0x134: {  	s31 =	sadd.s32 $0x6000, s29;
	s0 =	sadd.s32 s5, s0  }
0x135: {  	[tilespmem:s31], [sflag:$0x2] =	stream.linear.gather [hbm4b:s0+s3], $0x80, $0x38;
	[tilespmem:$0xDC00] =	vst v63  }
0x136: {  	s31 =	spop (v2sf)  }
0x137: {  	(v2sf) =	vpush v9, $0xD;
	s0 =	sand.u32 $0x1FFFFFF0, s31  }
0x138: {  	s31 =	sadd.s32 $0x6080, s29;
	s0 =	sadd.s32 s5, s0  }
0x139: {  	[tilespmem:s31], [sflag:$0x4] =	stream.linear.gather [hbm4b:s0+s3], $0x80, $0x38;
	[tilespmem:$0xDC00] =	vst v63  }
0x13a: {  	s31 =	spop (v2sf)  }
0x13b: {  	(v2sf) =	vpush v9, $0xE;
	s0 =	sand.u32 $0x1FFFFFF0, s31  }
0x13c: {  	s31 =	sadd.s32 $0x6100, s29;
	s0 =	sadd.s32 s5, s0  }
0x13d: {  	[tilespmem:s31], [sflag:$0x2] =	stream.linear.gather [hbm4b:s0+s3], $0x80, $0x38;
	[tilespmem:$0xDC00] =	vst v63  }
0x13e: {  	s31 =	spop (v2sf)  }
0x13f: {  	(v2sf) =	vpush v9, $0xF;
	s0 =	sand.u32 $0x1FFFFFF0, s31  }
0x140: {  	s31 =	sadd.s32 $0x6180, s29;
	s0 =	sadd.s32 s5, s0  }
0x141: {  	[tilespmem:s31], [sflag:$0x4] =	stream.linear.gather [hbm4b:s0+s3], $0x80, $0x38;
	[tilespmem:$0xDC00] =	vst v63  }
0x142: {  	s31 =	spop (v2sf)  }
0x143: {  	s0 =	sand.u32 $0x1FFFFFF0, s31  }
0x144: {  	s31 =	sadd.s32 $0x6200, s29;
	s0 =	sadd.s32 s5, s0  }
0x145: {  	[tilespmem:s31], [sflag:$0x2] =	stream.linear.gather [hbm4b:s0+s3], $0x80, $0x38;
	[tilespmem:$0xDC00] =	vst v63  }
0x146: {  	s31 =	spop (v2sf)  }
0x147: {  	s0 =	sand.u32 $0x1FFFFFF0, s31  }
0x148: {  	s31 =	sadd.s32 $0x6280, s29;
	s0 =	sadd.s32 s5, s0  }
0x149: {  	[tilespmem:s31], [sflag:$0x4] =	stream.linear.gather [hbm4b:s0+s3], $0x80, $0x38;
	[tilespmem:$0xDC00] =	vst v63  }
0x14a: {  	s31 =	spop (v2sf)  }
0x14b: {  	s0 =	sand.u32 $0x1FFFFFF0, s31  }
0x14c: {  	s31 =	sadd.s32 $0x6300, s29;
	s0 =	sadd.s32 s5, s0  }
0x14d: {  	[tilespmem:s31], [sflag:$0x2] =	stream.linear.gather [hbm4b:s0+s3], $0x80, $0x38;
	[tilespmem:$0xDC00] =	vst v63  }
0x14e: {  	s31 =	spop (v2sf)  }
0x14f: {  	s0 =	sand.u32 $0x1FFFFFF0, s31  }
0x150: {  	s31 =	sadd.s32 $0x6380, s29;
	s0 =	sadd.s32 s5, s0  }
0x151: {  	[tilespmem:s31], [sflag:$0x4] =	stream.linear.gather [hbm4b:s0+s3], $0x80, $0x38;
	[tilespmem:$0xDC00] =	vst v63  }
0x152: {  	s31 =	sor.u32 $0x10, s30  }
0x153: {  	v9 =	vld.idx.msk [tilespmem:v8+s31+$0x0 ss:$0x1], $0xffff;
	_ =	sdelay $0x4  }
0x154: {  	v9 =	vshll.u32 v9, $0x4  }
0x155: {  	(v2sf) =	vpush v9, $0x0;
	_ =	sdelay $0x3  }
0x156: {  	(v2sf) =	vpush v9, $0x1;
	_ =	sdelay $0x3  }
0x157: {  	(v2sf) =	vpush v9, $0x2;
	_ =	sdelay $0x3  }
0x158: {  	(v2sf) =	vpush v9, $0x3;
	_ =	sdelay $0x2  }
0x159: {  	s0 =	sshll.u32 s31, $0x7;
	s31 =	spop (v2sf)  }
0x15a: {  	s0 =	sand.u32 $0x3FFFF800, s0;
	(v2sf) =	vpush v9, $0x4;
	s31 =	sand.u32 $0x1FFFFFF0, s31  }
0x15b: {  	s0 =	sadd.s32 $0x5C00, s0;
	s31 =	sadd.s32 s5, s31  }
0x15c: {  	[tilespmem:s0], [sflag:$0x2] =	stream.linear.gather [hbm4b:s31+s3], $0x80, $0x38;
	[tilespmem:$0xDC00] =	vst v63  }
0x15d: {  	s31 =	spop (v2sf)  }
0x15e: {  	(v2sf) =	vpush v9, $0x5;
	s0 =	sand.u32 $0x1FFFFFF0, s31  }
0x15f: {  	s31 =	sadd.s32 $0x6480, s29;
	s0 =	sadd.s32 s5, s0  }
0x160: {  	[tilespmem:s31], [sflag:$0x4] =	stream.linear.gather [hbm4b:s0+s3], $0x80, $0x38;
	[tilespmem:$0xDC00] =	vst v63  }
0x161: {  	s31 =	spop (v2sf)  }
0x162: {  	(v2sf) =	vpush v9, $0x6;
	s0 =	sand.u32 $0x1FFFFFF0, s31  }
0x163: {  	s31 =	sadd.s32 $0x6500, s29;
	s0 =	sadd.s32 s5, s0  }
0x164: {  	[tilespmem:s31], [sflag:$0x2] =	stream.linear.gather [hbm4b:s0+s3], $0x80, $0x38;
	[tilespmem:$0xDC00] =	vst v63  }
0x165: {  	s31 =	spop (v2sf)  }
0x166: {  	(v2sf) =	vpush v9, $0x7;
	s0 =	sand.u32 $0x1FFFFFF0, s31  }
0x167: {  	s31 =	sadd.s32 $0x6580, s29;
	s0 =	sadd.s32 s5, s0  }
0x168: {  	[tilespmem:s31], [sflag:$0x4] =	stream.linear.gather [hbm4b:s0+s3], $0x80, $0x38;
	[tilespmem:$0xDC00] =	vst v63  }
0x169: {  	s31 =	spop (v2sf)  }
0x16a: {  	(v2sf) =	vpush v9, $0x8;
	s0 =	sand.u32 $0x1FFFFFF0, s31  }
0x16b: {  	s31 =	sadd.s32 $0x6600, s29;
	s0 =	sadd.s32 s5, s0  }
0x16c: {  	[tilespmem:s31], [sflag:$0x2] =	stream.linear.gather [hbm4b:s0+s3], $0x80, $0x38;
	[tilespmem:$0xDC00] =	vst v63  }
0x16d: {  	s31 =	spop (v2sf)  }
0x16e: {  	(v2sf) =	vpush v9, $0x9;
	s0 =	sand.u32 $0x1FFFFFF0, s31  }
0x16f: {  	s31 =	sadd.s32 $0x6680, s29;
	s0 =	sadd.s32 s5, s0  }
0x170: {  	[tilespmem:s31], [sflag:$0x4] =	stream.linear.gather [hbm4b:s0+s3], $0x80, $0x38;
	[tilespmem:$0xDC00] =	vst v63  }
0x171: {  	s31 =	spop (v2sf)  }
0x172: {  	(v2sf) =	vpush v9, $0xA;
	s0 =	sand.u32 $0x1FFFFFF0, s31  }
0x173: {  	s31 =	sadd.s32 $0x6700, s29;
	s0 =	sadd.s32 s5, s0  }
0x174: {  	[tilespmem:s31], [sflag:$0x2] =	stream.linear.gather [hbm4b:s0+s3], $0x80, $0x38;
	[tilespmem:$0xDC00] =	vst v63  }
0x175: {  	s31 =	spop (v2sf)  }
0x176: {  	(v2sf) =	vpush v9, $0xB;
	s0 =	sand.u32 $0x1FFFFFF0, s31  }
0x177: {  	s31 =	sadd.s32 $0x6780, s29;
	s0 =	sadd.s32 s5, s0  }
0x178: {  	[tilespmem:s31], [sflag:$0x4] =	stream.linear.gather [hbm4b:s0+s3], $0x80, $0x38;
	[tilespmem:$0xDC00] =	vst v63  }
0x179: {  	s31 =	spop (v2sf)  }
0x17a: {  	(v2sf) =	vpush v9, $0xC;
	s0 =	sand.u32 $0x1FFFFFF0, s31  }
0x17b: {  	s31 =	sadd.s32 $0x6800, s29;
	s0 =	sadd.s32 s5, s0  }
0x17c: {  	[tilespmem:s31], [sflag:$0x2] =	stream.linear.gather [hbm4b:s0+s3], $0x80, $0x38;
	[tilespmem:$0xDC00] =	vst v63  }
0x17d: {  	s31 =	spop (v2sf)  }
0x17e: {  	(v2sf) =	vpush v9, $0xD;
	s0 =	sand.u32 $0x1FFFFFF0, s31  }
0x17f: {  	s31 =	sadd.s32 $0x6880, s29;
	s0 =	sadd.s32 s5, s0  }
0x180: {  	[tilespmem:s31], [sflag:$0x4] =	stream.linear.gather [hbm4b:s0+s3], $0x80, $0x38;
	[tilespmem:$0xDC00] =	vst v63  }
0x181: {  	s31 =	spop (v2sf)  }
0x182: {  	(v2sf) =	vpush v9, $0xE;
	s0 =	sand.u32 $0x1FFFFFF0, s31  }
0x183: {  	s31 =	sadd.s32 $0x6900, s29;
	s0 =	sadd.s32 s5, s0  }
0x184: {  	[tilespmem:s31], [sflag:$0x2] =	stream.linear.gather [hbm4b:s0+s3], $0x80, $0x38;
	[tilespmem:$0xDC00] =	vst v63  }
0x185: {  	s31 =	spop (v2sf)  }
0x186: {  	(v2sf) =	vpush v9, $0xF;
	s0 =	sand.u32 $0x1FFFFFF0, s31  }
0x187: {  	s31 =	sadd.s32 $0x6980, s29;
	s0 =	sadd.s32 s5, s0  }
0x188: {  	[tilespmem:s31], [sflag:$0x4] =	stream.linear.gather [hbm4b:s0+s3], $0x80, $0x38;
	[tilespmem:$0xDC00] =	vst v63  }
0x189: {  	s31 =	spop (v2sf)  }
0x18a: {  	s0 =	sand.u32 $0x1FFFFFF0, s31  }
0x18b: {  	s31 =	sadd.s32 $0x6A00, s29;
	s0 =	sadd.s32 s5, s0  }
0x18c: {  	[tilespmem:s31], [sflag:$0x2] =	stream.linear.gather [hbm4b:s0+s3], $0x80, $0x38;
	[tilespmem:$0xDC00] =	vst v63  }
0x18d: {  	s31 =	spop (v2sf)  }
0x18e: {  	s0 =	sand.u32 $0x1FFFFFF0, s31  }
0x18f: {  	s31 =	sadd.s32 $0x6A80, s29;
	s0 =	sadd.s32 s5, s0  }
0x190: {  	[tilespmem:s31], [sflag:$0x4] =	stream.linear.gather [hbm4b:s0+s3], $0x80, $0x38;
	[tilespmem:$0xDC00] =	vst v63  }
0x191: {  	s31 =	spop (v2sf)  }
0x192: {  	s0 =	sand.u32 $0x1FFFFFF0, s31  }
0x193: {  	s31 =	sadd.s32 $0x6B00, s29;
	s0 =	sadd.s32 s5, s0  }
0x194: {  	[tilespmem:s31], [sflag:$0x2] =	stream.linear.gather [hbm4b:s0+s3], $0x80, $0x38;
	[tilespmem:$0xDC00] =	vst v63  }
0x195: {  	s31 =	spop (v2sf)  }
0x196: {  	s0 =	sand.u32 $0x1FFFFFF0, s31  }
0x197: {  	s31 =	sadd.s32 $0x6B80, s29;
	s0 =	sadd.s32 s5, s0  }
0x198: {  	[tilespmem:s31], [sflag:$0x4] =	stream.linear.gather [hbm4b:s0+s3], $0x80, $0x38;
	[tilespmem:$0xDC00] =	vst v63  }
0x199: {  	s31 =	sor.u32 $0x20, s30  }
0x19a: {  	v9 =	vld.idx.msk [tilespmem:v8+s31+$0x0 ss:$0x1], $0xffff;
	_ =	sdelay $0x4  }
0x19b: {  	v9 =	vshll.u32 v9, $0x4  }
0x19c: {  	(v2sf) =	vpush v9, $0x0;
	_ =	sdelay $0x3  }
0x19d: {  	(v2sf) =	vpush v9, $0x1;
	_ =	sdelay $0x3  }
0x19e: {  	(v2sf) =	vpush v9, $0x2;
	_ =	sdelay $0x3  }
0x19f: {  	(v2sf) =	vpush v9, $0x3;
	_ =	sdelay $0x2  }
0x1a0: {  	s0 =	sshll.u32 s31, $0x7;
	s31 =	spop (v2sf)  }
0x1a1: {  	s0 =	sand.u32 $0x3FFFF800, s0;
	(v2sf) =	vpush v9, $0x4;
	s31 =	sand.u32 $0x1FFFFFF0, s31  }
0x1a2: {  	s0 =	sadd.s32 $0x5C00, s0;
	s31 =	sadd.s32 s5, s31  }
0x1a3: {  	[tilespmem:s0], [sflag:$0x2] =	stream.linear.gather [hbm4b:s31+s3], $0x80, $0x38;
	[tilespmem:$0xDC00] =	vst v63  }
0x1a4: {  	s31 =	spop (v2sf)  }
0x1a5: {  	(v2sf) =	vpush v9, $0x5;
	s0 =	sand.u32 $0x1FFFFFF0, s31  }
0x1a6: {  	s31 =	sadd.s32 $0x6C80, s29;
	s0 =	sadd.s32 s5, s0  }
0x1a7: {  	[tilespmem:s31], [sflag:$0x4] =	stream.linear.gather [hbm4b:s0+s3], $0x80, $0x38;
	[tilespmem:$0xDC00] =	vst v63  }
0x1a8: {  	s31 =	spop (v2sf)  }
0x1a9: {  	(v2sf) =	vpush v9, $0x6;
	s0 =	sand.u32 $0x1FFFFFF0, s31  }
0x1aa: {  	s31 =	sadd.s32 $0x6D00, s29;
	s0 =	sadd.s32 s5, s0  }
0x1ab: {  	[tilespmem:s31], [sflag:$0x2] =	stream.linear.gather [hbm4b:s0+s3], $0x80, $0x38;
	[tilespmem:$0xDC00] =	vst v63  }
0x1ac: {  	s31 =	spop (v2sf)  }
0x1ad: {  	(v2sf) =	vpush v9, $0x7;
	s0 =	sand.u32 $0x1FFFFFF0, s31  }
0x1ae: {  	s31 =	sadd.s32 $0x6D80, s29;
	s0 =	sadd.s32 s5, s0  }
0x1af: {  	[tilespmem:s31], [sflag:$0x4] =	stream.linear.gather [hbm4b:s0+s3], $0x80, $0x38;
	[tilespmem:$0xDC00] =	vst v63  }
0x1b0: {  	s31 =	spop (v2sf)  }
0x1b1: {  	(v2sf) =	vpush v9, $0x8;
	s0 =	sand.u32 $0x1FFFFFF0, s31  }
0x1b2: {  	s31 =	sadd.s32 $0x6E00, s29;
	s0 =	sadd.s32 s5, s0  }
0x1b3: {  	[tilespmem:s31], [sflag:$0x2] =	stream.linear.gather [hbm4b:s0+s3], $0x80, $0x38;
	[tilespmem:$0xDC00] =	vst v63  }
0x1b4: {  	s31 =	spop (v2sf)  }
0x1b5: {  	(v2sf) =	vpush v9, $0x9;
	s0 =	sand.u32 $0x1FFFFFF0, s31  }
0x1b6: {  	s31 =	sadd.s32 $0x6E80, s29;
	s0 =	sadd.s32 s5, s0  }
0x1b7: {  	[tilespmem:s31], [sflag:$0x4] =	stream.linear.gather [hbm4b:s0+s3], $0x80, $0x38;
	[tilespmem:$0xDC00] =	vst v63  }
0x1b8: {  	s31 =	spop (v2sf)  }
0x1b9: {  	(v2sf) =	vpush v9, $0xA;
	s0 =	sand.u32 $0x1FFFFFF0, s31  }
0x1ba: {  	s31 =	sadd.s32 $0x6F00, s29;
	s0 =	sadd.s32 s5, s0  }
0x1bb: {  	[tilespmem:s31], [sflag:$0x2] =	stream.linear.gather [hbm4b:s0+s3], $0x80, $0x38;
	[tilespmem:$0xDC00] =	vst v63  }
0x1bc: {  	s31 =	spop (v2sf)  }
0x1bd: {  	(v2sf) =	vpush v9, $0xB;
	s0 =	sand.u32 $0x1FFFFFF0, s31  }
0x1be: {  	s31 =	sadd.s32 $0x6F80, s29;
	s0 =	sadd.s32 s5, s0  }
0x1bf: {  	[tilespmem:s31], [sflag:$0x4] =	stream.linear.gather [hbm4b:s0+s3], $0x80, $0x38;
	[tilespmem:$0xDC00] =	vst v63  }
0x1c0: {  	s31 =	spop (v2sf)  }
0x1c1: {  	(v2sf) =	vpush v9, $0xC;
	s0 =	sand.u32 $0x1FFFFFF0, s31  }
0x1c2: {  	s31 =	sadd.s32 $0x7000, s29;
	s0 =	sadd.s32 s5, s0  }
0x1c3: {  	[tilespmem:s31], [sflag:$0x2] =	stream.linear.gather [hbm4b:s0+s3], $0x80, $0x38;
	[tilespmem:$0xDC00] =	vst v63  }
0x1c4: {  	s31 =	spop (v2sf)  }
0x1c5: {  	(v2sf) =	vpush v9, $0xD;
	s0 =	sand.u32 $0x1FFFFFF0, s31  }
0x1c6: {  	s31 =	sadd.s32 $0x7080, s29;
	s0 =	sadd.s32 s5, s0  }
0x1c7: {  	[tilespmem:s31], [sflag:$0x4] =	stream.linear.gather [hbm4b:s0+s3], $0x80, $0x38;
	[tilespmem:$0xDC00] =	vst v63  }
0x1c8: {  	s31 =	spop (v2sf)  }
0x1c9: {  	(v2sf) =	vpush v9, $0xE;
	s0 =	sand.u32 $0x1FFFFFF0, s31  }
0x1ca: {  	s31 =	sadd.s32 $0x7100, s29;
	s0 =	sadd.s32 s5, s0  }
0x1cb: {  	[tilespmem:s31], [sflag:$0x2] =	stream.linear.gather [hbm4b:s0+s3], $0x80, $0x38;
	[tilespmem:$0xDC00] =	vst v63  }
0x1cc: {  	s31 =	spop (v2sf)  }
0x1cd: {  	(v2sf) =	vpush v9, $0xF;
	s0 =	sand.u32 $0x1FFFFFF0, s31  }
0x1ce: {  	s31 =	sadd.s32 $0x7180, s29;
	s0 =	sadd.s32 s5, s0  }
0x1cf: {  	[tilespmem:s31], [sflag:$0x4] =	stream.linear.gather [hbm4b:s0+s3], $0x80, $0x38;
	[tilespmem:$0xDC00] =	vst v63  }
0x1d0: {  	s31 =	spop (v2sf)  }
0x1d1: {  	s0 =	sand.u32 $0x1FFFFFF0, s31  }
0x1d2: {  	s31 =	sadd.s32 $0x7200, s29;
	s0 =	sadd.s32 s5, s0  }
0x1d3: {  	[tilespmem:s31], [sflag:$0x2] =	stream.linear.gather [hbm4b:s0+s3], $0x80, $0x38;
	[tilespmem:$0xDC00] =	vst v63  }
0x1d4: {  	s31 =	spop (v2sf)  }
0x1d5: {  	s0 =	sand.u32 $0x1FFFFFF0, s31  }
0x1d6: {  	s31 =	sadd.s32 $0x7280, s29;
	s0 =	sadd.s32 s5, s0  }
0x1d7: {  	[tilespmem:s31], [sflag:$0x4] =	stream.linear.gather [hbm4b:s0+s3], $0x80, $0x38;
	[tilespmem:$0xDC00] =	vst v63  }
0x1d8: {  	s31 =	spop (v2sf)  }
0x1d9: {  	s0 =	sand.u32 $0x1FFFFFF0, s31  }
0x1da: {  	s31 =	sadd.s32 $0x7300, s29;
	s0 =	sadd.s32 s5, s0  }
0x1db: {  	[tilespmem:s31], [sflag:$0x2] =	stream.linear.gather [hbm4b:s0+s3], $0x80, $0x38;
	[tilespmem:$0xDC00] =	vst v63  }
0x1dc: {  	s31 =	spop (v2sf)  }
0x1dd: {  	s0 =	sand.u32 $0x1FFFFFF0, s31  }
0x1de: {  	s30 =	sor.u32 $0x30, s30;
	s31 =	sadd.s32 $0x7380, s29;
	s0 =	sadd.s32 s5, s0  }
0x1df: {  	[tilespmem:s31], [sflag:$0x4] =	stream.linear.gather [hbm4b:s0+s3], $0x80, $0x38;
	[tilespmem:$0xDC00] =	vst v63  }
0x1e0: {  	v9 =	vld.idx.msk [tilespmem:v8+s30+$0x0 ss:$0x1], $0xffff;
	_ =	sdelay $0x4  }
0x1e1: {  	v9 =	vshll.u32 v9, $0x4  }
0x1e2: {  	(v2sf) =	vpush v9, $0x0;
	_ =	sdelay $0x3  }
0x1e3: {  	(v2sf) =	vpush v9, $0x1;
	_ =	sdelay $0x1  }
0x1e4: {  	(v2sf) =	vpush v9, $0x2;
	_ =	sdelay $0x1  }
0x1e5: {  	(v2sf) =	vpush v9, $0x3;
	_ =	sdelay $0x2  }
0x1e6: {  	(v2sf) =	vpush v9, $0x4;
	_ =	sdelay $0x3  }
0x1e7: {  	s0 =	sshll.u32 s30, $0x7;
	s31 =	spop (v2sf)  }
0x1e8: {  	s0 =	sand.u32 $0x3FFFF800, s0;
	(v2sf) =	vpush v9, $0x5;
	s30 =	sand.u32 $0x1FFFFFF0, s31  }
0x1e9: {  	s0 =	sadd.s32 $0x5C00, s0;
	s30 =	sadd.s32 s5, s30  }
0x1ea: {  	[tilespmem:s0], [sflag:$0x2] =	stream.linear.gather [hbm4b:s30+s3], $0x80, $0x38;
	[tilespmem:$0xDC00] =	vst v63  }
0x1eb: {  	s30 =	spop (v2sf)  }
0x1ec: {  	s0 =	sand.u32 $0x1FFFFFF0, s30  }
0x1ed: {  	s31 =	sadd.s32 $0x7480, s29;
	s30 =	spop (v2sf);
	(v2sf) =	vpush v9, $0x6;
	s0 =	sadd.s32 s5, s0  }
0x1ee: {  	[tilespmem:s31], [sflag:$0x4] =	stream.linear.gather [hbm4b:s0+s3], $0x80, $0x38;
	[tilespmem:$0xDC00] =	vst v63  }
0x1ef: {  	s0 =	sand.u32 $0x1FFFFFF0, s30;
	s30 =	spop (v2sf);
	(v2sf) =	vpush v9, $0x7  }
0x1f0: {  	s31 =	sadd.s32 $0x7500, s29;
	s0 =	sadd.s32 s5, s0  }
0x1f1: {  	[tilespmem:s31], [sflag:$0x2] =	stream.linear.gather [hbm4b:s0+s3], $0x80, $0x38;
	[tilespmem:$0xDC00] =	vst v63  }
0x1f2: {  	s0 =	sand.u32 $0x1FFFFFF0, s30;
	s30 =	spop (v2sf);
	(v2sf) =	vpush v9, $0x8;
	_ =	sdelay $0x1  }
0x1f3: {  	s31 =	sadd.s32 $0x7580, s29;
	s0 =	sadd.s32 s5, s0  }
0x1f4: {  	[tilespmem:s31], [sflag:$0x4] =	stream.linear.gather [hbm4b:s0+s3], $0x80, $0x38;
	[tilespmem:$0xDC00] =	vst v63  }
0x1f5: {  	s0 =	sand.u32 $0x1FFFFFF0, s30  }
0x1f6: {  	s31 =	sadd.s32 $0x7600, s29;
	s0 =	sadd.s32 s5, s0;
	s30 =	spop (v2sf);
	(v2sf) =	vpush v9, $0x9  }
0x1f7: {  	[tilespmem:s31], [sflag:$0x2] =	stream.linear.gather [hbm4b:s0+s3], $0x80, $0x38;
	[tilespmem:$0xDC00] =	vst v63  }
0x1f8: {  	s0 =	sand.u32 $0x1FFFFFF0, s30;
	(v2sf) =	vpush v9, $0xA  }
0x1f9: {  	s31 =	sadd.s32 $0x7680, s29;
	s0 =	sadd.s32 s5, s0  }
0x1fa: {  	[tilespmem:s31], [sflag:$0x4] =	stream.linear.gather [hbm4b:s0+s3], $0x80, $0x38;
	[tilespmem:$0xDC00] =	vst v63  }
0x1fb: {  	s30 =	spop (v2sf);
	(v2sf) =	vpush v9, $0xB  }
0x1fc: {  	s0 =	sand.u32 $0x1FFFFFF0, s30  }
0x1fd: {  	s31 =	sadd.s32 $0x7700, s29;
	s0 =	sadd.s32 s5, s0;
	s30 =	spop (v2sf)  }
0x1fe: {  	(v2sf) =	vpush v9, $0xC;
	[tilespmem:s31], [sflag:$0x2] =	stream.linear.gather [hbm4b:s0+s3], $0x80, $0x38;
	[tilespmem:$0xDC00] =	vst v63  }
0x1ff: {  	s0 =	sand.u32 $0x1FFFFFF0, s30  }
0x200: {  	s31 =	sadd.s32 $0x7780, s29;
	s0 =	sadd.s32 s5, s0;
	s30 =	spop (v2sf)  }
0x201: {  	(v2sf) =	vpush v9, $0xD;
	[tilespmem:s31], [sflag:$0x4] =	stream.linear.gather [hbm4b:s0+s3], $0x80, $0x38;
	[tilespmem:$0xDC00] =	vst v63  }
0x202: {  	s0 =	sand.u32 $0x1FFFFFF0, s30  }
0x203: {  	s31 =	sadd.s32 $0x7800, s29;
	s0 =	sadd.s32 s5, s0  }
0x204: {  	[tilespmem:s31], [sflag:$0x2] =	stream.linear.gather [hbm4b:s0+s3], $0x80, $0x38;
	[tilespmem:$0xDC00] =	vst v63  }
0x205: {  	s30 =	spop (v2sf)  }
0x206: {  	(v2sf) =	vpush v9, $0xE;
	s0 =	sand.u32 $0x1FFFFFF0, s30  }
0x207: {  	s31 =	sadd.s32 $0x7880, s29;
	s30 =	spop (v2sf);
	s0 =	sadd.s32 s5, s0  }
0x208: {  	[tilespmem:s31], [sflag:$0x4] =	stream.linear.gather [hbm4b:s0+s3], $0x80, $0x38;
	[tilespmem:$0xDC00] =	vst v63  }
0x209: {  	s0 =	sand.u32 $0x1FFFFFF0, s30  }
0x20a: {  	(v2sf) =	vpush v9, $0xF;
	s31 =	sadd.s32 $0x7900, s29;
	s30 =	spop (v2sf);
	s0 =	sadd.s32 s5, s0  }
0x20b: {  	[tilespmem:s31], [sflag:$0x2] =	stream.linear.gather [hbm4b:s0+s3], $0x80, $0x38;
	[tilespmem:$0xDC00] =	vst v63  }
0x20c: {  	s0 =	sand.u32 $0x1FFFFFF0, s30  }
0x20d: {  	s31 =	sadd.s32 $0x7980, s29;
	s30 =	spop (v2sf);
	s0 =	sadd.s32 s5, s0  }
0x20e: {  	[tilespmem:s31], [sflag:$0x4] =	stream.linear.gather [hbm4b:s0+s3], $0x80, $0x38;
	[tilespmem:$0xDC00] =	vst v63  }
0x20f: {  	s0 =	sand.u32 $0x1FFFFFF0, s30  }
0x210: {  	s31 =	sadd.s32 $0x7A00, s29;
	s30 =	spop (v2sf);
	s0 =	sadd.s32 s5, s0  }
0x211: {  	[tilespmem:s31], [sflag:$0x2] =	stream.linear.gather [hbm4b:s0+s3], $0x80, $0x38;
	[tilespmem:$0xDC00] =	vst v63  }
0x212: {  	s0 =	sand.u32 $0x1FFFFFF0, s30  }
0x213: {  	s31 =	sadd.s32 $0x7A80, s29;
	s0 =	sadd.s32 s5, s0  }
0x214: {  	[tilespmem:s31], [sflag:$0x4] =	stream.linear.gather [hbm4b:s0+s3], $0x80, $0x38;
	[tilespmem:$0xDC00] =	vst v63  }
0x215: {  	s30 =	spop (v2sf)  }
0x216: {  	s0 =	sand.u32 $0x1FFFFFF0, s30  }
0x217: {  	p1 =	por p0, p0;
	s31 =	sadd.s32 $0x7B00, s29;
	s0 =	sadd.s32 s5, s0  }
0x218: {  	[tilespmem:s31], [sflag:$0x2] =	stream.linear.gather [hbm4b:s0+s3], $0x80, $0x38;
	[tilespmem:$0xDC00] =	vst v63  }
.Ltmp1:
0x219: {  	s31 =	spop (v2sf);
	(pc) =	sbr.rel @p1 .LBB2_4-.Ltmp1, $4  }
0x21a: {  	s0 =	sand.u32 $0x1FFFFFF0, s31  }
0x21b: {  	s29 =	sadd.s32 $0x7B80, s29;
	s0 =	sadd.s32 s5, s0  }
0x21c: {  	[tilespmem:s29], [sflag:$0x4] =	stream.linear.gather [hbm4b:s0+s3], $0x80, $0x38;
	[tilespmem:$0xDC00] =	vst v63  }
0x21d: {  	p0 =	por $0x0, $0x0;
	s0 =	simm.s32 $0x4  }
0x21e: {  	s0 =	simm.s32 $0x0  }
0x21f: {  	v8 =	vmov s0;
	s0 =	simm.s32 $0x1  }
0x220: {  	s29 =	simm.s32 $0x7;
	v8 =	vand.u32 $0x78, v8;
	v9 =	vmov s0  }
0x221: {  	v10 =	vmov s29;
	s0 =	simm.s32 $0x2;
	v16 =	vbroadcast v8, $0x0;
	v8 =	vand.u32 $0x79, v9  }
0x222: {  	v10 =	vand.u32 $0x7F, v10;
	v9 =	vbroadcast v8, $0x0;
	v8 =	vmov s0;
	s0 =	simm.s32 $0x3  }
0x223: {  	v24 =	vbroadcast v10, $0x0;
	v8 =	vand.u32 $0x7A, v8;
	v11 =	vmov s0  }
0x224: {  	_ =	swait.ge [sflag:s14], $0x2000;
	v19 =	vbroadcast v8, $0x0;
	v8 =	vand.u32 $0x7B, v11  }
0x225: {  	[sflag:s14] =	ssyncset.done $0x0;
	v10 =	vor.u32 v0, v16;
	s0 =	simm.s32 $0x4;
	v13 =	vor.u32 v0, v24;
	v20 =	vbroadcast v8, $0x0  }
0x226: {  	[sflag:s14] =	ssyncadd.s32 $0xFFFFE000;
	v11 =	vor.u32 v0, v9;
	v8 =	vmov s0;
	s0 =	simm.s32 $0x5;
	v12 =	vor.u32 v0, v19  }
0x227: {  	_ =	swait.ge [sflag:s15], $0x2000;
	v8 =	vand.u32 $0x7C, v8;
	v15 =	vmov s0;
	s0 =	simm.s32 $0x6;
	v14 =	vor.u32 v0, v20  }
0x228: {  	[sflag:s15] =	ssyncset.done $0x0;
	v23 =	vbroadcast v8, $0x0;
	v8 =	vand.u32 $0x7D, v15;
	v15 =	vmov s0;
	s0 =	simm.s32 $0x8  }
0x229: {  	[sflag:s15] =	ssyncadd.s32 $0xFFFFE000;
	v21 =	vbroadcast v8, $0x0;
	v8 =	vand.u32 $0x7E, v15;
	v15 =	vmov s0  }
0x22a: {  	v18 =	vld.idx.msk [tilespmem:v10+s16+$0x0], $0xffff;
	v10 =	vor.u32 v0, v23;
	v22 =	vbroadcast v8, $0x0;
	v8 =	vand.u32 $0x78, v15  }
0x22b: {  	v13 =	vld.idx.msk [tilespmem:v13+s16+$0x0], $0xffff;
	v15 =	vor.u32 v0, v21;
	v8 =	vbroadcast v8, $0x0  }
0x22c: {  	v11 =	vld.idx.msk [tilespmem:v11+s16+$0x0], $0xffff;
	v17 =	vor.u32 v0, v22  }
0x22d: {  	v12 =	vld.idx.msk [tilespmem:v12+s16+$0x0], $0xffff;
	v25 =	vor.u32 v0, v8  }
0x22e: {  	v26 =	vor.u32 v1, v24;
	v14 =	vld.idx.msk [tilespmem:v14+s16+$0x0], $0xffff  }
0x22f: {  	v28 =	vor.u32 v1, v9;
	v27 =	vld.idx.msk [tilespmem:v10+s16+$0x0], $0xffff  }
0x230: {  	v29 =	vor.u32 v1, v19;
	v10 =	vmul.f32 $8.000000000e+00, v13;
	v15 =	vld.idx.msk [tilespmem:v15+s16+$0x0], $0xffff  }
0x231: {  	s29 =	simm.s32 $0x9E00;
	v30 =	vor.u32 v1, v20;
	s0 =	simm.s32 $0x9;
	v11 =	vmul.f32 $8.000000000e+00, v11;
	v13 =	vld.idx.msk [tilespmem:v17+s16+$0x0], $0xffff  }
0x232: {  	v31 =	vmov s0;
	v12 =	vmul.f32 $8.000000000e+00, v12;
	[tilespmem:s29+$0x180] =	vst v10;
	v17 =	vld.idx.msk [tilespmem:v25+s16+$0x0], $0xffff;
	v25 =	vor.u32 v1, v23  }
0x233: {  	v10 =	vand.u32 $0x79, v31;
	[tilespmem:s29+$0xFFFFFE80] =	vst v11;
	v11 =	vmul.f32 $8.000000000e+00, v14;
	v14 =	vor.u32 v1, v21;
	v26 =	vld.idx.msk [tilespmem:v26+s16+$0x0], $0xffff  }
0x234: {  	v10 =	vbroadcast v10, $0x0;
	v28 =	vld.idx.msk [tilespmem:v28+s16+$0x0], $0xffff;
	[tilespmem:s29+$0xFFFFFF00] =	vst v12;
	v12 =	vmul.f32 $8.000000000e+00, v27;
	v27 =	vor.u32 v1, v22  }
0x235: {  	v31 =	vor.u32 v1, v16;
	v29 =	vld.idx.msk [tilespmem:v29+s16+$0x0], $0xffff;
	[tilespmem:s29+$0xFFFFFF80] =	vst v11;
	v11 =	vmul.f32 $8.000000000e+00, v15  }
0x236: {  	v15 =	vor.u32 v0, v10;
	v30 =	vld.idx.msk [tilespmem:v30+s16+$0x0], $0xffff;
	[tilespmem:s29+$0x0] =	vst v12;
	v12 =	vmul.f32 $8.000000000e+00, v13  }
0x237: {  	v13 =	vmul.f32 $8.000000000e+00, v18;
	v18 =	vld.idx.msk [tilespmem:v25+s16+$0x0], $0xffff;
	[tilespmem:s29+$0x80] =	vst v11;
	v11 =	vor.u32 v2, v24  }
0x238: {  	v32 =	vor.u32 v2, v9;
	v14 =	vld.idx.msk [tilespmem:v14+s16+$0x0], $0xffff;
	[tilespmem:s29+$0x100] =	vst v12  }
0x239: {  	v26 =	vmul.f32 $8.000000000e+00, v26;
	[tilespmem:s29+$0xFFFFFE00] =	vst v13;
	v12 =	vor.u32 v2, v19;
	v13 =	vld.idx.msk [tilespmem:v27+s16+$0x0], $0xffff  }
0x23a: {  	s0 =	simm.s32 $0xA;
	v28 =	vmul.f32 $8.000000000e+00, v28;
	v27 =	vld.idx.msk [tilespmem:v31+s16+$0x0], $0xffff;
	v31 =	vor.u32 v2, v20  }
0x23b: {  	v33 =	vor.u32 v2, v23;
	v29 =	vmul.f32 $8.000000000e+00, v29;
	[tilespmem:s29+$0x190] =	vst v26;
	v25 =	vld.idx.msk [tilespmem:v15+s16+$0x0], $0xffff;
	v15 =	vmov s0  }
0x23c: {  	[tilespmem:s29+$0xFFFFFE90] =	vst v28;
	v28 =	vor.u32 v2, v21;
	v26 =	vmul.f32 $8.000000000e+00, v30;
	v15 =	vand.u32 $0x7A, v15;
	v30 =	vld.idx.msk [tilespmem:v11+s16+$0x0], $0xffff  }
0x23d: {  	[tilespmem:s29+$0xFFFFFF10] =	vst v29;
	v29 =	vor.u32 v2, v22;
	v11 =	vbroadcast v15, $0x0;
	v15 =	vld.idx.msk [tilespmem:v32+s16+$0x0], $0xffff;
	v18 =	vmul.f32 $8.000000000e+00, v18  }
0x23e: {  	v61 =	vor.u32 v2, v16;
	[tilespmem:s29+$0xFFFFFF90] =	vst v26;
	v12 =	vld.idx.msk [tilespmem:v12+s16+$0x0], $0xffff;
	v14 =	vmul.f32 $8.000000000e+00, v14  }
0x23f: {  	v26 =	vor.u32 v0, v11;
	v31 =	vld.idx.msk [tilespmem:v31+s16+$0x0], $0xffff;
	[tilespmem:s29+$0x10] =	vst v18;
	v13 =	vmul.f32 $8.000000000e+00, v13  }
0x240: {  	v18 =	vmul.f32 $8.000000000e+00, v27;
	v27 =	vld.idx.msk [tilespmem:v33+s16+$0x0], $0xffff;
	[tilespmem:s29+$0x90] =	vst v14;
	v14 =	vor.u32 v3, v24  }
0x241: {  	v62 =	vor.u32 v3, v9;
	v28 =	vld.idx.msk [tilespmem:v28+s16+$0x0], $0xffff;
	[tilespmem:s29+$0x110] =	vst v13  }
0x242: {  	[tilespmem:s29+$0xFFFFFE10] =	vst v18;
	v13 =	vor.u32 v3, v19;
	v18 =	vld.idx.msk [tilespmem:v29+s16+$0x0], $0xffff;
	v29 =	vmul.f32 $8.000000000e+00, v30  }
0x243: {  	v63 =	vor.u32 v3, v20;
	s0 =	simm.s32 $0xB;
	v30 =	vld.idx.msk [tilespmem:v61+s16+$0x0], $0xffff;
	v15 =	vmul.f32 $8.000000000e+00, v15  }
0x244: {  	v36 =	vor.u32 v3, v23;
	v34 =	vmov s0;
	v35 =	vmul.f32 $8.000000000e+00, v12;
	v26 =	vld.idx.msk [tilespmem:v26+s16+$0x0], $0xffff;
	[tilespmem:s29+$0x1A0] =	vst v29  }
0x245: {  	v12 =	vand.u32 $0x7B, v34;
	[tilespmem:s29+$0xFFFFFEA0] =	vst v15;
	v15 =	vmul.f32 $8.000000000e+00, v31;
	v29 =	vor.u32 v3, v21;
	v14 =	vld.idx.msk [tilespmem:v14+s16+$0x0], $0xffff  }
0x246: {  	v40 =	vor.u32 v3, v22;
	v12 =	vbroadcast v12, $0x0;
	v31 =	vld.idx.msk [tilespmem:v62+s16+$0x0], $0xffff;
	[tilespmem:s29+$0xFFFFFF20] =	vst v35;
	v27 =	vmul.f32 $8.000000000e+00, v27  }
0x247: {  	v41 =	vor.u32 v3, v16;
	v13 =	vld.idx.msk [tilespmem:v13+s16+$0x0], $0xffff;
	[tilespmem:s29+$0xFFFFFFA0] =	vst v15;
	v15 =	vmul.f32 $8.000000000e+00, v28  }
0x248: {  	v28 =	vor.u32 v0, v12;
	v32 =	vld.idx.msk [tilespmem:v63+s16+$0x0], $0xffff;
	[tilespmem:s29+$0x20] =	vst v27;
	v18 =	vmul.f32 $8.000000000e+00, v18  }
0x249: {  	v27 =	vmul.f32 $8.000000000e+00, v30;
	v30 =	vld.idx.msk [tilespmem:v36+s16+$0x0], $0xffff;
	[tilespmem:s29+$0xA0] =	vst v15;
	v15 =	vor.u32 v4, v24  }
0x24a: {  	v42 =	vor.u32 v4, v9;
	v43 =	vld.idx.msk [tilespmem:v29+s16+$0x0], $0xffff;
	[tilespmem:s29+$0x120] =	vst v18  }
0x24b: {  	[tilespmem:s29+$0xFFFFFE20] =	vst v27;
	v18 =	vor.u32 v4, v19;
	v27 =	vld.idx.msk [tilespmem:v40+s16+$0x0], $0xffff;
	v14 =	vmul.f32 $8.000000000e+00, v14  }
0x24c: {  	v45 =	vor.u32 v4, v20;
	s0 =	simm.s32 $0xC;
	v44 =	vld.idx.msk [tilespmem:v41+s16+$0x0], $0xffff;
	v31 =	vmul.f32 $8.000000000e+00, v31  }
0x24d: {  	v37 =	vor.u32 v4, v23;
	v29 =	vld.idx.msk [tilespmem:v28+s16+$0x0], $0xffff;
	v28 =	vmov s0;
	v13 =	vmul.f32 $8.000000000e+00, v13;
	[tilespmem:s29+$0x1B0] =	vst v14  }
0x24e: {  	v14 =	vand.u32 $0x7C, v28;
	[tilespmem:s29+$0xFFFFFEB0] =	vst v31;
	v28 =	vmul.f32 $8.000000000e+00, v32;
	v31 =	vor.u32 v4, v21;
	v15 =	vld.idx.msk [tilespmem:v15+s16+$0x0], $0xffff  }
0x24f: {  	v14 =	vbroadcast v14, $0x0;
	v46 =	vld.idx.msk [tilespmem:v42+s16+$0x0], $0xffff;
	[tilespmem:s29+$0xFFFFFF30] =	vst v13;
	v13 =	vmul.f32 $8.000000000e+00, v30;
	v30 =	vor.u32 v4, v22  }
0x250: {  	v47 =	vor.u32 v4, v16;
	v18 =	vld.idx.msk [tilespmem:v18+s16+$0x0], $0xffff;
	[tilespmem:s29+$0xFFFFFFB0] =	vst v28;
	v28 =	vmul.f32 $8.000000000e+00, v43  }
0x251: {  	v48 =	vor.u32 v0, v14;
	v34 =	vld.idx.msk [tilespmem:v45+s16+$0x0], $0xffff;
	[tilespmem:s29+$0x30] =	vst v13;
	v13 =	vmul.f32 $8.000000000e+00, v27  }
0x252: {  	v27 =	vmul.f32 $8.000000000e+00, v44;
	v49 =	vld.idx.msk [tilespmem:v37+s16+$0x0], $0xffff;
	[tilespmem:s29+$0xB0] =	vst v28;
	v28 =	vor.u32 v5, v24  }
0x253: {  	v50 =	vor.u32 v5, v9;
	v26 =	vmul.f32 $8.000000000e+00, v26;
	v31 =	vld.idx.msk [tilespmem:v31+s16+$0x0], $0xffff;
	[tilespmem:s29+$0x130] =	vst v13  }
0x254: {  	s30 =	simm.s32 $0xA200;
	[tilespmem:s29+$0xFFFFFE30] =	vst v27;
	v13 =	vor.u32 v5, v19;
	v27 =	vld.idx.msk [tilespmem:v30+s16+$0x0], $0xffff;
	v15 =	vmul.f32 $8.000000000e+00, v15  }
0x255: {  	v38 =	vor.u32 v5, v20;
	s0 =	simm.s32 $0xD;
	[tilespmem:s30+$0xFFFFFF00] =	vst v26;
	v35 =	vld.idx.msk [tilespmem:v47+s16+$0x0], $0xffff;
	v32 =	vmul.f32 $8.000000000e+00, v46  }
0x256: {  	v39 =	vor.u32 v5, v23;
	v51 =	vmov s0;
	v18 =	vmul.f32 $8.000000000e+00, v18;
	v30 =	vld.idx.msk [tilespmem:v48+s16+$0x0], $0xffff;
	[tilespmem:s29+$0x1C0] =	vst v15  }
0x257: {  	v53 =	vor.u32 v5, v21;
	v15 =	vand.u32 $0x7D, v51;
	[tilespmem:s29+$0xFFFFFEC0] =	vst v32;
	v52 =	vmul.f32 $8.000000000e+00, v34;
	v28 =	vld.idx.msk [tilespmem:v28+s16+$0x0], $0xffff  }
0x258: {  	v55 =	vor.u32 v5, v22;
	v15 =	vbroadcast v15, $0x0;
	v54 =	vld.idx.msk [tilespmem:v50+s16+$0x0], $0xffff;
	[tilespmem:s29+$0xFFFFFF40] =	vst v18;
	v18 =	vmul.f32 $8.000000000e+00, v49  }
0x259: {  	v56 =	vor.u32 v5, v16;
	s0 =	simm.s32 $0xE;
	v13 =	vld.idx.msk [tilespmem:v13+s16+$0x0], $0xffff;
	[tilespmem:s29+$0xFFFFFFC0] =	vst v52;
	v31 =	vmul.f32 $8.000000000e+00, v31  }
0x25a: {  	v60 =	vmov s0;
	v57 =	vor.u32 v0, v15;
	v38 =	vld.idx.msk [tilespmem:v38+s16+$0x0], $0xffff;
	[tilespmem:s29+$0x40] =	vst v18;
	v18 =	vmul.f32 $8.000000000e+00, v27  }
0x25b: {  	v33 =	vand.u32 $0x7E, v60;
	v60 =	vor.u32 v1, v14;
	v27 =	vmul.f32 $8.000000000e+00, v35;
	v58 =	vld.idx.msk [tilespmem:v39+s16+$0x0], $0xffff;
	[tilespmem:s29+$0xC0] =	vst v31  }
0x25c: {  	v31 =	vor.u32 v6, v24;
	v34 =	vld.idx.msk [tilespmem:v53+s16+$0x0], $0xffff;
	[tilespmem:s29+$0x140] =	vst v18;
	v26 =	vmul.f32 $8.000000000e+00, v30  }
0x25d: {  	v59 =	vor.u32 v6, v9;
	[tilespmem:s29+$0xFFFFFE40] =	vst v27;
	v27 =	vld.idx.msk [tilespmem:v55+s16+$0x0], $0xffff;
	v28 =	vmul.f32 $8.000000000e+00, v28  }
0x25e: {  	s0 =	simm.s32 $0xF;
	v18 =	vor.u32 v6, v19;
	v37 =	vld.idx.msk [tilespmem:v56+s16+$0x0], $0xffff;
	v36 =	vmul.f32 $8.000000000e+00, v54;
	[tilespmem:s30+$0x0] =	vst v26  }
0x25f: {  	v40 =	vor.u32 v6, v20;
	v62 =	vmov s0;
	v32 =	vld.idx.msk [tilespmem:v57+s16+$0x0], $0xffff;
	[tilespmem:s29+$0x1D0] =	vst v28  }
0x260: {  	v42 =	vor.u32 v6, v23;
	v41 =	vmul.f32 $8.000000000e+00, v13;
	[tilespmem:s29+$0xFFFFFED0] =	vst v36;
	v36 =	vand.u32 $0x7F, v62;
	v62 =	vld.idx.msk [tilespmem:v60+s16+$0x0], $0xffff  }
0x261: {  	v61 =	vor.u32 v6, v21;
	v28 =	vmul.f32 $8.000000000e+00, v38;
	v31 =	vld.idx.msk [tilespmem:v31+s16+$0x0], $0xffff  }
0x262: {  	v45 =	vor.u32 v6, v22;
	v13 =	vbroadcast v33, $0x0;
	v63 =	vld.idx.msk [tilespmem:v59+s16+$0x0], $0xffff;
	[tilespmem:s29+$0xFFFFFF50] =	vst v41;
	v35 =	vmul.f32 $8.000000000e+00, v58  }
0x263: {  	v46 =	vor.u32 v6, v16;
	v43 =	vld.idx.msk [tilespmem:v18+s16+$0x0], $0xffff;
	[tilespmem:s29+$0xFFFFFFD0] =	vst v28;
	v28 =	vmul.f32 $8.000000000e+00, v34  }
0x264: {  	v47 =	vor.u32 v0, v13;
	v18 =	vbroadcast v36, $0x0;
	v48 =	vld.idx.msk [tilespmem:v40+s16+$0x0], $0xffff;
	[tilespmem:s29+$0x50] =	vst v35;
	v27 =	vmul.f32 $8.000000000e+00, v27  }
0x265: {  	v24 =	vor.u32 v7, v24;
	v49 =	vmul.f32 $8.000000000e+00, v37;
	v50 =	vld.idx.msk [tilespmem:v42+s16+$0x0], $0xffff;
	[tilespmem:s29+$0xD0] =	vst v28  }
0x266: {  	v28 =	vor.u32 v0, v18;
	v33 =	vld.idx.msk [tilespmem:v61+s16+$0x0], $0xffff;
	[tilespmem:s29+$0x150] =	vst v27  }
0x267: {  	[tilespmem:s29+$0xFFFFFE50] =	vst v49;
	v27 =	vor.u32 v7, v9;
	v51 =	vld.idx.msk [tilespmem:v45+s16+$0x0], $0xffff;
	v9 =	vmul.f32 $8.000000000e+00, v31  }
0x268: {  	v19 =	vor.u32 v7, v19;
	v31 =	vld.idx.msk [tilespmem:v46+s16+$0x0], $0xffff  }
0x269: {  	v20 =	vor.u32 v7, v20;
	v38 =	vmul.f32 $8.000000000e+00, v63;
	v34 =	vld.idx.msk [tilespmem:v47+s16+$0x0], $0xffff;
	[tilespmem:s29+$0x1E0] =	vst v9  }
0x26a: {  	v23 =	vor.u32 v7, v23;
	v9 =	vmul.f32 $8.000000000e+00, v43;
	v53 =	vld.idx.msk [tilespmem:v24+s16+$0x0], $0xffff  }
0x26b: {  	v21 =	vor.u32 v7, v21;
	[tilespmem:s29+$0xFFFFFEE0] =	vst v38;
	v24 =	vmul.f32 $8.000000000e+00, v48;
	v28 =	vld.idx.msk [tilespmem:v28+s16+$0x0], $0xffff  }
0x26c: {  	v22 =	vor.u32 v7, v22;
	v37 =	vmul.f32 $8.000000000e+00, v50;
	[tilespmem:s29+$0xFFFFFF60] =	vst v9;
	v55 =	vld.idx.msk [tilespmem:v27+s16+$0x0], $0xffff  }
0x26d: {  	v16 =	vor.u32 v7, v16;
	[tilespmem:s29+$0xFFFFFFE0] =	vst v24;
	v24 =	vmul.f32 $8.000000000e+00, v33;
	v56 =	vld.idx.msk [tilespmem:v19+s16+$0x0], $0xffff  }
0x26e: {  	s0 =	simm.s32 $0x10;
	v30 =	vor.u32 v1, v13;
	[tilespmem:s29+$0x60] =	vst v37;
	v19 =	vmul.f32 $8.000000000e+00, v51;
	v58 =	vld.idx.msk [tilespmem:v20+s16+$0x0], $0xffff  }
0x26f: {  	v52 =	vmov s0;
	v20 =	vmul.f32 $8.000000000e+00, v31;
	v31 =	vor.u32 v1, v18;
	[tilespmem:s29+$0xE0] =	vst v24;
	v24 =	vld.idx.msk [tilespmem:v23+s16+$0x0], $0xffff  }
0x270: {  	v54 =	vand.u32 $0x78, v52;
	v26 =	vmul.f32 $8.000000000e+00, v34;
	[tilespmem:s29+$0x160] =	vst v19;
	v23 =	vor.u32 v1, v10;
	v27 =	vld.idx.msk [tilespmem:v21+s16+$0x0], $0xffff  }
0x271: {  	s0 =	simm.s32 $0x11;
	v9 =	vbroadcast v54, $0x0;
	[tilespmem:s29+$0xFFFFFE60] =	vst v20;
	v20 =	vor.u32 v1, v11;
	v21 =	vmul.f32 $8.000000000e+00, v28;
	v28 =	vld.idx.msk [tilespmem:v22+s16+$0x0], $0xffff  }
0x272: {  	v59 =	vor.u32 v1, v12;
	[tilespmem:s30+$0x100] =	vst v26;
	v22 =	vmul.f32 $8.000000000e+00, v25;
	v25 =	vld.idx.msk [tilespmem:v16+s16+$0x0], $0xffff;
	v16 =	vmov s0  }
0x273: {  	v57 =	vor.u32 v0, v9;
	v30 =	vld.idx.msk [tilespmem:v30+s16+$0x0], $0xffff;
	[tilespmem:s30+$0x180] =	vst v21;
	v16 =	vand.u32 $0x79, v16  }
0x274: {  	[tilespmem:s30+$0xFFFFFE80] =	vst v22;
	v21 =	vmul.f32 $8.000000000e+00, v29;
	v22 =	vor.u32 v1, v15;
	v29 =	vld.idx.msk [tilespmem:v31+s16+$0x0], $0xffff;
	v16 =	vbroadcast v16, $0x0  }
0x275: {  	v19 =	vmul.f32 $8.000000000e+00, v53;
	v31 =	vor.u32 v1, v8;
	v23 =	vld.idx.msk [tilespmem:v23+s16+$0x0], $0xffff  }
0x276: {  	[tilespmem:s30+$0xFFFFFF80] =	vst v21;
	v21 =	vmul.f32 $8.000000000e+00, v32;
	v20 =	vld.idx.msk [tilespmem:v20+s16+$0x0], $0xffff;
	v61 =	vor.u32 v0, v16  }
0x277: {  	v17 =	vmul.f32 $8.000000000e+00, v17;
	v63 =	vor.u32 v2, v18;
	[tilespmem:s29+$0x1F0] =	vst v19;
	v38 =	vld.idx.msk [tilespmem:v59+s16+$0x0], $0xffff  }
0x278: {  	v42 =	vor.u32 v2, v10;
	v19 =	vld.idx.msk [tilespmem:v57+s16+$0x0], $0xffff;
	[tilespmem:s30+$0x80] =	vst v21;
	v21 =	vmul.f32 $8.000000000e+00, v55  }
0x279: {  	[tilespmem:s30+$0xFFFFFE00] =	vst v17;
	v26 =	vor.u32 v2, v11;
	v22 =	vld.idx.msk [tilespmem:v22+s16+$0x0], $0xffff;
	v17 =	vmul.f32 $8.000000000e+00, v29  }
0x27a: {  	s0 =	simm.s32 $0x12;
	v29 =	vld.idx.msk [tilespmem:v31+s16+$0x0], $0xffff;
	v31 =	vor.u32 v2, v12;
	[tilespmem:s29+$0xFFFFFEF0] =	vst v21;
	v23 =	vmul.f32 $8.000000000e+00, v23  }
0x27b: {  	v44 =	vor.u32 v2, v14;
	v43 =	vmov s0;
	v21 =	vld.idx.msk [tilespmem:v61+s16+$0x0], $0xffff;
	v20 =	vmul.f32 $8.000000000e+00, v20;
	[tilespmem:s30+$0x190] =	vst v17  }
0x27c: {  	v45 =	vor.u32 v2, v15;
	v17 =	vand.u32 $0x7A, v43;
	[tilespmem:s30+$0xFFFFFE90] =	vst v23;
	v23 =	vmul.f32 $8.000000000e+00, v38;
	v35 =	vld.idx.msk [tilespmem:v63+s16+$0x0], $0xffff  }
0x27d: {  	v47 =	vor.u32 v2, v8;
	v17 =	vbroadcast v17, $0x0;
	v36 =	vld.idx.msk [tilespmem:v42+s16+$0x0], $0xffff;
	[tilespmem:s30+$0xFFFFFF10] =	vst v20;
	v20 =	vmul.f32 $8.000000000e+00, v62  }
0x27e: {  	v46 =	vor.u32 v2, v13;
	v22 =	vmul.f32 $8.000000000e+00, v22;
	v26 =	vld.idx.msk [tilespmem:v26+s16+$0x0], $0xffff;
	[tilespmem:s30+$0xFFFFFF90] =	vst v23  }
0x27f: {  	v23 =	vor.u32 v0, v17;
	v29 =	vmul.f32 $8.000000000e+00, v29;
	v31 =	vld.idx.msk [tilespmem:v31+s16+$0x0], $0xffff;
	[tilespmem:s30+$0x10] =	vst v20  }
0x280: {  	v20 =	vmul.f32 $8.000000000e+00, v30;
	[tilespmem:s30+$0x90] =	vst v22;
	v22 =	vor.u32 v3, v18;
	v30 =	vld.idx.msk [tilespmem:v44+s16+$0x0], $0xffff  }
0x281: {  	v48 =	vor.u32 v3, v10;
	v33 =	vmul.f32 $8.000000000e+00, v56;
	v32 =	vld.idx.msk [tilespmem:v45+s16+$0x0], $0xffff;
	[tilespmem:s30+$0xFFFFFE10] =	vst v29  }
0x282: {  	v29 =	vor.u32 v3, v11;
	[tilespmem:s30+$0x110] =	vst v20;
	v20 =	vmul.f32 $8.000000000e+00, v35;
	v49 =	vld.idx.msk [tilespmem:v47+s16+$0x0], $0xffff  }
0x283: {  	v50 =	vor.u32 v3, v12;
	s0 =	simm.s32 $0x13;
	[tilespmem:s29+$0xFFFFFF70] =	vst v33;
	v34 =	vld.idx.msk [tilespmem:v46+s16+$0x0], $0xffff;
	v36 =	vmul.f32 $8.000000000e+00, v36  }
0x284: {  	v52 =	vor.u32 v3, v14;
	v51 =	vmov s0;
	v23 =	vld.idx.msk [tilespmem:v23+s16+$0x0], $0xffff;
	v26 =	vmul.f32 $8.000000000e+00, v26;
	[tilespmem:s30+$0x1A0] =	vst v20  }
0x285: {  	v53 =	vor.u32 v3, v15;
	v20 =	vand.u32 $0x7B, v51;
	[tilespmem:s30+$0xFFFFFEA0] =	vst v36;
	v31 =	vmul.f32 $8.000000000e+00, v31;
	v22 =	vld.idx.msk [tilespmem:v22+s16+$0x0], $0xffff  }
0x286: {  	v54 =	vor.u32 v3, v8;
	v20 =	vbroadcast v20, $0x0;
	v36 =	vld.idx.msk [tilespmem:v48+s16+$0x0], $0xffff;
	[tilespmem:s30+$0xFFFFFF20] =	vst v26;
	v26 =	vmul.f32 $8.000000000e+00, v30  }
0x287: {  	v30 =	vor.u32 v3, v13;
	v29 =	vld.idx.msk [tilespmem:v29+s16+$0x0], $0xffff;
	[tilespmem:s30+$0xFFFFFFA0] =	vst v31;
	v31 =	vmul.f32 $8.000000000e+00, v32  }
0x288: {  	v55 =	vor.u32 v0, v20;
	v56 =	vmul.f32 $8.000000000e+00, v49;
	v38 =	vld.idx.msk [tilespmem:v50+s16+$0x0], $0xffff;
	[tilespmem:s30+$0x20] =	vst v26  }
0x289: {  	v26 =	vmul.f32 $8.000000000e+00, v34;
	v57 =	vld.idx.msk [tilespmem:v52+s16+$0x0], $0xffff;
	[tilespmem:s30+$0xA0] =	vst v31;
	v31 =	vor.u32 v4, v18  }
0x28a: {  	v37 =	vmul.f32 $8.000000000e+00, v58;
	v58 =	vor.u32 v4, v10;
	[tilespmem:s30+$0xFFFFFE20] =	vst v56;
	v33 =	vld.idx.msk [tilespmem:v53+s16+$0x0], $0xffff  }
0x28b: {  	v59 =	vor.u32 v4, v11;
	[tilespmem:s30+$0x120] =	vst v26;
	v22 =	vmul.f32 $8.000000000e+00, v22;
	v39 =	vld.idx.msk [tilespmem:v54+s16+$0x0], $0xffff  }
0x28c: {  	v60 =	vor.u32 v4, v12;
	s0 =	simm.s32 $0x14;
	[tilespmem:s29+$0xFFFFFFF0] =	vst v37;
	v30 =	vld.idx.msk [tilespmem:v30+s16+$0x0], $0xffff;
	v36 =	vmul.f32 $8.000000000e+00, v36  }
0x28d: {  	v61 =	vmov s0;
	v62 =	vor.u32 v4, v14;
	v26 =	vld.idx.msk [tilespmem:v55+s16+$0x0], $0xffff;
	v29 =	vmul.f32 $8.000000000e+00, v29;
	[tilespmem:s30+$0x1B0] =	vst v22  }
0x28e: {  	v44 =	vor.u32 v4, v15;
	v22 =	vand.u32 $0x7C, v61;
	[tilespmem:s30+$0xFFFFFEB0] =	vst v36;
	v63 =	vmul.f32 $8.000000000e+00, v38;
	v31 =	vld.idx.msk [tilespmem:v31+s16+$0x0], $0xffff  }
0x28f: {  	v46 =	vor.u32 v4, v13;
	v22 =	vbroadcast v22, $0x0;
	v45 =	vld.idx.msk [tilespmem:v58+s16+$0x0], $0xffff;
	[tilespmem:s30+$0xFFFFFF30] =	vst v29;
	v29 =	vmul.f32 $8.000000000e+00, v57  }
0x290: {  	v47 =	vor.u32 v4, v8;
	v34 =	vld.idx.msk [tilespmem:v59+s16+$0x0], $0xffff;
	[tilespmem:s30+$0xFFFFFFB0] =	vst v63;
	v48 =	vmul.f32 $8.000000000e+00, v33  }
0x291: {  	v49 =	vor.u32 v0, v22;
	v41 =	vld.idx.msk [tilespmem:v60+s16+$0x0], $0xffff;
	[tilespmem:s30+$0x30] =	vst v29;
	v29 =	vmul.f32 $8.000000000e+00, v30  }
0x292: {  	v50 =	vor.u32 v5, v18;
	v30 =	vmul.f32 $8.000000000e+00, v39;
	v37 =	vld.idx.msk [tilespmem:v62+s16+$0x0], $0xffff;
	[tilespmem:s30+$0xB0] =	vst v48  }
0x293: {  	v24 =	vmul.f32 $8.000000000e+00, v24;
	v51 =	vor.u32 v5, v10;
	v36 =	vld.idx.msk [tilespmem:v44+s16+$0x0], $0xffff;
	[tilespmem:s30+$0x130] =	vst v29  }
0x294: {  	[tilespmem:s30+$0xFFFFFE30] =	vst v30;
	v30 =	vor.u32 v5, v11;
	v35 =	vld.idx.msk [tilespmem:v46+s16+$0x0], $0xffff;
	v31 =	vmul.f32 $8.000000000e+00, v31  }
0x295: {  	[tilespmem:s29+$0x70] =	vst v24;
	s0 =	simm.s32 $0x15;
	v52 =	vor.u32 v5, v12;
	v40 =	vld.idx.msk [tilespmem:v47+s16+$0x0], $0xffff;
	v38 =	vmul.f32 $8.000000000e+00, v45  }
0x296: {  	v24 =	vmov s0;
	v54 =	vor.u32 v5, v14;
	v29 =	vld.idx.msk [tilespmem:v49+s16+$0x0], $0xffff;
	v53 =	vmul.f32 $8.000000000e+00, v34;
	[tilespmem:s30+$0x1C0] =	vst v31  }
0x297: {  	v24 =	vand.u32 $0x7D, v24;
	v55 =	vor.u32 v5, v15;
	[tilespmem:s30+$0xFFFFFEC0] =	vst v38;
	v31 =	vmul.f32 $8.000000000e+00, v41;
	v56 =	vld.idx.msk [tilespmem:v50+s16+$0x0], $0xffff  }
0x298: {  	v24 =	vbroadcast v24, $0x0;
	v58 =	vor.u32 v5, v13;
	v39 =	vld.idx.msk [tilespmem:v51+s16+$0x0], $0xffff;
	[tilespmem:s30+$0xFFFFFF40] =	vst v53;
	v57 =	vmul.f32 $8.000000000e+00, v37  }
0x299: {  	v44 =	vor.u32 v5, v8;
	v45 =	vld.idx.msk [tilespmem:v30+s16+$0x0], $0xffff;
	[tilespmem:s30+$0xFFFFFFC0] =	vst v31;
	v30 =	vmul.f32 $8.000000000e+00, v36  }
0x29a: {  	v31 =	vor.u32 v0, v24;
	v42 =	vld.idx.msk [tilespmem:v52+s16+$0x0], $0xffff;
	[tilespmem:s30+$0x40] =	vst v57;
	v59 =	vmul.f32 $8.000000000e+00, v35  }
0x29b: {  	v46 =	vor.u32 v6, v18;
	v60 =	vmul.f32 $8.000000000e+00, v40;
	v33 =	vld.idx.msk [tilespmem:v54+s16+$0x0], $0xffff;
	[tilespmem:s30+$0xC0] =	vst v30  }
0x29c: {  	v27 =	vmul.f32 $8.000000000e+00, v27;
	v28 =	vmul.f32 $8.000000000e+00, v28;
	v37 =	vor.u32 v6, v10;
	v30 =	vld.idx.msk [tilespmem:v55+s16+$0x0], $0xffff;
	[tilespmem:s30+$0x140] =	vst v59  }
0x29d: {  	v25 =	vmul.f32 $8.000000000e+00, v25;
	s0 =	simm.s32 $0x16;
	v35 =	vor.u32 v6, v11;
	[tilespmem:s30+$0xFFFFFE40] =	vst v60;
	v32 =	vld.idx.msk [tilespmem:v58+s16+$0x0], $0xffff;
	v61 =	vmul.f32 $8.000000000e+00, v56  }
0x29e: {  	[tilespmem:s29+$0xF0] =	vst v27;
	v62 =	vmov s0;
	v36 =	vor.u32 v6, v12;
	v34 =	vld.idx.msk [tilespmem:v44+s16+$0x0], $0xffff;
	v63 =	vmul.f32 $8.000000000e+00, v39  }
0x29f: {  	v27 =	vand.u32 $0x7E, v62;
	v39 =	vor.u32 v6, v14;
	v31 =	vld.idx.msk [tilespmem:v31+s16+$0x0], $0xffff;
	v41 =	vmul.f32 $8.000000000e+00, v45;
	[tilespmem:s30+$0x1D0] =	vst v61  }
0x2a0: {  	s31 =	simm.s32 $0x18;
	s0 =	simm.s32 $0x17;
	v27 =	vbroadcast v27, $0x0;
	v40 =	vor.u32 v6, v15;
	[tilespmem:s30+$0xFFFFFED0] =	vst v63;
	v42 =	vmul.f32 $8.000000000e+00, v42;
	v38 =	vld.idx.msk [tilespmem:v46+s16+$0x0], $0xffff  }
.LBB2_6:
0x2a1: {  	p0 =	slt.u32 s31, $0x38;
	v43 =	vmov s0;
	v37 =	vld.idx.msk [tilespmem:v37+s16+$0x0], $0xffff;
	[tilespmem:s30+$0xFFFFFF50] =	vst v41;
	v33 =	vmul.f32 $8.000000000e+00, v33;
	v41 =	vor.u32 v6, v13  }
0x2a2: {  	v44 =	vor.u32 v6, v8;
	v30 =	vmul.f32 $8.000000000e+00, v30;
	v43 =	vand.u32 $0x7F, v43;
	v35 =	vld.idx.msk [tilespmem:v35+s16+$0x0], $0xffff;
	[tilespmem:s30+$0xFFFFFFD0] =	vst v42  }
0x2a3: {  	v42 =	vor.u32 v0, v27;
	v32 =	vmul.f32 $8.000000000e+00, v32;
	v43 =	vbroadcast v43, $0x0;
	v36 =	vld.idx.msk [tilespmem:v36+s16+$0x0], $0xffff;
	[tilespmem:s30+$0x50] =	vst v33  }
0x2a4: {  	v33 =	vmul.f32 $8.000000000e+00, v34;
	v34 =	vld.idx.msk [tilespmem:v39+s16+$0x0], $0xffff;
	[tilespmem:s30+$0xD0] =	vst v30;
	v30 =	vor.u32 v7, v18  }
0x2a5: {  	v39 =	vor.u32 v0, v43;
	v40 =	vld.idx.msk [tilespmem:v40+s16+$0x0], $0xffff;
	[tilespmem:s30+$0x150] =	vst v32;
	v18 =	vmov v43  }
0x2a6: {  	v32 =	vor.u32 v7, v10;
	v38 =	vmul.f32 $8.000000000e+00, v38;
	v10 =	vmov v16;
	[tilespmem:s30+$0xFFFFFE50] =	vst v33;
	v33 =	vld.idx.msk [tilespmem:v41+s16+$0x0], $0xffff  }
0x2a7: {  	v37 =	vmul.f32 $8.000000000e+00, v37;
	v41 =	vor.u32 v7, v11;
	v11 =	vmov v17;
	v16 =	vld.idx.msk [tilespmem:v44+s16+$0x0], $0xffff;
	[tilespmem:s29+$0x170] =	vst v28  }
0x2a8: {  	v28 =	vmul.f32 $8.000000000e+00, v35;
	v35 =	vor.u32 v7, v12;
	v12 =	vmov v20;
	v17 =	vld.idx.msk [tilespmem:v42+s16+$0x0], $0xffff;
	[tilespmem:s30+$0x1E0] =	vst v38  }
0x2a9: {  	v20 =	vmov s31;
	v36 =	vmul.f32 $8.000000000e+00, v36;
	[tilespmem:s30+$0xFFFFFEE0] =	vst v37;
	v37 =	vor.u32 v7, v14;
	v30 =	vld.idx.msk [tilespmem:v30+s16+$0x0], $0xffff;
	v14 =	vmovc v22  }
0x2aa: {  	v20 =	vand.u32 $0x78, v20;
	v22 =	vld.idx.msk [tilespmem:v39+s16+$0x0], $0xffff;
	[tilespmem:s30+$0xFFFFFF60] =	vst v28;
	v28 =	vmul.f32 $8.000000000e+00, v34;
	v34 =	vor.u32 v7, v15;
	v15 =	vmovc v24  }
0x2ab: {  	v20 =	vbroadcast v20, $0x0;
	v24 =	vld.idx.msk [tilespmem:v32+s16+$0x0], $0xffff;
	[tilespmem:s30+$0xFFFFFFE0] =	vst v36;
	v32 =	vmul.f32 $8.000000000e+00, v40;
	v36 =	vor.u32 v7, v13;
	v13 =	vmovc v27  }
0x2ac: {  	v27 =	vor.u32 v7, v8;
	v8 =	vmov v9;
	v38 =	vld.idx.msk [tilespmem:v41+s16+$0x0], $0xffff;
	[tilespmem:s30+$0x60] =	vst v28;
	v28 =	vmul.f32 $8.000000000e+00, v33  }
0x2ad: {  	s0 =	sadd.s32 $0x1, s31;
	v9 =	vmov v20;
	v33 =	vor.u32 v0, v20;
	v16 =	vmul.f32 $8.000000000e+00, v16;
	v35 =	vld.idx.msk [tilespmem:v35+s16+$0x0], $0xffff;
	[tilespmem:s30+$0xE0] =	vst v32  }
0x2ae: {  	v20 =	vmov s0;
	v32 =	vor.u32 v1, v18;
	v37 =	vld.idx.msk [tilespmem:v37+s16+$0x0], $0xffff;
	[tilespmem:s30+$0x160] =	vst v28  }
0x2af: {  	v20 =	vand.u32 $0x79, v20;
	v28 =	vor.u32 v1, v10;
	v30 =	vmul.f32 $8.000000000e+00, v30;
	[tilespmem:s30+$0xFFFFFE60] =	vst v16;
	v34 =	vld.idx.msk [tilespmem:v34+s16+$0x0], $0xffff  }
0x2b0: {  	v16 =	vbroadcast v20, $0x0;
	v20 =	vor.u32 v1, v11;
	v22 =	vmul.f32 $8.000000000e+00, v22;
	v36 =	vld.idx.msk [tilespmem:v36+s16+$0x0], $0xffff;
	[tilespmem:s29+$0xFFFFFE70] =	vst v25;
	s29 =	smov.u32 s30  }
0x2b1: {  	v21 =	vmul.f32 $8.000000000e+00, v21;
	v25 =	vor.u32 v1, v12;
	v40 =	vmul.f32 $8.000000000e+00, v24;
	s30 =	sadd.s32 $0x400, s30;
	v39 =	vld.idx.msk [tilespmem:v27+s16+$0x0], $0xffff;
	[tilespmem:s29+$0x1F0] =	vst v30  }
0x2b2: {  	v23 =	vmul.f32 $8.000000000e+00, v23;
	v38 =	vmul.f32 $8.000000000e+00, v38;
	v30 =	vld.idx.msk [tilespmem:v33+s16+$0x0], $0xffff;
	v33 =	vor.u32 v1, v14;
	[tilespmem:s30+$0x180] =	vst v22  }
0x2b3: {  	v22 =	vmul.f32 $8.000000000e+00, v35;
	[tilespmem:s30+$0xFFFFFE80] =	vst v21;
	v21 =	vmul.f32 $8.000000000e+00, v26;
	v26 =	vor.u32 v1, v15;
	v32 =	vld.idx.msk [tilespmem:v32+s16+$0x0], $0xffff  }
0x2b4: {  	v24 =	vmul.f32 $8.000000000e+00, v37;
	v35 =	vld.idx.msk [tilespmem:v28+s16+$0x0], $0xffff;
	[tilespmem:s30+$0xFFFFFF00] =	vst v23;
	v23 =	vmul.f32 $8.000000000e+00, v29;
	v29 =	vor.u32 v1, v13  }
0x2b5: {  	v37 =	vor.u32 v1, v8;
	v27 =	vmul.f32 $8.000000000e+00, v34;
	v20 =	vld.idx.msk [tilespmem:v20+s16+$0x0], $0xffff;
	[tilespmem:s30+$0xFFFFFF80] =	vst v21;
	v21 =	vmul.f32 $8.000000000e+00, v31  }
0x2b6: {  	v17 =	vmul.f32 $8.000000000e+00, v17;
	v31 =	vor.u32 v0, v16;
	v28 =	vmul.f32 $8.000000000e+00, v36;
	v34 =	vld.idx.msk [tilespmem:v25+s16+$0x0], $0xffff;
	[tilespmem:s30+$0x0] =	vst v23  }
0x2b7: {  	v36 =	vor.u32 v2, v18;
	v23 =	vmul.f32 $8.000000000e+00, v19;
	v25 =	vmul.f32 $8.000000000e+00, v39;
	v33 =	vld.idx.msk [tilespmem:v33+s16+$0x0], $0xffff;
	[tilespmem:s30+$0x80] =	vst v21  }
0x2b8: {  	v39 =	vor.u32 v2, v10;
	v19 =	vmov v30;
	v26 =	vld.idx.msk [tilespmem:v26+s16+$0x0], $0xffff;
	[tilespmem:s30+$0x100] =	vst v17  }
0x2b9: {  	v17 =	vmul.f32 $8.000000000e+00, v32;
	[tilespmem:s30+$0xFFFFFE00] =	vst v23;
	v23 =	vor.u32 v2, v11;
	v29 =	vld.idx.msk [tilespmem:v29+s16+$0x0], $0xffff  }
0x2ba: {  	s0 =	sadd.s32 $0x2, s31;
	v32 =	vmul.f32 $8.000000000e+00, v35;
	v35 =	vor.u32 v2, v12;
	v30 =	vld.idx.msk [tilespmem:v37+s16+$0x0], $0xffff;
	[tilespmem:s29+$0xFFFFFEF0] =	vst v40  }
0x2bb: {  	v20 =	vmul.f32 $8.000000000e+00, v20;
	v37 =	vor.u32 v2, v14;
	v21 =	vld.idx.msk [tilespmem:v31+s16+$0x0], $0xffff;
	v31 =	vmov s0;
	[tilespmem:s30+$0x190] =	vst v17  }
0x2bc: {  	v17 =	vand.u32 $0x7A, v31;
	[tilespmem:s30+$0xFFFFFE90] =	vst v32;
	v31 =	vmul.f32 $8.000000000e+00, v34;
	v32 =	vor.u32 v2, v15;
	v34 =	vld.idx.msk [tilespmem:v36+s16+$0x0], $0xffff  }
0x2bd: {  	v17 =	vbroadcast v17, $0x0;
	v36 =	vld.idx.msk [tilespmem:v39+s16+$0x0], $0xffff;
	[tilespmem:s30+$0xFFFFFF10] =	vst v20;
	v20 =	vmul.f32 $8.000000000e+00, v33;
	v33 =	vor.u32 v2, v13  }
0x2be: {  	v39 =	vor.u32 v2, v8;
	v40 =	vld.idx.msk [tilespmem:v23+s16+$0x0], $0xffff;
	[tilespmem:s30+$0xFFFFFF90] =	vst v31;
	v23 =	vmul.f32 $8.000000000e+00, v26  }
0x2bf: {  	v26 =	vor.u32 v0, v17;
	v31 =	vld.idx.msk [tilespmem:v35+s16+$0x0], $0xffff;
	[tilespmem:s30+$0x10] =	vst v20;
	v20 =	vmul.f32 $8.000000000e+00, v29  }
0x2c0: {  	v29 =	vmul.f32 $8.000000000e+00, v30;
	v35 =	vor.u32 v3, v18;
	v30 =	vld.idx.msk [tilespmem:v37+s16+$0x0], $0xffff;
	[tilespmem:s30+$0x90] =	vst v23  }
0x2c1: {  	v37 =	vor.u32 v3, v10;
	v32 =	vld.idx.msk [tilespmem:v32+s16+$0x0], $0xffff;
	[tilespmem:s30+$0x110] =	vst v20  }
0x2c2: {  	v20 =	vmul.f32 $8.000000000e+00, v34;
	[tilespmem:s30+$0xFFFFFE10] =	vst v29;
	v29 =	vor.u32 v3, v11;
	v33 =	vld.idx.msk [tilespmem:v33+s16+$0x0], $0xffff  }
0x2c3: {  	s0 =	sadd.s32 $0x3, s31;
	v36 =	vmul.f32 $8.000000000e+00, v36;
	v34 =	vld.idx.msk [tilespmem:v39+s16+$0x0], $0xffff;
	v39 =	vor.u32 v3, v12;
	[tilespmem:s29+$0xFFFFFF70] =	vst v38  }
0x2c4: {  	v38 =	vmul.f32 $8.000000000e+00, v40;
	v40 =	vor.u32 v3, v14;
	v23 =	vld.idx.msk [tilespmem:v26+s16+$0x0], $0xffff;
	v26 =	vmov s0;
	[tilespmem:s30+$0x1A0] =	vst v20  }
0x2c5: {  	v20 =	vand.u32 $0x7B, v26;
	[tilespmem:s30+$0xFFFFFEA0] =	vst v36;
	v26 =	vmul.f32 $8.000000000e+00, v31;
	v31 =	vor.u32 v3, v15;
	v35 =	vld.idx.msk [tilespmem:v35+s16+$0x0], $0xffff  }
0x2c6: {  	v30 =	vmul.f32 $8.000000000e+00, v30;
	v20 =	vbroadcast v20, $0x0;
	v36 =	vld.idx.msk [tilespmem:v37+s16+$0x0], $0xffff;
	[tilespmem:s30+$0xFFFFFF20] =	vst v38;
	v37 =	vor.u32 v3, v13  }
0x2c7: {  	v38 =	vor.u32 v3, v8;
	v29 =	vld.idx.msk [tilespmem:v29+s16+$0x0], $0xffff;
	[tilespmem:s30+$0xFFFFFFA0] =	vst v26;
	v26 =	vmul.f32 $8.000000000e+00, v32  }
0x2c8: {  	v32 =	vor.u32 v0, v20;
	v39 =	vld.idx.msk [tilespmem:v39+s16+$0x0], $0xffff;
	[tilespmem:s30+$0x20] =	vst v30;
	v30 =	vmul.f32 $8.000000000e+00, v33  }
0x2c9: {  	v33 =	vmul.f32 $8.000000000e+00, v34;
	v34 =	vld.idx.msk [tilespmem:v40+s16+$0x0], $0xffff;
	[tilespmem:s30+$0xA0] =	vst v26;
	v40 =	vor.u32 v4, v18  }
0x2ca: {  	v41 =	vor.u32 v4, v10;
	v31 =	vld.idx.msk [tilespmem:v31+s16+$0x0], $0xffff;
	[tilespmem:s30+$0x120] =	vst v30  }
0x2cb: {  	v30 =	vor.u32 v4, v11;
	v35 =	vmul.f32 $8.000000000e+00, v35;
	[tilespmem:s30+$0xFFFFFE20] =	vst v33;
	v33 =	vld.idx.msk [tilespmem:v37+s16+$0x0], $0xffff  }
0x2cc: {  	s0 =	sadd.s32 $0x4, s31;
	v36 =	vmul.f32 $8.000000000e+00, v36;
	v37 =	vld.idx.msk [tilespmem:v38+s16+$0x0], $0xffff;
	v38 =	vor.u32 v4, v12;
	[tilespmem:s29+$0xFFFFFFF0] =	vst v22  }
0x2cd: {  	v22 =	vmov s0;
	v29 =	vmul.f32 $8.000000000e+00, v29;
	v26 =	vld.idx.msk [tilespmem:v32+s16+$0x0], $0xffff;
	v32 =	vor.u32 v4, v14;
	[tilespmem:s30+$0x1B0] =	vst v35  }
0x2ce: {  	v22 =	vand.u32 $0x7C, v22;
	v35 =	vmul.f32 $8.000000000e+00, v39;
	[tilespmem:s30+$0xFFFFFEB0] =	vst v36;
	v36 =	vor.u32 v4, v15;
	v39 =	vld.idx.msk [tilespmem:v40+s16+$0x0], $0xffff  }
0x2cf: {  	v22 =	vbroadcast v22, $0x0;
	v40 =	vld.idx.msk [tilespmem:v41+s16+$0x0], $0xffff;
	[tilespmem:s30+$0xFFFFFF30] =	vst v29;
	v29 =	vmul.f32 $8.000000000e+00, v34;
	v34 =	vor.u32 v4, v13  }
0x2d0: {  	v41 =	vor.u32 v4, v8;
	v31 =	vmul.f32 $8.000000000e+00, v31;
	v30 =	vld.idx.msk [tilespmem:v30+s16+$0x0], $0xffff;
	[tilespmem:s30+$0xFFFFFFB0] =	vst v35  }
0x2d1: {  	v35 =	vor.u32 v0, v22;
	v38 =	vld.idx.msk [tilespmem:v38+s16+$0x0], $0xffff;
	[tilespmem:s30+$0x30] =	vst v29;
	v29 =	vmul.f32 $8.000000000e+00, v33  }
0x2d2: {  	v33 =	vmul.f32 $8.000000000e+00, v37;
	v32 =	vld.idx.msk [tilespmem:v32+s16+$0x0], $0xffff;
	[tilespmem:s30+$0xB0] =	vst v31;
	v31 =	vor.u32 v5, v18  }
0x2d3: {  	v37 =	vor.u32 v5, v10;
	v36 =	vld.idx.msk [tilespmem:v36+s16+$0x0], $0xffff;
	[tilespmem:s30+$0x130] =	vst v29  }
0x2d4: {  	v39 =	vmul.f32 $8.000000000e+00, v39;
	[tilespmem:s30+$0xFFFFFE30] =	vst v33;
	v33 =	vor.u32 v5, v11;
	v34 =	vld.idx.msk [tilespmem:v34+s16+$0x0], $0xffff  }
0x2d5: {  	v42 =	vor.u32 v5, v12;
	s0 =	sadd.s32 $0x5, s31;
	v40 =	vmul.f32 $8.000000000e+00, v40;
	v41 =	vld.idx.msk [tilespmem:v41+s16+$0x0], $0xffff;
	[tilespmem:s29+$0x70] =	vst v24  }
0x2d6: {  	v24 =	vmov s0;
	v30 =	vmul.f32 $8.000000000e+00, v30;
	v29 =	vld.idx.msk [tilespmem:v35+s16+$0x0], $0xffff;
	v35 =	vor.u32 v5, v14;
	[tilespmem:s30+$0x1C0] =	vst v39  }
0x2d7: {  	v24 =	vand.u32 $0x7D, v24;
	v38 =	vmul.f32 $8.000000000e+00, v38;
	v39 =	vor.u32 v5, v15;
	[tilespmem:s30+$0xFFFFFEC0] =	vst v40;
	v31 =	vld.idx.msk [tilespmem:v31+s16+$0x0], $0xffff  }
0x2d8: {  	v24 =	vbroadcast v24, $0x0;
	v40 =	vld.idx.msk [tilespmem:v37+s16+$0x0], $0xffff;
	[tilespmem:s30+$0xFFFFFF40] =	vst v30;
	v30 =	vmul.f32 $8.000000000e+00, v32;
	v32 =	vor.u32 v5, v13  }
0x2d9: {  	v43 =	vor.u32 v5, v8;
	v36 =	vmul.f32 $8.000000000e+00, v36;
	v44 =	vld.idx.msk [tilespmem:v33+s16+$0x0], $0xffff;
	[tilespmem:s30+$0xFFFFFFC0] =	vst v38  }
0x2da: {  	v38 =	vor.u32 v0, v24;
	v34 =	vmul.f32 $8.000000000e+00, v34;
	v42 =	vld.idx.msk [tilespmem:v42+s16+$0x0], $0xffff;
	[tilespmem:s30+$0x40] =	vst v30  }
0x2db: {  	v45 =	vor.u32 v6, v18;
	v41 =	vmul.f32 $8.000000000e+00, v41;
	v33 =	vld.idx.msk [tilespmem:v35+s16+$0x0], $0xffff;
	[tilespmem:s30+$0xC0] =	vst v36  }
.Ltmp2:
0x2dc: {  	v37 =	vor.u32 v6, v10;
	v30 =	vld.idx.msk [tilespmem:v39+s16+$0x0], $0xffff;
	[tilespmem:s30+$0x140] =	vst v34;
	(pc) =	sbr.rel @p0 .LBB2_6-.Ltmp2, $4  }
0x2dd: {  	s0 =	sadd.s32 $0x6, s31;
	v35 =	vor.u32 v6, v11;
	v46 =	vmul.f32 $8.000000000e+00, v31;
	[tilespmem:s30+$0xFFFFFE40] =	vst v41;
	v32 =	vld.idx.msk [tilespmem:v32+s16+$0x0], $0xffff  }
0x2de: {  	v36 =	vor.u32 v6, v12;
	v39 =	vmov s0;
	v40 =	vmul.f32 $8.000000000e+00, v40;
	v34 =	vld.idx.msk [tilespmem:v43+s16+$0x0], $0xffff;
	[tilespmem:s29+$0xF0] =	vst v27  }
0x2df: {  	v27 =	vand.u32 $0x7E, v39;
	v41 =	vmul.f32 $8.000000000e+00, v44;
	v39 =	vor.u32 v6, v14;
	v31 =	vld.idx.msk [tilespmem:v38+s16+$0x0], $0xffff;
	[tilespmem:s30+$0x1D0] =	vst v46  }
0x2e0: {  	s0 =	sadd.s32 $0x7, s31;
	s31 =	sadd.s32 $0x8, s31;
	v27 =	vbroadcast v27, $0x0;
	v42 =	vmul.f32 $8.000000000e+00, v42;
	[tilespmem:s30+$0xFFFFFED0] =	vst v40;
	v40 =	vor.u32 v6, v15;
	v38 =	vld.idx.msk [tilespmem:v45+s16+$0x0], $0xffff  }
0x2e1: {  	[tilespmem:s30+$0xFFFFFF50] =	vst v41  }
0x2e2: {  	[tilespmem:s29+$0x170] =	vst v28  }
0x2e3: {  	v33 =	vmul.f32 $8.000000000e+00, v33;
	[tilespmem:s29+$0xFFFFFE70] =	vst v25  }
0x2e4: {  	v54 =	vmul.f32 $8.000000000e+00, v30;
	[tilespmem:s30+$0xFFFFFFD0] =	vst v42  }
0x2e5: {  	v21 =	vmul.f32 $8.000000000e+00, v21;
	[tilespmem:s30+$0x50] =	vst v33  }
0x2e6: {  	s29 =	sadd.s32 $0x400, s30;
	v23 =	vmul.f32 $8.000000000e+00, v23;
	[tilespmem:s30+$0xD0] =	vst v54  }
0x2e7: {  	v47 =	vmul.f32 $8.000000000e+00, v26;
	[tilespmem:s29+$0xFFFFFE80] =	vst v21  }
0x2e8: {  	v37 =	vld.idx.msk [tilespmem:v37+s16+$0x0], $0xffff;
	v43 =	vor.u32 v6, v13;
	v49 =	vmul.f32 $8.000000000e+00, v29;
	[tilespmem:s29+$0xFFFFFF00] =	vst v23  }
0x2e9: {  	v56 =	vor.u32 v6, v8;
	v19 =	vmul.f32 $8.000000000e+00, v19;
	v35 =	vld.idx.msk [tilespmem:v35+s16+$0x0], $0xffff;
	[tilespmem:s29+$0xFFFFFF80] =	vst v47  }
0x2ea: {  	v44 =	vor.u32 v1, v17;
	v32 =	vmul.f32 $8.000000000e+00, v32;
	v57 =	vld.idx.msk [tilespmem:v36+s16+$0x0], $0xffff;
	[tilespmem:s29+$0x0] =	vst v49  }
0x2eb: {  	v46 =	vor.u32 v1, v22;
	v34 =	vmul.f32 $8.000000000e+00, v34;
	[tilespmem:s29+$0xFFFFFE00] =	vst v19;
	v58 =	vld.idx.msk [tilespmem:v39+s16+$0x0], $0xffff  }
0x2ec: {  	v53 =	vmov s0;
	v48 =	vor.u32 v1, v24;
	[tilespmem:s30+$0x150] =	vst v32;
	v60 =	vld.idx.msk [tilespmem:v40+s16+$0x0], $0xffff;
	v51 =	vmul.f32 $8.000000000e+00, v31  }
0x2ed: {  	v18 =	vor.u32 v7, v18;
	v55 =	vand.u32 $0x7F, v53;
	[tilespmem:s30+$0xFFFFFE50] =	vst v34;
	v61 =	vmul.f32 $8.000000000e+00, v38;
	v62 =	vld.idx.msk [tilespmem:v43+s16+$0x0], $0xffff  }
0x2ee: {  	v30 =	vbroadcast v55, $0x0;
	v39 =	vor.u32 v0, v27;
	v37 =	vmul.f32 $8.000000000e+00, v37;
	v63 =	vld.idx.msk [tilespmem:v56+s16+$0x0], $0xffff;
	[tilespmem:s29+$0x80] =	vst v51  }
0x2ef: {  	v10 =	vor.u32 v7, v10;
	v34 =	vld.idx.msk [tilespmem:v44+s16+$0x0], $0xffff;
	v35 =	vmul.f32 $8.000000000e+00, v35;
	[tilespmem:s30+$0x1E0] =	vst v61  }
0x2f0: {  	v59 =	vor.u32 v0, v30;
	v54 =	vld.idx.msk [tilespmem:v46+s16+$0x0], $0xffff;
	[tilespmem:s30+$0xFFFFFEE0] =	vst v37;
	v33 =	vmul.f32 $8.000000000e+00, v57  }
0x2f1: {  	v52 =	vor.u32 v1, v9;
	v26 =	vld.idx.msk [tilespmem:v48+s16+$0x0], $0xffff;
	[tilespmem:s30+$0xFFFFFF60] =	vst v35;
	v36 =	vmul.f32 $8.000000000e+00, v58  }
0x2f2: {  	v11 =	vor.u32 v7, v11;
	v18 =	vld.idx.msk [tilespmem:v18+s16+$0x0], $0xffff;
	v37 =	vmul.f32 $8.000000000e+00, v60;
	[tilespmem:s30+$0xFFFFFFE0] =	vst v33  }
0x2f3: {  	v12 =	vor.u32 v7, v12;
	v43 =	vld.idx.msk [tilespmem:v39+s16+$0x0], $0xffff;
	[tilespmem:s30+$0x60] =	vst v36;
	v40 =	vmul.f32 $8.000000000e+00, v62  }
0x2f4: {  	v42 =	vor.u32 v1, v16;
	v10 =	vld.idx.msk [tilespmem:v10+s16+$0x0], $0xffff;
	v28 =	vmul.f32 $8.000000000e+00, v63;
	[tilespmem:s30+$0xE0] =	vst v37  }
0x2f5: {  	v8 =	vor.u32 v7, v8;
	v32 =	vld.idx.msk [tilespmem:v59+s16+$0x0], $0xffff;
	v61 =	vmul.f32 $8.000000000e+00, v34;
	[tilespmem:s30+$0x160] =	vst v40  }
0x2f6: {  	v45 =	vor.u32 v1, v20;
	v59 =	vld.idx.msk [tilespmem:v52+s16+$0x0], $0xffff;
	v21 =	vmul.f32 $8.000000000e+00, v54;
	[tilespmem:s30+$0xFFFFFE60] =	vst v28  }
0x2f7: {  	v50 =	vor.u32 v1, v27;
	v11 =	vld.idx.msk [tilespmem:v11+s16+$0x0], $0xffff;
	v37 =	vmul.f32 $8.000000000e+00, v26;
	[tilespmem:s29+$0xFFFFFF10] =	vst v61  }
0x2f8: {  	v41 =	vor.u32 v1, v30;
	v49 =	vld.idx.msk [tilespmem:v12+s16+$0x0], $0xffff;
	v18 =	vmul.f32 $8.000000000e+00, v18;
	[tilespmem:s29+$0x10] =	vst v21  }
0x2f9: {  	v58 =	vor.u32 v2, v17;
	v28 =	vld.idx.msk [tilespmem:v42+s16+$0x0], $0xffff;
	v53 =	vmul.f32 $8.000000000e+00, v43;
	[tilespmem:s29+$0x90] =	vst v37  }
0x2fa: {  	v62 =	vor.u32 v2, v22;
	v8 =	vld.idx.msk [tilespmem:v8+s16+$0x0], $0xffff;
	v32 =	vmul.f32 $8.000000000e+00, v32;
	[tilespmem:s30+$0x1F0] =	vst v18  }
0x2fb: {  	v63 =	vor.u32 v2, v24;
	v10 =	vmul.f32 $8.000000000e+00, v10;
	v18 =	vld.idx.msk [tilespmem:v45+s16+$0x0], $0xffff;
	[tilespmem:s29+$0x100] =	vst v53  }
0x2fc: {  	v56 =	vor.u32 v2, v16;
	v11 =	vmul.f32 $8.000000000e+00, v11;
	[tilespmem:s29+$0x180] =	vst v32;
	v29 =	vld.idx.msk [tilespmem:v50+s16+$0x0], $0xffff  }
0x2fd: {  	v38 =	vor.u32 v2, v9;
	[tilespmem:s30+$0xFFFFFEF0] =	vst v10;
	v10 =	vmul.f32 $8.000000000e+00, v59;
	v33 =	vld.idx.msk [tilespmem:v41+s16+$0x0], $0xffff  }
0x2fe: {  	v60 =	vor.u32 v2, v20;
	v32 =	vld.idx.msk [tilespmem:v58+s16+$0x0], $0xffff;
	[tilespmem:s30+$0xFFFFFF70] =	vst v11;
	v28 =	vmul.f32 $8.000000000e+00, v28  }
0x2ff: {  	v36 =	vor.u32 v2, v27;
	v41 =	vld.idx.msk [tilespmem:v62+s16+$0x0], $0xffff;
	[tilespmem:s29+$0xFFFFFE10] =	vst v10;
	v10 =	vmul.f32 $8.000000000e+00, v49  }
0x300: {  	v55 =	vor.u32 v2, v30;
	[tilespmem:s29+$0xFFFFFE90] =	vst v28;
	v18 =	vmul.f32 $8.000000000e+00, v18;
	v28 =	vld.idx.msk [tilespmem:v63+s16+$0x0], $0xffff  }
0x301: {  	v14 =	vor.u32 v7, v14;
	[tilespmem:s30+$0xFFFFFFF0] =	vst v10;
	v23 =	vld.idx.msk [tilespmem:v56+s16+$0x0], $0xffff;
	v39 =	vmul.f32 $8.000000000e+00, v29  }
0x302: {  	v50 =	vor.u32 v3, v22;
	v47 =	vld.idx.msk [tilespmem:v38+s16+$0x0], $0xffff;
	[tilespmem:s29+$0xFFFFFF90] =	vst v18;
	v57 =	vmul.f32 $8.000000000e+00, v33  }
0x303: {  	v52 =	vor.u32 v3, v24;
	v32 =	vmul.f32 $8.000000000e+00, v32;
	v40 =	vld.idx.msk [tilespmem:v60+s16+$0x0], $0xffff;
	[tilespmem:s29+$0x110] =	vst v39  }
0x304: {  	v43 =	vor.u32 v3, v16;
	v18 =	vmul.f32 $8.000000000e+00, v41;
	[tilespmem:s29+$0x190] =	vst v57;
	v46 =	vld.idx.msk [tilespmem:v36+s16+$0x0], $0xffff  }
0x305: {  	v45 =	vor.u32 v3, v17;
	[tilespmem:s29+$0xFFFFFF20] =	vst v32;
	v54 =	vmul.f32 $8.000000000e+00, v28;
	v25 =	vld.idx.msk [tilespmem:v55+s16+$0x0], $0xffff  }
0x306: {  	v48 =	vor.u32 v3, v20;
	v32 =	vld.idx.msk [tilespmem:v14+s16+$0x0], $0xffff;
	[tilespmem:s29+$0x20] =	vst v18;
	v23 =	vmul.f32 $8.000000000e+00, v23  }
0x307: {  	v8 =	vmul.f32 $8.000000000e+00, v8;
	v55 =	vor.u32 v3, v9;
	v12 =	vld.idx.msk [tilespmem:v50+s16+$0x0], $0xffff;
	[tilespmem:s29+$0xA0] =	vst v54  }
0x308: {  	v53 =	vor.u32 v3, v27;
	[tilespmem:s29+$0xFFFFFEA0] =	vst v23;
	v51 =	vmul.f32 $8.000000000e+00, v40;
	v29 =	vld.idx.msk [tilespmem:v52+s16+$0x0], $0xffff  }
0x309: {  	v42 =	vor.u32 v3, v30;
	[tilespmem:s30+$0xFFFFFE70] =	vst v8;
	v11 =	vmul.f32 $8.000000000e+00, v47;
	v21 =	vld.idx.msk [tilespmem:v43+s16+$0x0], $0xffff  }
0x30a: {  	v15 =	vor.u32 v7, v15;
	[tilespmem:s29+$0xFFFFFFA0] =	vst v51;
	v56 =	vmul.f32 $8.000000000e+00, v46;
	v44 =	vmul.f32 $8.000000000e+00, v25;
	v25 =	vld.idx.msk [tilespmem:v45+s16+$0x0], $0xffff  }
0x30b: {  	v33 =	vor.u32 v4, v22;
	[tilespmem:s29+$0xFFFFFE20] =	vst v11;
	v26 =	vld.idx.msk [tilespmem:v48+s16+$0x0], $0xffff  }
0x30c: {  	v35 =	vor.u32 v4, v24;
	v11 =	vmul.f32 $8.000000000e+00, v32;
	v62 =	vld.idx.msk [tilespmem:v55+s16+$0x0], $0xffff;
	[tilespmem:s29+$0x120] =	vst v56  }
0x30d: {  	v58 =	vor.u32 v4, v16;
	v12 =	vmul.f32 $8.000000000e+00, v12;
	[tilespmem:s29+$0x1A0] =	vst v44;
	v61 =	vld.idx.msk [tilespmem:v53+s16+$0x0], $0xffff  }
0x30e: {  	v60 =	vor.u32 v4, v17;
	[tilespmem:s30+$0x70] =	vst v11;
	v37 =	vmul.f32 $8.000000000e+00, v29;
	v19 =	vld.idx.msk [tilespmem:v42+s16+$0x0], $0xffff  }
0x30f: {  	v63 =	vor.u32 v4, v20;
	v46 =	vld.idx.msk [tilespmem:v15+s16+$0x0], $0xffff;
	[tilespmem:s29+$0x30] =	vst v12;
	v21 =	vmul.f32 $8.000000000e+00, v21  }
0x310: {  	v38 =	vor.u32 v4, v9;
	v14 =	vld.idx.msk [tilespmem:v33+s16+$0x0], $0xffff;
	[tilespmem:s29+$0xB0] =	vst v37;
	v25 =	vmul.f32 $8.000000000e+00, v25  }
0x311: {  	v36 =	vor.u32 v4, v27;
	[tilespmem:s29+$0xFFFFFEB0] =	vst v21;
	v34 =	vmul.f32 $8.000000000e+00, v26;
	v26 =	vld.idx.msk [tilespmem:v35+s16+$0x0], $0xffff  }
0x312: {  	v57 =	vor.u32 v4, v30;
	v10 =	vmul.f32 $8.000000000e+00, v62;
	v18 =	vld.idx.msk [tilespmem:v58+s16+$0x0], $0xffff;
	[tilespmem:s29+$0xFFFFFF30] =	vst v25  }
0x313: {  	v54 =	vor.u32 v7, v13;
	[tilespmem:s29+$0xFFFFFFB0] =	vst v34;
	v39 =	vmul.f32 $8.000000000e+00, v61;
	v59 =	vmul.f32 $8.000000000e+00, v19;
	v19 =	vld.idx.msk [tilespmem:v60+s16+$0x0], $0xffff  }
0x314: {  	v47 =	vor.u32 v5, v22;
	[tilespmem:s29+$0xFFFFFE30] =	vst v10;
	v28 =	vld.idx.msk [tilespmem:v63+s16+$0x0], $0xffff  }
0x315: {  	v49 =	vor.u32 v5, v24;
	v44 =	vld.idx.msk [tilespmem:v38+s16+$0x0], $0xffff;
	v14 =	vmul.f32 $8.000000000e+00, v14;
	[tilespmem:s29+$0x130] =	vst v39  }
0x316: {  	v41 =	vor.u32 v5, v16;
	[tilespmem:s29+$0x1B0] =	vst v59;
	v25 =	vld.idx.msk [tilespmem:v36+s16+$0x0], $0xffff;
	v51 =	vmul.f32 $8.000000000e+00, v26  }
0x317: {  	v43 =	vor.u32 v5, v17;
	[tilespmem:s29+$0x40] =	vst v14;
	v23 =	vld.idx.msk [tilespmem:v57+s16+$0x0], $0xffff;
	v18 =	vmul.f32 $8.000000000e+00, v18  }
0x318: {  	v45 =	vor.u32 v5, v20;
	v62 =	vld.idx.msk [tilespmem:v54+s16+$0x0], $0xffff;
	[tilespmem:s29+$0xC0] =	vst v51;
	v19 =	vmul.f32 $8.000000000e+00, v19  }
0x319: {  	v50 =	vor.u32 v5, v27;
	v15 =	vld.idx.msk [tilespmem:v47+s16+$0x0], $0xffff;
	[tilespmem:s29+$0xFFFFFEC0] =	vst v18;
	v48 =	vmul.f32 $8.000000000e+00, v28  }
0x31a: {  	v40 =	vor.u32 v5, v30;
	v11 =	vmul.f32 $8.000000000e+00, v44;
	v28 =	vld.idx.msk [tilespmem:v49+s16+$0x0], $0xffff;
	[tilespmem:s29+$0xFFFFFF40] =	vst v19  }
0x31b: {  	v52 =	vor.u32 v5, v9;
	v12 =	vld.idx.msk [tilespmem:v41+s16+$0x0], $0xffff;
	[tilespmem:s29+$0xFFFFFFC0] =	vst v48;
	v53 =	vmul.f32 $8.000000000e+00, v25  }
0x31c: {  	[tilespmem:s29+$0xFFFFFE40] =	vst v11;
	v42 =	vmul.f32 $8.000000000e+00, v23;
	v23 =	vld.idx.msk [tilespmem:v43+s16+$0x0], $0xffff  }
0x31d: {  	v33 =	vor.u32 v6, v24;
	v10 =	vmul.f32 $8.000000000e+00, v46;
	v55 =	vld.idx.msk [tilespmem:v45+s16+$0x0], $0xffff;
	[tilespmem:s29+$0x140] =	vst v53  }
0x31e: {  	v57 =	vor.u32 v6, v16;
	v11 =	vmul.f32 $8.000000000e+00, v62;
	[tilespmem:s29+$0x1C0] =	vst v42;
	v19 =	vld.idx.msk [tilespmem:v50+s16+$0x0], $0xffff  }
0x31f: {  	[tilespmem:s30+$0xF0] =	vst v10;
	v59 =	vor.u32 v6, v17;
	v35 =	vmul.f32 $8.000000000e+00, v28;
	v21 =	vld.idx.msk [tilespmem:v40+s16+$0x0], $0xffff  }
0x320: {  	v61 =	vor.u32 v6, v20;
	v60 =	vld.idx.msk [tilespmem:v52+s16+$0x0], $0xffff;
	[tilespmem:s30+$0x170] =	vst v11;
	v12 =	vmul.f32 $8.000000000e+00, v12  }
0x321: {  	v63 =	vor.u32 v6, v22;
	[tilespmem:s29+$0xD0] =	vst v35;
	v23 =	vmul.f32 $8.000000000e+00, v23  }
0x322: {  	v34 =	vor.u32 v6, v27;
	[tilespmem:s29+$0xFFFFFED0] =	vst v12;
	v32 =	vmul.f32 $8.000000000e+00, v55;
	v41 =	vld.idx.msk [tilespmem:v33+s16+$0x0], $0xffff  }
0x323: {  	v36 =	vor.u32 v6, v9;
	v15 =	vmul.f32 $8.000000000e+00, v15;
	v14 =	vld.idx.msk [tilespmem:v57+s16+$0x0], $0xffff;
	[tilespmem:s29+$0xFFFFFF50] =	vst v23  }
0x324: {  	v56 =	vor.u32 v6, v30;
	[tilespmem:s29+$0xFFFFFFD0] =	vst v32;
	v37 =	vmul.f32 $8.000000000e+00, v19;
	v58 =	vmul.f32 $8.000000000e+00, v21;
	v21 =	vld.idx.msk [tilespmem:v59+s16+$0x0], $0xffff  }
0x325: {  	[tilespmem:s29+$0x50] =	vst v15;
	v50 =	vor.u32 v7, v24;
	v10 =	vmul.f32 $8.000000000e+00, v60;
	v38 =	vld.idx.msk [tilespmem:v61+s16+$0x0], $0xffff  }
0x326: {  	v42 =	vor.u32 v7, v16;
	v39 =	vld.idx.msk [tilespmem:v63+s16+$0x0], $0xffff;
	[tilespmem:s29+$0x150] =	vst v37  }
0x327: {  	v45 =	vor.u32 v7, v17;
	[tilespmem:s29+$0xFFFFFE50] =	vst v10;
	v44 =	vld.idx.msk [tilespmem:v34+s16+$0x0], $0xffff;
	v51 =	vmul.f32 $8.000000000e+00, v41  }
0x328: {  	v47 =	vor.u32 v7, v20;
	v46 =	vld.idx.msk [tilespmem:v36+s16+$0x0], $0xffff;
	[tilespmem:s29+$0x1D0] =	vst v58;
	v14 =	vmul.f32 $8.000000000e+00, v14  }
0x329: {  	v49 =	vor.u32 v7, v22;
	v18 =	vld.idx.msk [tilespmem:v56+s16+$0x0], $0xffff;
	[tilespmem:s29+$0xE0] =	vst v51;
	v21 =	vmul.f32 $8.000000000e+00, v21  }
0x32a: {  	v52 =	vor.u32 v7, v27;
	[tilespmem:s29+$0xFFFFFEE0] =	vst v14;
	v48 =	vmul.f32 $8.000000000e+00, v38;
	v57 =	vld.idx.msk [tilespmem:v50+s16+$0x0], $0xffff  }
0x32b: {  	v53 =	vor.u32 v7, v9;
	v12 =	vmul.f32 $8.000000000e+00, v39;
	v10 =	vld.idx.msk [tilespmem:v42+s16+$0x0], $0xffff;
	[tilespmem:s29+$0xFFFFFF60] =	vst v21  }
0x32c: {  	v40 =	vor.u32 v7, v30;
	[tilespmem:s29+$0xFFFFFFE0] =	vst v48;
	v54 =	vmul.f32 $8.000000000e+00, v44;
	v17 =	vld.idx.msk [tilespmem:v45+s16+$0x0], $0xffff  }
0x32d: {  	[tilespmem:s29+$0x60] =	vst v12;
	v11 =	vmul.f32 $8.000000000e+00, v46;
	v55 =	vld.idx.msk [tilespmem:v47+s16+$0x0], $0xffff  }
0x32e: {  	v56 =	vld.idx.msk [tilespmem:v49+s16+$0x0], $0xffff;
	v43 =	vmul.f32 $8.000000000e+00, v18;
	[tilespmem:s29+$0x160] =	vst v54  }
0x32f: {  	[tilespmem:s29+$0xFFFFFE60] =	vst v11;
	v59 =	vld.idx.msk [tilespmem:v52+s16+$0x0], $0xffff;
	v62 =	vmul.f32 $8.000000000e+00, v57  }
0x330: {  	v9 =	vld.idx.msk [tilespmem:v53+s16+$0x0], $0xffff;
	[tilespmem:s29+$0x1E0] =	vst v43;
	v8 =	vmul.f32 $8.000000000e+00, v10  }
0x331: {  	v13 =	vld.idx.msk [tilespmem:v40+s16+$0x0], $0xffff;
	[tilespmem:s29+$0xF0] =	vst v62;
	v60 =	vmul.f32 $8.000000000e+00, v17  }
0x332: {  	v61 =	vmul.f32 $8.000000000e+00, v55;
	[tilespmem:s29+$0xFFFFFEF0] =	vst v8  }
0x333: {  	v8 =	vmul.f32 $8.000000000e+00, v56;
	[tilespmem:s29+$0xFFFFFF70] =	vst v60  }
0x334: {  	s31 =	sadd.s32 s6, s28;
	[tilespmem:s29+$0xFFFFFFF0] =	vst v61;
	v63 =	vmul.f32 $8.000000000e+00, v59  }
0x335: {  	s0 =	sshll.u32 s31, $0x10;
	[tilespmem:s29+$0x70] =	vst v8;
	v8 =	vmul.f32 $8.000000000e+00, v9  }
0x336: {  	s0 =	sor.u32 s4, s0;
	v58 =	vmul.f32 $8.000000000e+00, v13;
	[tilespmem:s29+$0x170] =	vst v63  }
0x337: {  	p0 =	seq.s32 s25, $0x18;
	s0 =	sshrl.u32 s0, $0x3;
	[tilespmem:s29+$0xFFFFFE70] =	vst v8  }
.Ltmp3:
0x338: {  	s0 =	sadd.s32 s2, s0;
	[tilespmem:s29+$0x1F0] =	vst v58;
	(pc) =	sbr.rel @p0 .LBB2_10-.Ltmp3, $4  }
0x339: {  	[hbm4b:s0+s10] =	stream.strided.scatter [tilespmem:s17], [sflag:$0x5], $0x2000, s11, s10, $0x38;
	[tilespmem:$0xDC00] =	vst v63  }
0x33a: {  	_ =	swait.ge [sflag:s18], $0x2000  }
0x33b: {  	[sflag:s18] =	ssyncset.done $0x0  }
0x33c: {  	[sflag:s18] =	ssyncadd.s32 $0xFFFFE000  }
0x33d: {  	s0 =	sshll.u32 s25, $0x8  }
0x33e: {  	s0 =	sand.u32 $0x3FFFFF00, s0  }
0x33f: {  	s28 =	sadd.s32 $0x100, s0  }
0x340: {  	v8 =	vmov s28;
	_ =	sdelay $0x1  }
0x341: {  	p0 =	por $0x1, $0x1;
	s0 =	simm.s32 $0x0  }
.LBB2_9:
0x342: {  	s29 =	sshll.u32 s0, $0x4  }
0x343: {  	s28 =	sand.u32 $0x3FFFFFF0, s29  }
0x344: {  	v9 =	vld.idx.msk [tilespmem:v8+s28+$0x0 ss:$0x1], $0xffff;
	_ =	sdelay $0x4  }
0x345: {  	v9 =	vshll.u32 v9, $0x4  }
0x346: {  	(v2sf) =	vpush v9, $0x0;
	_ =	sdelay $0x1  }
0x347: {  	(v2sf) =	vpush v9, $0x1;
	_ =	sdelay $0x2  }
0x348: {  	(v2sf) =	vpush v9, $0x2;
	_ =	sdelay $0x6  }
0x349: {  	(v2sf) =	vpush v9, $0x3;
	_ =	sdelay $0x2  }
0x34a: {  	s30 =	spop (v2sf);
	(v2sf) =	vpush v9, $0x4  }
0x34b: {  	s28 =	sshll.u32 s0, $0xB  }
0x34c: {  	s28 =	sand.u32 $0x3FFFF800, s28;
	s0 =	sand.u32 $0x1FFFFFF0, s30;
	s30 =	spop (v2sf);
	(v2sf) =	vpush v9, $0x5  }
0x34d: {  	s31 =	sadd.s32 $0x1C00, s28;
	s0 =	sadd.s32 s5, s0  }
0x34e: {  	[tilespmem:s31], [sflag:$0x1] =	stream.linear.gather [hbm4b:s0+s3], $0x80, $0x38;
	[tilespmem:$0xDC00] =	vst v63  }
0x34f: {  	s0 =	sand.u32 $0x1FFFFFF0, s30;
	s30 =	spop (v2sf);
	(v2sf) =	vpush v9, $0x6;
	_ =	sdelay $0x2  }
0x350: {  	(v2sf) =	vpush v9, $0x7  }
0x351: {  	s31 =	sadd.s32 $0x1C80, s28;
	s0 =	sadd.s32 s5, s0  }
0x352: {  	[tilespmem:s31], [sflag:$0x3] =	stream.linear.gather [hbm4b:s0+s3], $0x80, $0x38;
	[tilespmem:$0xDC00] =	vst v63  }
0x353: {  	s0 =	sand.u32 $0x1FFFFFF0, s30  }
0x354: {  	s31 =	sadd.s32 $0x1D00, s28;
	s30 =	spop (v2sf);
	s0 =	sadd.s32 s5, s0  }
0x355: {  	[tilespmem:s31], [sflag:$0x1] =	stream.linear.gather [hbm4b:s0+s3], $0x80, $0x38;
	[tilespmem:$0xDC00] =	vst v63  }
0x356: {  	s0 =	sand.u32 $0x1FFFFFF0, s30  }
0x357: {  	s31 =	sadd.s32 $0x1D80, s28;
	s0 =	sadd.s32 s5, s0;
	s30 =	spop (v2sf);
	(v2sf) =	vpush v9, $0x8  }
0x358: {  	[tilespmem:s31], [sflag:$0x3] =	stream.linear.gather [hbm4b:s0+s3], $0x80, $0x38;
	[tilespmem:$0xDC00] =	vst v63  }
0x359: {  	s0 =	sand.u32 $0x1FFFFFF0, s30;
	s30 =	spop (v2sf);
	(v2sf) =	vpush v9, $0x9  }
0x35a: {  	s31 =	sadd.s32 $0x1E00, s28;
	s0 =	sadd.s32 s5, s0  }
0x35b: {  	[tilespmem:s31], [sflag:$0x1] =	stream.linear.gather [hbm4b:s0+s3], $0x80, $0x38;
	[tilespmem:$0xDC00] =	vst v63  }
0x35c: {  	s0 =	sand.u32 $0x1FFFFFF0, s30;
	s30 =	spop (v2sf);
	(v2sf) =	vpush v9, $0xA  }
0x35d: {  	s31 =	sadd.s32 $0x1E80, s28;
	s0 =	sadd.s32 s5, s0  }
0x35e: {  	[tilespmem:s31], [sflag:$0x3] =	stream.linear.gather [hbm4b:s0+s3], $0x80, $0x38;
	[tilespmem:$0xDC00] =	vst v63  }
0x35f: {  	s0 =	sand.u32 $0x1FFFFFF0, s30;
	s30 =	spop (v2sf);
	(v2sf) =	vpush v9, $0xB;
	_ =	sdelay $0x3  }
0x360: {  	s31 =	sadd.s32 $0x1F00, s28;
	s0 =	sadd.s32 s5, s0  }
0x361: {  	[tilespmem:s31], [sflag:$0x1] =	stream.linear.gather [hbm4b:s0+s3], $0x80, $0x38;
	[tilespmem:$0xDC00] =	vst v63  }
0x362: {  	s0 =	sand.u32 $0x1FFFFFF0, s30  }
0x363: {  	s31 =	sadd.s32 $0x1F80, s28;
	s0 =	sadd.s32 s5, s0;
	s30 =	spop (v2sf);
	(v2sf) =	vpush v9, $0xC  }
0x364: {  	[tilespmem:s31], [sflag:$0x3] =	stream.linear.gather [hbm4b:s0+s3], $0x80, $0x38;
	[tilespmem:$0xDC00] =	vst v63  }
0x365: {  	s0 =	sand.u32 $0x1FFFFFF0, s30;
	s30 =	spop (v2sf);
	(v2sf) =	vpush v9, $0xD  }
0x366: {  	s31 =	sadd.s32 $0x2000, s28;
	s0 =	sadd.s32 s5, s0  }
0x367: {  	[tilespmem:s31], [sflag:$0x1] =	stream.linear.gather [hbm4b:s0+s3], $0x80, $0x38;
	[tilespmem:$0xDC00] =	vst v63  }
0x368: {  	s0 =	sand.u32 $0x1FFFFFF0, s30;
	s30 =	spop (v2sf);
	(v2sf) =	vpush v9, $0xE  }
0x369: {  	s31 =	sadd.s32 $0x2080, s28;
	s0 =	sadd.s32 s5, s0  }
0x36a: {  	[tilespmem:s31], [sflag:$0x3] =	stream.linear.gather [hbm4b:s0+s3], $0x80, $0x38;
	[tilespmem:$0xDC00] =	vst v63  }
0x36b: {  	s0 =	sand.u32 $0x1FFFFFF0, s30;
	s30 =	spop (v2sf);
	(v2sf) =	vpush v9, $0xF;
	_ =	sdelay $0x1  }
0x36c: {  	s31 =	sadd.s32 $0x2100, s28;
	s0 =	sadd.s32 s5, s0  }
0x36d: {  	[tilespmem:s31], [sflag:$0x1] =	stream.linear.gather [hbm4b:s0+s3], $0x80, $0x38;
	[tilespmem:$0xDC00] =	vst v63  }
0x36e: {  	s0 =	sand.u32 $0x1FFFFFF0, s30  }
0x36f: {  	s31 =	sadd.s32 $0x2180, s28;
	s0 =	sadd.s32 s5, s0  }
0x370: {  	[tilespmem:s31], [sflag:$0x3] =	stream.linear.gather [hbm4b:s0+s3], $0x80, $0x38;
	[tilespmem:$0xDC00] =	vst v63  }
0x371: {  	s30 =	spop (v2sf)  }
0x372: {  	s0 =	sand.u32 $0x1FFFFFF0, s30  }
0x373: {  	s31 =	sadd.s32 $0x2200, s28;
	s30 =	spop (v2sf);
	s0 =	sadd.s32 s5, s0  }
0x374: {  	[tilespmem:s31], [sflag:$0x1] =	stream.linear.gather [hbm4b:s0+s3], $0x80, $0x38;
	[tilespmem:$0xDC00] =	vst v63  }
0x375: {  	s0 =	sand.u32 $0x1FFFFFF0, s30  }
0x376: {  	s31 =	sadd.s32 $0x2280, s28;
	s30 =	spop (v2sf);
	s0 =	sadd.s32 s5, s0  }
0x377: {  	[tilespmem:s31], [sflag:$0x3] =	stream.linear.gather [hbm4b:s0+s3], $0x80, $0x38;
	[tilespmem:$0xDC00] =	vst v63  }
0x378: {  	s0 =	sand.u32 $0x1FFFFFF0, s30  }
0x379: {  	s31 =	sadd.s32 $0x2300, s28;
	s30 =	spop (v2sf);
	s0 =	sadd.s32 s5, s0  }
0x37a: {  	[tilespmem:s31], [sflag:$0x1] =	stream.linear.gather [hbm4b:s0+s3], $0x80, $0x38;
	[tilespmem:$0xDC00] =	vst v63  }
0x37b: {  	s0 =	sand.u32 $0x1FFFFFF0, s30  }
0x37c: {  	s31 =	sadd.s32 $0x2380, s28;
	s30 =	sor.u32 $0x10, s29;
	s0 =	sadd.s32 s5, s0  }
0x37d: {  	[tilespmem:s31], [sflag:$0x3] =	stream.linear.gather [hbm4b:s0+s3], $0x80, $0x38;
	[tilespmem:$0xDC00] =	vst v63  }
0x37e: {  	v9 =	vld.idx.msk [tilespmem:v8+s30+$0x0 ss:$0x1], $0xffff;
	_ =	sdelay $0x4  }
0x37f: {  	v9 =	vshll.u32 v9, $0x4  }
0x380: {  	(v2sf) =	vpush v9, $0x0;
	_ =	sdelay $0x3  }
0x381: {  	(v2sf) =	vpush v9, $0x1;
	_ =	sdelay $0x1  }
0x382: {  	(v2sf) =	vpush v9, $0x2;
	_ =	sdelay $0x2  }
0x383: {  	(v2sf) =	vpush v9, $0x3;
	_ =	sdelay $0x2  }
0x384: {  	(v2sf) =	vpush v9, $0x4;
	_ =	sdelay $0x2  }
0x385: {  	s0 =	sshll.u32 s30, $0x7;
	s31 =	spop (v2sf)  }
0x386: {  	s0 =	sand.u32 $0x3FFFF800, s0;
	s30 =	sand.u32 $0x1FFFFFF0, s31  }
0x387: {  	s0 =	sadd.s32 $0x1C00, s0;
	(v2sf) =	vpush v9, $0x5;
	s30 =	sadd.s32 s5, s30  }
0x388: {  	[tilespmem:s0], [sflag:$0x1] =	stream.linear.gather [hbm4b:s30+s3], $0x80, $0x38;
	[tilespmem:$0xDC00] =	vst v63  }
0x389: {  	s30 =	spop (v2sf)  }
0x38a: {  	s0 =	sand.u32 $0x1FFFFFF0, s30  }
0x38b: {  	s31 =	sadd.s32 $0x2480, s28;
	(v2sf) =	vpush v9, $0x6;
	s30 =	spop (v2sf);
	s0 =	sadd.s32 s5, s0  }
0x38c: {  	[tilespmem:s31], [sflag:$0x3] =	stream.linear.gather [hbm4b:s0+s3], $0x80, $0x38;
	[tilespmem:$0xDC00] =	vst v63  }
0x38d: {  	s0 =	sand.u32 $0x1FFFFFF0, s30  }
0x38e: {  	s31 =	sadd.s32 $0x2500, s28;
	s30 =	spop (v2sf);
	s0 =	sadd.s32 s5, s0  }
0x38f: {  	(v2sf) =	vpush v9, $0x7;
	[tilespmem:s31], [sflag:$0x1] =	stream.linear.gather [hbm4b:s0+s3], $0x80, $0x38;
	[tilespmem:$0xDC00] =	vst v63  }
0x390: {  	s0 =	sand.u32 $0x1FFFFFF0, s30  }
0x391: {  	s31 =	sadd.s32 $0x2580, s28;
	s30 =	spop (v2sf);
	(v2sf) =	vpush v9, $0x8;
	s0 =	sadd.s32 s5, s0  }
0x392: {  	[tilespmem:s31], [sflag:$0x3] =	stream.linear.gather [hbm4b:s0+s3], $0x80, $0x38;
	[tilespmem:$0xDC00] =	vst v63  }
0x393: {  	s0 =	sand.u32 $0x1FFFFFF0, s30  }
0x394: {  	s31 =	sadd.s32 $0x2600, s28;
	s0 =	sadd.s32 s5, s0  }
0x395: {  	[tilespmem:s31], [sflag:$0x1] =	stream.linear.gather [hbm4b:s0+s3], $0x80, $0x38;
	[tilespmem:$0xDC00] =	vst v63  }
0x396: {  	s30 =	spop (v2sf);
	(v2sf) =	vpush v9, $0x9  }
0x397: {  	s0 =	sand.u32 $0x1FFFFFF0, s30  }
0x398: {  	s31 =	sadd.s32 $0x2680, s28;
	s0 =	sadd.s32 s5, s0  }
0x399: {  	[tilespmem:s31], [sflag:$0x3] =	stream.linear.gather [hbm4b:s0+s3], $0x80, $0x38;
	[tilespmem:$0xDC00] =	vst v63  }
0x39a: {  	s30 =	spop (v2sf);
	(v2sf) =	vpush v9, $0xA  }
0x39b: {  	s0 =	sand.u32 $0x1FFFFFF0, s30  }
0x39c: {  	s31 =	sadd.s32 $0x2700, s28;
	s0 =	sadd.s32 s5, s0  }
0x39d: {  	[tilespmem:s31], [sflag:$0x1] =	stream.linear.gather [hbm4b:s0+s3], $0x80, $0x38;
	[tilespmem:$0xDC00] =	vst v63  }
0x39e: {  	s30 =	spop (v2sf);
	(v2sf) =	vpush v9, $0xB  }
0x39f: {  	s0 =	sand.u32 $0x1FFFFFF0, s30  }
0x3a0: {  	s31 =	sadd.s32 $0x2780, s28;
	s0 =	sadd.s32 s5, s0;
	s30 =	spop (v2sf);
	(v2sf) =	vpush v9, $0xC  }
0x3a1: {  	[tilespmem:s31], [sflag:$0x3] =	stream.linear.gather [hbm4b:s0+s3], $0x80, $0x38;
	[tilespmem:$0xDC00] =	vst v63  }
0x3a2: {  	s0 =	sand.u32 $0x1FFFFFF0, s30  }
0x3a3: {  	s31 =	sadd.s32 $0x2800, s28;
	s0 =	sadd.s32 s5, s0  }
0x3a4: {  	[tilespmem:s31], [sflag:$0x1] =	stream.linear.gather [hbm4b:s0+s3], $0x80, $0x38;
	[tilespmem:$0xDC00] =	vst v63  }
0x3a5: {  	s30 =	spop (v2sf);
	(v2sf) =	vpush v9, $0xD  }
0x3a6: {  	s0 =	sand.u32 $0x1FFFFFF0, s30  }
0x3a7: {  	s31 =	sadd.s32 $0x2880, s28;
	s0 =	sadd.s32 s5, s0  }
0x3a8: {  	[tilespmem:s31], [sflag:$0x3] =	stream.linear.gather [hbm4b:s0+s3], $0x80, $0x38;
	[tilespmem:$0xDC00] =	vst v63  }
0x3a9: {  	s30 =	spop (v2sf);
	(v2sf) =	vpush v9, $0xE  }
0x3aa: {  	s0 =	sand.u32 $0x1FFFFFF0, s30  }
0x3ab: {  	s31 =	sadd.s32 $0x2900, s28;
	s0 =	sadd.s32 s5, s0  }
0x3ac: {  	[tilespmem:s31], [sflag:$0x1] =	stream.linear.gather [hbm4b:s0+s3], $0x80, $0x38;
	[tilespmem:$0xDC00] =	vst v63  }
0x3ad: {  	s30 =	spop (v2sf);
	(v2sf) =	vpush v9, $0xF  }
0x3ae: {  	s0 =	sand.u32 $0x1FFFFFF0, s30  }
0x3af: {  	s31 =	sadd.s32 $0x2980, s28;
	s0 =	sadd.s32 s5, s0;
	s30 =	spop (v2sf)  }
0x3b0: {  	[tilespmem:s31], [sflag:$0x3] =	stream.linear.gather [hbm4b:s0+s3], $0x80, $0x38;
	[tilespmem:$0xDC00] =	vst v63  }
0x3b1: {  	s0 =	sand.u32 $0x1FFFFFF0, s30  }
0x3b2: {  	s31 =	sadd.s32 $0x2A00, s28;
	s0 =	sadd.s32 s5, s0  }
0x3b3: {  	[tilespmem:s31], [sflag:$0x1] =	stream.linear.gather [hbm4b:s0+s3], $0x80, $0x38;
	[tilespmem:$0xDC00] =	vst v63  }
0x3b4: {  	s30 =	spop (v2sf)  }
0x3b5: {  	s0 =	sand.u32 $0x1FFFFFF0, s30  }
0x3b6: {  	s31 =	sadd.s32 $0x2A80, s28;
	s0 =	sadd.s32 s5, s0  }
0x3b7: {  	[tilespmem:s31], [sflag:$0x3] =	stream.linear.gather [hbm4b:s0+s3], $0x80, $0x38;
	[tilespmem:$0xDC00] =	vst v63  }
0x3b8: {  	s30 =	spop (v2sf)  }
0x3b9: {  	s0 =	sand.u32 $0x1FFFFFF0, s30  }
0x3ba: {  	s31 =	sadd.s32 $0x2B00, s28;
	s0 =	sadd.s32 s5, s0  }
0x3bb: {  	[tilespmem:s31], [sflag:$0x1] =	stream.linear.gather [hbm4b:s0+s3], $0x80, $0x38;
	[tilespmem:$0xDC00] =	vst v63  }
0x3bc: {  	s30 =	spop (v2sf)  }
0x3bd: {  	s0 =	sand.u32 $0x1FFFFFF0, s30  }
0x3be: {  	s31 =	sadd.s32 $0x2B80, s28;
	s30 =	sor.u32 $0x20, s29;
	s0 =	sadd.s32 s5, s0  }
0x3bf: {  	[tilespmem:s31], [sflag:$0x3] =	stream.linear.gather [hbm4b:s0+s3], $0x80, $0x38;
	[tilespmem:$0xDC00] =	vst v63  }
0x3c0: {  	v9 =	vld.idx.msk [tilespmem:v8+s30+$0x0 ss:$0x1], $0xffff;
	_ =	sdelay $0x4  }
0x3c1: {  	v9 =	vshll.u32 v9, $0x4  }
0x3c2: {  	(v2sf) =	vpush v9, $0x0;
	_ =	sdelay $0x3  }
0x3c3: {  	(v2sf) =	vpush v9, $0x1;
	_ =	sdelay $0x1  }
0x3c4: {  	(v2sf) =	vpush v9, $0x2;
	_ =	sdelay $0x2  }
0x3c5: {  	(v2sf) =	vpush v9, $0x3;
	_ =	sdelay $0x2  }
0x3c6: {  	(v2sf) =	vpush v9, $0x4;
	_ =	sdelay $0x2  }
0x3c7: {  	s0 =	sshll.u32 s30, $0x7;
	s31 =	spop (v2sf)  }
0x3c8: {  	s0 =	sand.u32 $0x3FFFF800, s0;
	s30 =	sand.u32 $0x1FFFFFF0, s31  }
0x3c9: {  	s0 =	sadd.s32 $0x1C00, s0;
	(v2sf) =	vpush v9, $0x5;
	s30 =	sadd.s32 s5, s30  }
0x3ca: {  	[tilespmem:s0], [sflag:$0x1] =	stream.linear.gather [hbm4b:s30+s3], $0x80, $0x38;
	[tilespmem:$0xDC00] =	vst v63  }
0x3cb: {  	s30 =	spop (v2sf)  }
0x3cc: {  	s0 =	sand.u32 $0x1FFFFFF0, s30  }
0x3cd: {  	s31 =	sadd.s32 $0x2C80, s28;
	(v2sf) =	vpush v9, $0x6;
	s30 =	spop (v2sf);
	s0 =	sadd.s32 s5, s0  }
0x3ce: {  	[tilespmem:s31], [sflag:$0x3] =	stream.linear.gather [hbm4b:s0+s3], $0x80, $0x38;
	[tilespmem:$0xDC00] =	vst v63  }
0x3cf: {  	s0 =	sand.u32 $0x1FFFFFF0, s30  }
0x3d0: {  	s31 =	sadd.s32 $0x2D00, s28;
	s30 =	spop (v2sf);
	s0 =	sadd.s32 s5, s0  }
0x3d1: {  	(v2sf) =	vpush v9, $0x7;
	[tilespmem:s31], [sflag:$0x1] =	stream.linear.gather [hbm4b:s0+s3], $0x80, $0x38;
	[tilespmem:$0xDC00] =	vst v63  }
0x3d2: {  	s0 =	sand.u32 $0x1FFFFFF0, s30  }
0x3d3: {  	s31 =	sadd.s32 $0x2D80, s28;
	s30 =	spop (v2sf);
	(v2sf) =	vpush v9, $0x8;
	s0 =	sadd.s32 s5, s0  }
0x3d4: {  	[tilespmem:s31], [sflag:$0x3] =	stream.linear.gather [hbm4b:s0+s3], $0x80, $0x38;
	[tilespmem:$0xDC00] =	vst v63  }
0x3d5: {  	s0 =	sand.u32 $0x1FFFFFF0, s30  }
0x3d6: {  	s31 =	sadd.s32 $0x2E00, s28;
	s0 =	sadd.s32 s5, s0  }
0x3d7: {  	[tilespmem:s31], [sflag:$0x1] =	stream.linear.gather [hbm4b:s0+s3], $0x80, $0x38;
	[tilespmem:$0xDC00] =	vst v63  }
0x3d8: {  	s30 =	spop (v2sf);
	(v2sf) =	vpush v9, $0x9  }
0x3d9: {  	s0 =	sand.u32 $0x1FFFFFF0, s30  }
0x3da: {  	s31 =	sadd.s32 $0x2E80, s28;
	s0 =	sadd.s32 s5, s0  }
0x3db: {  	[tilespmem:s31], [sflag:$0x3] =	stream.linear.gather [hbm4b:s0+s3], $0x80, $0x38;
	[tilespmem:$0xDC00] =	vst v63  }
0x3dc: {  	s30 =	spop (v2sf);
	(v2sf) =	vpush v9, $0xA  }
0x3dd: {  	s0 =	sand.u32 $0x1FFFFFF0, s30  }
0x3de: {  	s31 =	sadd.s32 $0x2F00, s28;
	s0 =	sadd.s32 s5, s0  }
0x3df: {  	[tilespmem:s31], [sflag:$0x1] =	stream.linear.gather [hbm4b:s0+s3], $0x80, $0x38;
	[tilespmem:$0xDC00] =	vst v63  }
0x3e0: {  	s30 =	spop (v2sf);
	(v2sf) =	vpush v9, $0xB  }
0x3e1: {  	s0 =	sand.u32 $0x1FFFFFF0, s30  }
0x3e2: {  	s31 =	sadd.s32 $0x2F80, s28;
	s0 =	sadd.s32 s5, s0;
	s30 =	spop (v2sf);
	(v2sf) =	vpush v9, $0xC  }
0x3e3: {  	[tilespmem:s31], [sflag:$0x3] =	stream.linear.gather [hbm4b:s0+s3], $0x80, $0x38;
	[tilespmem:$0xDC00] =	vst v63  }
0x3e4: {  	s0 =	sand.u32 $0x1FFFFFF0, s30  }
0x3e5: {  	s31 =	sadd.s32 $0x3000, s28;
	s0 =	sadd.s32 s5, s0  }
0x3e6: {  	[tilespmem:s31], [sflag:$0x1] =	stream.linear.gather [hbm4b:s0+s3], $0x80, $0x38;
	[tilespmem:$0xDC00] =	vst v63  }
0x3e7: {  	s30 =	spop (v2sf);
	(v2sf) =	vpush v9, $0xD  }
0x3e8: {  	s0 =	sand.u32 $0x1FFFFFF0, s30  }
0x3e9: {  	s31 =	sadd.s32 $0x3080, s28;
	s0 =	sadd.s32 s5, s0  }
0x3ea: {  	[tilespmem:s31], [sflag:$0x3] =	stream.linear.gather [hbm4b:s0+s3], $0x80, $0x38;
	[tilespmem:$0xDC00] =	vst v63  }
0x3eb: {  	s30 =	spop (v2sf);
	(v2sf) =	vpush v9, $0xE  }
0x3ec: {  	s0 =	sand.u32 $0x1FFFFFF0, s30  }
0x3ed: {  	s31 =	sadd.s32 $0x3100, s28;
	s0 =	sadd.s32 s5, s0  }
0x3ee: {  	[tilespmem:s31], [sflag:$0x1] =	stream.linear.gather [hbm4b:s0+s3], $0x80, $0x38;
	[tilespmem:$0xDC00] =	vst v63  }
0x3ef: {  	s30 =	spop (v2sf);
	(v2sf) =	vpush v9, $0xF  }
0x3f0: {  	s0 =	sand.u32 $0x1FFFFFF0, s30  }
0x3f1: {  	s31 =	sadd.s32 $0x3180, s28;
	s0 =	sadd.s32 s5, s0;
	s30 =	spop (v2sf)  }
0x3f2: {  	[tilespmem:s31], [sflag:$0x3] =	stream.linear.gather [hbm4b:s0+s3], $0x80, $0x38;
	[tilespmem:$0xDC00] =	vst v63  }
0x3f3: {  	s0 =	sand.u32 $0x1FFFFFF0, s30  }
0x3f4: {  	s31 =	sadd.s32 $0x3200, s28;
	s0 =	sadd.s32 s5, s0  }
0x3f5: {  	[tilespmem:s31], [sflag:$0x1] =	stream.linear.gather [hbm4b:s0+s3], $0x80, $0x38;
	[tilespmem:$0xDC00] =	vst v63  }
0x3f6: {  	s30 =	spop (v2sf)  }
0x3f7: {  	s0 =	sand.u32 $0x1FFFFFF0, s30  }
0x3f8: {  	s31 =	sadd.s32 $0x3280, s28;
	s0 =	sadd.s32 s5, s0  }
0x3f9: {  	[tilespmem:s31], [sflag:$0x3] =	stream.linear.gather [hbm4b:s0+s3], $0x80, $0x38;
	[tilespmem:$0xDC00] =	vst v63  }
0x3fa: {  	s30 =	spop (v2sf)  }
0x3fb: {  	s0 =	sand.u32 $0x1FFFFFF0, s30  }
0x3fc: {  	s31 =	sadd.s32 $0x3300, s28;
	s0 =	sadd.s32 s5, s0  }
0x3fd: {  	[tilespmem:s31], [sflag:$0x1] =	stream.linear.gather [hbm4b:s0+s3], $0x80, $0x38;
	[tilespmem:$0xDC00] =	vst v63  }
0x3fe: {  	s30 =	spop (v2sf)  }
0x3ff: {  	s0 =	sand.u32 $0x1FFFFFF0, s30  }
0x400: {  	s31 =	sadd.s32 $0x3380, s28;
	s30 =	sor.u32 $0x30, s29;
	s0 =	sadd.s32 s5, s0  }
0x401: {  	[tilespmem:s31], [sflag:$0x3] =	stream.linear.gather [hbm4b:s0+s3], $0x80, $0x38;
	[tilespmem:$0xDC00] =	vst v63  }
0x402: {  	v9 =	vld.idx.msk [tilespmem:v8+s30+$0x0 ss:$0x1], $0xffff;
	_ =	sdelay $0x4  }
0x403: {  	v9 =	vshll.u32 v9, $0x4  }
0x404: {  	(v2sf) =	vpush v9, $0x0;
	_ =	sdelay $0x1  }
0x405: {  	(v2sf) =	vpush v9, $0x1;
	_ =	sdelay $0x2  }
0x406: {  	(v2sf) =	vpush v9, $0x2;
	_ =	sdelay $0x1  }
0x407: {  	(v2sf) =	vpush v9, $0x3;
	_ =	sdelay $0x2  }
0x408: {  	(v2sf) =	vpush v9, $0x4;
	_ =	sdelay $0x4  }
0x409: {  	s0 =	sshll.u32 s30, $0x7;
	s31 =	spop (v2sf);
	(v2sf) =	vpush v9, $0x5  }
0x40a: {  	s0 =	sand.u32 $0x3FFFF800, s0;
	s29 =	sand.u32 $0x1FFFFFF0, s31  }
0x40b: {  	s0 =	sadd.s32 $0x1C00, s0;
	s30 =	spop (v2sf);
	s29 =	sadd.s32 s5, s29  }
0x40c: {  	[tilespmem:s0], [sflag:$0x1] =	stream.linear.gather [hbm4b:s29+s3], $0x80, $0x38;
	[tilespmem:$0xDC00] =	vst v63  }
0x40d: {  	s0 =	sand.u32 $0x1FFFFFF0, s30  }
0x40e: {  	s31 =	sadd.s32 $0x3480, s28;
	s30 =	spop (v2sf);
	(v2sf) =	vpush v9, $0x6;
	s0 =	sadd.s32 s5, s0  }
0x40f: {  	[tilespmem:s31], [sflag:$0x3] =	stream.linear.gather [hbm4b:s0+s3], $0x80, $0x38;
	[tilespmem:$0xDC00] =	vst v63  }
0x410: {  	s0 =	sand.u32 $0x1FFFFFF0, s30;
	s30 =	spop (v2sf);
	(v2sf) =	vpush v9, $0x7  }
0x411: {  	s31 =	sadd.s32 $0x3500, s28;
	s0 =	sadd.s32 s5, s0  }
0x412: {  	[tilespmem:s31], [sflag:$0x1] =	stream.linear.gather [hbm4b:s0+s3], $0x80, $0x38;
	[tilespmem:$0xDC00] =	vst v63  }
0x413: {  	s0 =	sand.u32 $0x1FFFFFF0, s30;
	s30 =	spop (v2sf);
	(v2sf) =	vpush v9, $0x8;
	_ =	sdelay $0x1  }
0x414: {  	s31 =	sadd.s32 $0x3580, s28;
	s0 =	sadd.s32 s5, s0  }
0x415: {  	[tilespmem:s31], [sflag:$0x3] =	stream.linear.gather [hbm4b:s0+s3], $0x80, $0x38;
	[tilespmem:$0xDC00] =	vst v63  }
0x416: {  	s0 =	sand.u32 $0x1FFFFFF0, s30  }
0x417: {  	s31 =	sadd.s32 $0x3600, s28;
	s0 =	sadd.s32 s5, s0;
	s30 =	spop (v2sf);
	(v2sf) =	vpush v9, $0x9  }
0x418: {  	[tilespmem:s31], [sflag:$0x1] =	stream.linear.gather [hbm4b:s0+s3], $0x80, $0x38;
	[tilespmem:$0xDC00] =	vst v63  }
0x419: {  	s0 =	sand.u32 $0x1FFFFFF0, s30;
	(v2sf) =	vpush v9, $0xA  }
0x41a: {  	s31 =	sadd.s32 $0x3680, s28;
	s0 =	sadd.s32 s5, s0  }
0x41b: {  	[tilespmem:s31], [sflag:$0x3] =	stream.linear.gather [hbm4b:s0+s3], $0x80, $0x38;
	[tilespmem:$0xDC00] =	vst v63  }
0x41c: {  	s30 =	spop (v2sf);
	(v2sf) =	vpush v9, $0xB  }
0x41d: {  	s0 =	sand.u32 $0x1FFFFFF0, s30  }
0x41e: {  	s31 =	sadd.s32 $0x3700, s28;
	s0 =	sadd.s32 s5, s0;
	s30 =	spop (v2sf)  }
0x41f: {  	(v2sf) =	vpush v9, $0xC;
	[tilespmem:s31], [sflag:$0x1] =	stream.linear.gather [hbm4b:s0+s3], $0x80, $0x38;
	[tilespmem:$0xDC00] =	vst v63  }
0x420: {  	s0 =	sand.u32 $0x1FFFFFF0, s30  }
0x421: {  	s31 =	sadd.s32 $0x3780, s28;
	s0 =	sadd.s32 s5, s0;
	s30 =	spop (v2sf)  }
0x422: {  	(v2sf) =	vpush v9, $0xD;
	[tilespmem:s31], [sflag:$0x3] =	stream.linear.gather [hbm4b:s0+s3], $0x80, $0x38;
	[tilespmem:$0xDC00] =	vst v63  }
0x423: {  	s0 =	sand.u32 $0x1FFFFFF0, s30  }
0x424: {  	s31 =	sadd.s32 $0x3800, s28;
	s0 =	sadd.s32 s5, s0  }
0x425: {  	[tilespmem:s31], [sflag:$0x1] =	stream.linear.gather [hbm4b:s0+s3], $0x80, $0x38;
	[tilespmem:$0xDC00] =	vst v63  }
0x426: {  	s30 =	spop (v2sf)  }
0x427: {  	(v2sf) =	vpush v9, $0xE;
	s0 =	sand.u32 $0x1FFFFFF0, s30  }
0x428: {  	s31 =	sadd.s32 $0x3880, s28;
	s30 =	spop (v2sf);
	s0 =	sadd.s32 s5, s0  }
0x429: {  	[tilespmem:s31], [sflag:$0x3] =	stream.linear.gather [hbm4b:s0+s3], $0x80, $0x38;
	[tilespmem:$0xDC00] =	vst v63  }
0x42a: {  	s0 =	sand.u32 $0x1FFFFFF0, s30  }
0x42b: {  	(v2sf) =	vpush v9, $0xF;
	s29 =	spop (v2sf);
	s31 =	sadd.s32 $0x3900, s28;
	s0 =	sadd.s32 s5, s0  }
0x42c: {  	[tilespmem:s31], [sflag:$0x1] =	stream.linear.gather [hbm4b:s0+s3], $0x80, $0x38;
	[tilespmem:$0xDC00] =	vst v63  }
0x42d: {  	s0 =	sand.u32 $0x1FFFFFF0, s29  }
0x42e: {  	s29 =	spop (v2sf);
	s31 =	sadd.s32 $0x3980, s28;
	s0 =	sadd.s32 s5, s0  }
0x42f: {  	[tilespmem:s31], [sflag:$0x3] =	stream.linear.gather [hbm4b:s0+s3], $0x80, $0x38;
	[tilespmem:$0xDC00] =	vst v63  }
0x430: {  	s0 =	sand.u32 $0x1FFFFFF0, s29  }
0x431: {  	s29 =	spop (v2sf);
	s31 =	sadd.s32 $0x3A00, s28;
	s0 =	sadd.s32 s5, s0  }
0x432: {  	[tilespmem:s31], [sflag:$0x1] =	stream.linear.gather [hbm4b:s0+s3], $0x80, $0x38;
	[tilespmem:$0xDC00] =	vst v63  }
0x433: {  	s0 =	sand.u32 $0x1FFFFFF0, s29  }
0x434: {  	s31 =	sadd.s32 $0x3A80, s28;
	s0 =	sadd.s32 s5, s0  }
0x435: {  	[tilespmem:s31], [sflag:$0x3] =	stream.linear.gather [hbm4b:s0+s3], $0x80, $0x38;
	[tilespmem:$0xDC00] =	vst v63  }
0x436: {  	s29 =	spop (v2sf)  }
0x437: {  	s31 =	sand.u32 $0x1FFFFFF0, s29  }
0x438: {  	p1 =	por p0, p0;
	s30 =	sadd.s32 $0x3B00, s28;
	s0 =	sadd.s32 s5, s31  }
0x439: {  	[tilespmem:s30], [sflag:$0x1] =	stream.linear.gather [hbm4b:s0+s3], $0x80, $0x38;
	[tilespmem:$0xDC00] =	vst v63  }
.Ltmp4:
0x43a: {  	s31 =	spop (v2sf);
	(pc) =	sbr.rel @p1 .LBB2_9-.Ltmp4, $4  }
0x43b: {  	s0 =	sand.u32 $0x1FFFFFF0, s31  }
0x43c: {  	s28 =	sadd.s32 $0x3B80, s28;
	s0 =	sadd.s32 s5, s0  }
0x43d: {  	[tilespmem:s28], [sflag:$0x3] =	stream.linear.gather [hbm4b:s0+s3], $0x80, $0x38;
	[tilespmem:$0xDC00] =	vst v63  }
0x43e: {  	p0 =	por $0x0, $0x0;
	s0 =	simm.s32 $0x4  }
.LBB2_10:
0x43f: {  	s0 =	simm.s32 $0x0  }
0x440: {  	s31 =	simm.s32 $0x1;
	v8 =	vmov s0  }
0x441: {  	s28 =	simm.s32 $0x7;
	v9 =	vmov s31;
	v8 =	vand.u32 $0x78, v8  }
0x442: {  	s31 =	simm.s32 $0x2;
	v10 =	vmov s28;
	v16 =	vbroadcast v8, $0x0;
	v8 =	vand.u32 $0x79, v9  }
0x443: {  	v10 =	vand.u32 $0x7F, v10;
	v9 =	vbroadcast v8, $0x0;
	v8 =	vmov s31;
	s31 =	simm.s32 $0x3  }
0x444: {  	v24 =	vbroadcast v10, $0x0;
	v8 =	vand.u32 $0x7A, v8;
	v11 =	vmov s31  }
0x445: {  	_ =	swait.ge [sflag:s19], $0x2000;
	v19 =	vbroadcast v8, $0x0;
	v8 =	vand.u32 $0x7B, v11  }
0x446: {  	[sflag:s19] =	ssyncset.done $0x0;
	v10 =	vor.u32 v0, v16;
	s31 =	simm.s32 $0x4;
	v13 =	vor.u32 v0, v24;
	v20 =	vbroadcast v8, $0x0  }
0x447: {  	[sflag:s19] =	ssyncadd.s32 $0xFFFFE000;
	v11 =	vor.u32 v0, v9;
	v8 =	vmov s31;
	s31 =	simm.s32 $0x5;
	v12 =	vor.u32 v0, v19  }
0x448: {  	_ =	swait.ge [sflag:s20], $0x2000;
	v8 =	vand.u32 $0x7C, v8;
	v15 =	vmov s31;
	s31 =	simm.s32 $0x6;
	v14 =	vor.u32 v0, v20  }
0x449: {  	[sflag:s20] =	ssyncset.done $0x0;
	v23 =	vbroadcast v8, $0x0;
	v8 =	vand.u32 $0x7D, v15;
	v15 =	vmov s31;
	s31 =	simm.s32 $0x8  }
0x44a: {  	[sflag:s20] =	ssyncadd.s32 $0xFFFFE000;
	v21 =	vbroadcast v8, $0x0;
	v8 =	vand.u32 $0x7E, v15;
	v15 =	vmov s31  }
0x44b: {  	v18 =	vld.idx.msk [tilespmem:v10+s21+$0x0], $0xffff;
	v10 =	vor.u32 v0, v23;
	v22 =	vbroadcast v8, $0x0;
	v8 =	vand.u32 $0x78, v15  }
0x44c: {  	v13 =	vld.idx.msk [tilespmem:v13+s21+$0x0], $0xffff;
	v15 =	vor.u32 v0, v21;
	v8 =	vbroadcast v8, $0x0  }
0x44d: {  	v11 =	vld.idx.msk [tilespmem:v11+s21+$0x0], $0xffff;
	v17 =	vor.u32 v0, v22  }
0x44e: {  	v12 =	vld.idx.msk [tilespmem:v12+s21+$0x0], $0xffff;
	v25 =	vor.u32 v0, v8  }
0x44f: {  	v26 =	vor.u32 v1, v24;
	v14 =	vld.idx.msk [tilespmem:v14+s21+$0x0], $0xffff  }
0x450: {  	v28 =	vor.u32 v1, v9;
	v27 =	vld.idx.msk [tilespmem:v10+s21+$0x0], $0xffff  }
0x451: {  	v29 =	vor.u32 v1, v19;
	v10 =	vmul.f32 $8.000000000e+00, v13;
	v15 =	vld.idx.msk [tilespmem:v15+s21+$0x0], $0xffff  }
0x452: {  	s28 =	simm.s32 $0xBE00;
	v30 =	vor.u32 v1, v20;
	s31 =	simm.s32 $0x9;
	v11 =	vmul.f32 $8.000000000e+00, v11;
	v13 =	vld.idx.msk [tilespmem:v17+s21+$0x0], $0xffff  }
0x453: {  	v31 =	vmov s31;
	v12 =	vmul.f32 $8.000000000e+00, v12;
	[tilespmem:s28+$0x180] =	vst v10;
	v17 =	vld.idx.msk [tilespmem:v25+s21+$0x0], $0xffff;
	v25 =	vor.u32 v1, v23  }
0x454: {  	v10 =	vand.u32 $0x79, v31;
	[tilespmem:s28+$0xFFFFFE80] =	vst v11;
	v11 =	vmul.f32 $8.000000000e+00, v14;
	v14 =	vor.u32 v1, v21;
	v26 =	vld.idx.msk [tilespmem:v26+s21+$0x0], $0xffff  }
0x455: {  	v10 =	vbroadcast v10, $0x0;
	v28 =	vld.idx.msk [tilespmem:v28+s21+$0x0], $0xffff;
	[tilespmem:s28+$0xFFFFFF00] =	vst v12;
	v12 =	vmul.f32 $8.000000000e+00, v27;
	v27 =	vor.u32 v1, v22  }
0x456: {  	v31 =	vor.u32 v1, v16;
	v29 =	vld.idx.msk [tilespmem:v29+s21+$0x0], $0xffff;
	[tilespmem:s28+$0xFFFFFF80] =	vst v11;
	v11 =	vmul.f32 $8.000000000e+00, v15  }
0x457: {  	v15 =	vor.u32 v0, v10;
	v30 =	vld.idx.msk [tilespmem:v30+s21+$0x0], $0xffff;
	[tilespmem:s28+$0x0] =	vst v12;
	v12 =	vmul.f32 $8.000000000e+00, v13  }
0x458: {  	v13 =	vmul.f32 $8.000000000e+00, v18;
	v18 =	vld.idx.msk [tilespmem:v25+s21+$0x0], $0xffff;
	[tilespmem:s28+$0x80] =	vst v11;
	v11 =	vor.u32 v2, v24  }
0x459: {  	v32 =	vor.u32 v2, v9;
	v14 =	vld.idx.msk [tilespmem:v14+s21+$0x0], $0xffff;
	[tilespmem:s28+$0x100] =	vst v12  }
0x45a: {  	v26 =	vmul.f32 $8.000000000e+00, v26;
	[tilespmem:s28+$0xFFFFFE00] =	vst v13;
	v12 =	vor.u32 v2, v19;
	v13 =	vld.idx.msk [tilespmem:v27+s21+$0x0], $0xffff  }
0x45b: {  	s31 =	simm.s32 $0xA;
	v28 =	vmul.f32 $8.000000000e+00, v28;
	v27 =	vld.idx.msk [tilespmem:v31+s21+$0x0], $0xffff;
	v31 =	vor.u32 v2, v20  }
0x45c: {  	v33 =	vor.u32 v2, v23;
	v29 =	vmul.f32 $8.000000000e+00, v29;
	[tilespmem:s28+$0x190] =	vst v26;
	v25 =	vld.idx.msk [tilespmem:v15+s21+$0x0], $0xffff;
	v15 =	vmov s31  }
0x45d: {  	[tilespmem:s28+$0xFFFFFE90] =	vst v28;
	v28 =	vor.u32 v2, v21;
	v26 =	vmul.f32 $8.000000000e+00, v30;
	v15 =	vand.u32 $0x7A, v15;
	v30 =	vld.idx.msk [tilespmem:v11+s21+$0x0], $0xffff  }
0x45e: {  	[tilespmem:s28+$0xFFFFFF10] =	vst v29;
	v29 =	vor.u32 v2, v22;
	v11 =	vbroadcast v15, $0x0;
	v15 =	vld.idx.msk [tilespmem:v32+s21+$0x0], $0xffff;
	v18 =	vmul.f32 $8.000000000e+00, v18  }
0x45f: {  	v61 =	vor.u32 v2, v16;
	[tilespmem:s28+$0xFFFFFF90] =	vst v26;
	v12 =	vld.idx.msk [tilespmem:v12+s21+$0x0], $0xffff;
	v14 =	vmul.f32 $8.000000000e+00, v14  }
0x460: {  	v26 =	vor.u32 v0, v11;
	v31 =	vld.idx.msk [tilespmem:v31+s21+$0x0], $0xffff;
	[tilespmem:s28+$0x10] =	vst v18;
	v13 =	vmul.f32 $8.000000000e+00, v13  }
0x461: {  	v18 =	vmul.f32 $8.000000000e+00, v27;
	v27 =	vld.idx.msk [tilespmem:v33+s21+$0x0], $0xffff;
	[tilespmem:s28+$0x90] =	vst v14;
	v14 =	vor.u32 v3, v24  }
0x462: {  	v62 =	vor.u32 v3, v9;
	v28 =	vld.idx.msk [tilespmem:v28+s21+$0x0], $0xffff;
	[tilespmem:s28+$0x110] =	vst v13  }
0x463: {  	[tilespmem:s28+$0xFFFFFE10] =	vst v18;
	v13 =	vor.u32 v3, v19;
	v18 =	vld.idx.msk [tilespmem:v29+s21+$0x0], $0xffff;
	v29 =	vmul.f32 $8.000000000e+00, v30  }
0x464: {  	v63 =	vor.u32 v3, v20;
	s31 =	simm.s32 $0xB;
	v30 =	vld.idx.msk [tilespmem:v61+s21+$0x0], $0xffff;
	v15 =	vmul.f32 $8.000000000e+00, v15  }
0x465: {  	v36 =	vor.u32 v3, v23;
	v34 =	vmov s31;
	v35 =	vmul.f32 $8.000000000e+00, v12;
	v26 =	vld.idx.msk [tilespmem:v26+s21+$0x0], $0xffff;
	[tilespmem:s28+$0x1A0] =	vst v29  }
0x466: {  	v12 =	vand.u32 $0x7B, v34;
	[tilespmem:s28+$0xFFFFFEA0] =	vst v15;
	v15 =	vmul.f32 $8.000000000e+00, v31;
	v29 =	vor.u32 v3, v21;
	v14 =	vld.idx.msk [tilespmem:v14+s21+$0x0], $0xffff  }
0x467: {  	v40 =	vor.u32 v3, v22;
	v12 =	vbroadcast v12, $0x0;
	v31 =	vld.idx.msk [tilespmem:v62+s21+$0x0], $0xffff;
	[tilespmem:s28+$0xFFFFFF20] =	vst v35;
	v27 =	vmul.f32 $8.000000000e+00, v27  }
0x468: {  	v41 =	vor.u32 v3, v16;
	v13 =	vld.idx.msk [tilespmem:v13+s21+$0x0], $0xffff;
	[tilespmem:s28+$0xFFFFFFA0] =	vst v15;
	v15 =	vmul.f32 $8.000000000e+00, v28  }
0x469: {  	v28 =	vor.u32 v0, v12;
	v32 =	vld.idx.msk [tilespmem:v63+s21+$0x0], $0xffff;
	[tilespmem:s28+$0x20] =	vst v27;
	v18 =	vmul.f32 $8.000000000e+00, v18  }
0x46a: {  	v27 =	vmul.f32 $8.000000000e+00, v30;
	v30 =	vld.idx.msk [tilespmem:v36+s21+$0x0], $0xffff;
	[tilespmem:s28+$0xA0] =	vst v15;
	v15 =	vor.u32 v4, v24  }
0x46b: {  	v42 =	vor.u32 v4, v9;
	v43 =	vld.idx.msk [tilespmem:v29+s21+$0x0], $0xffff;
	[tilespmem:s28+$0x120] =	vst v18  }
0x46c: {  	[tilespmem:s28+$0xFFFFFE20] =	vst v27;
	v18 =	vor.u32 v4, v19;
	v27 =	vld.idx.msk [tilespmem:v40+s21+$0x0], $0xffff;
	v14 =	vmul.f32 $8.000000000e+00, v14  }
0x46d: {  	v45 =	vor.u32 v4, v20;
	s31 =	simm.s32 $0xC;
	v44 =	vld.idx.msk [tilespmem:v41+s21+$0x0], $0xffff;
	v31 =	vmul.f32 $8.000000000e+00, v31  }
0x46e: {  	v37 =	vor.u32 v4, v23;
	v29 =	vld.idx.msk [tilespmem:v28+s21+$0x0], $0xffff;
	v28 =	vmov s31;
	v13 =	vmul.f32 $8.000000000e+00, v13;
	[tilespmem:s28+$0x1B0] =	vst v14  }
0x46f: {  	v14 =	vand.u32 $0x7C, v28;
	[tilespmem:s28+$0xFFFFFEB0] =	vst v31;
	v28 =	vmul.f32 $8.000000000e+00, v32;
	v31 =	vor.u32 v4, v21;
	v15 =	vld.idx.msk [tilespmem:v15+s21+$0x0], $0xffff  }
0x470: {  	v14 =	vbroadcast v14, $0x0;
	v46 =	vld.idx.msk [tilespmem:v42+s21+$0x0], $0xffff;
	[tilespmem:s28+$0xFFFFFF30] =	vst v13;
	v13 =	vmul.f32 $8.000000000e+00, v30;
	v30 =	vor.u32 v4, v22  }
0x471: {  	v47 =	vor.u32 v4, v16;
	v18 =	vld.idx.msk [tilespmem:v18+s21+$0x0], $0xffff;
	[tilespmem:s28+$0xFFFFFFB0] =	vst v28;
	v28 =	vmul.f32 $8.000000000e+00, v43  }
0x472: {  	v48 =	vor.u32 v0, v14;
	v34 =	vld.idx.msk [tilespmem:v45+s21+$0x0], $0xffff;
	[tilespmem:s28+$0x30] =	vst v13;
	v13 =	vmul.f32 $8.000000000e+00, v27  }
0x473: {  	v27 =	vmul.f32 $8.000000000e+00, v44;
	v49 =	vld.idx.msk [tilespmem:v37+s21+$0x0], $0xffff;
	[tilespmem:s28+$0xB0] =	vst v28;
	v28 =	vor.u32 v5, v24  }
0x474: {  	v50 =	vor.u32 v5, v9;
	v26 =	vmul.f32 $8.000000000e+00, v26;
	v31 =	vld.idx.msk [tilespmem:v31+s21+$0x0], $0xffff;
	[tilespmem:s28+$0x130] =	vst v13  }
0x475: {  	s29 =	simm.s32 $0xC200;
	[tilespmem:s28+$0xFFFFFE30] =	vst v27;
	v13 =	vor.u32 v5, v19;
	v27 =	vld.idx.msk [tilespmem:v30+s21+$0x0], $0xffff;
	v15 =	vmul.f32 $8.000000000e+00, v15  }
0x476: {  	v38 =	vor.u32 v5, v20;
	s31 =	simm.s32 $0xD;
	[tilespmem:s29+$0xFFFFFF00] =	vst v26;
	v35 =	vld.idx.msk [tilespmem:v47+s21+$0x0], $0xffff;
	v32 =	vmul.f32 $8.000000000e+00, v46  }
0x477: {  	v39 =	vor.u32 v5, v23;
	v51 =	vmov s31;
	v18 =	vmul.f32 $8.000000000e+00, v18;
	v30 =	vld.idx.msk [tilespmem:v48+s21+$0x0], $0xffff;
	[tilespmem:s28+$0x1C0] =	vst v15  }
0x478: {  	v53 =	vor.u32 v5, v21;
	v15 =	vand.u32 $0x7D, v51;
	[tilespmem:s28+$0xFFFFFEC0] =	vst v32;
	v52 =	vmul.f32 $8.000000000e+00, v34;
	v28 =	vld.idx.msk [tilespmem:v28+s21+$0x0], $0xffff  }
0x479: {  	v55 =	vor.u32 v5, v22;
	v15 =	vbroadcast v15, $0x0;
	v54 =	vld.idx.msk [tilespmem:v50+s21+$0x0], $0xffff;
	[tilespmem:s28+$0xFFFFFF40] =	vst v18;
	v18 =	vmul.f32 $8.000000000e+00, v49  }
0x47a: {  	v56 =	vor.u32 v5, v16;
	s31 =	simm.s32 $0xE;
	v13 =	vld.idx.msk [tilespmem:v13+s21+$0x0], $0xffff;
	[tilespmem:s28+$0xFFFFFFC0] =	vst v52;
	v31 =	vmul.f32 $8.000000000e+00, v31  }
0x47b: {  	v60 =	vmov s31;
	v57 =	vor.u32 v0, v15;
	v38 =	vld.idx.msk [tilespmem:v38+s21+$0x0], $0xffff;
	[tilespmem:s28+$0x40] =	vst v18;
	v18 =	vmul.f32 $8.000000000e+00, v27  }
0x47c: {  	v33 =	vand.u32 $0x7E, v60;
	v60 =	vor.u32 v1, v14;
	v27 =	vmul.f32 $8.000000000e+00, v35;
	v58 =	vld.idx.msk [tilespmem:v39+s21+$0x0], $0xffff;
	[tilespmem:s28+$0xC0] =	vst v31  }
0x47d: {  	v31 =	vor.u32 v6, v24;
	v34 =	vld.idx.msk [tilespmem:v53+s21+$0x0], $0xffff;
	[tilespmem:s28+$0x140] =	vst v18;
	v26 =	vmul.f32 $8.000000000e+00, v30  }
0x47e: {  	v59 =	vor.u32 v6, v9;
	[tilespmem:s28+$0xFFFFFE40] =	vst v27;
	v27 =	vld.idx.msk [tilespmem:v55+s21+$0x0], $0xffff;
	v28 =	vmul.f32 $8.000000000e+00, v28  }
0x47f: {  	s31 =	simm.s32 $0xF;
	v18 =	vor.u32 v6, v19;
	v37 =	vld.idx.msk [tilespmem:v56+s21+$0x0], $0xffff;
	v36 =	vmul.f32 $8.000000000e+00, v54;
	[tilespmem:s29+$0x0] =	vst v26  }
0x480: {  	v40 =	vor.u32 v6, v20;
	v62 =	vmov s31;
	v32 =	vld.idx.msk [tilespmem:v57+s21+$0x0], $0xffff;
	[tilespmem:s28+$0x1D0] =	vst v28  }
0x481: {  	v42 =	vor.u32 v6, v23;
	v41 =	vmul.f32 $8.000000000e+00, v13;
	[tilespmem:s28+$0xFFFFFED0] =	vst v36;
	v36 =	vand.u32 $0x7F, v62;
	v62 =	vld.idx.msk [tilespmem:v60+s21+$0x0], $0xffff  }
0x482: {  	v61 =	vor.u32 v6, v21;
	v28 =	vmul.f32 $8.000000000e+00, v38;
	v31 =	vld.idx.msk [tilespmem:v31+s21+$0x0], $0xffff  }
0x483: {  	v45 =	vor.u32 v6, v22;
	v13 =	vbroadcast v33, $0x0;
	v63 =	vld.idx.msk [tilespmem:v59+s21+$0x0], $0xffff;
	[tilespmem:s28+$0xFFFFFF50] =	vst v41;
	v35 =	vmul.f32 $8.000000000e+00, v58  }
0x484: {  	v46 =	vor.u32 v6, v16;
	v43 =	vld.idx.msk [tilespmem:v18+s21+$0x0], $0xffff;
	[tilespmem:s28+$0xFFFFFFD0] =	vst v28;
	v28 =	vmul.f32 $8.000000000e+00, v34  }
0x485: {  	v47 =	vor.u32 v0, v13;
	v18 =	vbroadcast v36, $0x0;
	v48 =	vld.idx.msk [tilespmem:v40+s21+$0x0], $0xffff;
	[tilespmem:s28+$0x50] =	vst v35;
	v27 =	vmul.f32 $8.000000000e+00, v27  }
0x486: {  	v24 =	vor.u32 v7, v24;
	v49 =	vmul.f32 $8.000000000e+00, v37;
	v50 =	vld.idx.msk [tilespmem:v42+s21+$0x0], $0xffff;
	[tilespmem:s28+$0xD0] =	vst v28  }
0x487: {  	v28 =	vor.u32 v0, v18;
	v33 =	vld.idx.msk [tilespmem:v61+s21+$0x0], $0xffff;
	[tilespmem:s28+$0x150] =	vst v27  }
0x488: {  	[tilespmem:s28+$0xFFFFFE50] =	vst v49;
	v27 =	vor.u32 v7, v9;
	v51 =	vld.idx.msk [tilespmem:v45+s21+$0x0], $0xffff;
	v9 =	vmul.f32 $8.000000000e+00, v31  }
0x489: {  	v19 =	vor.u32 v7, v19;
	v31 =	vld.idx.msk [tilespmem:v46+s21+$0x0], $0xffff  }
0x48a: {  	v20 =	vor.u32 v7, v20;
	v38 =	vmul.f32 $8.000000000e+00, v63;
	v34 =	vld.idx.msk [tilespmem:v47+s21+$0x0], $0xffff;
	[tilespmem:s28+$0x1E0] =	vst v9  }
0x48b: {  	v23 =	vor.u32 v7, v23;
	v9 =	vmul.f32 $8.000000000e+00, v43;
	v53 =	vld.idx.msk [tilespmem:v24+s21+$0x0], $0xffff  }
0x48c: {  	v21 =	vor.u32 v7, v21;
	[tilespmem:s28+$0xFFFFFEE0] =	vst v38;
	v24 =	vmul.f32 $8.000000000e+00, v48;
	v28 =	vld.idx.msk [tilespmem:v28+s21+$0x0], $0xffff  }
0x48d: {  	v22 =	vor.u32 v7, v22;
	v37 =	vmul.f32 $8.000000000e+00, v50;
	[tilespmem:s28+$0xFFFFFF60] =	vst v9;
	v55 =	vld.idx.msk [tilespmem:v27+s21+$0x0], $0xffff  }
0x48e: {  	v16 =	vor.u32 v7, v16;
	[tilespmem:s28+$0xFFFFFFE0] =	vst v24;
	v24 =	vmul.f32 $8.000000000e+00, v33;
	v56 =	vld.idx.msk [tilespmem:v19+s21+$0x0], $0xffff  }
0x48f: {  	s31 =	simm.s32 $0x10;
	v30 =	vor.u32 v1, v13;
	[tilespmem:s28+$0x60] =	vst v37;
	v19 =	vmul.f32 $8.000000000e+00, v51;
	v58 =	vld.idx.msk [tilespmem:v20+s21+$0x0], $0xffff  }
0x490: {  	v52 =	vmov s31;
	v20 =	vmul.f32 $8.000000000e+00, v31;
	v31 =	vor.u32 v1, v18;
	[tilespmem:s28+$0xE0] =	vst v24;
	v24 =	vld.idx.msk [tilespmem:v23+s21+$0x0], $0xffff  }
0x491: {  	v54 =	vand.u32 $0x78, v52;
	v26 =	vmul.f32 $8.000000000e+00, v34;
	[tilespmem:s28+$0x160] =	vst v19;
	v23 =	vor.u32 v1, v10;
	v27 =	vld.idx.msk [tilespmem:v21+s21+$0x0], $0xffff  }
0x492: {  	s31 =	simm.s32 $0x11;
	v9 =	vbroadcast v54, $0x0;
	[tilespmem:s28+$0xFFFFFE60] =	vst v20;
	v20 =	vor.u32 v1, v11;
	v21 =	vmul.f32 $8.000000000e+00, v28;
	v28 =	vld.idx.msk [tilespmem:v22+s21+$0x0], $0xffff  }
0x493: {  	v59 =	vor.u32 v1, v12;
	[tilespmem:s29+$0x100] =	vst v26;
	v22 =	vmul.f32 $8.000000000e+00, v25;
	v25 =	vld.idx.msk [tilespmem:v16+s21+$0x0], $0xffff;
	v16 =	vmov s31  }
0x494: {  	v57 =	vor.u32 v0, v9;
	v30 =	vld.idx.msk [tilespmem:v30+s21+$0x0], $0xffff;
	[tilespmem:s29+$0x180] =	vst v21;
	v16 =	vand.u32 $0x79, v16  }
0x495: {  	[tilespmem:s29+$0xFFFFFE80] =	vst v22;
	v21 =	vmul.f32 $8.000000000e+00, v29;
	v22 =	vor.u32 v1, v15;
	v29 =	vld.idx.msk [tilespmem:v31+s21+$0x0], $0xffff;
	v16 =	vbroadcast v16, $0x0  }
0x496: {  	v19 =	vmul.f32 $8.000000000e+00, v53;
	v31 =	vor.u32 v1, v8;
	v23 =	vld.idx.msk [tilespmem:v23+s21+$0x0], $0xffff  }
0x497: {  	[tilespmem:s29+$0xFFFFFF80] =	vst v21;
	v21 =	vmul.f32 $8.000000000e+00, v32;
	v20 =	vld.idx.msk [tilespmem:v20+s21+$0x0], $0xffff;
	v61 =	vor.u32 v0, v16  }
0x498: {  	v17 =	vmul.f32 $8.000000000e+00, v17;
	v63 =	vor.u32 v2, v18;
	[tilespmem:s28+$0x1F0] =	vst v19;
	v38 =	vld.idx.msk [tilespmem:v59+s21+$0x0], $0xffff  }
0x499: {  	v42 =	vor.u32 v2, v10;
	v19 =	vld.idx.msk [tilespmem:v57+s21+$0x0], $0xffff;
	[tilespmem:s29+$0x80] =	vst v21;
	v21 =	vmul.f32 $8.000000000e+00, v55  }
0x49a: {  	[tilespmem:s29+$0xFFFFFE00] =	vst v17;
	v26 =	vor.u32 v2, v11;
	v22 =	vld.idx.msk [tilespmem:v22+s21+$0x0], $0xffff;
	v17 =	vmul.f32 $8.000000000e+00, v29  }
0x49b: {  	s31 =	simm.s32 $0x12;
	v29 =	vld.idx.msk [tilespmem:v31+s21+$0x0], $0xffff;
	v31 =	vor.u32 v2, v12;
	[tilespmem:s28+$0xFFFFFEF0] =	vst v21;
	v23 =	vmul.f32 $8.000000000e+00, v23  }
0x49c: {  	v44 =	vor.u32 v2, v14;
	v43 =	vmov s31;
	v21 =	vld.idx.msk [tilespmem:v61+s21+$0x0], $0xffff;
	v20 =	vmul.f32 $8.000000000e+00, v20;
	[tilespmem:s29+$0x190] =	vst v17  }
0x49d: {  	v45 =	vor.u32 v2, v15;
	v17 =	vand.u32 $0x7A, v43;
	[tilespmem:s29+$0xFFFFFE90] =	vst v23;
	v23 =	vmul.f32 $8.000000000e+00, v38;
	v35 =	vld.idx.msk [tilespmem:v63+s21+$0x0], $0xffff  }
0x49e: {  	v47 =	vor.u32 v2, v8;
	v17 =	vbroadcast v17, $0x0;
	v36 =	vld.idx.msk [tilespmem:v42+s21+$0x0], $0xffff;
	[tilespmem:s29+$0xFFFFFF10] =	vst v20;
	v20 =	vmul.f32 $8.000000000e+00, v62  }
0x49f: {  	v46 =	vor.u32 v2, v13;
	v22 =	vmul.f32 $8.000000000e+00, v22;
	v26 =	vld.idx.msk [tilespmem:v26+s21+$0x0], $0xffff;
	[tilespmem:s29+$0xFFFFFF90] =	vst v23  }
0x4a0: {  	v23 =	vor.u32 v0, v17;
	v29 =	vmul.f32 $8.000000000e+00, v29;
	v31 =	vld.idx.msk [tilespmem:v31+s21+$0x0], $0xffff;
	[tilespmem:s29+$0x10] =	vst v20  }
0x4a1: {  	v20 =	vmul.f32 $8.000000000e+00, v30;
	[tilespmem:s29+$0x90] =	vst v22;
	v22 =	vor.u32 v3, v18;
	v30 =	vld.idx.msk [tilespmem:v44+s21+$0x0], $0xffff  }
0x4a2: {  	v48 =	vor.u32 v3, v10;
	v33 =	vmul.f32 $8.000000000e+00, v56;
	v32 =	vld.idx.msk [tilespmem:v45+s21+$0x0], $0xffff;
	[tilespmem:s29+$0xFFFFFE10] =	vst v29  }
0x4a3: {  	v29 =	vor.u32 v3, v11;
	[tilespmem:s29+$0x110] =	vst v20;
	v20 =	vmul.f32 $8.000000000e+00, v35;
	v49 =	vld.idx.msk [tilespmem:v47+s21+$0x0], $0xffff  }
0x4a4: {  	v50 =	vor.u32 v3, v12;
	s31 =	simm.s32 $0x13;
	[tilespmem:s28+$0xFFFFFF70] =	vst v33;
	v34 =	vld.idx.msk [tilespmem:v46+s21+$0x0], $0xffff;
	v36 =	vmul.f32 $8.000000000e+00, v36  }
0x4a5: {  	v52 =	vor.u32 v3, v14;
	v51 =	vmov s31;
	v23 =	vld.idx.msk [tilespmem:v23+s21+$0x0], $0xffff;
	v26 =	vmul.f32 $8.000000000e+00, v26;
	[tilespmem:s29+$0x1A0] =	vst v20  }
0x4a6: {  	v53 =	vor.u32 v3, v15;
	v20 =	vand.u32 $0x7B, v51;
	[tilespmem:s29+$0xFFFFFEA0] =	vst v36;
	v31 =	vmul.f32 $8.000000000e+00, v31;
	v22 =	vld.idx.msk [tilespmem:v22+s21+$0x0], $0xffff  }
0x4a7: {  	v54 =	vor.u32 v3, v8;
	v20 =	vbroadcast v20, $0x0;
	v36 =	vld.idx.msk [tilespmem:v48+s21+$0x0], $0xffff;
	[tilespmem:s29+$0xFFFFFF20] =	vst v26;
	v26 =	vmul.f32 $8.000000000e+00, v30  }
0x4a8: {  	v30 =	vor.u32 v3, v13;
	v29 =	vld.idx.msk [tilespmem:v29+s21+$0x0], $0xffff;
	[tilespmem:s29+$0xFFFFFFA0] =	vst v31;
	v31 =	vmul.f32 $8.000000000e+00, v32  }
0x4a9: {  	v55 =	vor.u32 v0, v20;
	v56 =	vmul.f32 $8.000000000e+00, v49;
	v38 =	vld.idx.msk [tilespmem:v50+s21+$0x0], $0xffff;
	[tilespmem:s29+$0x20] =	vst v26  }
0x4aa: {  	v26 =	vmul.f32 $8.000000000e+00, v34;
	v57 =	vld.idx.msk [tilespmem:v52+s21+$0x0], $0xffff;
	[tilespmem:s29+$0xA0] =	vst v31;
	v31 =	vor.u32 v4, v18  }
0x4ab: {  	v37 =	vmul.f32 $8.000000000e+00, v58;
	v58 =	vor.u32 v4, v10;
	[tilespmem:s29+$0xFFFFFE20] =	vst v56;
	v33 =	vld.idx.msk [tilespmem:v53+s21+$0x0], $0xffff  }
0x4ac: {  	v59 =	vor.u32 v4, v11;
	[tilespmem:s29+$0x120] =	vst v26;
	v22 =	vmul.f32 $8.000000000e+00, v22;
	v39 =	vld.idx.msk [tilespmem:v54+s21+$0x0], $0xffff  }
0x4ad: {  	v60 =	vor.u32 v4, v12;
	s31 =	simm.s32 $0x14;
	[tilespmem:s28+$0xFFFFFFF0] =	vst v37;
	v30 =	vld.idx.msk [tilespmem:v30+s21+$0x0], $0xffff;
	v36 =	vmul.f32 $8.000000000e+00, v36  }
0x4ae: {  	v61 =	vmov s31;
	v62 =	vor.u32 v4, v14;
	v26 =	vld.idx.msk [tilespmem:v55+s21+$0x0], $0xffff;
	v29 =	vmul.f32 $8.000000000e+00, v29;
	[tilespmem:s29+$0x1B0] =	vst v22  }
0x4af: {  	v44 =	vor.u32 v4, v15;
	v22 =	vand.u32 $0x7C, v61;
	[tilespmem:s29+$0xFFFFFEB0] =	vst v36;
	v63 =	vmul.f32 $8.000000000e+00, v38;
	v31 =	vld.idx.msk [tilespmem:v31+s21+$0x0], $0xffff  }
0x4b0: {  	v46 =	vor.u32 v4, v13;
	v22 =	vbroadcast v22, $0x0;
	v45 =	vld.idx.msk [tilespmem:v58+s21+$0x0], $0xffff;
	[tilespmem:s29+$0xFFFFFF30] =	vst v29;
	v29 =	vmul.f32 $8.000000000e+00, v57  }
0x4b1: {  	v47 =	vor.u32 v4, v8;
	v34 =	vld.idx.msk [tilespmem:v59+s21+$0x0], $0xffff;
	[tilespmem:s29+$0xFFFFFFB0] =	vst v63;
	v48 =	vmul.f32 $8.000000000e+00, v33  }
0x4b2: {  	v49 =	vor.u32 v0, v22;
	v41 =	vld.idx.msk [tilespmem:v60+s21+$0x0], $0xffff;
	[tilespmem:s29+$0x30] =	vst v29;
	v29 =	vmul.f32 $8.000000000e+00, v30  }
0x4b3: {  	v50 =	vor.u32 v5, v18;
	v30 =	vmul.f32 $8.000000000e+00, v39;
	v37 =	vld.idx.msk [tilespmem:v62+s21+$0x0], $0xffff;
	[tilespmem:s29+$0xB0] =	vst v48  }
0x4b4: {  	v24 =	vmul.f32 $8.000000000e+00, v24;
	v51 =	vor.u32 v5, v10;
	v36 =	vld.idx.msk [tilespmem:v44+s21+$0x0], $0xffff;
	[tilespmem:s29+$0x130] =	vst v29  }
0x4b5: {  	[tilespmem:s29+$0xFFFFFE30] =	vst v30;
	v30 =	vor.u32 v5, v11;
	v35 =	vld.idx.msk [tilespmem:v46+s21+$0x0], $0xffff;
	v31 =	vmul.f32 $8.000000000e+00, v31  }
0x4b6: {  	[tilespmem:s28+$0x70] =	vst v24;
	s31 =	simm.s32 $0x15;
	v52 =	vor.u32 v5, v12;
	v40 =	vld.idx.msk [tilespmem:v47+s21+$0x0], $0xffff;
	v38 =	vmul.f32 $8.000000000e+00, v45  }
0x4b7: {  	v24 =	vmov s31;
	v54 =	vor.u32 v5, v14;
	v29 =	vld.idx.msk [tilespmem:v49+s21+$0x0], $0xffff;
	v53 =	vmul.f32 $8.000000000e+00, v34;
	[tilespmem:s29+$0x1C0] =	vst v31  }
0x4b8: {  	v24 =	vand.u32 $0x7D, v24;
	v55 =	vor.u32 v5, v15;
	[tilespmem:s29+$0xFFFFFEC0] =	vst v38;
	v31 =	vmul.f32 $8.000000000e+00, v41;
	v56 =	vld.idx.msk [tilespmem:v50+s21+$0x0], $0xffff  }
0x4b9: {  	v24 =	vbroadcast v24, $0x0;
	v58 =	vor.u32 v5, v13;
	v39 =	vld.idx.msk [tilespmem:v51+s21+$0x0], $0xffff;
	[tilespmem:s29+$0xFFFFFF40] =	vst v53;
	v57 =	vmul.f32 $8.000000000e+00, v37  }
0x4ba: {  	v44 =	vor.u32 v5, v8;
	v45 =	vld.idx.msk [tilespmem:v30+s21+$0x0], $0xffff;
	[tilespmem:s29+$0xFFFFFFC0] =	vst v31;
	v30 =	vmul.f32 $8.000000000e+00, v36  }
0x4bb: {  	v31 =	vor.u32 v0, v24;
	v42 =	vld.idx.msk [tilespmem:v52+s21+$0x0], $0xffff;
	[tilespmem:s29+$0x40] =	vst v57;
	v59 =	vmul.f32 $8.000000000e+00, v35  }
0x4bc: {  	v46 =	vor.u32 v6, v18;
	v60 =	vmul.f32 $8.000000000e+00, v40;
	v33 =	vld.idx.msk [tilespmem:v54+s21+$0x0], $0xffff;
	[tilespmem:s29+$0xC0] =	vst v30  }
0x4bd: {  	v27 =	vmul.f32 $8.000000000e+00, v27;
	v28 =	vmul.f32 $8.000000000e+00, v28;
	v37 =	vor.u32 v6, v10;
	v30 =	vld.idx.msk [tilespmem:v55+s21+$0x0], $0xffff;
	[tilespmem:s29+$0x140] =	vst v59  }
0x4be: {  	v25 =	vmul.f32 $8.000000000e+00, v25;
	s31 =	simm.s32 $0x16;
	v35 =	vor.u32 v6, v11;
	[tilespmem:s29+$0xFFFFFE40] =	vst v60;
	v32 =	vld.idx.msk [tilespmem:v58+s21+$0x0], $0xffff;
	v61 =	vmul.f32 $8.000000000e+00, v56  }
0x4bf: {  	[tilespmem:s28+$0xF0] =	vst v27;
	v62 =	vmov s31;
	v36 =	vor.u32 v6, v12;
	v34 =	vld.idx.msk [tilespmem:v44+s21+$0x0], $0xffff;
	v63 =	vmul.f32 $8.000000000e+00, v39  }
0x4c0: {  	v27 =	vand.u32 $0x7E, v62;
	v39 =	vor.u32 v6, v14;
	v31 =	vld.idx.msk [tilespmem:v31+s21+$0x0], $0xffff;
	v41 =	vmul.f32 $8.000000000e+00, v45;
	[tilespmem:s29+$0x1D0] =	vst v61  }
0x4c1: {  	s30 =	simm.s32 $0x18;
	s0 =	simm.s32 $0x17;
	v27 =	vbroadcast v27, $0x0;
	v40 =	vor.u32 v6, v15;
	[tilespmem:s29+$0xFFFFFED0] =	vst v63;
	v42 =	vmul.f32 $8.000000000e+00, v42;
	v38 =	vld.idx.msk [tilespmem:v46+s21+$0x0], $0xffff  }
.LBB2_11:
0x4c2: {  	p0 =	slt.u32 s30, $0x38;
	v43 =	vmov s0;
	v37 =	vld.idx.msk [tilespmem:v37+s21+$0x0], $0xffff;
	[tilespmem:s29+$0xFFFFFF50] =	vst v41;
	v33 =	vmul.f32 $8.000000000e+00, v33;
	v41 =	vor.u32 v6, v13  }
0x4c3: {  	v44 =	vor.u32 v6, v8;
	v30 =	vmul.f32 $8.000000000e+00, v30;
	v43 =	vand.u32 $0x7F, v43;
	v35 =	vld.idx.msk [tilespmem:v35+s21+$0x0], $0xffff;
	[tilespmem:s29+$0xFFFFFFD0] =	vst v42  }
0x4c4: {  	v42 =	vor.u32 v0, v27;
	v32 =	vmul.f32 $8.000000000e+00, v32;
	v43 =	vbroadcast v43, $0x0;
	v36 =	vld.idx.msk [tilespmem:v36+s21+$0x0], $0xffff;
	[tilespmem:s29+$0x50] =	vst v33  }
0x4c5: {  	v33 =	vmul.f32 $8.000000000e+00, v34;
	v34 =	vld.idx.msk [tilespmem:v39+s21+$0x0], $0xffff;
	[tilespmem:s29+$0xD0] =	vst v30;
	v30 =	vor.u32 v7, v18  }
0x4c6: {  	v39 =	vor.u32 v0, v43;
	v40 =	vld.idx.msk [tilespmem:v40+s21+$0x0], $0xffff;
	[tilespmem:s29+$0x150] =	vst v32;
	v18 =	vmov v43  }
0x4c7: {  	v32 =	vor.u32 v7, v10;
	v38 =	vmul.f32 $8.000000000e+00, v38;
	v10 =	vmov v16;
	[tilespmem:s29+$0xFFFFFE50] =	vst v33;
	v33 =	vld.idx.msk [tilespmem:v41+s21+$0x0], $0xffff  }
0x4c8: {  	v37 =	vmul.f32 $8.000000000e+00, v37;
	v41 =	vor.u32 v7, v11;
	v11 =	vmov v17;
	v16 =	vld.idx.msk [tilespmem:v44+s21+$0x0], $0xffff;
	[tilespmem:s28+$0x170] =	vst v28  }
0x4c9: {  	v28 =	vmul.f32 $8.000000000e+00, v35;
	v35 =	vor.u32 v7, v12;
	v12 =	vmov v20;
	v17 =	vld.idx.msk [tilespmem:v42+s21+$0x0], $0xffff;
	[tilespmem:s29+$0x1E0] =	vst v38  }
0x4ca: {  	v20 =	vmov s30;
	v36 =	vmul.f32 $8.000000000e+00, v36;
	[tilespmem:s29+$0xFFFFFEE0] =	vst v37;
	v37 =	vor.u32 v7, v14;
	v30 =	vld.idx.msk [tilespmem:v30+s21+$0x0], $0xffff;
	v14 =	vmovc v22  }
0x4cb: {  	v20 =	vand.u32 $0x78, v20;
	v22 =	vld.idx.msk [tilespmem:v39+s21+$0x0], $0xffff;
	[tilespmem:s29+$0xFFFFFF60] =	vst v28;
	v28 =	vmul.f32 $8.000000000e+00, v34;
	v34 =	vor.u32 v7, v15;
	v15 =	vmovc v24  }
0x4cc: {  	v20 =	vbroadcast v20, $0x0;
	v24 =	vld.idx.msk [tilespmem:v32+s21+$0x0], $0xffff;
	[tilespmem:s29+$0xFFFFFFE0] =	vst v36;
	v32 =	vmul.f32 $8.000000000e+00, v40;
	v36 =	vor.u32 v7, v13;
	v13 =	vmovc v27  }
0x4cd: {  	v27 =	vor.u32 v7, v8;
	v8 =	vmov v9;
	v38 =	vld.idx.msk [tilespmem:v41+s21+$0x0], $0xffff;
	[tilespmem:s29+$0x60] =	vst v28;
	v28 =	vmul.f32 $8.000000000e+00, v33  }
0x4ce: {  	s0 =	sadd.s32 $0x1, s30;
	v9 =	vmov v20;
	v33 =	vor.u32 v0, v20;
	v16 =	vmul.f32 $8.000000000e+00, v16;
	v35 =	vld.idx.msk [tilespmem:v35+s21+$0x0], $0xffff;
	[tilespmem:s29+$0xE0] =	vst v32  }
0x4cf: {  	v20 =	vmov s0;
	v32 =	vor.u32 v1, v18;
	v37 =	vld.idx.msk [tilespmem:v37+s21+$0x0], $0xffff;
	[tilespmem:s29+$0x160] =	vst v28  }
0x4d0: {  	v20 =	vand.u32 $0x79, v20;
	v28 =	vor.u32 v1, v10;
	v30 =	vmul.f32 $8.000000000e+00, v30;
	[tilespmem:s29+$0xFFFFFE60] =	vst v16;
	v34 =	vld.idx.msk [tilespmem:v34+s21+$0x0], $0xffff  }
0x4d1: {  	v16 =	vbroadcast v20, $0x0;
	v20 =	vor.u32 v1, v11;
	v22 =	vmul.f32 $8.000000000e+00, v22;
	v36 =	vld.idx.msk [tilespmem:v36+s21+$0x0], $0xffff;
	[tilespmem:s28+$0xFFFFFE70] =	vst v25;
	s28 =	smov.u32 s29  }
0x4d2: {  	v21 =	vmul.f32 $8.000000000e+00, v21;
	v25 =	vor.u32 v1, v12;
	v40 =	vmul.f32 $8.000000000e+00, v24;
	s29 =	sadd.s32 $0x400, s29;
	v39 =	vld.idx.msk [tilespmem:v27+s21+$0x0], $0xffff;
	[tilespmem:s28+$0x1F0] =	vst v30  }
0x4d3: {  	v23 =	vmul.f32 $8.000000000e+00, v23;
	v38 =	vmul.f32 $8.000000000e+00, v38;
	v30 =	vld.idx.msk [tilespmem:v33+s21+$0x0], $0xffff;
	v33 =	vor.u32 v1, v14;
	[tilespmem:s29+$0x180] =	vst v22  }
0x4d4: {  	v22 =	vmul.f32 $8.000000000e+00, v35;
	[tilespmem:s29+$0xFFFFFE80] =	vst v21;
	v21 =	vmul.f32 $8.000000000e+00, v26;
	v26 =	vor.u32 v1, v15;
	v32 =	vld.idx.msk [tilespmem:v32+s21+$0x0], $0xffff  }
0x4d5: {  	v24 =	vmul.f32 $8.000000000e+00, v37;
	v35 =	vld.idx.msk [tilespmem:v28+s21+$0x0], $0xffff;
	[tilespmem:s29+$0xFFFFFF00] =	vst v23;
	v23 =	vmul.f32 $8.000000000e+00, v29;
	v29 =	vor.u32 v1, v13  }
0x4d6: {  	v37 =	vor.u32 v1, v8;
	v27 =	vmul.f32 $8.000000000e+00, v34;
	v20 =	vld.idx.msk [tilespmem:v20+s21+$0x0], $0xffff;
	[tilespmem:s29+$0xFFFFFF80] =	vst v21;
	v21 =	vmul.f32 $8.000000000e+00, v31  }
0x4d7: {  	v17 =	vmul.f32 $8.000000000e+00, v17;
	v31 =	vor.u32 v0, v16;
	v28 =	vmul.f32 $8.000000000e+00, v36;
	v34 =	vld.idx.msk [tilespmem:v25+s21+$0x0], $0xffff;
	[tilespmem:s29+$0x0] =	vst v23  }
0x4d8: {  	v36 =	vor.u32 v2, v18;
	v23 =	vmul.f32 $8.000000000e+00, v19;
	v25 =	vmul.f32 $8.000000000e+00, v39;
	v33 =	vld.idx.msk [tilespmem:v33+s21+$0x0], $0xffff;
	[tilespmem:s29+$0x80] =	vst v21  }
0x4d9: {  	v39 =	vor.u32 v2, v10;
	v19 =	vmov v30;
	v26 =	vld.idx.msk [tilespmem:v26+s21+$0x0], $0xffff;
	[tilespmem:s29+$0x100] =	vst v17  }
0x4da: {  	v17 =	vmul.f32 $8.000000000e+00, v32;
	[tilespmem:s29+$0xFFFFFE00] =	vst v23;
	v23 =	vor.u32 v2, v11;
	v29 =	vld.idx.msk [tilespmem:v29+s21+$0x0], $0xffff  }
0x4db: {  	s0 =	sadd.s32 $0x2, s30;
	v32 =	vmul.f32 $8.000000000e+00, v35;
	v35 =	vor.u32 v2, v12;
	v30 =	vld.idx.msk [tilespmem:v37+s21+$0x0], $0xffff;
	[tilespmem:s28+$0xFFFFFEF0] =	vst v40  }
0x4dc: {  	v20 =	vmul.f32 $8.000000000e+00, v20;
	v37 =	vor.u32 v2, v14;
	v21 =	vld.idx.msk [tilespmem:v31+s21+$0x0], $0xffff;
	v31 =	vmov s0;
	[tilespmem:s29+$0x190] =	vst v17  }
0x4dd: {  	v17 =	vand.u32 $0x7A, v31;
	[tilespmem:s29+$0xFFFFFE90] =	vst v32;
	v31 =	vmul.f32 $8.000000000e+00, v34;
	v32 =	vor.u32 v2, v15;
	v34 =	vld.idx.msk [tilespmem:v36+s21+$0x0], $0xffff  }
0x4de: {  	v17 =	vbroadcast v17, $0x0;
	v36 =	vld.idx.msk [tilespmem:v39+s21+$0x0], $0xffff;
	[tilespmem:s29+$0xFFFFFF10] =	vst v20;
	v20 =	vmul.f32 $8.000000000e+00, v33;
	v33 =	vor.u32 v2, v13  }
0x4df: {  	v39 =	vor.u32 v2, v8;
	v40 =	vld.idx.msk [tilespmem:v23+s21+$0x0], $0xffff;
	[tilespmem:s29+$0xFFFFFF90] =	vst v31;
	v23 =	vmul.f32 $8.000000000e+00, v26  }
0x4e0: {  	v26 =	vor.u32 v0, v17;
	v31 =	vld.idx.msk [tilespmem:v35+s21+$0x0], $0xffff;
	[tilespmem:s29+$0x10] =	vst v20;
	v20 =	vmul.f32 $8.000000000e+00, v29  }
0x4e1: {  	v29 =	vmul.f32 $8.000000000e+00, v30;
	v35 =	vor.u32 v3, v18;
	v30 =	vld.idx.msk [tilespmem:v37+s21+$0x0], $0xffff;
	[tilespmem:s29+$0x90] =	vst v23  }
0x4e2: {  	v37 =	vor.u32 v3, v10;
	v32 =	vld.idx.msk [tilespmem:v32+s21+$0x0], $0xffff;
	[tilespmem:s29+$0x110] =	vst v20  }
0x4e3: {  	v20 =	vmul.f32 $8.000000000e+00, v34;
	[tilespmem:s29+$0xFFFFFE10] =	vst v29;
	v29 =	vor.u32 v3, v11;
	v33 =	vld.idx.msk [tilespmem:v33+s21+$0x0], $0xffff  }
0x4e4: {  	s0 =	sadd.s32 $0x3, s30;
	v36 =	vmul.f32 $8.000000000e+00, v36;
	v34 =	vld.idx.msk [tilespmem:v39+s21+$0x0], $0xffff;
	v39 =	vor.u32 v3, v12;
	[tilespmem:s28+$0xFFFFFF70] =	vst v38  }
0x4e5: {  	v38 =	vmul.f32 $8.000000000e+00, v40;
	v40 =	vor.u32 v3, v14;
	v23 =	vld.idx.msk [tilespmem:v26+s21+$0x0], $0xffff;
	v26 =	vmov s0;
	[tilespmem:s29+$0x1A0] =	vst v20  }
0x4e6: {  	v20 =	vand.u32 $0x7B, v26;
	[tilespmem:s29+$0xFFFFFEA0] =	vst v36;
	v26 =	vmul.f32 $8.000000000e+00, v31;
	v31 =	vor.u32 v3, v15;
	v35 =	vld.idx.msk [tilespmem:v35+s21+$0x0], $0xffff  }
0x4e7: {  	v30 =	vmul.f32 $8.000000000e+00, v30;
	v20 =	vbroadcast v20, $0x0;
	v36 =	vld.idx.msk [tilespmem:v37+s21+$0x0], $0xffff;
	[tilespmem:s29+$0xFFFFFF20] =	vst v38;
	v37 =	vor.u32 v3, v13  }
0x4e8: {  	v38 =	vor.u32 v3, v8;
	v29 =	vld.idx.msk [tilespmem:v29+s21+$0x0], $0xffff;
	[tilespmem:s29+$0xFFFFFFA0] =	vst v26;
	v26 =	vmul.f32 $8.000000000e+00, v32  }
0x4e9: {  	v32 =	vor.u32 v0, v20;
	v39 =	vld.idx.msk [tilespmem:v39+s21+$0x0], $0xffff;
	[tilespmem:s29+$0x20] =	vst v30;
	v30 =	vmul.f32 $8.000000000e+00, v33  }
0x4ea: {  	v33 =	vmul.f32 $8.000000000e+00, v34;
	v34 =	vld.idx.msk [tilespmem:v40+s21+$0x0], $0xffff;
	[tilespmem:s29+$0xA0] =	vst v26;
	v40 =	vor.u32 v4, v18  }
0x4eb: {  	v41 =	vor.u32 v4, v10;
	v31 =	vld.idx.msk [tilespmem:v31+s21+$0x0], $0xffff;
	[tilespmem:s29+$0x120] =	vst v30  }
0x4ec: {  	v30 =	vor.u32 v4, v11;
	v35 =	vmul.f32 $8.000000000e+00, v35;
	[tilespmem:s29+$0xFFFFFE20] =	vst v33;
	v33 =	vld.idx.msk [tilespmem:v37+s21+$0x0], $0xffff  }
0x4ed: {  	s0 =	sadd.s32 $0x4, s30;
	v36 =	vmul.f32 $8.000000000e+00, v36;
	v37 =	vld.idx.msk [tilespmem:v38+s21+$0x0], $0xffff;
	v38 =	vor.u32 v4, v12;
	[tilespmem:s28+$0xFFFFFFF0] =	vst v22  }
0x4ee: {  	v22 =	vmov s0;
	v29 =	vmul.f32 $8.000000000e+00, v29;
	v26 =	vld.idx.msk [tilespmem:v32+s21+$0x0], $0xffff;
	v32 =	vor.u32 v4, v14;
	[tilespmem:s29+$0x1B0] =	vst v35  }
0x4ef: {  	v22 =	vand.u32 $0x7C, v22;
	v35 =	vmul.f32 $8.000000000e+00, v39;
	[tilespmem:s29+$0xFFFFFEB0] =	vst v36;
	v36 =	vor.u32 v4, v15;
	v39 =	vld.idx.msk [tilespmem:v40+s21+$0x0], $0xffff  }
0x4f0: {  	v22 =	vbroadcast v22, $0x0;
	v40 =	vld.idx.msk [tilespmem:v41+s21+$0x0], $0xffff;
	[tilespmem:s29+$0xFFFFFF30] =	vst v29;
	v29 =	vmul.f32 $8.000000000e+00, v34;
	v34 =	vor.u32 v4, v13  }
0x4f1: {  	v41 =	vor.u32 v4, v8;
	v31 =	vmul.f32 $8.000000000e+00, v31;
	v30 =	vld.idx.msk [tilespmem:v30+s21+$0x0], $0xffff;
	[tilespmem:s29+$0xFFFFFFB0] =	vst v35  }
0x4f2: {  	v35 =	vor.u32 v0, v22;
	v38 =	vld.idx.msk [tilespmem:v38+s21+$0x0], $0xffff;
	[tilespmem:s29+$0x30] =	vst v29;
	v29 =	vmul.f32 $8.000000000e+00, v33  }
0x4f3: {  	v33 =	vmul.f32 $8.000000000e+00, v37;
	v32 =	vld.idx.msk [tilespmem:v32+s21+$0x0], $0xffff;
	[tilespmem:s29+$0xB0] =	vst v31;
	v31 =	vor.u32 v5, v18  }
0x4f4: {  	v37 =	vor.u32 v5, v10;
	v36 =	vld.idx.msk [tilespmem:v36+s21+$0x0], $0xffff;
	[tilespmem:s29+$0x130] =	vst v29  }
0x4f5: {  	v39 =	vmul.f32 $8.000000000e+00, v39;
	[tilespmem:s29+$0xFFFFFE30] =	vst v33;
	v33 =	vor.u32 v5, v11;
	v34 =	vld.idx.msk [tilespmem:v34+s21+$0x0], $0xffff  }
0x4f6: {  	v42 =	vor.u32 v5, v12;
	s0 =	sadd.s32 $0x5, s30;
	v40 =	vmul.f32 $8.000000000e+00, v40;
	v41 =	vld.idx.msk [tilespmem:v41+s21+$0x0], $0xffff;
	[tilespmem:s28+$0x70] =	vst v24  }
0x4f7: {  	v24 =	vmov s0;
	v30 =	vmul.f32 $8.000000000e+00, v30;
	v29 =	vld.idx.msk [tilespmem:v35+s21+$0x0], $0xffff;
	v35 =	vor.u32 v5, v14;
	[tilespmem:s29+$0x1C0] =	vst v39  }
0x4f8: {  	v24 =	vand.u32 $0x7D, v24;
	v38 =	vmul.f32 $8.000000000e+00, v38;
	v39 =	vor.u32 v5, v15;
	[tilespmem:s29+$0xFFFFFEC0] =	vst v40;
	v31 =	vld.idx.msk [tilespmem:v31+s21+$0x0], $0xffff  }
0x4f9: {  	v24 =	vbroadcast v24, $0x0;
	v40 =	vld.idx.msk [tilespmem:v37+s21+$0x0], $0xffff;
	[tilespmem:s29+$0xFFFFFF40] =	vst v30;
	v30 =	vmul.f32 $8.000000000e+00, v32;
	v32 =	vor.u32 v5, v13  }
0x4fa: {  	v43 =	vor.u32 v5, v8;
	v36 =	vmul.f32 $8.000000000e+00, v36;
	v44 =	vld.idx.msk [tilespmem:v33+s21+$0x0], $0xffff;
	[tilespmem:s29+$0xFFFFFFC0] =	vst v38  }
0x4fb: {  	v38 =	vor.u32 v0, v24;
	v34 =	vmul.f32 $8.000000000e+00, v34;
	v42 =	vld.idx.msk [tilespmem:v42+s21+$0x0], $0xffff;
	[tilespmem:s29+$0x40] =	vst v30  }
0x4fc: {  	v45 =	vor.u32 v6, v18;
	v41 =	vmul.f32 $8.000000000e+00, v41;
	v33 =	vld.idx.msk [tilespmem:v35+s21+$0x0], $0xffff;
	[tilespmem:s29+$0xC0] =	vst v36  }
.Ltmp5:
0x4fd: {  	v37 =	vor.u32 v6, v10;
	v30 =	vld.idx.msk [tilespmem:v39+s21+$0x0], $0xffff;
	[tilespmem:s29+$0x140] =	vst v34;
	(pc) =	sbr.rel @p0 .LBB2_11-.Ltmp5, $4  }
0x4fe: {  	s0 =	sadd.s32 $0x6, s30;
	v35 =	vor.u32 v6, v11;
	v46 =	vmul.f32 $8.000000000e+00, v31;
	[tilespmem:s29+$0xFFFFFE40] =	vst v41;
	v32 =	vld.idx.msk [tilespmem:v32+s21+$0x0], $0xffff  }
0x4ff: {  	v36 =	vor.u32 v6, v12;
	v39 =	vmov s0;
	v40 =	vmul.f32 $8.000000000e+00, v40;
	v34 =	vld.idx.msk [tilespmem:v43+s21+$0x0], $0xffff;
	[tilespmem:s28+$0xF0] =	vst v27  }
0x500: {  	v27 =	vand.u32 $0x7E, v39;
	v41 =	vmul.f32 $8.000000000e+00, v44;
	v39 =	vor.u32 v6, v14;
	v31 =	vld.idx.msk [tilespmem:v38+s21+$0x0], $0xffff;
	[tilespmem:s29+$0x1D0] =	vst v46  }
0x501: {  	s0 =	sadd.s32 $0x7, s30;
	s30 =	sadd.s32 $0x8, s30;
	v27 =	vbroadcast v27, $0x0;
	v42 =	vmul.f32 $8.000000000e+00, v42;
	[tilespmem:s29+$0xFFFFFED0] =	vst v40;
	v40 =	vor.u32 v6, v15;
	v38 =	vld.idx.msk [tilespmem:v45+s21+$0x0], $0xffff  }
0x502: {  	[tilespmem:s29+$0xFFFFFF50] =	vst v41  }
0x503: {  	[tilespmem:s28+$0x170] =	vst v28  }
0x504: {  	v33 =	vmul.f32 $8.000000000e+00, v33;
	[tilespmem:s28+$0xFFFFFE70] =	vst v25  }
0x505: {  	v54 =	vmul.f32 $8.000000000e+00, v30;
	[tilespmem:s29+$0xFFFFFFD0] =	vst v42  }
0x506: {  	v21 =	vmul.f32 $8.000000000e+00, v21;
	[tilespmem:s29+$0x50] =	vst v33  }
0x507: {  	s30 =	sadd.s32 $0x400, s29;
	v23 =	vmul.f32 $8.000000000e+00, v23;
	[tilespmem:s29+$0xD0] =	vst v54  }
0x508: {  	v47 =	vmul.f32 $8.000000000e+00, v26;
	[tilespmem:s30+$0xFFFFFE80] =	vst v21  }
0x509: {  	v37 =	vld.idx.msk [tilespmem:v37+s21+$0x0], $0xffff;
	v43 =	vor.u32 v6, v13;
	v49 =	vmul.f32 $8.000000000e+00, v29;
	[tilespmem:s30+$0xFFFFFF00] =	vst v23  }
0x50a: {  	v56 =	vor.u32 v6, v8;
	v19 =	vmul.f32 $8.000000000e+00, v19;
	v35 =	vld.idx.msk [tilespmem:v35+s21+$0x0], $0xffff;
	[tilespmem:s30+$0xFFFFFF80] =	vst v47  }
0x50b: {  	v44 =	vor.u32 v1, v17;
	v32 =	vmul.f32 $8.000000000e+00, v32;
	v57 =	vld.idx.msk [tilespmem:v36+s21+$0x0], $0xffff;
	[tilespmem:s30+$0x0] =	vst v49  }
0x50c: {  	v46 =	vor.u32 v1, v22;
	v34 =	vmul.f32 $8.000000000e+00, v34;
	[tilespmem:s30+$0xFFFFFE00] =	vst v19;
	v58 =	vld.idx.msk [tilespmem:v39+s21+$0x0], $0xffff  }
0x50d: {  	v53 =	vmov s0;
	v48 =	vor.u32 v1, v24;
	[tilespmem:s29+$0x150] =	vst v32;
	v60 =	vld.idx.msk [tilespmem:v40+s21+$0x0], $0xffff;
	v51 =	vmul.f32 $8.000000000e+00, v31  }
0x50e: {  	v18 =	vor.u32 v7, v18;
	v55 =	vand.u32 $0x7F, v53;
	[tilespmem:s29+$0xFFFFFE50] =	vst v34;
	v61 =	vmul.f32 $8.000000000e+00, v38;
	v62 =	vld.idx.msk [tilespmem:v43+s21+$0x0], $0xffff  }
0x50f: {  	v30 =	vbroadcast v55, $0x0;
	v39 =	vor.u32 v0, v27;
	v37 =	vmul.f32 $8.000000000e+00, v37;
	v63 =	vld.idx.msk [tilespmem:v56+s21+$0x0], $0xffff;
	[tilespmem:s30+$0x80] =	vst v51  }
0x510: {  	v10 =	vor.u32 v7, v10;
	v34 =	vld.idx.msk [tilespmem:v44+s21+$0x0], $0xffff;
	v35 =	vmul.f32 $8.000000000e+00, v35;
	[tilespmem:s29+$0x1E0] =	vst v61  }
0x511: {  	v59 =	vor.u32 v0, v30;
	v54 =	vld.idx.msk [tilespmem:v46+s21+$0x0], $0xffff;
	[tilespmem:s29+$0xFFFFFEE0] =	vst v37;
	v33 =	vmul.f32 $8.000000000e+00, v57  }
0x512: {  	v52 =	vor.u32 v1, v9;
	v26 =	vld.idx.msk [tilespmem:v48+s21+$0x0], $0xffff;
	[tilespmem:s29+$0xFFFFFF60] =	vst v35;
	v36 =	vmul.f32 $8.000000000e+00, v58  }
0x513: {  	v11 =	vor.u32 v7, v11;
	v18 =	vld.idx.msk [tilespmem:v18+s21+$0x0], $0xffff;
	v37 =	vmul.f32 $8.000000000e+00, v60;
	[tilespmem:s29+$0xFFFFFFE0] =	vst v33  }
0x514: {  	v12 =	vor.u32 v7, v12;
	v43 =	vld.idx.msk [tilespmem:v39+s21+$0x0], $0xffff;
	[tilespmem:s29+$0x60] =	vst v36;
	v40 =	vmul.f32 $8.000000000e+00, v62  }
0x515: {  	v42 =	vor.u32 v1, v16;
	v10 =	vld.idx.msk [tilespmem:v10+s21+$0x0], $0xffff;
	v28 =	vmul.f32 $8.000000000e+00, v63;
	[tilespmem:s29+$0xE0] =	vst v37  }
0x516: {  	v8 =	vor.u32 v7, v8;
	v32 =	vld.idx.msk [tilespmem:v59+s21+$0x0], $0xffff;
	v61 =	vmul.f32 $8.000000000e+00, v34;
	[tilespmem:s29+$0x160] =	vst v40  }
0x517: {  	v45 =	vor.u32 v1, v20;
	v59 =	vld.idx.msk [tilespmem:v52+s21+$0x0], $0xffff;
	v21 =	vmul.f32 $8.000000000e+00, v54;
	[tilespmem:s29+$0xFFFFFE60] =	vst v28  }
0x518: {  	v50 =	vor.u32 v1, v27;
	v11 =	vld.idx.msk [tilespmem:v11+s21+$0x0], $0xffff;
	v37 =	vmul.f32 $8.000000000e+00, v26;
	[tilespmem:s30+$0xFFFFFF10] =	vst v61  }
0x519: {  	v41 =	vor.u32 v1, v30;
	v49 =	vld.idx.msk [tilespmem:v12+s21+$0x0], $0xffff;
	v18 =	vmul.f32 $8.000000000e+00, v18;
	[tilespmem:s30+$0x10] =	vst v21  }
0x51a: {  	v58 =	vor.u32 v2, v17;
	v28 =	vld.idx.msk [tilespmem:v42+s21+$0x0], $0xffff;
	v53 =	vmul.f32 $8.000000000e+00, v43;
	[tilespmem:s30+$0x90] =	vst v37  }
0x51b: {  	v62 =	vor.u32 v2, v22;
	v8 =	vld.idx.msk [tilespmem:v8+s21+$0x0], $0xffff;
	v32 =	vmul.f32 $8.000000000e+00, v32;
	[tilespmem:s29+$0x1F0] =	vst v18  }
0x51c: {  	v63 =	vor.u32 v2, v24;
	v10 =	vmul.f32 $8.000000000e+00, v10;
	v18 =	vld.idx.msk [tilespmem:v45+s21+$0x0], $0xffff;
	[tilespmem:s30+$0x100] =	vst v53  }
0x51d: {  	v56 =	vor.u32 v2, v16;
	v11 =	vmul.f32 $8.000000000e+00, v11;
	[tilespmem:s30+$0x180] =	vst v32;
	v29 =	vld.idx.msk [tilespmem:v50+s21+$0x0], $0xffff  }
0x51e: {  	v38 =	vor.u32 v2, v9;
	[tilespmem:s29+$0xFFFFFEF0] =	vst v10;
	v10 =	vmul.f32 $8.000000000e+00, v59;
	v33 =	vld.idx.msk [tilespmem:v41+s21+$0x0], $0xffff  }
0x51f: {  	v60 =	vor.u32 v2, v20;
	v32 =	vld.idx.msk [tilespmem:v58+s21+$0x0], $0xffff;
	[tilespmem:s29+$0xFFFFFF70] =	vst v11;
	v28 =	vmul.f32 $8.000000000e+00, v28  }
0x520: {  	v36 =	vor.u32 v2, v27;
	v41 =	vld.idx.msk [tilespmem:v62+s21+$0x0], $0xffff;
	[tilespmem:s30+$0xFFFFFE10] =	vst v10;
	v10 =	vmul.f32 $8.000000000e+00, v49  }
0x521: {  	v55 =	vor.u32 v2, v30;
	[tilespmem:s30+$0xFFFFFE90] =	vst v28;
	v18 =	vmul.f32 $8.000000000e+00, v18;
	v28 =	vld.idx.msk [tilespmem:v63+s21+$0x0], $0xffff  }
0x522: {  	v14 =	vor.u32 v7, v14;
	[tilespmem:s29+$0xFFFFFFF0] =	vst v10;
	v23 =	vld.idx.msk [tilespmem:v56+s21+$0x0], $0xffff;
	v39 =	vmul.f32 $8.000000000e+00, v29  }
0x523: {  	v50 =	vor.u32 v3, v22;
	v47 =	vld.idx.msk [tilespmem:v38+s21+$0x0], $0xffff;
	[tilespmem:s30+$0xFFFFFF90] =	vst v18;
	v57 =	vmul.f32 $8.000000000e+00, v33  }
0x524: {  	v52 =	vor.u32 v3, v24;
	v32 =	vmul.f32 $8.000000000e+00, v32;
	v40 =	vld.idx.msk [tilespmem:v60+s21+$0x0], $0xffff;
	[tilespmem:s30+$0x110] =	vst v39  }
0x525: {  	v43 =	vor.u32 v3, v16;
	v18 =	vmul.f32 $8.000000000e+00, v41;
	[tilespmem:s30+$0x190] =	vst v57;
	v46 =	vld.idx.msk [tilespmem:v36+s21+$0x0], $0xffff  }
0x526: {  	v45 =	vor.u32 v3, v17;
	[tilespmem:s30+$0xFFFFFF20] =	vst v32;
	v54 =	vmul.f32 $8.000000000e+00, v28;
	v25 =	vld.idx.msk [tilespmem:v55+s21+$0x0], $0xffff  }
0x527: {  	v48 =	vor.u32 v3, v20;
	v32 =	vld.idx.msk [tilespmem:v14+s21+$0x0], $0xffff;
	[tilespmem:s30+$0x20] =	vst v18;
	v23 =	vmul.f32 $8.000000000e+00, v23  }
0x528: {  	v8 =	vmul.f32 $8.000000000e+00, v8;
	v55 =	vor.u32 v3, v9;
	v12 =	vld.idx.msk [tilespmem:v50+s21+$0x0], $0xffff;
	[tilespmem:s30+$0xA0] =	vst v54  }
0x529: {  	v53 =	vor.u32 v3, v27;
	[tilespmem:s30+$0xFFFFFEA0] =	vst v23;
	v51 =	vmul.f32 $8.000000000e+00, v40;
	v29 =	vld.idx.msk [tilespmem:v52+s21+$0x0], $0xffff  }
0x52a: {  	v42 =	vor.u32 v3, v30;
	[tilespmem:s29+$0xFFFFFE70] =	vst v8;
	v11 =	vmul.f32 $8.000000000e+00, v47;
	v21 =	vld.idx.msk [tilespmem:v43+s21+$0x0], $0xffff  }
0x52b: {  	v15 =	vor.u32 v7, v15;
	[tilespmem:s30+$0xFFFFFFA0] =	vst v51;
	v56 =	vmul.f32 $8.000000000e+00, v46;
	v44 =	vmul.f32 $8.000000000e+00, v25;
	v25 =	vld.idx.msk [tilespmem:v45+s21+$0x0], $0xffff  }
0x52c: {  	v33 =	vor.u32 v4, v22;
	[tilespmem:s30+$0xFFFFFE20] =	vst v11;
	v26 =	vld.idx.msk [tilespmem:v48+s21+$0x0], $0xffff  }
0x52d: {  	v35 =	vor.u32 v4, v24;
	v11 =	vmul.f32 $8.000000000e+00, v32;
	v62 =	vld.idx.msk [tilespmem:v55+s21+$0x0], $0xffff;
	[tilespmem:s30+$0x120] =	vst v56  }
0x52e: {  	v58 =	vor.u32 v4, v16;
	v12 =	vmul.f32 $8.000000000e+00, v12;
	[tilespmem:s30+$0x1A0] =	vst v44;
	v61 =	vld.idx.msk [tilespmem:v53+s21+$0x0], $0xffff  }
0x52f: {  	v60 =	vor.u32 v4, v17;
	[tilespmem:s29+$0x70] =	vst v11;
	v37 =	vmul.f32 $8.000000000e+00, v29;
	v19 =	vld.idx.msk [tilespmem:v42+s21+$0x0], $0xffff  }
0x530: {  	v63 =	vor.u32 v4, v20;
	v46 =	vld.idx.msk [tilespmem:v15+s21+$0x0], $0xffff;
	[tilespmem:s30+$0x30] =	vst v12;
	v21 =	vmul.f32 $8.000000000e+00, v21  }
0x531: {  	v38 =	vor.u32 v4, v9;
	v14 =	vld.idx.msk [tilespmem:v33+s21+$0x0], $0xffff;
	[tilespmem:s30+$0xB0] =	vst v37;
	v25 =	vmul.f32 $8.000000000e+00, v25  }
0x532: {  	v36 =	vor.u32 v4, v27;
	[tilespmem:s30+$0xFFFFFEB0] =	vst v21;
	v34 =	vmul.f32 $8.000000000e+00, v26;
	v26 =	vld.idx.msk [tilespmem:v35+s21+$0x0], $0xffff  }
0x533: {  	v57 =	vor.u32 v4, v30;
	v10 =	vmul.f32 $8.000000000e+00, v62;
	v18 =	vld.idx.msk [tilespmem:v58+s21+$0x0], $0xffff;
	[tilespmem:s30+$0xFFFFFF30] =	vst v25  }
0x534: {  	v54 =	vor.u32 v7, v13;
	[tilespmem:s30+$0xFFFFFFB0] =	vst v34;
	v39 =	vmul.f32 $8.000000000e+00, v61;
	v59 =	vmul.f32 $8.000000000e+00, v19;
	v19 =	vld.idx.msk [tilespmem:v60+s21+$0x0], $0xffff  }
0x535: {  	v47 =	vor.u32 v5, v22;
	[tilespmem:s30+$0xFFFFFE30] =	vst v10;
	v28 =	vld.idx.msk [tilespmem:v63+s21+$0x0], $0xffff  }
0x536: {  	v49 =	vor.u32 v5, v24;
	v44 =	vld.idx.msk [tilespmem:v38+s21+$0x0], $0xffff;
	v14 =	vmul.f32 $8.000000000e+00, v14;
	[tilespmem:s30+$0x130] =	vst v39  }
0x537: {  	v41 =	vor.u32 v5, v16;
	[tilespmem:s30+$0x1B0] =	vst v59;
	v25 =	vld.idx.msk [tilespmem:v36+s21+$0x0], $0xffff;
	v51 =	vmul.f32 $8.000000000e+00, v26  }
0x538: {  	v43 =	vor.u32 v5, v17;
	[tilespmem:s30+$0x40] =	vst v14;
	v23 =	vld.idx.msk [tilespmem:v57+s21+$0x0], $0xffff;
	v18 =	vmul.f32 $8.000000000e+00, v18  }
0x539: {  	v45 =	vor.u32 v5, v20;
	v62 =	vld.idx.msk [tilespmem:v54+s21+$0x0], $0xffff;
	[tilespmem:s30+$0xC0] =	vst v51;
	v19 =	vmul.f32 $8.000000000e+00, v19  }
0x53a: {  	v50 =	vor.u32 v5, v27;
	v15 =	vld.idx.msk [tilespmem:v47+s21+$0x0], $0xffff;
	[tilespmem:s30+$0xFFFFFEC0] =	vst v18;
	v48 =	vmul.f32 $8.000000000e+00, v28  }
0x53b: {  	v40 =	vor.u32 v5, v30;
	v11 =	vmul.f32 $8.000000000e+00, v44;
	v28 =	vld.idx.msk [tilespmem:v49+s21+$0x0], $0xffff;
	[tilespmem:s30+$0xFFFFFF40] =	vst v19  }
0x53c: {  	v52 =	vor.u32 v5, v9;
	v12 =	vld.idx.msk [tilespmem:v41+s21+$0x0], $0xffff;
	[tilespmem:s30+$0xFFFFFFC0] =	vst v48;
	v53 =	vmul.f32 $8.000000000e+00, v25  }
0x53d: {  	[tilespmem:s30+$0xFFFFFE40] =	vst v11;
	v42 =	vmul.f32 $8.000000000e+00, v23;
	v23 =	vld.idx.msk [tilespmem:v43+s21+$0x0], $0xffff  }
0x53e: {  	v33 =	vor.u32 v6, v24;
	v10 =	vmul.f32 $8.000000000e+00, v46;
	v55 =	vld.idx.msk [tilespmem:v45+s21+$0x0], $0xffff;
	[tilespmem:s30+$0x140] =	vst v53  }
0x53f: {  	v57 =	vor.u32 v6, v16;
	v11 =	vmul.f32 $8.000000000e+00, v62;
	[tilespmem:s30+$0x1C0] =	vst v42;
	v19 =	vld.idx.msk [tilespmem:v50+s21+$0x0], $0xffff  }
0x540: {  	[tilespmem:s29+$0xF0] =	vst v10;
	v59 =	vor.u32 v6, v17;
	v35 =	vmul.f32 $8.000000000e+00, v28;
	v21 =	vld.idx.msk [tilespmem:v40+s21+$0x0], $0xffff  }
0x541: {  	v61 =	vor.u32 v6, v20;
	v60 =	vld.idx.msk [tilespmem:v52+s21+$0x0], $0xffff;
	[tilespmem:s29+$0x170] =	vst v11;
	v12 =	vmul.f32 $8.000000000e+00, v12  }
0x542: {  	v63 =	vor.u32 v6, v22;
	[tilespmem:s30+$0xD0] =	vst v35;
	v23 =	vmul.f32 $8.000000000e+00, v23  }
0x543: {  	v34 =	vor.u32 v6, v27;
	[tilespmem:s30+$0xFFFFFED0] =	vst v12;
	v32 =	vmul.f32 $8.000000000e+00, v55;
	v41 =	vld.idx.msk [tilespmem:v33+s21+$0x0], $0xffff  }
0x544: {  	v36 =	vor.u32 v6, v9;
	v15 =	vmul.f32 $8.000000000e+00, v15;
	v14 =	vld.idx.msk [tilespmem:v57+s21+$0x0], $0xffff;
	[tilespmem:s30+$0xFFFFFF50] =	vst v23  }
0x545: {  	v56 =	vor.u32 v6, v30;
	[tilespmem:s30+$0xFFFFFFD0] =	vst v32;
	v37 =	vmul.f32 $8.000000000e+00, v19;
	v58 =	vmul.f32 $8.000000000e+00, v21;
	v21 =	vld.idx.msk [tilespmem:v59+s21+$0x0], $0xffff  }
0x546: {  	[tilespmem:s30+$0x50] =	vst v15;
	v50 =	vor.u32 v7, v24;
	v10 =	vmul.f32 $8.000000000e+00, v60;
	v38 =	vld.idx.msk [tilespmem:v61+s21+$0x0], $0xffff  }
0x547: {  	v42 =	vor.u32 v7, v16;
	v39 =	vld.idx.msk [tilespmem:v63+s21+$0x0], $0xffff;
	[tilespmem:s30+$0x150] =	vst v37  }
0x548: {  	v45 =	vor.u32 v7, v17;
	[tilespmem:s30+$0xFFFFFE50] =	vst v10;
	v44 =	vld.idx.msk [tilespmem:v34+s21+$0x0], $0xffff;
	v51 =	vmul.f32 $8.000000000e+00, v41  }
0x549: {  	v47 =	vor.u32 v7, v20;
	v46 =	vld.idx.msk [tilespmem:v36+s21+$0x0], $0xffff;
	[tilespmem:s30+$0x1D0] =	vst v58;
	v14 =	vmul.f32 $8.000000000e+00, v14  }
0x54a: {  	v49 =	vor.u32 v7, v22;
	v18 =	vld.idx.msk [tilespmem:v56+s21+$0x0], $0xffff;
	[tilespmem:s30+$0xE0] =	vst v51;
	v21 =	vmul.f32 $8.000000000e+00, v21  }
0x54b: {  	v52 =	vor.u32 v7, v27;
	[tilespmem:s30+$0xFFFFFEE0] =	vst v14;
	v48 =	vmul.f32 $8.000000000e+00, v38;
	v57 =	vld.idx.msk [tilespmem:v50+s21+$0x0], $0xffff  }
0x54c: {  	v53 =	vor.u32 v7, v9;
	v12 =	vmul.f32 $8.000000000e+00, v39;
	v10 =	vld.idx.msk [tilespmem:v42+s21+$0x0], $0xffff;
	[tilespmem:s30+$0xFFFFFF60] =	vst v21  }
0x54d: {  	v40 =	vor.u32 v7, v30;
	[tilespmem:s30+$0xFFFFFFE0] =	vst v48;
	v54 =	vmul.f32 $8.000000000e+00, v44;
	v17 =	vld.idx.msk [tilespmem:v45+s21+$0x0], $0xffff  }
0x54e: {  	[tilespmem:s30+$0x60] =	vst v12;
	v11 =	vmul.f32 $8.000000000e+00, v46;
	v55 =	vld.idx.msk [tilespmem:v47+s21+$0x0], $0xffff  }
0x54f: {  	v56 =	vld.idx.msk [tilespmem:v49+s21+$0x0], $0xffff;
	v43 =	vmul.f32 $8.000000000e+00, v18;
	[tilespmem:s30+$0x160] =	vst v54  }
0x550: {  	[tilespmem:s30+$0xFFFFFE60] =	vst v11;
	v59 =	vld.idx.msk [tilespmem:v52+s21+$0x0], $0xffff;
	v62 =	vmul.f32 $8.000000000e+00, v57  }
0x551: {  	v9 =	vld.idx.msk [tilespmem:v53+s21+$0x0], $0xffff;
	[tilespmem:s30+$0x1E0] =	vst v43;
	v8 =	vmul.f32 $8.000000000e+00, v10  }
0x552: {  	v13 =	vld.idx.msk [tilespmem:v40+s21+$0x0], $0xffff;
	[tilespmem:s30+$0xF0] =	vst v62;
	v60 =	vmul.f32 $8.000000000e+00, v17  }
0x553: {  	v61 =	vmul.f32 $8.000000000e+00, v55;
	[tilespmem:s30+$0xFFFFFEF0] =	vst v8  }
0x554: {  	s25 =	sadd.s32 $0x1, s25;
	v8 =	vmul.f32 $8.000000000e+00, v56;
	[tilespmem:s30+$0xFFFFFF70] =	vst v60  }
0x555: {  	s31 =	sadd.s32 s6, s26;
	p0 =	sne.s32 s25, $0x19;
	[tilespmem:s30+$0xFFFFFFF0] =	vst v61;
	v63 =	vmul.f32 $8.000000000e+00, v59  }
.Ltmp6:
0x556: {  	s0 =	sshll.u32 s31, $0x10;
	[tilespmem:s30+$0x70] =	vst v8;
	v8 =	vmul.f32 $8.000000000e+00, v9;
	(pc) =	sbr.rel @p0 .LBB2_3-.Ltmp6, $4  }
0x557: {  	s0 =	sor.u32 s4, s0;
	v58 =	vmul.f32 $8.000000000e+00, v13;
	[tilespmem:s30+$0x170] =	vst v63  }
0x558: {  	s0 =	sshrl.u32 s0, $0x3;
	[tilespmem:s30+$0xFFFFFE70] =	vst v8  }
0x559: {  	s0 =	sadd.s32 s2, s0;
	[tilespmem:s30+$0x1F0] =	vst v58  }
0x55a: {  	[hbm4b:s0+s10] =	stream.strided.scatter [tilespmem:s22], [sflag:$0x6], $0x2000, s11, s10, $0x38;
	[tilespmem:$0xDC00] =	vst v63  }
0x55b: {  	s24 =	sadd.s32 $0x1, s24  }
0x55c: {  	p0 =	sne.s32 s24, s9  }
.Ltmp7:
0x55d: {  	_ = 	snop;
	(pc) =	sbr.rel @p0 .LBB2_1-.Ltmp7, $4  }
0x55e: {  	_ = 	snop  }
0x55f: {  	_ =	swait.ge [sflag:s23], $0x2000  }
0x560: {  	[sflag:s23] =	ssyncset.done $0x0  }
0x561: {  	[sflag:s23] =	ssyncadd.s32 $0xFFFFE000  }
0x562: {  	_ =	sfence.sel $0x180000  }
0x563: {  	[bflag:$0x0] =	sbarrier.arrive $0xFFFF  }
0x564: {  	_ =	strace $0x90000047  }
0x565: {  	[bflag:$0x2] =	sbarrier.arrive $0xFFFF  }
0x566: {  	p0 =	sne.s32 s1, $0x0;
	s0 =	rddreg [dreg:$0x2]  }
0x567: {  	s0 =	sadd.s32 @!p0 $0x100000, s0  }
0x568: {  	[sflag:s0] =	ssyncadd.tile.s32 @!p0 $0x1;
	_ =	shalt  }
.Lfunc_end2:
_tile_overlayer_lowered:
.L_overlay_start_2:
0x569: {  	(tag) =	ssettag $0x2  }
0x56a: {  	s0 =	rddreg [dreg:$0x0];
	s2 =	stileid.u32  }
0x56b: {  	s1 =	rddreg [dreg:$0x1];
	p0 =	sne.s32 s2, $0x0  }
0x56c: {  	s3 =	rddreg [dreg:$0x2];
	[bflag:$0x3] =	sbarrier.arrive $0xFFFF;
	s2 =	simm.s32 @!p0 $0x1C07  }
0x56d: {  	[timem:s3], [sflag:s2] =	dma.local @!p0 [hbm:s0], s1  }
0x56e: {  	s0 =	simm.s32 @!p0 $0x7  }
0x56f: {  	_ =	swait.ge @!p0 [sflag:s0], s1  }
0x570: {  	s1 =	ssub.s32 @!p0 $0x0, s1;
	[sflag:s0] =	ssyncset.done @!p0 $0x0  }
0x571: {  	[sflag:s0] =	ssyncadd.s32 @!p0 s1  }
0x572: {  	[bflag:$0x3] =	sbarrier.arrive $0xFFFF  }
0x573: {  	_ =	shalt  }

</sc_bundles>
